<compile_context>
chip_gen: v7x
topology: tpu7x:2x2x1
jax: 0.10.2.dev20260603
libtpu: 0.0.44.dev20260713+nightly
codegen_flags: <defaults>
</compile_context>

<pallas_src>
import functools

import jax
import jax.numpy as jnp
from jax import lax
from jax.experimental import pallas as pl
from jax.experimental.pallas import tpu as pltpu
from jax.experimental.pallas import tpu_sc as plsc

_THR = 0.1
_TOPK = 200
_B, _H, _W = 16, 512, 512
_IMG = _H * _W
_NW = 32
_HALF = _IMG // 2
_CAP = 4096
_PCAP = 512
_NBIS = 14
_NS = 8
_CHUNK = 16384
_LANES = 16


def _win7_lanes(x):
    neg = jnp.float32(-jnp.inf)

    def shl(a, s):
        return jnp.concatenate([a[:, s:], jnp.full((_H, s), neg, a.dtype)], axis=1)

    def shr(a, s):
        return jnp.concatenate([jnp.full((_H, s), neg, a.dtype), a[:, :-s]], axis=1)

    g1 = jnp.maximum(x, shl(x, 1))
    g2 = jnp.maximum(g1, shl(g1, 2))
    r1 = jnp.maximum(x, shr(x, 1))
    r2 = jnp.maximum(r1, shr(r1, 2))
    return jnp.maximum(g2, r2)


def _win7_sublanes(x):
    neg = jnp.float32(-jnp.inf)

    def shu(a, s):
        return jnp.concatenate([a[s:, :], jnp.full((s, _W), neg, a.dtype)], axis=0)

    def shd(a, s):
        return jnp.concatenate([jnp.full((s, _W), neg, a.dtype), a[:-s, :]], axis=0)

    g1 = jnp.maximum(x, shu(x, 1))
    g2 = jnp.maximum(g1, shu(g1, 2))
    r1 = jnp.maximum(x, shd(x, 1))
    r2 = jnp.maximum(r1, shd(r1, 2))
    return jnp.maximum(g2, r2)


def _nms_body(x_ref, out_ref):
    x = x_ref[0]
    p = _win7_sublanes(_win7_lanes(x))
    keep = (p > _THR) & (p == x)
    out_ref[0] = jnp.where(keep, x, 0.0)


_nms_call = pl.pallas_call(
    _nms_body,
    out_shape=jax.ShapeDtypeStruct((_B, _H, _W), jnp.float32),
    grid=(_B,),
    in_specs=[pl.BlockSpec((1, _H, _W), lambda i: (i, 0, 0))],
    out_specs=pl.BlockSpec((1, _H, _W), lambda i: (i, 0, 0)),
)


@functools.cache
def _make_compact():
    mesh = plsc.VectorSubcoreMesh(core_axis_name="c", subcore_axis_name="s")
    return pl.kernel(
        _compact_body,
        out_type=(
            jax.ShapeDtypeStruct((_B, 2 * _PCAP), jnp.float32),
            jax.ShapeDtypeStruct((_B, 2 * _PCAP), jnp.int32),
        ),
        mesh=mesh,
        scratch_types=[
            pltpu.VMEM((_CHUNK,), jnp.float32),
            pltpu.VMEM((_CHUNK,), jnp.float32),
            pltpu.VMEM((_CAP,), jnp.float32),
            pltpu.VMEM((_CAP,), jnp.int32),
            pltpu.VMEM((_PCAP,), jnp.float32),
            pltpu.VMEM((_PCAP,), jnp.int32),
            pltpu.SemaphoreType.DMA,
            pltpu.SemaphoreType.DMA,
        ],
        compiler_params=pltpu.CompilerParams(needs_layout_passes=False),
    )


def _compact_body(
    nms_hbm, ovals_hbm, oidx_hbm, buf0, buf1, cvals, cidx, pvals, pidx, sem0, sem1
):
    wid = lax.axis_index("s") * 2 + lax.axis_index("c")
    img = wid // 2
    half = wid % 2
    base = wid * _HALF
    local_base = half * _HALF

    zf = jnp.zeros((_LANES,), jnp.float32)
    zi = jnp.zeros((_LANES,), jnp.int32)
    ones = jnp.ones((_LANES,), jnp.int32)
    lane = lax.iota(jnp.int32, _LANES)

    def zero_body(j, carry):
        cvals[pl.ds(j * _LANES, _LANES)] = zf
        pvals[pl.ds(j * _LANES % _PCAP, _LANES)] = zf
        return carry

    lax.fori_loop(0, _CAP // _LANES, zero_body, 0, unroll=4)

    bufs = (buf0, buf1)
    sems = (sem0, sem1)
    n_chunks = _HALF // _CHUNK

    def start(c):
        return pltpu.async_copy(
            nms_hbm.at[pl.ds(base + c * _CHUNK, _CHUNK)], bufs[c % 2], sems[c % 2]
        )

    sv = _CHUNK // _LANES // _NS
    scap = _CAP // _NS
    step = jnp.full((_LANES,), _LANES, jnp.int32)
    stops = [jnp.full((_LANES,), s * scap + scap - 1 - _LANES, jnp.int32)
             for s in range(_NS)]
    pending = start(0)
    offs = [jnp.full((_LANES,), s * scap - 1, jnp.int32) for s in range(_NS)]
    for c in range(n_chunks):
        nxt = start(c + 1) if c + 1 < n_chunks else None
        pending.wait()
        cbuf = bufs[c % 2]
        idxs = [local_base + c * _CHUNK + s * sv * _LANES + lane for s in range(_NS)]

        def vec_body(j, carry, cbuf=cbuf):
            vs = [cbuf[pl.ds((s * sv + j) * _LANES, _LANES)] for s in range(_NS)]
            msks = [v > 0.0 for v in vs]
            sels = [jnp.where(m, ones, zi) for m in msks]
            pcs = [plsc.cumsum(sel) for sel in sels]
            poss = [carry[s][0] + pcs[s] for s in range(_NS)]
            for s in range(_NS):
                plsc.store_scatter(cvals, [poss[s]], vs[s], mask=msks[s])
            for s in range(_NS):
                plsc.store_scatter(cidx, [poss[s]], carry[s][1], mask=msks[s])
            cnts = [plsc.all_reduce_population_count(m) for m in msks]
            return tuple(
                (jnp.minimum(carry[s][0] + cnts[s], stops[s]), carry[s][1] + step)
                for s in range(_NS)
            )

        carry = tuple((offs[s], idxs[s]) for s in range(_NS))
        carry = lax.fori_loop(0, sv, vec_body, carry, unroll=2)
        offs = [carry[s][0] for s in range(_NS)]
        pending = nxt

    lo = jnp.zeros((_LANES,), jnp.float32)
    hi = jnp.ones((_LANES,), jnp.float32)
    target = jnp.full((_LANES,), 256, jnp.int32)

    nv = _CAP // _LANES // _NS

    def bis_body(i, carry):
        lo, hi = carry
        mid = (lo + hi) * 0.5

        def cnt_body(j, accs):
            vs = [cvals[pl.ds((s * nv + j) * _LANES, _LANES)] for s in range(_NS)]
            ms = [v >= mid for v in vs]
            ps = [plsc.all_reduce_population_count(m) for m in ms]
            return tuple(accs[s] + ps[s] for s in range(_NS))

        accs = lax.fori_loop(0, nv, cnt_body, (zi,) * _NS, unroll=2)
        cnt = sum(accs[1:], accs[0])
        ge = cnt >= target
        return jnp.where(ge, mid, lo), jnp.where(ge, hi, mid)

    lo, hi = lax.fori_loop(0, _NBIS, bis_body, (lo, hi))

    pcap_m1 = jnp.full((_LANES,), _PCAP - 1, jnp.int32)

    def sel_body(j, off_m1):
        v = cvals[pl.ds(j * _LANES, _LANES)]
        ix = cidx[pl.ds(j * _LANES, _LANES)]
        msk = (v >= lo) & (v > 0.0)
        pc = plsc.cumsum(jnp.where(msk, ones, zi))
        pos = jnp.minimum(off_m1 + pc, pcap_m1)
        plsc.store_scatter(pvals, [pos], v, mask=msk)
        plsc.store_scatter(pidx, [pos], ix, mask=msk)
        return off_m1 + plsc.all_reduce_population_count(msk)

    lax.fori_loop(0, _CAP // _LANES, sel_body, -ones, unroll=8)

    pltpu.sync_copy(pvals, ovals_hbm.at[img, pl.ds(half * _PCAP, _PCAP)])
    pltpu.sync_copy(pidx, oidx_hbm.at[img, pl.ds(half * _PCAP, _PCAP)])


def _select_body(vals_ref, idx_ref, coords_ref, probs_ref, v_scr, i_acc):
    v_scr[...] = vals_ref[...]
    big = jnp.int32(1 << 30)
    col = lax.broadcasted_iota(jnp.int32, (_B, _TOPK), 1)
    neg1 = jnp.float32(-1.0)
    one = jnp.int32(1)
    zero = jnp.int32(0)
    m0 = jnp.max(v_scr[...], axis=1, keepdims=True)

    def body(r, m):
        v = v_scr[...]
        tie = v == m
        idxs = idx_ref[...]
        imin = jnp.min(jnp.where(tie, idxs, big), axis=1, keepdims=True)
        ntie = jnp.sum(jnp.where(tie, one, zero), axis=1, keepdims=True)
        m2 = jnp.max(jnp.where(tie, neg1, v), axis=1, keepdims=True)
        hit = col == r
        probs_ref[...] = jnp.where(hit, m, probs_ref[...])
        i_acc[...] = jnp.where(hit, imin, i_acc[...])
        v_scr[...] = jnp.where(tie & (idxs == imin), neg1, v)
        return jnp.where(ntie > 1, m, m2)

    lax.fori_loop(0, _TOPK, body, m0)
    packed = i_acc[...]
    coords_ref[0] = packed // _W
    coords_ref[1] = packed % _W


_select_call = pl.pallas_call(
    _select_body,
    out_shape=(
        jax.ShapeDtypeStruct((2, _B, _TOPK), jnp.int32),
        jax.ShapeDtypeStruct((_B, _TOPK), jnp.float32),
    ),
    scratch_shapes=[
        pltpu.VMEM((_B, 2 * _PCAP), jnp.float32),
        pltpu.VMEM((_B, _TOPK), jnp.int32),
    ],
)


@jax.jit
def kernel(center_map):
    x = center_map.reshape(_B, _H, _W)
    nms = _nms_call(x)
    vals, idx = _make_compact()(nms.reshape(_B * _IMG))
    coords2, probs = _select_call(vals, idx)
    coords = jnp.stack([coords2[0], coords2[1]], axis=-1)
    return coords, probs

# --- scband reference (transcript-rebuilt; emitter-appended) ---
"""Pipeline reference for scband-nms-3590592659705 (READ-ONLY COPY).

The authoritative reference and input builder live on the scoring server;
editing this copy changes nothing except your own understanding.
"""

import jax, jax.numpy as jnp
import numpy as np

KERNEL_SIZE = 7
THRESHOLD = 0.1
TOP_K = 200


def _max_pool_same(x, k):
    # Equivalent to nn.MaxPool2d(k, stride=1, padding=k//2): pad with -inf
    pad = k // 2
    return jax.lax.reduce_window(
        x,
        -jnp.inf,
        jax.lax.max,
        window_dimensions=(1, 1, k, k),
        window_strides=(1, 1, 1, 1),
        padding=((0, 0), (0, 0), (pad, pad), (pad, pad)),
    )


def setup_inputs(seed: int = 0) -> dict:
    key = jax.random.key(seed)
    center_map = jax.random.uniform(key, (16, 1, 512, 512), dtype=jnp.float32)
    return {"center_map": center_map}


def reference(center_map):
    # pooled_centers = self.max_pool(center_map)
    pooled = _max_pool_same(center_map, KERNEL_SIZE)
    # thresholded_centers = self.threshold(pooled_centers)  (nn.Threshold: x if x > thr else 0)
    thresholded = jnp.where(pooled > THRESHOLD, pooled, 0.0)
    # center_map[thresholded_centers != center_map] = 0
    nms_map = jnp.where(thresholded == center_map, center_map, 0.0)
    # center_map = center_map.squeeze(1)
    nms_map = jnp.squeeze(nms_map, axis=1)  # [B, H, W]
    B, H, W = nms_map.shape
    flat = nms_map.reshape(B, H * W)
    # per-image: nonzero -> sort descending -> take top_k. Equivalent fixed-shape form:
    probs, inds = jax.lax.top_k(flat, TOP_K)  # descending values, like argsort(desc)[:k]
    rows = inds // W
    cols = inds % W
    coords = jnp.stack([rows, cols], axis=-1)  # [B, TOP_K, 2] as (row, col), matching torch.nonzero order
    return coords, probs

if __name__ == "__main__":
    import jax
    _d = setup_inputs()
    print(jax.jit(kernel)(*tuple(_d.values())))

</pallas_src>

<mosaic_0001>
#map = affine_map<(d0, d1) -> (0)>
#map1 = affine_map<(d0, d1) -> (0, 0)>
module attributes {stable_mosaic.version = 14 : i64} {
  func.func @_compact_body(%arg0: i32, %arg1: i32, %arg2: memref<4194304xf32, #tpu.memory_space<hbm>>, %arg3: memref<16x1024xf32, #tpu.memory_space<hbm>>, %arg4: memref<16x1024xi32, #tpu.memory_space<hbm>>, %arg5: memref<16384xf32, #tpu.memory_space<vmem>>, %arg6: memref<16384xf32, #tpu.memory_space<vmem>>, %arg7: memref<4096xf32, #tpu.memory_space<vmem>>, %arg8: memref<4096xi32, #tpu.memory_space<vmem>>, %arg9: memref<512xf32, #tpu.memory_space<vmem>>, %arg10: memref<512xi32, #tpu.memory_space<vmem>>, %arg11: memref<!tpu.dma_semaphore, #tpu.memory_space<semaphore_mem>>, %arg12: memref<!tpu.dma_semaphore, #tpu.memory_space<semaphore_mem>>) attributes {dimension_semantics = [#tpu.dimension_semantics<core_parallel>, #tpu.dimension_semantics<subcore_parallel>], iteration_bounds = array<i64: 2, 16>, scalar_prefetch = 0 : i64, scratch_operands = 8 : i64, tpu.core_type = #tpu.core_type<sc_vector_subcore>, window_params = [{transform_indices = #map}, {transform_indices = #map1}, {transform_indices = #map1}]} {
    %mul3A = arith.constant 2 : i32
    %mul3A_0 = arith.muli %arg1, %mul3A : i32
    %add3A = arith.addi %mul3A_0, %arg0 : i32
    %jit3A = arith.constant 2 : i32
    %div3A = arith.divsi %add3A, %jit3A : i32
    %sign3A = arith.constant 0 : i32
    %sign3A_1 = arith.cmpi sgt, %add3A, %sign3A : i32
    %sign3A_2 = arith.extui %sign3A_1 : i1 to i32
    %sign3A_3 = arith.constant 0 : i32
    %sign3A_4 = arith.cmpi slt, %add3A, %sign3A_3 : i32
    %sign3A_5 = arith.extui %sign3A_4 : i1 to i32
    %sign3A_6 = arith.subi %sign3A_2, %sign3A_5 : i32
    %sign3A_7 = arith.constant 0 : i32
    %sign3A_8 = arith.cmpi sgt, %jit3A, %sign3A_7 : i32
    %sign3A_9 = arith.extui %sign3A_8 : i1 to i32
    %sign3A_10 = arith.constant 0 : i32
    %sign3A_11 = arith.cmpi slt, %jit3A, %sign3A_10 : i32
    %sign3A_12 = arith.extui %sign3A_11 : i1 to i32
    %sign3A_13 = arith.subi %sign3A_9, %sign3A_12 : i32
    %ne3A = arith.cmpi ne, %sign3A_6, %sign3A_13 : i32
    %rem3A = arith.remsi %add3A, %jit3A : i32
    %ne3A_14 = arith.constant 0 : i32
    %ne3A_15 = arith.cmpi ne, %rem3A, %ne3A_14 : i32
    %and3A = arith.andi %ne3A, %ne3A_15 : i1
    %sub3A = arith.constant 1 : i32
    %sub3A_16 = arith.subi %div3A, %sub3A : i32
    %select_n3A = arith.select %and3A, %sub3A_16, %div3A : i32
    %jit3A_17 = arith.constant 2 : i32
    %eq3A = arith.constant 0 : i32
    %eq3A_18 = arith.cmpi eq, %jit3A_17, %eq3A : i32
    %jit3A_19 = arith.constant 1 : i32
    %select_n3A_20 = arith.select %eq3A_18, %jit3A_19, %jit3A_17 : i32
    %rem3A_21 = arith.remsi %add3A, %select_n3A_20 : i32
    %ne3A_22 = arith.constant 0 : i32
    %ne3A_23 = arith.cmpi ne, %rem3A_21, %ne3A_22 : i32
    %lt3A = arith.constant 0 : i32
    %lt3A_24 = arith.cmpi slt, %rem3A_21, %lt3A : i32
    %lt3A_25 = arith.constant 0 : i32
    %lt3A_26 = arith.cmpi slt, %select_n3A_20, %lt3A_25 : i32
    %ne3A_27 = arith.xori %lt3A_24, %lt3A_26 : i1
    %and3A_28 = arith.andi %ne3A_27, %ne3A_23 : i1
    %add3A_29 = arith.addi %rem3A_21, %select_n3A_20 : i32
    %select_n3A_30 = arith.select %and3A_28, %add3A_29, %rem3A_21 : i32
    %mul3A_31 = arith.constant 131072 : i32
    %mul3A_32 = arith.muli %add3A, %mul3A_31 : i32
    %mul3A_33 = arith.constant 131072 : i32
    %mul3A_34 = arith.muli %select_n3A_30, %mul3A_33 : i32
    %broadcast_in_dim3A = arith.constant 0.000000e+00 : f32
    %broadcast_in_dim3A_35 = vector.broadcast %broadcast_in_dim3A : f32 to vector<16xf32>
    %broadcast_in_dim3A_36 = arith.constant 0 : i32
    %broadcast_in_dim3A_37 = vector.broadcast %broadcast_in_dim3A_36 : i32 to vector<16xi32>
    %broadcast_in_dim3A_38 = arith.constant 1 : i32
    %broadcast_in_dim3A_39 = vector.broadcast %broadcast_in_dim3A_38 : i32 to vector<16xi32>
    %iota3A = tpu.iota {dimensions = array<i32: 0>} : vector<16xi32>
    %scan3A = arith.constant 0 : i32
    %scan3A_40 = arith.constant 0 : i32
    %scan3A_41 = arith.constant 256 : i32
    %scan3A_42 = arith.addi %scan3A_40, %scan3A_41 : i32
    %scan3A_43 = arith.constant 4 : i32
    scf.for %scan3A_583 = %scan3A_40 to %scan3A_42 step %scan3A_43  : i32 {
      %mul3A_584 = arith.constant 16 : i32
      %mul3A_585 = arith.muli %scan3A_583, %mul3A_584 : i32
      %swap3A = arith.index_cast %mul3A_585 : i32 to index
      %swap3A_586 = tpu.vector_load %arg7[%swap3A] {strides = array<i32>} : memref<4096xf32, #tpu.memory_space<vmem>>, vector<16xf32>,
      tpu.vector_store %arg7[%swap3A], %broadcast_in_dim3A_35 {strides = array<i32>} : memref<4096xf32, #tpu.memory_space<vmem>>, vector<16xf32>,
      %mul3A_587 = arith.constant 16 : i32
      %mul3A_588 = arith.muli %scan3A_583, %mul3A_587 : i32
      %jit3A_589 = arith.constant 512 : i32
      %eq3A_590 = arith.constant 0 : i32
      %eq3A_591 = arith.cmpi eq, %jit3A_589, %eq3A_590 : i32
      %jit3A_592 = arith.constant 1 : i32
      %select_n3A_593 = arith.select %eq3A_591, %jit3A_592, %jit3A_589 : i32
      %rem3A_594 = arith.remsi %mul3A_588, %select_n3A_593 : i32
      %ne3A_595 = arith.constant 0 : i32
      %ne3A_596 = arith.cmpi ne, %rem3A_594, %ne3A_595 : i32
      %lt3A_597 = arith.constant 0 : i32
      %lt3A_598 = arith.cmpi slt, %rem3A_594, %lt3A_597 : i32
      %lt3A_599 = arith.constant 0 : i32
      %lt3A_600 = arith.cmpi slt, %select_n3A_593, %lt3A_599 : i32
      %ne3A_601 = arith.xori %lt3A_598, %lt3A_600 : i1
      %and3A_602 = arith.andi %ne3A_601, %ne3A_596 : i1
      %add3A_603 = arith.addi %rem3A_594, %select_n3A_593 : i32
      %select_n3A_604 = arith.select %and3A_602, %add3A_603, %rem3A_594 : i32
      %swap3A_605 = arith.index_cast %select_n3A_604 : i32 to index
      %swap3A_606 = tpu.vector_load %arg9[%swap3A_605] {strides = array<i32>} : memref<512xf32, #tpu.memory_space<vmem>>, vector<16xf32>,
      tpu.vector_store %arg9[%swap3A_605], %broadcast_in_dim3A_35 {strides = array<i32>} : memref<512xf32, #tpu.memory_space<vmem>>, vector<16xf32>,
      %scan3A_607 = arith.constant 1 : i32
      %scan3A_608 = arith.addi %scan3A_583, %scan3A_607 : i32
      %mul3A_609 = arith.constant 16 : i32
      %mul3A_610 = arith.muli %scan3A_608, %mul3A_609 : i32
      %swap3A_611 = arith.index_cast %mul3A_610 : i32 to index
      %swap3A_612 = tpu.vector_load %arg7[%swap3A_611] {strides = array<i32>} : memref<4096xf32, #tpu.memory_space<vmem>>, vector<16xf32>,
      tpu.vector_store %arg7[%swap3A_611], %broadcast_in_dim3A_35 {strides = array<i32>} : memref<4096xf32, #tpu.memory_space<vmem>>, vector<16xf32>,
      %mul3A_613 = arith.constant 16 : i32
      %mul3A_614 = arith.muli %scan3A_608, %mul3A_613 : i32
      %jit3A_615 = arith.constant 512 : i32
      %eq3A_616 = arith.constant 0 : i32
      %eq3A_617 = arith.cmpi eq, %jit3A_615, %eq3A_616 : i32
      %jit3A_618 = arith.constant 1 : i32
      %select_n3A_619 = arith.select %eq3A_617, %jit3A_618, %jit3A_615 : i32
      %rem3A_620 = arith.remsi %mul3A_614, %select_n3A_619 : i32
      %ne3A_621 = arith.constant 0 : i32
      %ne3A_622 = arith.cmpi ne, %rem3A_620, %ne3A_621 : i32
      %lt3A_623 = arith.constant 0 : i32
      %lt3A_624 = arith.cmpi slt, %rem3A_620, %lt3A_623 : i32
      %lt3A_625 = arith.constant 0 : i32
      %lt3A_626 = arith.cmpi slt, %select_n3A_619, %lt3A_625 : i32
      %ne3A_627 = arith.xori %lt3A_624, %lt3A_626 : i1
      %and3A_628 = arith.andi %ne3A_627, %ne3A_622 : i1
      %add3A_629 = arith.addi %rem3A_620, %select_n3A_619 : i32
      %select_n3A_630 = arith.select %and3A_628, %add3A_629, %rem3A_620 : i32
      %swap3A_631 = arith.index_cast %select_n3A_630 : i32 to index
      %swap3A_632 = tpu.vector_load %arg9[%swap3A_631] {strides = array<i32>} : memref<512xf32, #tpu.memory_space<vmem>>, vector<16xf32>,
      tpu.vector_store %arg9[%swap3A_631], %broadcast_in_dim3A_35 {strides = array<i32>} : memref<512xf32, #tpu.memory_space<vmem>>, vector<16xf32>,
      %scan3A_633 = arith.constant 2 : i32
      %scan3A_634 = arith.addi %scan3A_583, %scan3A_633 : i32
      %mul3A_635 = arith.constant 16 : i32
      %mul3A_636 = arith.muli %scan3A_634, %mul3A_635 : i32
      %swap3A_637 = arith.index_cast %mul3A_636 : i32 to index
      %swap3A_638 = tpu.vector_load %arg7[%swap3A_637] {strides = array<i32>} : memref<4096xf32, #tpu.memory_space<vmem>>, vector<16xf32>,
      tpu.vector_store %arg7[%swap3A_637], %broadcast_in_dim3A_35 {strides = array<i32>} : memref<4096xf32, #tpu.memory_space<vmem>>, vector<16xf32>,
      %mul3A_639 = arith.constant 16 : i32
      %mul3A_640 = arith.muli %scan3A_634, %mul3A_639 : i32
      %jit3A_641 = arith.constant 512 : i32
      %eq3A_642 = arith.constant 0 : i32
      %eq3A_643 = arith.cmpi eq, %jit3A_641, %eq3A_642 : i32
      %jit3A_644 = arith.constant 1 : i32
      %select_n3A_645 = arith.select %eq3A_643, %jit3A_644, %jit3A_641 : i32
      %rem3A_646 = arith.remsi %mul3A_640, %select_n3A_645 : i32
      %ne3A_647 = arith.constant 0 : i32
      %ne3A_648 = arith.cmpi ne, %rem3A_646, %ne3A_647 : i32
      %lt3A_649 = arith.constant 0 : i32
      %lt3A_650 = arith.cmpi slt, %rem3A_646, %lt3A_649 : i32
      %lt3A_651 = arith.constant 0 : i32
      %lt3A_652 = arith.cmpi slt, %select_n3A_645, %lt3A_651 : i32
      %ne3A_653 = arith.xori %lt3A_650, %lt3A_652 : i1
      %and3A_654 = arith.andi %ne3A_653, %ne3A_648 : i1
      %add3A_655 = arith.addi %rem3A_646, %select_n3A_645 : i32
      %select_n3A_656 = arith.select %and3A_654, %add3A_655, %rem3A_646 : i32
      %swap3A_657 = arith.index_cast %select_n3A_656 : i32 to index
      %swap3A_658 = tpu.vector_load %arg9[%swap3A_657] {strides = array<i32>} : memref<512xf32, #tpu.memory_space<vmem>>, vector<16xf32>,
      tpu.vector_store %arg9[%swap3A_657], %broadcast_in_dim3A_35 {strides = array<i32>} : memref<512xf32, #tpu.memory_space<vmem>>, vector<16xf32>,
      %scan3A_659 = arith.constant 3 : i32
      %scan3A_660 = arith.addi %scan3A_583, %scan3A_659 : i32
      %mul3A_661 = arith.constant 16 : i32
      %mul3A_662 = arith.muli %scan3A_660, %mul3A_661 : i32
      %swap3A_663 = arith.index_cast %mul3A_662 : i32 to index
      %swap3A_664 = tpu.vector_load %arg7[%swap3A_663] {strides = array<i32>} : memref<4096xf32, #tpu.memory_space<vmem>>, vector<16xf32>,
      tpu.vector_store %arg7[%swap3A_663], %broadcast_in_dim3A_35 {strides = array<i32>} : memref<4096xf32, #tpu.memory_space<vmem>>, vector<16xf32>,
      %mul3A_665 = arith.constant 16 : i32
      %mul3A_666 = arith.muli %scan3A_660, %mul3A_665 : i32
      %jit3A_667 = arith.constant 512 : i32
      %eq3A_668 = arith.constant 0 : i32
      %eq3A_669 = arith.cmpi eq, %jit3A_667, %eq3A_668 : i32
      %jit3A_670 = arith.constant 1 : i32
      %select_n3A_671 = arith.select %eq3A_669, %jit3A_670, %jit3A_667 : i32
      %rem3A_672 = arith.remsi %mul3A_666, %select_n3A_671 : i32
      %ne3A_673 = arith.constant 0 : i32
      %ne3A_674 = arith.cmpi ne, %rem3A_672, %ne3A_673 : i32
      %lt3A_675 = arith.constant 0 : i32
      %lt3A_676 = arith.cmpi slt, %rem3A_672, %lt3A_675 : i32
      %lt3A_677 = arith.constant 0 : i32
      %lt3A_678 = arith.cmpi slt, %select_n3A_671, %lt3A_677 : i32
      %ne3A_679 = arith.xori %lt3A_676, %lt3A_678 : i1
      %and3A_680 = arith.andi %ne3A_679, %ne3A_674 : i1
      %add3A_681 = arith.addi %rem3A_672, %select_n3A_671 : i32
      %select_n3A_682 = arith.select %and3A_680, %add3A_681, %rem3A_672 : i32
      %swap3A_683 = arith.index_cast %select_n3A_682 : i32 to index
      %swap3A_684 = tpu.vector_load %arg9[%swap3A_683] {strides = array<i32>} : memref<512xf32, #tpu.memory_space<vmem>>, vector<16xf32>,
      tpu.vector_store %arg9[%swap3A_683], %broadcast_in_dim3A_35 {strides = array<i32>} : memref<512xf32, #tpu.memory_space<vmem>>, vector<16xf32>,
    }
    %scan3A_44 = arith.constant 256 : i32
    %broadcast_in_dim3A_45 = arith.constant 16 : i32
    %broadcast_in_dim3A_46 = vector.broadcast %broadcast_in_dim3A_45 : i32 to vector<16xi32>
    %broadcast_in_dim3A_47 = arith.constant 495 : i32
    %broadcast_in_dim3A_48 = vector.broadcast %broadcast_in_dim3A_47 : i32 to vector<16xi32>
    %broadcast_in_dim3A_49 = arith.constant 1007 : i32
    %broadcast_in_dim3A_50 = vector.broadcast %broadcast_in_dim3A_49 : i32 to vector<16xi32>
    %broadcast_in_dim3A_51 = arith.constant 1519 : i32
    %broadcast_in_dim3A_52 = vector.broadcast %broadcast_in_dim3A_51 : i32 to vector<16xi32>
    %broadcast_in_dim3A_53 = arith.constant 2031 : i32
    %broadcast_in_dim3A_54 = vector.broadcast %broadcast_in_dim3A_53 : i32 to vector<16xi32>
    %broadcast_in_dim3A_55 = arith.constant 2543 : i32
    %broadcast_in_dim3A_56 = vector.broadcast %broadcast_in_dim3A_55 : i32 to vector<16xi32>
    %broadcast_in_dim3A_57 = arith.constant 3055 : i32
    %broadcast_in_dim3A_58 = vector.broadcast %broadcast_in_dim3A_57 : i32 to vector<16xi32>
    %broadcast_in_dim3A_59 = arith.constant 3567 : i32
    %broadcast_in_dim3A_60 = vector.broadcast %broadcast_in_dim3A_59 : i32 to vector<16xi32>
    %broadcast_in_dim3A_61 = arith.constant 4079 : i32
    %broadcast_in_dim3A_62 = vector.broadcast %broadcast_in_dim3A_61 : i32 to vector<16xi32>
    %add3A_63 = arith.constant 0 : i32
    %add3A_64 = arith.addi %mul3A_32, %add3A_63 : i32
    %dma_start3A = tpu.memref_slice %arg2[%add3A_64] : memref<4194304xf32, #tpu.memory_space<hbm>> -> memref<16384xf32, #tpu.memory_space<hbm>>
    %dma_start3A_65 = tpu.memref_slice %arg2[%add3A_64] : memref<4194304xf32, #tpu.memory_space<hbm>> -> memref<16384xf32, #tpu.memory_space<hbm>>
    tpu.enqueue_dma source(%dma_start3A_65 : memref<16384xf32, #tpu.memory_space<hbm>>) target(%arg5 : memref<16384xf32, #tpu.memory_space<vmem>>) target_semaphore(%arg11 : memref<!tpu.dma_semaphore, #tpu.memory_space<semaphore_mem>>)
    %broadcast_in_dim3A_66 = arith.constant -1 : i32
    %broadcast_in_dim3A_67 = vector.broadcast %broadcast_in_dim3A_66 : i32 to vector<16xi32>
    %broadcast_in_dim3A_68 = arith.constant 511 : i32
    %broadcast_in_dim3A_69 = vector.broadcast %broadcast_in_dim3A_68 : i32 to vector<16xi32>
    %broadcast_in_dim3A_70 = arith.constant 1023 : i32
    %broadcast_in_dim3A_71 = vector.broadcast %broadcast_in_dim3A_70 : i32 to vector<16xi32>
    %broadcast_in_dim3A_72 = arith.constant 1535 : i32
    %broadcast_in_dim3A_73 = vector.broadcast %broadcast_in_dim3A_72 : i32 to vector<16xi32>
    %broadcast_in_dim3A_74 = arith.constant 2047 : i32
    %broadcast_in_dim3A_75 = vector.broadcast %broadcast_in_dim3A_74 : i32 to vector<16xi32>
    %broadcast_in_dim3A_76 = arith.constant 2559 : i32
    %broadcast_in_dim3A_77 = vector.broadcast %broadcast_in_dim3A_76 : i32 to vector<16xi32>
    %broadcast_in_dim3A_78 = arith.constant 3071 : i32
    %broadcast_in_dim3A_79 = vector.broadcast %broadcast_in_dim3A_78 : i32 to vector<16xi32>
    %broadcast_in_dim3A_80 = arith.constant 3583 : i32
    %broadcast_in_dim3A_81 = vector.broadcast %broadcast_in_dim3A_80 : i32 to vector<16xi32>
    %add3A_82 = arith.constant 16384 : i32
    %add3A_83 = arith.addi %mul3A_32, %add3A_82 : i32
    %dma_start3A_84 = tpu.memref_slice %arg2[%add3A_83] : memref<4194304xf32, #tpu.memory_space<hbm>> -> memref<16384xf32, #tpu.memory_space<hbm>>
    %dma_start3A_85 = tpu.memref_slice %arg2[%add3A_83] : memref<4194304xf32, #tpu.memory_space<hbm>> -> memref<16384xf32, #tpu.memory_space<hbm>>
    tpu.enqueue_dma source(%dma_start3A_85 : memref<16384xf32, #tpu.memory_space<hbm>>) target(%arg6 : memref<16384xf32, #tpu.memory_space<vmem>>) target_semaphore(%arg12 : memref<!tpu.dma_semaphore, #tpu.memory_space<semaphore_mem>>)
    %dma_wait3A = tpu.memref_slice %arg2[%add3A_64] : memref<4194304xf32, #tpu.memory_space<hbm>> -> memref<16384xf32, #tpu.memory_space<hbm>>
    %dma_wait3A_86 = tpu.memref_slice %arg2[%add3A_64] : memref<4194304xf32, #tpu.memory_space<hbm>> -> memref<16384xf32, #tpu.memory_space<hbm>>
    tpu.wait_dma2 semaphore(%arg11 : memref<!tpu.dma_semaphore, #tpu.memory_space<semaphore_mem>>) src(%dma_wait3A_86 : memref<16384xf32, #tpu.memory_space<hbm>>) dst(%arg5 : memref<16384xf32, #tpu.memory_space<vmem>>)
    %add3A_87 = arith.constant 0 : i32
    %add3A_88 = arith.addi %mul3A_34, %add3A_87 : i32
    %add3A_89 = arith.constant 0 : i32
    %add3A_90 = arith.addi %add3A_88, %add3A_89 : i32
    %add3A_91 = vector.broadcast %add3A_90 : i32 to vector<16xi32>
    %add3A_92 = arith.addi %add3A_91, %iota3A : vector<16xi32>
    %add3A_93 = arith.constant 0 : i32
    %add3A_94 = arith.addi %mul3A_34, %add3A_93 : i32
    %add3A_95 = arith.constant 2048 : i32
    %add3A_96 = arith.addi %add3A_94, %add3A_95 : i32
    %add3A_97 = vector.broadcast %add3A_96 : i32 to vector<16xi32>
    %add3A_98 = arith.addi %add3A_97, %iota3A : vector<16xi32>
    %add3A_99 = arith.constant 0 : i32
    %add3A_100 = arith.addi %mul3A_34, %add3A_99 : i32
    %add3A_101 = arith.constant 4096 : i32
    %add3A_102 = arith.addi %add3A_100, %add3A_101 : i32
    %add3A_103 = vector.broadcast %add3A_102 : i32 to vector<16xi32>
    %add3A_104 = arith.addi %add3A_103, %iota3A : vector<16xi32>
    %add3A_105 = arith.constant 0 : i32
    %add3A_106 = arith.addi %mul3A_34, %add3A_105 : i32
    %add3A_107 = arith.constant 6144 : i32
    %add3A_108 = arith.addi %add3A_106, %add3A_107 : i32
    %add3A_109 = vector.broadcast %add3A_108 : i32 to vector<16xi32>
    %add3A_110 = arith.addi %add3A_109, %iota3A : vector<16xi32>
    %add3A_111 = arith.constant 0 : i32
    %add3A_112 = arith.addi %mul3A_34, %add3A_111 : i32
    %add3A_113 = arith.constant 8192 : i32
    %add3A_114 = arith.addi %add3A_112, %add3A_113 : i32
    %add3A_115 = vector.broadcast %add3A_114 : i32 to vector<16xi32>
    %add3A_116 = arith.addi %add3A_115, %iota3A : vector<16xi32>
    %add3A_117 = arith.constant 0 : i32
    %add3A_118 = arith.addi %mul3A_34, %add3A_117 : i32
    %add3A_119 = arith.constant 10240 : i32
    %add3A_120 = arith.addi %add3A_118, %add3A_119 : i32
    %add3A_121 = vector.broadcast %add3A_120 : i32 to vector<16xi32>
    %add3A_122 = arith.addi %add3A_121, %iota3A : vector<16xi32>
    %add3A_123 = arith.constant 0 : i32
    %add3A_124 = arith.addi %mul3A_34, %add3A_123 : i32
    %add3A_125 = arith.constant 12288 : i32
    %add3A_126 = arith.addi %add3A_124, %add3A_125 : i32
    %add3A_127 = vector.broadcast %add3A_126 : i32 to vector<16xi32>
    %add3A_128 = arith.addi %add3A_127, %iota3A : vector<16xi32>
    %add3A_129 = arith.constant 0 : i32
    %add3A_130 = arith.addi %mul3A_34, %add3A_129 : i32
    %add3A_131 = arith.constant 14336 : i32
    %add3A_132 = arith.addi %add3A_130, %add3A_131 : i32
    %add3A_133 = vector.broadcast %add3A_132 : i32 to vector<16xi32>
    %add3A_134 = arith.addi %add3A_133, %iota3A : vector<16xi32>
    %scan3A_135 = arith.constant 0 : i32
    %scan3A_136 = arith.constant 128 : i32
    %scan3A_137 = arith.addi %scan3A_135, %scan3A_136 : i32
    %scan3A_138 = arith.constant 2 : i32
    %scan3A_139:16 = scf.for %scan3A_583 = %scan3A_135 to %scan3A_137 step %scan3A_138 iter_args(%scan3A_584 = %broadcast_in_dim3A_67, %scan3A_585 = %add3A_92, %scan3A_586 = %broadcast_in_dim3A_69, %scan3A_587 = %add3A_98, %scan3A_588 = %broadcast_in_dim3A_71, %scan3A_589 = %add3A_104, %scan3A_590 = %broadcast_in_dim3A_73, %scan3A_591 = %add3A_110, %scan3A_592 = %broadcast_in_dim3A_75, %scan3A_593 = %add3A_116, %scan3A_594 = %broadcast_in_dim3A_77, %scan3A_595 = %add3A_122, %scan3A_596 = %broadcast_in_dim3A_79, %scan3A_597 = %add3A_128, %scan3A_598 = %broadcast_in_dim3A_81, %scan3A_599 = %add3A_134) -> (vector<16xi32>, vector<16xi32>, vector<16xi32>, vector<16xi32>, vector<16xi32>, vector<16xi32>, vector<16xi32>, vector<16xi32>, vector<16xi32>, vector<16xi32>, vector<16xi32>, vector<16xi32>, vector<16xi32>, vector<16xi32>, vector<16xi32>, vector<16xi32>)  : i32 {
      %add3A_600 = arith.constant 0 : i32
      %add3A_601 = arith.addi %add3A_600, %scan3A_583 : i32
      %mul3A_602 = arith.constant 16 : i32
      %mul3A_603 = arith.muli %add3A_601, %mul3A_602 : i32
      %get3A = arith.index_cast %mul3A_603 : i32 to index
      %get3A_604 = tpu.vector_load %arg5[%get3A] {strides = array<i32>} : memref<16384xf32, #tpu.memory_space<vmem>>, vector<16xf32>,
      %add3A_605 = arith.constant 128 : i32
      %add3A_606 = arith.addi %add3A_605, %scan3A_583 : i32
      %mul3A_607 = arith.constant 16 : i32
      %mul3A_608 = arith.muli %add3A_606, %mul3A_607 : i32
      %get3A_609 = arith.index_cast %mul3A_608 : i32 to index
      %get3A_610 = tpu.vector_load %arg5[%get3A_609] {strides = array<i32>} : memref<16384xf32, #tpu.memory_space<vmem>>, vector<16xf32>,
      %add3A_611 = arith.constant 256 : i32
      %add3A_612 = arith.addi %add3A_611, %scan3A_583 : i32
      %mul3A_613 = arith.constant 16 : i32
      %mul3A_614 = arith.muli %add3A_612, %mul3A_613 : i32
      %get3A_615 = arith.index_cast %mul3A_614 : i32 to index
      %get3A_616 = tpu.vector_load %arg5[%get3A_615] {strides = array<i32>} : memref<16384xf32, #tpu.memory_space<vmem>>, vector<16xf32>,
      %add3A_617 = arith.constant 384 : i32
      %add3A_618 = arith.addi %add3A_617, %scan3A_583 : i32
      %mul3A_619 = arith.constant 16 : i32
      %mul3A_620 = arith.muli %add3A_618, %mul3A_619 : i32
      %get3A_621 = arith.index_cast %mul3A_620 : i32 to index
      %get3A_622 = tpu.vector_load %arg5[%get3A_621] {strides = array<i32>} : memref<16384xf32, #tpu.memory_space<vmem>>, vector<16xf32>,
      %add3A_623 = arith.constant 512 : i32
      %add3A_624 = arith.addi %add3A_623, %scan3A_583 : i32
      %mul3A_625 = arith.constant 16 : i32
      %mul3A_626 = arith.muli %add3A_624, %mul3A_625 : i32
      %get3A_627 = arith.index_cast %mul3A_626 : i32 to index
      %get3A_628 = tpu.vector_load %arg5[%get3A_627] {strides = array<i32>} : memref<16384xf32, #tpu.memory_space<vmem>>, vector<16xf32>,
      %add3A_629 = arith.constant 640 : i32
      %add3A_630 = arith.addi %add3A_629, %scan3A_583 : i32
      %mul3A_631 = arith.constant 16 : i32
      %mul3A_632 = arith.muli %add3A_630, %mul3A_631 : i32
      %get3A_633 = arith.index_cast %mul3A_632 : i32 to index
      %get3A_634 = tpu.vector_load %arg5[%get3A_633] {strides = array<i32>} : memref<16384xf32, #tpu.memory_space<vmem>>, vector<16xf32>,
      %add3A_635 = arith.constant 768 : i32
      %add3A_636 = arith.addi %add3A_635, %scan3A_583 : i32
      %mul3A_637 = arith.constant 16 : i32
      %mul3A_638 = arith.muli %add3A_636, %mul3A_637 : i32
      %get3A_639 = arith.index_cast %mul3A_638 : i32 to index
      %get3A_640 = tpu.vector_load %arg5[%get3A_639] {strides = array<i32>} : memref<16384xf32, #tpu.memory_space<vmem>>, vector<16xf32>,
      %add3A_641 = arith.constant 896 : i32
      %add3A_642 = arith.addi %add3A_641, %scan3A_583 : i32
      %mul3A_643 = arith.constant 16 : i32
      %mul3A_644 = arith.muli %add3A_642, %mul3A_643 : i32
      %get3A_645 = arith.index_cast %mul3A_644 : i32 to index
      %get3A_646 = tpu.vector_load %arg5[%get3A_645] {strides = array<i32>} : memref<16384xf32, #tpu.memory_space<vmem>>, vector<16xf32>,
      %gt3A = arith.constant 0.000000e+00 : f32
      %gt3A_647 = vector.broadcast %gt3A : f32 to vector<16xf32>
      %gt3A_648 = arith.cmpf ogt, %get3A_604, %gt3A_647 : vector<16xf32>
      %gt3A_649 = arith.constant 0.000000e+00 : f32
      %gt3A_650 = vector.broadcast %gt3A_649 : f32 to vector<16xf32>
      %gt3A_651 = arith.cmpf ogt, %get3A_610, %gt3A_650 : vector<16xf32>
      %gt3A_652 = arith.constant 0.000000e+00 : f32
      %gt3A_653 = vector.broadcast %gt3A_652 : f32 to vector<16xf32>
      %gt3A_654 = arith.cmpf ogt, %get3A_616, %gt3A_653 : vector<16xf32>
      %gt3A_655 = arith.constant 0.000000e+00 : f32
      %gt3A_656 = vector.broadcast %gt3A_655 : f32 to vector<16xf32>
      %gt3A_657 = arith.cmpf ogt, %get3A_622, %gt3A_656 : vector<16xf32>
      %gt3A_658 = arith.constant 0.000000e+00 : f32
      %gt3A_659 = vector.broadcast %gt3A_658 : f32 to vector<16xf32>
      %gt3A_660 = arith.cmpf ogt, %get3A_628, %gt3A_659 : vector<16xf32>
      %gt3A_661 = arith.constant 0.000000e+00 : f32
      %gt3A_662 = vector.broadcast %gt3A_661 : f32 to vector<16xf32>
      %gt3A_663 = arith.cmpf ogt, %get3A_634, %gt3A_662 : vector<16xf32>
      %gt3A_664 = arith.constant 0.000000e+00 : f32
      %gt3A_665 = vector.broadcast %gt3A_664 : f32 to vector<16xf32>
      %gt3A_666 = arith.cmpf ogt, %get3A_640, %gt3A_665 : vector<16xf32>
      %gt3A_667 = arith.constant 0.000000e+00 : f32
      %gt3A_668 = vector.broadcast %gt3A_667 : f32 to vector<16xf32>
      %gt3A_669 = arith.cmpf ogt, %get3A_646, %gt3A_668 : vector<16xf32>
      %select_n3A_670 = arith.select %gt3A_648, %broadcast_in_dim3A_39, %broadcast_in_dim3A_37 : vector<16xi1>, vector<16xi32>
      %select_n3A_671 = arith.select %gt3A_651, %broadcast_in_dim3A_39, %broadcast_in_dim3A_37 : vector<16xi1>, vector<16xi32>
      %select_n3A_672 = arith.select %gt3A_654, %broadcast_in_dim3A_39, %broadcast_in_dim3A_37 : vector<16xi1>, vector<16xi32>
      %select_n3A_673 = arith.select %gt3A_657, %broadcast_in_dim3A_39, %broadcast_in_dim3A_37 : vector<16xi1>, vector<16xi32>
      %select_n3A_674 = arith.select %gt3A_660, %broadcast_in_dim3A_39, %broadcast_in_dim3A_37 : vector<16xi1>, vector<16xi32>
      %select_n3A_675 = arith.select %gt3A_663, %broadcast_in_dim3A_39, %broadcast_in_dim3A_37 : vector<16xi1>, vector<16xi32>
      %select_n3A_676 = arith.select %gt3A_666, %broadcast_in_dim3A_39, %broadcast_in_dim3A_37 : vector<16xi1>, vector<16xi32>
      %select_n3A_677 = arith.select %gt3A_669, %broadcast_in_dim3A_39, %broadcast_in_dim3A_37 : vector<16xi1>, vector<16xi32>
      %broadcast_in_dim3A_678 = arith.constant true
      %broadcast_in_dim3A_679 = vector.broadcast %broadcast_in_dim3A_678 : i1 to vector<16xi1>
      %masked_cumsum3A = tpu.scan <sum>, %select_n3A_670 masked %broadcast_in_dim3A_679 : vector<16xi32>, vector<16xi1> -> vector<16xi32>
      %broadcast_in_dim3A_680 = arith.constant true
      %broadcast_in_dim3A_681 = vector.broadcast %broadcast_in_dim3A_680 : i1 to vector<16xi1>
      %masked_cumsum3A_682 = tpu.scan <sum>, %select_n3A_671 masked %broadcast_in_dim3A_681 : vector<16xi32>, vector<16xi1> -> vector<16xi32>
      %broadcast_in_dim3A_683 = arith.constant true
      %broadcast_in_dim3A_684 = vector.broadcast %broadcast_in_dim3A_683 : i1 to vector<16xi1>
      %masked_cumsum3A_685 = tpu.scan <sum>, %select_n3A_672 masked %broadcast_in_dim3A_684 : vector<16xi32>, vector<16xi1> -> vector<16xi32>
      %broadcast_in_dim3A_686 = arith.constant true
      %broadcast_in_dim3A_687 = vector.broadcast %broadcast_in_dim3A_686 : i1 to vector<16xi1>
      %masked_cumsum3A_688 = tpu.scan <sum>, %select_n3A_673 masked %broadcast_in_dim3A_687 : vector<16xi32>, vector<16xi1> -> vector<16xi32>
      %broadcast_in_dim3A_689 = arith.constant true
      %broadcast_in_dim3A_690 = vector.broadcast %broadcast_in_dim3A_689 : i1 to vector<16xi1>
      %masked_cumsum3A_691 = tpu.scan <sum>, %select_n3A_674 masked %broadcast_in_dim3A_690 : vector<16xi32>, vector<16xi1> -> vector<16xi32>
      %broadcast_in_dim3A_692 = arith.constant true
      %broadcast_in_dim3A_693 = vector.broadcast %broadcast_in_dim3A_692 : i1 to vector<16xi1>
      %masked_cumsum3A_694 = tpu.scan <sum>, %select_n3A_675 masked %broadcast_in_dim3A_693 : vector<16xi32>, vector<16xi1> -> vector<16xi32>
      %broadcast_in_dim3A_695 = arith.constant true
      %broadcast_in_dim3A_696 = vector.broadcast %broadcast_in_dim3A_695 : i1 to vector<16xi1>
      %masked_cumsum3A_697 = tpu.scan <sum>, %select_n3A_676 masked %broadcast_in_dim3A_696 : vector<16xi32>, vector<16xi1> -> vector<16xi32>
      %broadcast_in_dim3A_698 = arith.constant true
      %broadcast_in_dim3A_699 = vector.broadcast %broadcast_in_dim3A_698 : i1 to vector<16xi1>
      %masked_cumsum3A_700 = tpu.scan <sum>, %select_n3A_677 masked %broadcast_in_dim3A_699 : vector<16xi32>, vector<16xi1> -> vector<16xi32>
      %add3A_701 = arith.addi %scan3A_584, %masked_cumsum3A : vector<16xi32>
      %add3A_702 = arith.addi %scan3A_586, %masked_cumsum3A_682 : vector<16xi32>
      %add3A_703 = arith.addi %scan3A_588, %masked_cumsum3A_685 : vector<16xi32>
      %add3A_704 = arith.addi %scan3A_590, %masked_cumsum3A_688 : vector<16xi32>
      %add3A_705 = arith.addi %scan3A_592, %masked_cumsum3A_691 : vector<16xi32>
      %add3A_706 = arith.addi %scan3A_594, %masked_cumsum3A_694 : vector<16xi32>
      %add3A_707 = arith.addi %scan3A_596, %masked_cumsum3A_697 : vector<16xi32>
      %add3A_708 = arith.addi %scan3A_598, %masked_cumsum3A_700 : vector<16xi32>
      tpu.vector_store_idx %arg7[%add3A_701], %get3A_604 masked %gt3A_648 : memref<4096xf32, #tpu.memory_space<vmem>>[vector<16xi32>], vector<16xf32>, vector<16xi1>
      tpu.vector_store_idx %arg7[%add3A_702], %get3A_610 masked %gt3A_651 : memref<4096xf32, #tpu.memory_space<vmem>>[vector<16xi32>], vector<16xf32>, vector<16xi1>
      tpu.vector_store_idx %arg7[%add3A_703], %get3A_616 masked %gt3A_654 : memref<4096xf32, #tpu.memory_space<vmem>>[vector<16xi32>], vector<16xf32>, vector<16xi1>
      tpu.vector_store_idx %arg7[%add3A_704], %get3A_622 masked %gt3A_657 : memref<4096xf32, #tpu.memory_space<vmem>>[vector<16xi32>], vector<16xf32>, vector<16xi1>
      tpu.vector_store_idx %arg7[%add3A_705], %get3A_628 masked %gt3A_660 : memref<4096xf32, #tpu.memory_space<vmem>>[vector<16xi32>], vector<16xf32>, vector<16xi1>
      tpu.vector_store_idx %arg7[%add3A_706], %get3A_634 masked %gt3A_663 : memref<4096xf32, #tpu.memory_space<vmem>>[vector<16xi32>], vector<16xf32>, vector<16xi1>
      tpu.vector_store_idx %arg7[%add3A_707], %get3A_640 masked %gt3A_666 : memref<4096xf32, #tpu.memory_space<vmem>>[vector<16xi32>], vector<16xf32>, vector<16xi1>
      tpu.vector_store_idx %arg7[%add3A_708], %get3A_646 masked %gt3A_669 : memref<4096xf32, #tpu.memory_space<vmem>>[vector<16xi32>], vector<16xf32>, vector<16xi1>
      tpu.vector_store_idx %arg8[%add3A_701], %scan3A_585 masked %gt3A_648 : memref<4096xi32, #tpu.memory_space<vmem>>[vector<16xi32>], vector<16xi32>, vector<16xi1>
      tpu.vector_store_idx %arg8[%add3A_702], %scan3A_587 masked %gt3A_651 : memref<4096xi32, #tpu.memory_space<vmem>>[vector<16xi32>], vector<16xi32>, vector<16xi1>
      tpu.vector_store_idx %arg8[%add3A_703], %scan3A_589 masked %gt3A_654 : memref<4096xi32, #tpu.memory_space<vmem>>[vector<16xi32>], vector<16xi32>, vector<16xi1>
      tpu.vector_store_idx %arg8[%add3A_704], %scan3A_591 masked %gt3A_657 : memref<4096xi32, #tpu.memory_space<vmem>>[vector<16xi32>], vector<16xi32>, vector<16xi1>
      tpu.vector_store_idx %arg8[%add3A_705], %scan3A_593 masked %gt3A_660 : memref<4096xi32, #tpu.memory_space<vmem>>[vector<16xi32>], vector<16xi32>, vector<16xi1>
      tpu.vector_store_idx %arg8[%add3A_706], %scan3A_595 masked %gt3A_663 : memref<4096xi32, #tpu.memory_space<vmem>>[vector<16xi32>], vector<16xi32>, vector<16xi1>
      tpu.vector_store_idx %arg8[%add3A_707], %scan3A_597 masked %gt3A_666 : memref<4096xi32, #tpu.memory_space<vmem>>[vector<16xi32>], vector<16xi32>, vector<16xi1>
      tpu.vector_store_idx %arg8[%add3A_708], %scan3A_599 masked %gt3A_669 : memref<4096xi32, #tpu.memory_space<vmem>>[vector<16xi32>], vector<16xi32>, vector<16xi1>
      %all_reduce_population_count3A = tpu.all_reduce %gt3A_648 {dim = 0 : i64, kind = #tpu.reduction_kind<sum>} : vector<16xi1> -> vector<16xi32>
      %all_reduce_population_count3A_709 = tpu.all_reduce %gt3A_651 {dim = 0 : i64, kind = #tpu.reduction_kind<sum>} : vector<16xi1> -> vector<16xi32>
      %all_reduce_population_count3A_710 = tpu.all_reduce %gt3A_654 {dim = 0 : i64, kind = #tpu.reduction_kind<sum>} : vector<16xi1> -> vector<16xi32>
      %all_reduce_population_count3A_711 = tpu.all_reduce %gt3A_657 {dim = 0 : i64, kind = #tpu.reduction_kind<sum>} : vector<16xi1> -> vector<16xi32>
      %all_reduce_population_count3A_712 = tpu.all_reduce %gt3A_660 {dim = 0 : i64, kind = #tpu.reduction_kind<sum>} : vector<16xi1> -> vector<16xi32>
      %all_reduce_population_count3A_713 = tpu.all_reduce %gt3A_663 {dim = 0 : i64, kind = #tpu.reduction_kind<sum>} : vector<16xi1> -> vector<16xi32>
      %all_reduce_population_count3A_714 = tpu.all_reduce %gt3A_666 {dim = 0 : i64, kind = #tpu.reduction_kind<sum>} : vector<16xi1> -> vector<16xi32>
      %all_reduce_population_count3A_715 = tpu.all_reduce %gt3A_669 {dim = 0 : i64, kind = #tpu.reduction_kind<sum>} : vector<16xi1> -> vector<16xi32>
      %add3A_716 = arith.addi %scan3A_584, %all_reduce_population_count3A : vector<16xi32>
      %min3A = arith.minsi %add3A_716, %broadcast_in_dim3A_48 : vector<16xi32>
      %add3A_717 = arith.addi %scan3A_585, %broadcast_in_dim3A_46 : vector<16xi32>
      %add3A_718 = arith.addi %scan3A_586, %all_reduce_population_count3A_709 : vector<16xi32>
      %min3A_719 = arith.minsi %add3A_718, %broadcast_in_dim3A_50 : vector<16xi32>
      %add3A_720 = arith.addi %scan3A_587, %broadcast_in_dim3A_46 : vector<16xi32>
      %add3A_721 = arith.addi %scan3A_588, %all_reduce_population_count3A_710 : vector<16xi32>
      %min3A_722 = arith.minsi %add3A_721, %broadcast_in_dim3A_52 : vector<16xi32>
      %add3A_723 = arith.addi %scan3A_589, %broadcast_in_dim3A_46 : vector<16xi32>
      %add3A_724 = arith.addi %scan3A_590, %all_reduce_population_count3A_711 : vector<16xi32>
      %min3A_725 = arith.minsi %add3A_724, %broadcast_in_dim3A_54 : vector<16xi32>
      %add3A_726 = arith.addi %scan3A_591, %broadcast_in_dim3A_46 : vector<16xi32>
      %add3A_727 = arith.addi %scan3A_592, %all_reduce_population_count3A_712 : vector<16xi32>
      %min3A_728 = arith.minsi %add3A_727, %broadcast_in_dim3A_56 : vector<16xi32>
      %add3A_729 = arith.addi %scan3A_593, %broadcast_in_dim3A_46 : vector<16xi32>
      %add3A_730 = arith.addi %scan3A_594, %all_reduce_population_count3A_713 : vector<16xi32>
      %min3A_731 = arith.minsi %add3A_730, %broadcast_in_dim3A_58 : vector<16xi32>
      %add3A_732 = arith.addi %scan3A_595, %broadcast_in_dim3A_46 : vector<16xi32>
      %add3A_733 = arith.addi %scan3A_596, %all_reduce_population_count3A_714 : vector<16xi32>
      %min3A_734 = arith.minsi %add3A_733, %broadcast_in_dim3A_60 : vector<16xi32>
      %add3A_735 = arith.addi %scan3A_597, %broadcast_in_dim3A_46 : vector<16xi32>
      %add3A_736 = arith.addi %scan3A_598, %all_reduce_population_count3A_715 : vector<16xi32>
      %min3A_737 = arith.minsi %add3A_736, %broadcast_in_dim3A_62 : vector<16xi32>
      %add3A_738 = arith.addi %scan3A_599, %broadcast_in_dim3A_46 : vector<16xi32>
      %scan3A_739 = arith.constant 1 : i32
      %scan3A_740 = arith.addi %scan3A_583, %scan3A_739 : i32
      %add3A_741 = arith.constant 0 : i32
      %add3A_742 = arith.addi %add3A_741, %scan3A_740 : i32
      %mul3A_743 = arith.constant 16 : i32
      %mul3A_744 = arith.muli %add3A_742, %mul3A_743 : i32
      %get3A_745 = arith.index_cast %mul3A_744 : i32 to index
      %get3A_746 = tpu.vector_load %arg5[%get3A_745] {strides = array<i32>} : memref<16384xf32, #tpu.memory_space<vmem>>, vector<16xf32>,
      %add3A_747 = arith.constant 128 : i32
      %add3A_748 = arith.addi %add3A_747, %scan3A_740 : i32
      %mul3A_749 = arith.constant 16 : i32
      %mul3A_750 = arith.muli %add3A_748, %mul3A_749 : i32
      %get3A_751 = arith.index_cast %mul3A_750 : i32 to index
      %get3A_752 = tpu.vector_load %arg5[%get3A_751] {strides = array<i32>} : memref<16384xf32, #tpu.memory_space<vmem>>, vector<16xf32>,
      %add3A_753 = arith.constant 256 : i32
      %add3A_754 = arith.addi %add3A_753, %scan3A_740 : i32
      %mul3A_755 = arith.constant 16 : i32
      %mul3A_756 = arith.muli %add3A_754, %mul3A_755 : i32
      %get3A_757 = arith.index_cast %mul3A_756 : i32 to index
      %get3A_758 = tpu.vector_load %arg5[%get3A_757] {strides = array<i32>} : memref<16384xf32, #tpu.memory_space<vmem>>, vector<16xf32>,
      %add3A_759 = arith.constant 384 : i32
      %add3A_760 = arith.addi %add3A_759, %scan3A_740 : i32
      %mul3A_761 = arith.constant 16 : i32
      %mul3A_762 = arith.muli %add3A_760, %mul3A_761 : i32
      %get3A_763 = arith.index_cast %mul3A_762 : i32 to index
      %get3A_764 = tpu.vector_load %arg5[%get3A_763] {strides = array<i32>} : memref<16384xf32, #tpu.memory_space<vmem>>, vector<16xf32>,
      %add3A_765 = arith.constant 512 : i32
      %add3A_766 = arith.addi %add3A_765, %scan3A_740 : i32
      %mul3A_767 = arith.constant 16 : i32
      %mul3A_768 = arith.muli %add3A_766, %mul3A_767 : i32
      %get3A_769 = arith.index_cast %mul3A_768 : i32 to index
      %get3A_770 = tpu.vector_load %arg5[%get3A_769] {strides = array<i32>} : memref<16384xf32, #tpu.memory_space<vmem>>, vector<16xf32>,
      %add3A_771 = arith.constant 640 : i32
      %add3A_772 = arith.addi %add3A_771, %scan3A_740 : i32
      %mul3A_773 = arith.constant 16 : i32
      %mul3A_774 = arith.muli %add3A_772, %mul3A_773 : i32
      %get3A_775 = arith.index_cast %mul3A_774 : i32 to index
      %get3A_776 = tpu.vector_load %arg5[%get3A_775] {strides = array<i32>} : memref<16384xf32, #tpu.memory_space<vmem>>, vector<16xf32>,
      %add3A_777 = arith.constant 768 : i32
      %add3A_778 = arith.addi %add3A_777, %scan3A_740 : i32
      %mul3A_779 = arith.constant 16 : i32
      %mul3A_780 = arith.muli %add3A_778, %mul3A_779 : i32
      %get3A_781 = arith.index_cast %mul3A_780 : i32 to index
      %get3A_782 = tpu.vector_load %arg5[%get3A_781] {strides = array<i32>} : memref<16384xf32, #tpu.memory_space<vmem>>, vector<16xf32>,
      %add3A_783 = arith.constant 896 : i32
      %add3A_784 = arith.addi %add3A_783, %scan3A_740 : i32
      %mul3A_785 = arith.constant 16 : i32
      %mul3A_786 = arith.muli %add3A_784, %mul3A_785 : i32
      %get3A_787 = arith.index_cast %mul3A_786 : i32 to index
      %get3A_788 = tpu.vector_load %arg5[%get3A_787] {strides = array<i32>} : memref<16384xf32, #tpu.memory_space<vmem>>, vector<16xf32>,
      %gt3A_789 = arith.constant 0.000000e+00 : f32
      %gt3A_790 = vector.broadcast %gt3A_789 : f32 to vector<16xf32>
      %gt3A_791 = arith.cmpf ogt, %get3A_746, %gt3A_790 : vector<16xf32>
      %gt3A_792 = arith.constant 0.000000e+00 : f32
      %gt3A_793 = vector.broadcast %gt3A_792 : f32 to vector<16xf32>
      %gt3A_794 = arith.cmpf ogt, %get3A_752, %gt3A_793 : vector<16xf32>
      %gt3A_795 = arith.constant 0.000000e+00 : f32
      %gt3A_796 = vector.broadcast %gt3A_795 : f32 to vector<16xf32>
      %gt3A_797 = arith.cmpf ogt, %get3A_758, %gt3A_796 : vector<16xf32>
      %gt3A_798 = arith.constant 0.000000e+00 : f32
      %gt3A_799 = vector.broadcast %gt3A_798 : f32 to vector<16xf32>
      %gt3A_800 = arith.cmpf ogt, %get3A_764, %gt3A_799 : vector<16xf32>
      %gt3A_801 = arith.constant 0.000000e+00 : f32
      %gt3A_802 = vector.broadcast %gt3A_801 : f32 to vector<16xf32>
      %gt3A_803 = arith.cmpf ogt, %get3A_770, %gt3A_802 : vector<16xf32>
      %gt3A_804 = arith.constant 0.000000e+00 : f32
      %gt3A_805 = vector.broadcast %gt3A_804 : f32 to vector<16xf32>
      %gt3A_806 = arith.cmpf ogt, %get3A_776, %gt3A_805 : vector<16xf32>
      %gt3A_807 = arith.constant 0.000000e+00 : f32
      %gt3A_808 = vector.broadcast %gt3A_807 : f32 to vector<16xf32>
      %gt3A_809 = arith.cmpf ogt, %get3A_782, %gt3A_808 : vector<16xf32>
      %gt3A_810 = arith.constant 0.000000e+00 : f32
      %gt3A_811 = vector.broadcast %gt3A_810 : f32 to vector<16xf32>
      %gt3A_812 = arith.cmpf ogt, %get3A_788, %gt3A_811 : vector<16xf32>
      %select_n3A_813 = arith.select %gt3A_791, %broadcast_in_dim3A_39, %broadcast_in_dim3A_37 : vector<16xi1>, vector<16xi32>
      %select_n3A_814 = arith.select %gt3A_794, %broadcast_in_dim3A_39, %broadcast_in_dim3A_37 : vector<16xi1>, vector<16xi32>
      %select_n3A_815 = arith.select %gt3A_797, %broadcast_in_dim3A_39, %broadcast_in_dim3A_37 : vector<16xi1>, vector<16xi32>
      %select_n3A_816 = arith.select %gt3A_800, %broadcast_in_dim3A_39, %broadcast_in_dim3A_37 : vector<16xi1>, vector<16xi32>
      %select_n3A_817 = arith.select %gt3A_803, %broadcast_in_dim3A_39, %broadcast_in_dim3A_37 : vector<16xi1>, vector<16xi32>
      %select_n3A_818 = arith.select %gt3A_806, %broadcast_in_dim3A_39, %broadcast_in_dim3A_37 : vector<16xi1>, vector<16xi32>
      %select_n3A_819 = arith.select %gt3A_809, %broadcast_in_dim3A_39, %broadcast_in_dim3A_37 : vector<16xi1>, vector<16xi32>
      %select_n3A_820 = arith.select %gt3A_812, %broadcast_in_dim3A_39, %broadcast_in_dim3A_37 : vector<16xi1>, vector<16xi32>
      %broadcast_in_dim3A_821 = arith.constant true
      %broadcast_in_dim3A_822 = vector.broadcast %broadcast_in_dim3A_821 : i1 to vector<16xi1>
      %masked_cumsum3A_823 = tpu.scan <sum>, %select_n3A_813 masked %broadcast_in_dim3A_822 : vector<16xi32>, vector<16xi1> -> vector<16xi32>
      %broadcast_in_dim3A_824 = arith.constant true
      %broadcast_in_dim3A_825 = vector.broadcast %broadcast_in_dim3A_824 : i1 to vector<16xi1>
      %masked_cumsum3A_826 = tpu.scan <sum>, %select_n3A_814 masked %broadcast_in_dim3A_825 : vector<16xi32>, vector<16xi1> -> vector<16xi32>
      %broadcast_in_dim3A_827 = arith.constant true
      %broadcast_in_dim3A_828 = vector.broadcast %broadcast_in_dim3A_827 : i1 to vector<16xi1>
      %masked_cumsum3A_829 = tpu.scan <sum>, %select_n3A_815 masked %broadcast_in_dim3A_828 : vector<16xi32>, vector<16xi1> -> vector<16xi32>
      %broadcast_in_dim3A_830 = arith.constant true
      %broadcast_in_dim3A_831 = vector.broadcast %broadcast_in_dim3A_830 : i1 to vector<16xi1>
      %masked_cumsum3A_832 = tpu.scan <sum>, %select_n3A_816 masked %broadcast_in_dim3A_831 : vector<16xi32>, vector<16xi1> -> vector<16xi32>
      %broadcast_in_dim3A_833 = arith.constant true
      %broadcast_in_dim3A_834 = vector.broadcast %broadcast_in_dim3A_833 : i1 to vector<16xi1>
      %masked_cumsum3A_835 = tpu.scan <sum>, %select_n3A_817 masked %broadcast_in_dim3A_834 : vector<16xi32>, vector<16xi1> -> vector<16xi32>
      %broadcast_in_dim3A_836 = arith.constant true
      %broadcast_in_dim3A_837 = vector.broadcast %broadcast_in_dim3A_836 : i1 to vector<16xi1>
      %masked_cumsum3A_838 = tpu.scan <sum>, %select_n3A_818 masked %broadcast_in_dim3A_837 : vector<16xi32>, vector<16xi1> -> vector<16xi32>
      %broadcast_in_dim3A_839 = arith.constant true
      %broadcast_in_dim3A_840 = vector.broadcast %broadcast_in_dim3A_839 : i1 to vector<16xi1>
      %masked_cumsum3A_841 = tpu.scan <sum>, %select_n3A_819 masked %broadcast_in_dim3A_840 : vector<16xi32>, vector<16xi1> -> vector<16xi32>
      %broadcast_in_dim3A_842 = arith.constant true
      %broadcast_in_dim3A_843 = vector.broadcast %broadcast_in_dim3A_842 : i1 to vector<16xi1>
      %masked_cumsum3A_844 = tpu.scan <sum>, %select_n3A_820 masked %broadcast_in_dim3A_843 : vector<16xi32>, vector<16xi1> -> vector<16xi32>
      %add3A_845 = arith.addi %min3A, %masked_cumsum3A_823 : vector<16xi32>
      %add3A_846 = arith.addi %min3A_719, %masked_cumsum3A_826 : vector<16xi32>
      %add3A_847 = arith.addi %min3A_722, %masked_cumsum3A_829 : vector<16xi32>
      %add3A_848 = arith.addi %min3A_725, %masked_cumsum3A_832 : vector<16xi32>
      %add3A_849 = arith.addi %min3A_728, %masked_cumsum3A_835 : vector<16xi32>
      %add3A_850 = arith.addi %min3A_731, %masked_cumsum3A_838 : vector<16xi32>
      %add3A_851 = arith.addi %min3A_734, %masked_cumsum3A_841 : vector<16xi32>
      %add3A_852 = arith.addi %min3A_737, %masked_cumsum3A_844 : vector<16xi32>
      tpu.vector_store_idx %arg7[%add3A_845], %get3A_746 masked %gt3A_791 : memref<4096xf32, #tpu.memory_space<vmem>>[vector<16xi32>], vector<16xf32>, vector<16xi1>
      tpu.vector_store_idx %arg7[%add3A_846], %get3A_752 masked %gt3A_794 : memref<4096xf32, #tpu.memory_space<vmem>>[vector<16xi32>], vector<16xf32>, vector<16xi1>
      tpu.vector_store_idx %arg7[%add3A_847], %get3A_758 masked %gt3A_797 : memref<4096xf32, #tpu.memory_space<vmem>>[vector<16xi32>], vector<16xf32>, vector<16xi1>
      tpu.vector_store_idx %arg7[%add3A_848], %get3A_764 masked %gt3A_800 : memref<4096xf32, #tpu.memory_space<vmem>>[vector<16xi32>], vector<16xf32>, vector<16xi1>
      tpu.vector_store_idx %arg7[%add3A_849], %get3A_770 masked %gt3A_803 : memref<4096xf32, #tpu.memory_space<vmem>>[vector<16xi32>], vector<16xf32>, vector<16xi1>
      tpu.vector_store_idx %arg7[%add3A_850], %get3A_776 masked %gt3A_806 : memref<4096xf32, #tpu.memory_space<vmem>>[vector<16xi32>], vector<16xf32>, vector<16xi1>
      tpu.vector_store_idx %arg7[%add3A_851], %get3A_782 masked %gt3A_809 : memref<4096xf32, #tpu.memory_space<vmem>>[vector<16xi32>], vector<16xf32>, vector<16xi1>
      tpu.vector_store_idx %arg7[%add3A_852], %get3A_788 masked %gt3A_812 : memref<4096xf32, #tpu.memory_space<vmem>>[vector<16xi32>], vector<16xf32>, vector<16xi1>
      tpu.vector_store_idx %arg8[%add3A_845], %add3A_717 masked %gt3A_791 : memref<4096xi32, #tpu.memory_space<vmem>>[vector<16xi32>], vector<16xi32>, vector<16xi1>
      tpu.vector_store_idx %arg8[%add3A_846], %add3A_720 masked %gt3A_794 : memref<4096xi32, #tpu.memory_space<vmem>>[vector<16xi32>], vector<16xi32>, vector<16xi1>
      tpu.vector_store_idx %arg8[%add3A_847], %add3A_723 masked %gt3A_797 : memref<4096xi32, #tpu.memory_space<vmem>>[vector<16xi32>], vector<16xi32>, vector<16xi1>
      tpu.vector_store_idx %arg8[%add3A_848], %add3A_726 masked %gt3A_800 : memref<4096xi32, #tpu.memory_space<vmem>>[vector<16xi32>], vector<16xi32>, vector<16xi1>
      tpu.vector_store_idx %arg8[%add3A_849], %add3A_729 masked %gt3A_803 : memref<4096xi32, #tpu.memory_space<vmem>>[vector<16xi32>], vector<16xi32>, vector<16xi1>
      tpu.vector_store_idx %arg8[%add3A_850], %add3A_732 masked %gt3A_806 : memref<4096xi32, #tpu.memory_space<vmem>>[vector<16xi32>], vector<16xi32>, vector<16xi1>
      tpu.vector_store_idx %arg8[%add3A_851], %add3A_735 masked %gt3A_809 : memref<4096xi32, #tpu.memory_space<vmem>>[vector<16xi32>], vector<16xi32>, vector<16xi1>
      tpu.vector_store_idx %arg8[%add3A_852], %add3A_738 masked %gt3A_812 : memref<4096xi32, #tpu.memory_space<vmem>>[vector<16xi32>], vector<16xi32>, vector<16xi1>
      %all_reduce_population_count3A_853 = tpu.all_reduce %gt3A_791 {dim = 0 : i64, kind = #tpu.reduction_kind<sum>} : vector<16xi1> -> vector<16xi32>
      %all_reduce_population_count3A_854 = tpu.all_reduce %gt3A_794 {dim = 0 : i64, kind = #tpu.reduction_kind<sum>} : vector<16xi1> -> vector<16xi32>
      %all_reduce_population_count3A_855 = tpu.all_reduce %gt3A_797 {dim = 0 : i64, kind = #tpu.reduction_kind<sum>} : vector<16xi1> -> vector<16xi32>
      %all_reduce_population_count3A_856 = tpu.all_reduce %gt3A_800 {dim = 0 : i64, kind = #tpu.reduction_kind<sum>} : vector<16xi1> -> vector<16xi32>
      %all_reduce_population_count3A_857 = tpu.all_reduce %gt3A_803 {dim = 0 : i64, kind = #tpu.reduction_kind<sum>} : vector<16xi1> -> vector<16xi32>
      %all_reduce_population_count3A_858 = tpu.all_reduce %gt3A_806 {dim = 0 : i64, kind = #tpu.reduction_kind<sum>} : vector<16xi1> -> vector<16xi32>
      %all_reduce_population_count3A_859 = tpu.all_reduce %gt3A_809 {dim = 0 : i64, kind = #tpu.reduction_kind<sum>} : vector<16xi1> -> vector<16xi32>
      %all_reduce_population_count3A_860 = tpu.all_reduce %gt3A_812 {dim = 0 : i64, kind = #tpu.reduction_kind<sum>} : vector<16xi1> -> vector<16xi32>
      %add3A_861 = arith.addi %min3A, %all_reduce_population_count3A_853 : vector<16xi32>
      %min3A_862 = arith.minsi %add3A_861, %broadcast_in_dim3A_48 : vector<16xi32>
      %add3A_863 = arith.addi %add3A_717, %broadcast_in_dim3A_46 : vector<16xi32>
      %add3A_864 = arith.addi %min3A_719, %all_reduce_population_count3A_854 : vector<16xi32>
      %min3A_865 = arith.minsi %add3A_864, %broadcast_in_dim3A_50 : vector<16xi32>
      %add3A_866 = arith.addi %add3A_720, %broadcast_in_dim3A_46 : vector<16xi32>
      %add3A_867 = arith.addi %min3A_722, %all_reduce_population_count3A_855 : vector<16xi32>
      %min3A_868 = arith.minsi %add3A_867, %broadcast_in_dim3A_52 : vector<16xi32>
      %add3A_869 = arith.addi %add3A_723, %broadcast_in_dim3A_46 : vector<16xi32>
      %add3A_870 = arith.addi %min3A_725, %all_reduce_population_count3A_856 : vector<16xi32>
      %min3A_871 = arith.minsi %add3A_870, %broadcast_in_dim3A_54 : vector<16xi32>
      %add3A_872 = arith.addi %add3A_726, %broadcast_in_dim3A_46 : vector<16xi32>
      %add3A_873 = arith.addi %min3A_728, %all_reduce_population_count3A_857 : vector<16xi32>
      %min3A_874 = arith.minsi %add3A_873, %broadcast_in_dim3A_56 : vector<16xi32>
      %add3A_875 = arith.addi %add3A_729, %broadcast_in_dim3A_46 : vector<16xi32>
      %add3A_876 = arith.addi %min3A_731, %all_reduce_population_count3A_858 : vector<16xi32>
      %min3A_877 = arith.minsi %add3A_876, %broadcast_in_dim3A_58 : vector<16xi32>
      %add3A_878 = arith.addi %add3A_732, %broadcast_in_dim3A_46 : vector<16xi32>
      %add3A_879 = arith.addi %min3A_734, %all_reduce_population_count3A_859 : vector<16xi32>
      %min3A_880 = arith.minsi %add3A_879, %broadcast_in_dim3A_60 : vector<16xi32>
      %add3A_881 = arith.addi %add3A_735, %broadcast_in_dim3A_46 : vector<16xi32>
      %add3A_882 = arith.addi %min3A_737, %all_reduce_population_count3A_860 : vector<16xi32>
      %min3A_883 = arith.minsi %add3A_882, %broadcast_in_dim3A_62 : vector<16xi32>
      %add3A_884 = arith.addi %add3A_738, %broadcast_in_dim3A_46 : vector<16xi32>
      scf.yield %min3A_862, %add3A_863, %min3A_865, %add3A_866, %min3A_868, %add3A_869, %min3A_871, %add3A_872, %min3A_874, %add3A_875, %min3A_877, %add3A_878, %min3A_880, %add3A_881, %min3A_883, %add3A_884 : vector<16xi32>, vector<16xi32>, vector<16xi32>, vector<16xi32>, vector<16xi32>, vector<16xi32>, vector<16xi32>, vector<16xi32>, vector<16xi32>, vector<16xi32>, vector<16xi32>, vector<16xi32>, vector<16xi32>, vector<16xi32>, vector<16xi32>, vector<16xi32>
    }
    %scan3A_140 = arith.constant 128 : i32
    %add3A_141 = arith.constant 32768 : i32
    %add3A_142 = arith.addi %mul3A_32, %add3A_141 : i32
    %dma_start3A_143 = tpu.memref_slice %arg2[%add3A_142] : memref<4194304xf32, #tpu.memory_space<hbm>> -> memref<16384xf32, #tpu.memory_space<hbm>>
    %dma_start3A_144 = tpu.memref_slice %arg2[%add3A_142] : memref<4194304xf32, #tpu.memory_space<hbm>> -> memref<16384xf32, #tpu.memory_space<hbm>>
    tpu.enqueue_dma source(%dma_start3A_144 : memref<16384xf32, #tpu.memory_space<hbm>>) target(%arg5 : memref<16384xf32, #tpu.memory_space<vmem>>) target_semaphore(%arg11 : memref<!tpu.dma_semaphore, #tpu.memory_space<semaphore_mem>>)
    %dma_wait3A_145 = tpu.memref_slice %arg2[%add3A_83] : memref<4194304xf32, #tpu.memory_space<hbm>> -> memref<16384xf32, #tpu.memory_space<hbm>>
    %dma_wait3A_146 = tpu.memref_slice %arg2[%add3A_83] : memref<4194304xf32, #tpu.memory_space<hbm>> -> memref<16384xf32, #tpu.memory_space<hbm>>
    tpu.wait_dma2 semaphore(%arg12 : memref<!tpu.dma_semaphore, #tpu.memory_space<semaphore_mem>>) src(%dma_wait3A_146 : memref<16384xf32, #tpu.memory_space<hbm>>) dst(%arg6 : memref<16384xf32, #tpu.memory_space<vmem>>)
    %add3A_147 = arith.constant 16384 : i32
    %add3A_148 = arith.addi %mul3A_34, %add3A_147 : i32
    %add3A_149 = arith.constant 0 : i32
    %add3A_150 = arith.addi %add3A_148, %add3A_149 : i32
    %add3A_151 = vector.broadcast %add3A_150 : i32 to vector<16xi32>
    %add3A_152 = arith.addi %add3A_151, %iota3A : vector<16xi32>
    %add3A_153 = arith.constant 16384 : i32
    %add3A_154 = arith.addi %mul3A_34, %add3A_153 : i32
    %add3A_155 = arith.constant 2048 : i32
    %add3A_156 = arith.addi %add3A_154, %add3A_155 : i32
    %add3A_157 = vector.broadcast %add3A_156 : i32 to vector<16xi32>
    %add3A_158 = arith.addi %add3A_157, %iota3A : vector<16xi32>
    %add3A_159 = arith.constant 16384 : i32
    %add3A_160 = arith.addi %mul3A_34, %add3A_159 : i32
    %add3A_161 = arith.constant 4096 : i32
    %add3A_162 = arith.addi %add3A_160, %add3A_161 : i32
    %add3A_163 = vector.broadcast %add3A_162 : i32 to vector<16xi32>
    %add3A_164 = arith.addi %add3A_163, %iota3A : vector<16xi32>
    %add3A_165 = arith.constant 16384 : i32
    %add3A_166 = arith.addi %mul3A_34, %add3A_165 : i32
    %add3A_167 = arith.constant 6144 : i32
    %add3A_168 = arith.addi %add3A_166, %add3A_167 : i32
    %add3A_169 = vector.broadcast %add3A_168 : i32 to vector<16xi32>
    %add3A_170 = arith.addi %add3A_169, %iota3A : vector<16xi32>
    %add3A_171 = arith.constant 16384 : i32
    %add3A_172 = arith.addi %mul3A_34, %add3A_171 : i32
    %add3A_173 = arith.constant 8192 : i32
    %add3A_174 = arith.addi %add3A_172, %add3A_173 : i32
    %add3A_175 = vector.broadcast %add3A_174 : i32 to vector<16xi32>
    %add3A_176 = arith.addi %add3A_175, %iota3A : vector<16xi32>
    %add3A_177 = arith.constant 16384 : i32
    %add3A_178 = arith.addi %mul3A_34, %add3A_177 : i32
    %add3A_179 = arith.constant 10240 : i32
    %add3A_180 = arith.addi %add3A_178, %add3A_179 : i32
    %add3A_181 = vector.broadcast %add3A_180 : i32 to vector<16xi32>
    %add3A_182 = arith.addi %add3A_181, %iota3A : vector<16xi32>
    %add3A_183 = arith.constant 16384 : i32
    %add3A_184 = arith.addi %mul3A_34, %add3A_183 : i32
    %add3A_185 = arith.constant 12288 : i32
    %add3A_186 = arith.addi %add3A_184, %add3A_185 : i32
    %add3A_187 = vector.broadcast %add3A_186 : i32 to vector<16xi32>
    %add3A_188 = arith.addi %add3A_187, %iota3A : vector<16xi32>
    %add3A_189 = arith.constant 16384 : i32
    %add3A_190 = arith.addi %mul3A_34, %add3A_189 : i32
    %add3A_191 = arith.constant 14336 : i32
    %add3A_192 = arith.addi %add3A_190, %add3A_191 : i32
    %add3A_193 = vector.broadcast %add3A_192 : i32 to vector<16xi32>
    %add3A_194 = arith.addi %add3A_193, %iota3A : vector<16xi32>
    %scan3A_195 = arith.constant 0 : i32
    %scan3A_196 = arith.constant 128 : i32
    %scan3A_197 = arith.addi %scan3A_195, %scan3A_196 : i32
    %scan3A_198 = arith.constant 2 : i32
    %scan3A_199:16 = scf.for %scan3A_583 = %scan3A_195 to %scan3A_197 step %scan3A_198 iter_args(%scan3A_584 = %scan3A_139#0, %scan3A_585 = %add3A_152, %scan3A_586 = %scan3A_139#2, %scan3A_587 = %add3A_158, %scan3A_588 = %scan3A_139#4, %scan3A_589 = %add3A_164, %scan3A_590 = %scan3A_139#6, %scan3A_591 = %add3A_170, %scan3A_592 = %scan3A_139#8, %scan3A_593 = %add3A_176, %scan3A_594 = %scan3A_139#10, %scan3A_595 = %add3A_182, %scan3A_596 = %scan3A_139#12, %scan3A_597 = %add3A_188, %scan3A_598 = %scan3A_139#14, %scan3A_599 = %add3A_194) -> (vector<16xi32>, vector<16xi32>, vector<16xi32>, vector<16xi32>, vector<16xi32>, vector<16xi32>, vector<16xi32>, vector<16xi32>, vector<16xi32>, vector<16xi32>, vector<16xi32>, vector<16xi32>, vector<16xi32>, vector<16xi32>, vector<16xi32>, vector<16xi32>)  : i32 {
      %add3A_600 = arith.constant 0 : i32
      %add3A_601 = arith.addi %add3A_600, %scan3A_583 : i32
      %mul3A_602 = arith.constant 16 : i32
      %mul3A_603 = arith.muli %add3A_601, %mul3A_602 : i32
      %get3A = arith.index_cast %mul3A_603 : i32 to index
      %get3A_604 = tpu.vector_load %arg6[%get3A] {strides = array<i32>} : memref<16384xf32, #tpu.memory_space<vmem>>, vector<16xf32>,
      %add3A_605 = arith.constant 128 : i32
      %add3A_606 = arith.addi %add3A_605, %scan3A_583 : i32
      %mul3A_607 = arith.constant 16 : i32
      %mul3A_608 = arith.muli %add3A_606, %mul3A_607 : i32
      %get3A_609 = arith.index_cast %mul3A_608 : i32 to index
      %get3A_610 = tpu.vector_load %arg6[%get3A_609] {strides = array<i32>} : memref<16384xf32, #tpu.memory_space<vmem>>, vector<16xf32>,
      %add3A_611 = arith.constant 256 : i32
      %add3A_612 = arith.addi %add3A_611, %scan3A_583 : i32
      %mul3A_613 = arith.constant 16 : i32
      %mul3A_614 = arith.muli %add3A_612, %mul3A_613 : i32
      %get3A_615 = arith.index_cast %mul3A_614 : i32 to index
      %get3A_616 = tpu.vector_load %arg6[%get3A_615] {strides = array<i32>} : memref<16384xf32, #tpu.memory_space<vmem>>, vector<16xf32>,
      %add3A_617 = arith.constant 384 : i32
      %add3A_618 = arith.addi %add3A_617, %scan3A_583 : i32
      %mul3A_619 = arith.constant 16 : i32
      %mul3A_620 = arith.muli %add3A_618, %mul3A_619 : i32
      %get3A_621 = arith.index_cast %mul3A_620 : i32 to index
      %get3A_622 = tpu.vector_load %arg6[%get3A_621] {strides = array<i32>} : memref<16384xf32, #tpu.memory_space<vmem>>, vector<16xf32>,
      %add3A_623 = arith.constant 512 : i32
      %add3A_624 = arith.addi %add3A_623, %scan3A_583 : i32
      %mul3A_625 = arith.constant 16 : i32
      %mul3A_626 = arith.muli %add3A_624, %mul3A_625 : i32
      %get3A_627 = arith.index_cast %mul3A_626 : i32 to index
      %get3A_628 = tpu.vector_load %arg6[%get3A_627] {strides = array<i32>} : memref<16384xf32, #tpu.memory_space<vmem>>, vector<16xf32>,
      %add3A_629 = arith.constant 640 : i32
      %add3A_630 = arith.addi %add3A_629, %scan3A_583 : i32
      %mul3A_631 = arith.constant 16 : i32
      %mul3A_632 = arith.muli %add3A_630, %mul3A_631 : i32
      %get3A_633 = arith.index_cast %mul3A_632 : i32 to index
      %get3A_634 = tpu.vector_load %arg6[%get3A_633] {strides = array<i32>} : memref<16384xf32, #tpu.memory_space<vmem>>, vector<16xf32>,
      %add3A_635 = arith.constant 768 : i32
      %add3A_636 = arith.addi %add3A_635, %scan3A_583 : i32
      %mul3A_637 = arith.constant 16 : i32
      %mul3A_638 = arith.muli %add3A_636, %mul3A_637 : i32
      %get3A_639 = arith.index_cast %mul3A_638 : i32 to index
      %get3A_640 = tpu.vector_load %arg6[%get3A_639] {strides = array<i32>} : memref<16384xf32, #tpu.memory_space<vmem>>, vector<16xf32>,
      %add3A_641 = arith.constant 896 : i32
      %add3A_642 = arith.addi %add3A_641, %scan3A_583 : i32
      %mul3A_643 = arith.constant 16 : i32
      %mul3A_644 = arith.muli %add3A_642, %mul3A_643 : i32
      %get3A_645 = arith.index_cast %mul3A_644 : i32 to index
      %get3A_646 = tpu.vector_load %arg6[%get3A_645] {strides = array<i32>} : memref<16384xf32, #tpu.memory_space<vmem>>, vector<16xf32>,
      %gt3A = arith.constant 0.000000e+00 : f32
      %gt3A_647 = vector.broadcast %gt3A : f32 to vector<16xf32>
      %gt3A_648 = arith.cmpf ogt, %get3A_604, %gt3A_647 : vector<16xf32>
      %gt3A_649 = arith.constant 0.000000e+00 : f32
      %gt3A_650 = vector.broadcast %gt3A_649 : f32 to vector<16xf32>
      %gt3A_651 = arith.cmpf ogt, %get3A_610, %gt3A_650 : vector<16xf32>
      %gt3A_652 = arith.constant 0.000000e+00 : f32
      %gt3A_653 = vector.broadcast %gt3A_652 : f32 to vector<16xf32>
      %gt3A_654 = arith.cmpf ogt, %get3A_616, %gt3A_653 : vector<16xf32>
      %gt3A_655 = arith.constant 0.000000e+00 : f32
      %gt3A_656 = vector.broadcast %gt3A_655 : f32 to vector<16xf32>
      %gt3A_657 = arith.cmpf ogt, %get3A_622, %gt3A_656 : vector<16xf32>
      %gt3A_658 = arith.constant 0.000000e+00 : f32
      %gt3A_659 = vector.broadcast %gt3A_658 : f32 to vector<16xf32>
      %gt3A_660 = arith.cmpf ogt, %get3A_628, %gt3A_659 : vector<16xf32>
      %gt3A_661 = arith.constant 0.000000e+00 : f32
      %gt3A_662 = vector.broadcast %gt3A_661 : f32 to vector<16xf32>
      %gt3A_663 = arith.cmpf ogt, %get3A_634, %gt3A_662 : vector<16xf32>
      %gt3A_664 = arith.constant 0.000000e+00 : f32
      %gt3A_665 = vector.broadcast %gt3A_664 : f32 to vector<16xf32>
      %gt3A_666 = arith.cmpf ogt, %get3A_640, %gt3A_665 : vector<16xf32>
      %gt3A_667 = arith.constant 0.000000e+00 : f32
      %gt3A_668 = vector.broadcast %gt3A_667 : f32 to vector<16xf32>
      %gt3A_669 = arith.cmpf ogt, %get3A_646, %gt3A_668 : vector<16xf32>
      %select_n3A_670 = arith.select %gt3A_648, %broadcast_in_dim3A_39, %broadcast_in_dim3A_37 : vector<16xi1>, vector<16xi32>
      %select_n3A_671 = arith.select %gt3A_651, %broadcast_in_dim3A_39, %broadcast_in_dim3A_37 : vector<16xi1>, vector<16xi32>
      %select_n3A_672 = arith.select %gt3A_654, %broadcast_in_dim3A_39, %broadcast_in_dim3A_37 : vector<16xi1>, vector<16xi32>
      %select_n3A_673 = arith.select %gt3A_657, %broadcast_in_dim3A_39, %broadcast_in_dim3A_37 : vector<16xi1>, vector<16xi32>
      %select_n3A_674 = arith.select %gt3A_660, %broadcast_in_dim3A_39, %broadcast_in_dim3A_37 : vector<16xi1>, vector<16xi32>
      %select_n3A_675 = arith.select %gt3A_663, %broadcast_in_dim3A_39, %broadcast_in_dim3A_37 : vector<16xi1>, vector<16xi32>
      %select_n3A_676 = arith.select %gt3A_666, %broadcast_in_dim3A_39, %broadcast_in_dim3A_37 : vector<16xi1>, vector<16xi32>
      %select_n3A_677 = arith.select %gt3A_669, %broadcast_in_dim3A_39, %broadcast_in_dim3A_37 : vector<16xi1>, vector<16xi32>
      %broadcast_in_dim3A_678 = arith.constant true
      %broadcast_in_dim3A_679 = vector.broadcast %broadcast_in_dim3A_678 : i1 to vector<16xi1>
      %masked_cumsum3A = tpu.scan <sum>, %select_n3A_670 masked %broadcast_in_dim3A_679 : vector<16xi32>, vector<16xi1> -> vector<16xi32>
      %broadcast_in_dim3A_680 = arith.constant true
      %broadcast_in_dim3A_681 = vector.broadcast %broadcast_in_dim3A_680 : i1 to vector<16xi1>
      %masked_cumsum3A_682 = tpu.scan <sum>, %select_n3A_671 masked %broadcast_in_dim3A_681 : vector<16xi32>, vector<16xi1> -> vector<16xi32>
      %broadcast_in_dim3A_683 = arith.constant true
      %broadcast_in_dim3A_684 = vector.broadcast %broadcast_in_dim3A_683 : i1 to vector<16xi1>
      %masked_cumsum3A_685 = tpu.scan <sum>, %select_n3A_672 masked %broadcast_in_dim3A_684 : vector<16xi32>, vector<16xi1> -> vector<16xi32>
      %broadcast_in_dim3A_686 = arith.constant true
      %broadcast_in_dim3A_687 = vector.broadcast %broadcast_in_dim3A_686 : i1 to vector<16xi1>
      %masked_cumsum3A_688 = tpu.scan <sum>, %select_n3A_673 masked %broadcast_in_dim3A_687 : vector<16xi32>, vector<16xi1> -> vector<16xi32>
      %broadcast_in_dim3A_689 = arith.constant true
      %broadcast_in_dim3A_690 = vector.broadcast %broadcast_in_dim3A_689 : i1 to vector<16xi1>
      %masked_cumsum3A_691 = tpu.scan <sum>, %select_n3A_674 masked %broadcast_in_dim3A_690 : vector<16xi32>, vector<16xi1> -> vector<16xi32>
      %broadcast_in_dim3A_692 = arith.constant true
      %broadcast_in_dim3A_693 = vector.broadcast %broadcast_in_dim3A_692 : i1 to vector<16xi1>
      %masked_cumsum3A_694 = tpu.scan <sum>, %select_n3A_675 masked %broadcast_in_dim3A_693 : vector<16xi32>, vector<16xi1> -> vector<16xi32>
      %broadcast_in_dim3A_695 = arith.constant true
      %broadcast_in_dim3A_696 = vector.broadcast %broadcast_in_dim3A_695 : i1 to vector<16xi1>
      %masked_cumsum3A_697 = tpu.scan <sum>, %select_n3A_676 masked %broadcast_in_dim3A_696 : vector<16xi32>, vector<16xi1> -> vector<16xi32>
      %broadcast_in_dim3A_698 = arith.constant true
      %broadcast_in_dim3A_699 = vector.broadcast %broadcast_in_dim3A_698 : i1 to vector<16xi1>
      %masked_cumsum3A_700 = tpu.scan <sum>, %select_n3A_677 masked %broadcast_in_dim3A_699 : vector<16xi32>, vector<16xi1> -> vector<16xi32>
      %add3A_701 = arith.addi %scan3A_584, %masked_cumsum3A : vector<16xi32>
      %add3A_702 = arith.addi %scan3A_586, %masked_cumsum3A_682 : vector<16xi32>
      %add3A_703 = arith.addi %scan3A_588, %masked_cumsum3A_685 : vector<16xi32>
      %add3A_704 = arith.addi %scan3A_590, %masked_cumsum3A_688 : vector<16xi32>
      %add3A_705 = arith.addi %scan3A_592, %masked_cumsum3A_691 : vector<16xi32>
      %add3A_706 = arith.addi %scan3A_594, %masked_cumsum3A_694 : vector<16xi32>
      %add3A_707 = arith.addi %scan3A_596, %masked_cumsum3A_697 : vector<16xi32>
      %add3A_708 = arith.addi %scan3A_598, %masked_cumsum3A_700 : vector<16xi32>
      tpu.vector_store_idx %arg7[%add3A_701], %get3A_604 masked %gt3A_648 : memref<4096xf32, #tpu.memory_space<vmem>>[vector<16xi32>], vector<16xf32>, vector<16xi1>
      tpu.vector_store_idx %arg7[%add3A_702], %get3A_610 masked %gt3A_651 : memref<4096xf32, #tpu.memory_space<vmem>>[vector<16xi32>], vector<16xf32>, vector<16xi1>
      tpu.vector_store_idx %arg7[%add3A_703], %get3A_616 masked %gt3A_654 : memref<4096xf32, #tpu.memory_space<vmem>>[vector<16xi32>], vector<16xf32>, vector<16xi1>
      tpu.vector_store_idx %arg7[%add3A_704], %get3A_622 masked %gt3A_657 : memref<4096xf32, #tpu.memory_space<vmem>>[vector<16xi32>], vector<16xf32>, vector<16xi1>
      tpu.vector_store_idx %arg7[%add3A_705], %get3A_628 masked %gt3A_660 : memref<4096xf32, #tpu.memory_space<vmem>>[vector<16xi32>], vector<16xf32>, vector<16xi1>
      tpu.vector_store_idx %arg7[%add3A_706], %get3A_634 masked %gt3A_663 : memref<4096xf32, #tpu.memory_space<vmem>>[vector<16xi32>], vector<16xf32>, vector<16xi1>
      tpu.vector_store_idx %arg7[%add3A_707], %get3A_640 masked %gt3A_666 : memref<4096xf32, #tpu.memory_space<vmem>>[vector<16xi32>], vector<16xf32>, vector<16xi1>
      tpu.vector_store_idx %arg7[%add3A_708], %get3A_646 masked %gt3A_669 : memref<4096xf32, #tpu.memory_space<vmem>>[vector<16xi32>], vector<16xf32>, vector<16xi1>
      tpu.vector_store_idx %arg8[%add3A_701], %scan3A_585 masked %gt3A_648 : memref<4096xi32, #tpu.memory_space<vmem>>[vector<16xi32>], vector<16xi32>, vector<16xi1>
      tpu.vector_store_idx %arg8[%add3A_702], %scan3A_587 masked %gt3A_651 : memref<4096xi32, #tpu.memory_space<vmem>>[vector<16xi32>], vector<16xi32>, vector<16xi1>
      tpu.vector_store_idx %arg8[%add3A_703], %scan3A_589 masked %gt3A_654 : memref<4096xi32, #tpu.memory_space<vmem>>[vector<16xi32>], vector<16xi32>, vector<16xi1>
      tpu.vector_store_idx %arg8[%add3A_704], %scan3A_591 masked %gt3A_657 : memref<4096xi32, #tpu.memory_space<vmem>>[vector<16xi32>], vector<16xi32>, vector<16xi1>
      tpu.vector_store_idx %arg8[%add3A_705], %scan3A_593 masked %gt3A_660 : memref<4096xi32, #tpu.memory_space<vmem>>[vector<16xi32>], vector<16xi32>, vector<16xi1>
      tpu.vector_store_idx %arg8[%add3A_706], %scan3A_595 masked %gt3A_663 : memref<4096xi32, #tpu.memory_space<vmem>>[vector<16xi32>], vector<16xi32>, vector<16xi1>
      tpu.vector_store_idx %arg8[%add3A_707], %scan3A_597 masked %gt3A_666 : memref<4096xi32, #tpu.memory_space<vmem>>[vector<16xi32>], vector<16xi32>, vector<16xi1>
      tpu.vector_store_idx %arg8[%add3A_708], %scan3A_599 masked %gt3A_669 : memref<4096xi32, #tpu.memory_space<vmem>>[vector<16xi32>], vector<16xi32>, vector<16xi1>
      %all_reduce_population_count3A = tpu.all_reduce %gt3A_648 {dim = 0 : i64, kind = #tpu.reduction_kind<sum>} : vector<16xi1> -> vector<16xi32>
      %all_reduce_population_count3A_709 = tpu.all_reduce %gt3A_651 {dim = 0 : i64, kind = #tpu.reduction_kind<sum>} : vector<16xi1> -> vector<16xi32>
      %all_reduce_population_count3A_710 = tpu.all_reduce %gt3A_654 {dim = 0 : i64, kind = #tpu.reduction_kind<sum>} : vector<16xi1> -> vector<16xi32>
      %all_reduce_population_count3A_711 = tpu.all_reduce %gt3A_657 {dim = 0 : i64, kind = #tpu.reduction_kind<sum>} : vector<16xi1> -> vector<16xi32>
      %all_reduce_population_count3A_712 = tpu.all_reduce %gt3A_660 {dim = 0 : i64, kind = #tpu.reduction_kind<sum>} : vector<16xi1> -> vector<16xi32>
      %all_reduce_population_count3A_713 = tpu.all_reduce %gt3A_663 {dim = 0 : i64, kind = #tpu.reduction_kind<sum>} : vector<16xi1> -> vector<16xi32>
      %all_reduce_population_count3A_714 = tpu.all_reduce %gt3A_666 {dim = 0 : i64, kind = #tpu.reduction_kind<sum>} : vector<16xi1> -> vector<16xi32>
      %all_reduce_population_count3A_715 = tpu.all_reduce %gt3A_669 {dim = 0 : i64, kind = #tpu.reduction_kind<sum>} : vector<16xi1> -> vector<16xi32>
      %add3A_716 = arith.addi %scan3A_584, %all_reduce_population_count3A : vector<16xi32>
      %min3A = arith.minsi %add3A_716, %broadcast_in_dim3A_48 : vector<16xi32>
      %add3A_717 = arith.addi %scan3A_585, %broadcast_in_dim3A_46 : vector<16xi32>
      %add3A_718 = arith.addi %scan3A_586, %all_reduce_population_count3A_709 : vector<16xi32>
      %min3A_719 = arith.minsi %add3A_718, %broadcast_in_dim3A_50 : vector<16xi32>
      %add3A_720 = arith.addi %scan3A_587, %broadcast_in_dim3A_46 : vector<16xi32>
      %add3A_721 = arith.addi %scan3A_588, %all_reduce_population_count3A_710 : vector<16xi32>
      %min3A_722 = arith.minsi %add3A_721, %broadcast_in_dim3A_52 : vector<16xi32>
      %add3A_723 = arith.addi %scan3A_589, %broadcast_in_dim3A_46 : vector<16xi32>
      %add3A_724 = arith.addi %scan3A_590, %all_reduce_population_count3A_711 : vector<16xi32>
      %min3A_725 = arith.minsi %add3A_724, %broadcast_in_dim3A_54 : vector<16xi32>
      %add3A_726 = arith.addi %scan3A_591, %broadcast_in_dim3A_46 : vector<16xi32>
      %add3A_727 = arith.addi %scan3A_592, %all_reduce_population_count3A_712 : vector<16xi32>
      %min3A_728 = arith.minsi %add3A_727, %broadcast_in_dim3A_56 : vector<16xi32>
      %add3A_729 = arith.addi %scan3A_593, %broadcast_in_dim3A_46 : vector<16xi32>
      %add3A_730 = arith.addi %scan3A_594, %all_reduce_population_count3A_713 : vector<16xi32>
      %min3A_731 = arith.minsi %add3A_730, %broadcast_in_dim3A_58 : vector<16xi32>
      %add3A_732 = arith.addi %scan3A_595, %broadcast_in_dim3A_46 : vector<16xi32>
      %add3A_733 = arith.addi %scan3A_596, %all_reduce_population_count3A_714 : vector<16xi32>
      %min3A_734 = arith.minsi %add3A_733, %broadcast_in_dim3A_60 : vector<16xi32>
      %add3A_735 = arith.addi %scan3A_597, %broadcast_in_dim3A_46 : vector<16xi32>
      %add3A_736 = arith.addi %scan3A_598, %all_reduce_population_count3A_715 : vector<16xi32>
      %min3A_737 = arith.minsi %add3A_736, %broadcast_in_dim3A_62 : vector<16xi32>
      %add3A_738 = arith.addi %scan3A_599, %broadcast_in_dim3A_46 : vector<16xi32>
      %scan3A_739 = arith.constant 1 : i32
      %scan3A_740 = arith.addi %scan3A_583, %scan3A_739 : i32
      %add3A_741 = arith.constant 0 : i32
      %add3A_742 = arith.addi %add3A_741, %scan3A_740 : i32
      %mul3A_743 = arith.constant 16 : i32
      %mul3A_744 = arith.muli %add3A_742, %mul3A_743 : i32
      %get3A_745 = arith.index_cast %mul3A_744 : i32 to index
      %get3A_746 = tpu.vector_load %arg6[%get3A_745] {strides = array<i32>} : memref<16384xf32, #tpu.memory_space<vmem>>, vector<16xf32>,
      %add3A_747 = arith.constant 128 : i32
      %add3A_748 = arith.addi %add3A_747, %scan3A_740 : i32
      %mul3A_749 = arith.constant 16 : i32
      %mul3A_750 = arith.muli %add3A_748, %mul3A_749 : i32
      %get3A_751 = arith.index_cast %mul3A_750 : i32 to index
      %get3A_752 = tpu.vector_load %arg6[%get3A_751] {strides = array<i32>} : memref<16384xf32, #tpu.memory_space<vmem>>, vector<16xf32>,
      %add3A_753 = arith.constant 256 : i32
      %add3A_754 = arith.addi %add3A_753, %scan3A_740 : i32
      %mul3A_755 = arith.constant 16 : i32
      %mul3A_756 = arith.muli %add3A_754, %mul3A_755 : i32
      %get3A_757 = arith.index_cast %mul3A_756 : i32 to index
      %get3A_758 = tpu.vector_load %arg6[%get3A_757] {strides = array<i32>} : memref<16384xf32, #tpu.memory_space<vmem>>, vector<16xf32>,
      %add3A_759 = arith.constant 384 : i32
      %add3A_760 = arith.addi %add3A_759, %scan3A_740 : i32
      %mul3A_761 = arith.constant 16 : i32
      %mul3A_762 = arith.muli %add3A_760, %mul3A_761 : i32
      %get3A_763 = arith.index_cast %mul3A_762 : i32 to index
      %get3A_764 = tpu.vector_load %arg6[%get3A_763] {strides = array<i32>} : memref<16384xf32, #tpu.memory_space<vmem>>, vector<16xf32>,
      %add3A_765 = arith.constant 512 : i32
      %add3A_766 = arith.addi %add3A_765, %scan3A_740 : i32
      %mul3A_767 = arith.constant 16 : i32
      %mul3A_768 = arith.muli %add3A_766, %mul3A_767 : i32
      %get3A_769 = arith.index_cast %mul3A_768 : i32 to index
      %get3A_770 = tpu.vector_load %arg6[%get3A_769] {strides = array<i32>} : memref<16384xf32, #tpu.memory_space<vmem>>, vector<16xf32>,
      %add3A_771 = arith.constant 640 : i32
      %add3A_772 = arith.addi %add3A_771, %scan3A_740 : i32
      %mul3A_773 = arith.constant 16 : i32
      %mul3A_774 = arith.muli %add3A_772, %mul3A_773 : i32
      %get3A_775 = arith.index_cast %mul3A_774 : i32 to index
      %get3A_776 = tpu.vector_load %arg6[%get3A_775] {strides = array<i32>} : memref<16384xf32, #tpu.memory_space<vmem>>, vector<16xf32>,
      %add3A_777 = arith.constant 768 : i32
      %add3A_778 = arith.addi %add3A_777, %scan3A_740 : i32
      %mul3A_779 = arith.constant 16 : i32
      %mul3A_780 = arith.muli %add3A_778, %mul3A_779 : i32
      %get3A_781 = arith.index_cast %mul3A_780 : i32 to index
      %get3A_782 = tpu.vector_load %arg6[%get3A_781] {strides = array<i32>} : memref<16384xf32, #tpu.memory_space<vmem>>, vector<16xf32>,
      %add3A_783 = arith.constant 896 : i32
      %add3A_784 = arith.addi %add3A_783, %scan3A_740 : i32
      %mul3A_785 = arith.constant 16 : i32
      %mul3A_786 = arith.muli %add3A_784, %mul3A_785 : i32
      %get3A_787 = arith.index_cast %mul3A_786 : i32 to index
      %get3A_788 = tpu.vector_load %arg6[%get3A_787] {strides = array<i32>} : memref<16384xf32, #tpu.memory_space<vmem>>, vector<16xf32>,
      %gt3A_789 = arith.constant 0.000000e+00 : f32
      %gt3A_790 = vector.broadcast %gt3A_789 : f32 to vector<16xf32>
      %gt3A_791 = arith.cmpf ogt, %get3A_746, %gt3A_790 : vector<16xf32>
      %gt3A_792 = arith.constant 0.000000e+00 : f32
      %gt3A_793 = vector.broadcast %gt3A_792 : f32 to vector<16xf32>
      %gt3A_794 = arith.cmpf ogt, %get3A_752, %gt3A_793 : vector<16xf32>
      %gt3A_795 = arith.constant 0.000000e+00 : f32
      %gt3A_796 = vector.broadcast %gt3A_795 : f32 to vector<16xf32>
      %gt3A_797 = arith.cmpf ogt, %get3A_758, %gt3A_796 : vector<16xf32>
      %gt3A_798 = arith.constant 0.000000e+00 : f32
      %gt3A_799 = vector.broadcast %gt3A_798 : f32 to vector<16xf32>
      %gt3A_800 = arith.cmpf ogt, %get3A_764, %gt3A_799 : vector<16xf32>
      %gt3A_801 = arith.constant 0.000000e+00 : f32
      %gt3A_802 = vector.broadcast %gt3A_801 : f32 to vector<16xf32>
      %gt3A_803 = arith.cmpf ogt, %get3A_770, %gt3A_802 : vector<16xf32>
      %gt3A_804 = arith.constant 0.000000e+00 : f32
      %gt3A_805 = vector.broadcast %gt3A_804 : f32 to vector<16xf32>
      %gt3A_806 = arith.cmpf ogt, %get3A_776, %gt3A_805 : vector<16xf32>
      %gt3A_807 = arith.constant 0.000000e+00 : f32
      %gt3A_808 = vector.broadcast %gt3A_807 : f32 to vector<16xf32>
      %gt3A_809 = arith.cmpf ogt, %get3A_782, %gt3A_808 : vector<16xf32>
      %gt3A_810 = arith.constant 0.000000e+00 : f32
      %gt3A_811 = vector.broadcast %gt3A_810 : f32 to vector<16xf32>
      %gt3A_812 = arith.cmpf ogt, %get3A_788, %gt3A_811 : vector<16xf32>
      %select_n3A_813 = arith.select %gt3A_791, %broadcast_in_dim3A_39, %broadcast_in_dim3A_37 : vector<16xi1>, vector<16xi32>
      %select_n3A_814 = arith.select %gt3A_794, %broadcast_in_dim3A_39, %broadcast_in_dim3A_37 : vector<16xi1>, vector<16xi32>
      %select_n3A_815 = arith.select %gt3A_797, %broadcast_in_dim3A_39, %broadcast_in_dim3A_37 : vector<16xi1>, vector<16xi32>
      %select_n3A_816 = arith.select %gt3A_800, %broadcast_in_dim3A_39, %broadcast_in_dim3A_37 : vector<16xi1>, vector<16xi32>
      %select_n3A_817 = arith.select %gt3A_803, %broadcast_in_dim3A_39, %broadcast_in_dim3A_37 : vector<16xi1>, vector<16xi32>
      %select_n3A_818 = arith.select %gt3A_806, %broadcast_in_dim3A_39, %broadcast_in_dim3A_37 : vector<16xi1>, vector<16xi32>
      %select_n3A_819 = arith.select %gt3A_809, %broadcast_in_dim3A_39, %broadcast_in_dim3A_37 : vector<16xi1>, vector<16xi32>
      %select_n3A_820 = arith.select %gt3A_812, %broadcast_in_dim3A_39, %broadcast_in_dim3A_37 : vector<16xi1>, vector<16xi32>
      %broadcast_in_dim3A_821 = arith.constant true
      %broadcast_in_dim3A_822 = vector.broadcast %broadcast_in_dim3A_821 : i1 to vector<16xi1>
      %masked_cumsum3A_823 = tpu.scan <sum>, %select_n3A_813 masked %broadcast_in_dim3A_822 : vector<16xi32>, vector<16xi1> -> vector<16xi32>
      %broadcast_in_dim3A_824 = arith.constant true
      %broadcast_in_dim3A_825 = vector.broadcast %broadcast_in_dim3A_824 : i1 to vector<16xi1>
      %masked_cumsum3A_826 = tpu.scan <sum>, %select_n3A_814 masked %broadcast_in_dim3A_825 : vector<16xi32>, vector<16xi1> -> vector<16xi32>
      %broadcast_in_dim3A_827 = arith.constant true
      %broadcast_in_dim3A_828 = vector.broadcast %broadcast_in_dim3A_827 : i1 to vector<16xi1>
      %masked_cumsum3A_829 = tpu.scan <sum>, %select_n3A_815 masked %broadcast_in_dim3A_828 : vector<16xi32>, vector<16xi1> -> vector<16xi32>
      %broadcast_in_dim3A_830 = arith.constant true
      %broadcast_in_dim3A_831 = vector.broadcast %broadcast_in_dim3A_830 : i1 to vector<16xi1>
      %masked_cumsum3A_832 = tpu.scan <sum>, %select_n3A_816 masked %broadcast_in_dim3A_831 : vector<16xi32>, vector<16xi1> -> vector<16xi32>
      %broadcast_in_dim3A_833 = arith.constant true
      %broadcast_in_dim3A_834 = vector.broadcast %broadcast_in_dim3A_833 : i1 to vector<16xi1>
      %masked_cumsum3A_835 = tpu.scan <sum>, %select_n3A_817 masked %broadcast_in_dim3A_834 : vector<16xi32>, vector<16xi1> -> vector<16xi32>
      %broadcast_in_dim3A_836 = arith.constant true
      %broadcast_in_dim3A_837 = vector.broadcast %broadcast_in_dim3A_836 : i1 to vector<16xi1>
      %masked_cumsum3A_838 = tpu.scan <sum>, %select_n3A_818 masked %broadcast_in_dim3A_837 : vector<16xi32>, vector<16xi1> -> vector<16xi32>
      %broadcast_in_dim3A_839 = arith.constant true
      %broadcast_in_dim3A_840 = vector.broadcast %broadcast_in_dim3A_839 : i1 to vector<16xi1>
      %masked_cumsum3A_841 = tpu.scan <sum>, %select_n3A_819 masked %broadcast_in_dim3A_840 : vector<16xi32>, vector<16xi1> -> vector<16xi32>
      %broadcast_in_dim3A_842 = arith.constant true
      %broadcast_in_dim3A_843 = vector.broadcast %broadcast_in_dim3A_842 : i1 to vector<16xi1>
      %masked_cumsum3A_844 = tpu.scan <sum>, %select_n3A_820 masked %broadcast_in_dim3A_843 : vector<16xi32>, vector<16xi1> -> vector<16xi32>
      %add3A_845 = arith.addi %min3A, %masked_cumsum3A_823 : vector<16xi32>
      %add3A_846 = arith.addi %min3A_719, %masked_cumsum3A_826 : vector<16xi32>
      %add3A_847 = arith.addi %min3A_722, %masked_cumsum3A_829 : vector<16xi32>
      %add3A_848 = arith.addi %min3A_725, %masked_cumsum3A_832 : vector<16xi32>
      %add3A_849 = arith.addi %min3A_728, %masked_cumsum3A_835 : vector<16xi32>
      %add3A_850 = arith.addi %min3A_731, %masked_cumsum3A_838 : vector<16xi32>
      %add3A_851 = arith.addi %min3A_734, %masked_cumsum3A_841 : vector<16xi32>
      %add3A_852 = arith.addi %min3A_737, %masked_cumsum3A_844 : vector<16xi32>
      tpu.vector_store_idx %arg7[%add3A_845], %get3A_746 masked %gt3A_791 : memref<4096xf32, #tpu.memory_space<vmem>>[vector<16xi32>], vector<16xf32>, vector<16xi1>
      tpu.vector_store_idx %arg7[%add3A_846], %get3A_752 masked %gt3A_794 : memref<4096xf32, #tpu.memory_space<vmem>>[vector<16xi32>], vector<16xf32>, vector<16xi1>
      tpu.vector_store_idx %arg7[%add3A_847], %get3A_758 masked %gt3A_797 : memref<4096xf32, #tpu.memory_space<vmem>>[vector<16xi32>], vector<16xf32>, vector<16xi1>
      tpu.vector_store_idx %arg7[%add3A_848], %get3A_764 masked %gt3A_800 : memref<4096xf32, #tpu.memory_space<vmem>>[vector<16xi32>], vector<16xf32>, vector<16xi1>
      tpu.vector_store_idx %arg7[%add3A_849], %get3A_770 masked %gt3A_803 : memref<4096xf32, #tpu.memory_space<vmem>>[vector<16xi32>], vector<16xf32>, vector<16xi1>
      tpu.vector_store_idx %arg7[%add3A_850], %get3A_776 masked %gt3A_806 : memref<4096xf32, #tpu.memory_space<vmem>>[vector<16xi32>], vector<16xf32>, vector<16xi1>
      tpu.vector_store_idx %arg7[%add3A_851], %get3A_782 masked %gt3A_809 : memref<4096xf32, #tpu.memory_space<vmem>>[vector<16xi32>], vector<16xf32>, vector<16xi1>
      tpu.vector_store_idx %arg7[%add3A_852], %get3A_788 masked %gt3A_812 : memref<4096xf32, #tpu.memory_space<vmem>>[vector<16xi32>], vector<16xf32>, vector<16xi1>
      tpu.vector_store_idx %arg8[%add3A_845], %add3A_717 masked %gt3A_791 : memref<4096xi32, #tpu.memory_space<vmem>>[vector<16xi32>], vector<16xi32>, vector<16xi1>
      tpu.vector_store_idx %arg8[%add3A_846], %add3A_720 masked %gt3A_794 : memref<4096xi32, #tpu.memory_space<vmem>>[vector<16xi32>], vector<16xi32>, vector<16xi1>
      tpu.vector_store_idx %arg8[%add3A_847], %add3A_723 masked %gt3A_797 : memref<4096xi32, #tpu.memory_space<vmem>>[vector<16xi32>], vector<16xi32>, vector<16xi1>
      tpu.vector_store_idx %arg8[%add3A_848], %add3A_726 masked %gt3A_800 : memref<4096xi32, #tpu.memory_space<vmem>>[vector<16xi32>], vector<16xi32>, vector<16xi1>
      tpu.vector_store_idx %arg8[%add3A_849], %add3A_729 masked %gt3A_803 : memref<4096xi32, #tpu.memory_space<vmem>>[vector<16xi32>], vector<16xi32>, vector<16xi1>
      tpu.vector_store_idx %arg8[%add3A_850], %add3A_732 masked %gt3A_806 : memref<4096xi32, #tpu.memory_space<vmem>>[vector<16xi32>], vector<16xi32>, vector<16xi1>
      tpu.vector_store_idx %arg8[%add3A_851], %add3A_735 masked %gt3A_809 : memref<4096xi32, #tpu.memory_space<vmem>>[vector<16xi32>], vector<16xi32>, vector<16xi1>
      tpu.vector_store_idx %arg8[%add3A_852], %add3A_738 masked %gt3A_812 : memref<4096xi32, #tpu.memory_space<vmem>>[vector<16xi32>], vector<16xi32>, vector<16xi1>
      %all_reduce_population_count3A_853 = tpu.all_reduce %gt3A_791 {dim = 0 : i64, kind = #tpu.reduction_kind<sum>} : vector<16xi1> -> vector<16xi32>
      %all_reduce_population_count3A_854 = tpu.all_reduce %gt3A_794 {dim = 0 : i64, kind = #tpu.reduction_kind<sum>} : vector<16xi1> -> vector<16xi32>
      %all_reduce_population_count3A_855 = tpu.all_reduce %gt3A_797 {dim = 0 : i64, kind = #tpu.reduction_kind<sum>} : vector<16xi1> -> vector<16xi32>
      %all_reduce_population_count3A_856 = tpu.all_reduce %gt3A_800 {dim = 0 : i64, kind = #tpu.reduction_kind<sum>} : vector<16xi1> -> vector<16xi32>
      %all_reduce_population_count3A_857 = tpu.all_reduce %gt3A_803 {dim = 0 : i64, kind = #tpu.reduction_kind<sum>} : vector<16xi1> -> vector<16xi32>
      %all_reduce_population_count3A_858 = tpu.all_reduce %gt3A_806 {dim = 0 : i64, kind = #tpu.reduction_kind<sum>} : vector<16xi1> -> vector<16xi32>
      %all_reduce_population_count3A_859 = tpu.all_reduce %gt3A_809 {dim = 0 : i64, kind = #tpu.reduction_kind<sum>} : vector<16xi1> -> vector<16xi32>
      %all_reduce_population_count3A_860 = tpu.all_reduce %gt3A_812 {dim = 0 : i64, kind = #tpu.reduction_kind<sum>} : vector<16xi1> -> vector<16xi32>
      %add3A_861 = arith.addi %min3A, %all_reduce_population_count3A_853 : vector<16xi32>
      %min3A_862 = arith.minsi %add3A_861, %broadcast_in_dim3A_48 : vector<16xi32>
      %add3A_863 = arith.addi %add3A_717, %broadcast_in_dim3A_46 : vector<16xi32>
      %add3A_864 = arith.addi %min3A_719, %all_reduce_population_count3A_854 : vector<16xi32>
      %min3A_865 = arith.minsi %add3A_864, %broadcast_in_dim3A_50 : vector<16xi32>
      %add3A_866 = arith.addi %add3A_720, %broadcast_in_dim3A_46 : vector<16xi32>
      %add3A_867 = arith.addi %min3A_722, %all_reduce_population_count3A_855 : vector<16xi32>
      %min3A_868 = arith.minsi %add3A_867, %broadcast_in_dim3A_52 : vector<16xi32>
      %add3A_869 = arith.addi %add3A_723, %broadcast_in_dim3A_46 : vector<16xi32>
      %add3A_870 = arith.addi %min3A_725, %all_reduce_population_count3A_856 : vector<16xi32>
      %min3A_871 = arith.minsi %add3A_870, %broadcast_in_dim3A_54 : vector<16xi32>
      %add3A_872 = arith.addi %add3A_726, %broadcast_in_dim3A_46 : vector<16xi32>
      %add3A_873 = arith.addi %min3A_728, %all_reduce_population_count3A_857 : vector<16xi32>
      %min3A_874 = arith.minsi %add3A_873, %broadcast_in_dim3A_56 : vector<16xi32>
      %add3A_875 = arith.addi %add3A_729, %broadcast_in_dim3A_46 : vector<16xi32>
      %add3A_876 = arith.addi %min3A_731, %all_reduce_population_count3A_858 : vector<16xi32>
      %min3A_877 = arith.minsi %add3A_876, %broadcast_in_dim3A_58 : vector<16xi32>
      %add3A_878 = arith.addi %add3A_732, %broadcast_in_dim3A_46 : vector<16xi32>
      %add3A_879 = arith.addi %min3A_734, %all_reduce_population_count3A_859 : vector<16xi32>
      %min3A_880 = arith.minsi %add3A_879, %broadcast_in_dim3A_60 : vector<16xi32>
      %add3A_881 = arith.addi %add3A_735, %broadcast_in_dim3A_46 : vector<16xi32>
      %add3A_882 = arith.addi %min3A_737, %all_reduce_population_count3A_860 : vector<16xi32>
      %min3A_883 = arith.minsi %add3A_882, %broadcast_in_dim3A_62 : vector<16xi32>
      %add3A_884 = arith.addi %add3A_738, %broadcast_in_dim3A_46 : vector<16xi32>
      scf.yield %min3A_862, %add3A_863, %min3A_865, %add3A_866, %min3A_868, %add3A_869, %min3A_871, %add3A_872, %min3A_874, %add3A_875, %min3A_877, %add3A_878, %min3A_880, %add3A_881, %min3A_883, %add3A_884 : vector<16xi32>, vector<16xi32>, vector<16xi32>, vector<16xi32>, vector<16xi32>, vector<16xi32>, vector<16xi32>, vector<16xi32>, vector<16xi32>, vector<16xi32>, vector<16xi32>, vector<16xi32>, vector<16xi32>, vector<16xi32>, vector<16xi32>, vector<16xi32>
    }
    %scan3A_200 = arith.constant 128 : i32
    %add3A_201 = arith.constant 49152 : i32
    %add3A_202 = arith.addi %mul3A_32, %add3A_201 : i32
    %dma_start3A_203 = tpu.memref_slice %arg2[%add3A_202] : memref<4194304xf32, #tpu.memory_space<hbm>> -> memref<16384xf32, #tpu.memory_space<hbm>>
    %dma_start3A_204 = tpu.memref_slice %arg2[%add3A_202] : memref<4194304xf32, #tpu.memory_space<hbm>> -> memref<16384xf32, #tpu.memory_space<hbm>>
    tpu.enqueue_dma source(%dma_start3A_204 : memref<16384xf32, #tpu.memory_space<hbm>>) target(%arg6 : memref<16384xf32, #tpu.memory_space<vmem>>) target_semaphore(%arg12 : memref<!tpu.dma_semaphore, #tpu.memory_space<semaphore_mem>>)
    %dma_wait3A_205 = tpu.memref_slice %arg2[%add3A_142] : memref<4194304xf32, #tpu.memory_space<hbm>> -> memref<16384xf32, #tpu.memory_space<hbm>>
    %dma_wait3A_206 = tpu.memref_slice %arg2[%add3A_142] : memref<4194304xf32, #tpu.memory_space<hbm>> -> memref<16384xf32, #tpu.memory_space<hbm>>
    tpu.wait_dma2 semaphore(%arg11 : memref<!tpu.dma_semaphore, #tpu.memory_space<semaphore_mem>>) src(%dma_wait3A_206 : memref<16384xf32, #tpu.memory_space<hbm>>) dst(%arg5 : memref<16384xf32, #tpu.memory_space<vmem>>)
    %add3A_207 = arith.constant 32768 : i32
    %add3A_208 = arith.addi %mul3A_34, %add3A_207 : i32
    %add3A_209 = arith.constant 0 : i32
    %add3A_210 = arith.addi %add3A_208, %add3A_209 : i32
    %add3A_211 = vector.broadcast %add3A_210 : i32 to vector<16xi32>
    %add3A_212 = arith.addi %add3A_211, %iota3A : vector<16xi32>
    %add3A_213 = arith.constant 32768 : i32
    %add3A_214 = arith.addi %mul3A_34, %add3A_213 : i32
    %add3A_215 = arith.constant 2048 : i32
    %add3A_216 = arith.addi %add3A_214, %add3A_215 : i32
    %add3A_217 = vector.broadcast %add3A_216 : i32 to vector<16xi32>
    %add3A_218 = arith.addi %add3A_217, %iota3A : vector<16xi32>
    %add3A_219 = arith.constant 32768 : i32
    %add3A_220 = arith.addi %mul3A_34, %add3A_219 : i32
    %add3A_221 = arith.constant 4096 : i32
    %add3A_222 = arith.addi %add3A_220, %add3A_221 : i32
    %add3A_223 = vector.broadcast %add3A_222 : i32 to vector<16xi32>
    %add3A_224 = arith.addi %add3A_223, %iota3A : vector<16xi32>
    %add3A_225 = arith.constant 32768 : i32
    %add3A_226 = arith.addi %mul3A_34, %add3A_225 : i32
    %add3A_227 = arith.constant 6144 : i32
    %add3A_228 = arith.addi %add3A_226, %add3A_227 : i32
    %add3A_229 = vector.broadcast %add3A_228 : i32 to vector<16xi32>
    %add3A_230 = arith.addi %add3A_229, %iota3A : vector<16xi32>
    %add3A_231 = arith.constant 32768 : i32
    %add3A_232 = arith.addi %mul3A_34, %add3A_231 : i32
    %add3A_233 = arith.constant 8192 : i32
    %add3A_234 = arith.addi %add3A_232, %add3A_233 : i32
    %add3A_235 = vector.broadcast %add3A_234 : i32 to vector<16xi32>
    %add3A_236 = arith.addi %add3A_235, %iota3A : vector<16xi32>
    %add3A_237 = arith.constant 32768 : i32
    %add3A_238 = arith.addi %mul3A_34, %add3A_237 : i32
    %add3A_239 = arith.constant 10240 : i32
    %add3A_240 = arith.addi %add3A_238, %add3A_239 : i32
    %add3A_241 = vector.broadcast %add3A_240 : i32 to vector<16xi32>
    %add3A_242 = arith.addi %add3A_241, %iota3A : vector<16xi32>
    %add3A_243 = arith.constant 32768 : i32
    %add3A_244 = arith.addi %mul3A_34, %add3A_243 : i32
    %add3A_245 = arith.constant 12288 : i32
    %add3A_246 = arith.addi %add3A_244, %add3A_245 : i32
    %add3A_247 = vector.broadcast %add3A_246 : i32 to vector<16xi32>
    %add3A_248 = arith.addi %add3A_247, %iota3A : vector<16xi32>
    %add3A_249 = arith.constant 32768 : i32
    %add3A_250 = arith.addi %mul3A_34, %add3A_249 : i32
    %add3A_251 = arith.constant 14336 : i32
    %add3A_252 = arith.addi %add3A_250, %add3A_251 : i32
    %add3A_253 = vector.broadcast %add3A_252 : i32 to vector<16xi32>
    %add3A_254 = arith.addi %add3A_253, %iota3A : vector<16xi32>
    %scan3A_255 = arith.constant 0 : i32
    %scan3A_256 = arith.constant 128 : i32
    %scan3A_257 = arith.addi %scan3A_255, %scan3A_256 : i32
    %scan3A_258 = arith.constant 2 : i32
    %scan3A_259:16 = scf.for %scan3A_583 = %scan3A_255 to %scan3A_257 step %scan3A_258 iter_args(%scan3A_584 = %scan3A_199#0, %scan3A_585 = %add3A_212, %scan3A_586 = %scan3A_199#2, %scan3A_587 = %add3A_218, %scan3A_588 = %scan3A_199#4, %scan3A_589 = %add3A_224, %scan3A_590 = %scan3A_199#6, %scan3A_591 = %add3A_230, %scan3A_592 = %scan3A_199#8, %scan3A_593 = %add3A_236, %scan3A_594 = %scan3A_199#10, %scan3A_595 = %add3A_242, %scan3A_596 = %scan3A_199#12, %scan3A_597 = %add3A_248, %scan3A_598 = %scan3A_199#14, %scan3A_599 = %add3A_254) -> (vector<16xi32>, vector<16xi32>, vector<16xi32>, vector<16xi32>, vector<16xi32>, vector<16xi32>, vector<16xi32>, vector<16xi32>, vector<16xi32>, vector<16xi32>, vector<16xi32>, vector<16xi32>, vector<16xi32>, vector<16xi32>, vector<16xi32>, vector<16xi32>)  : i32 {
      %add3A_600 = arith.constant 0 : i32
      %add3A_601 = arith.addi %add3A_600, %scan3A_583 : i32
      %mul3A_602 = arith.constant 16 : i32
      %mul3A_603 = arith.muli %add3A_601, %mul3A_602 : i32
      %get3A = arith.index_cast %mul3A_603 : i32 to index
      %get3A_604 = tpu.vector_load %arg5[%get3A] {strides = array<i32>} : memref<16384xf32, #tpu.memory_space<vmem>>, vector<16xf32>,
      %add3A_605 = arith.constant 128 : i32
      %add3A_606 = arith.addi %add3A_605, %scan3A_583 : i32
      %mul3A_607 = arith.constant 16 : i32
      %mul3A_608 = arith.muli %add3A_606, %mul3A_607 : i32
      %get3A_609 = arith.index_cast %mul3A_608 : i32 to index
      %get3A_610 = tpu.vector_load %arg5[%get3A_609] {strides = array<i32>} : memref<16384xf32, #tpu.memory_space<vmem>>, vector<16xf32>,
      %add3A_611 = arith.constant 256 : i32
      %add3A_612 = arith.addi %add3A_611, %scan3A_583 : i32
      %mul3A_613 = arith.constant 16 : i32
      %mul3A_614 = arith.muli %add3A_612, %mul3A_613 : i32
      %get3A_615 = arith.index_cast %mul3A_614 : i32 to index
      %get3A_616 = tpu.vector_load %arg5[%get3A_615] {strides = array<i32>} : memref<16384xf32, #tpu.memory_space<vmem>>, vector<16xf32>,
      %add3A_617 = arith.constant 384 : i32
      %add3A_618 = arith.addi %add3A_617, %scan3A_583 : i32
      %mul3A_619 = arith.constant 16 : i32
      %mul3A_620 = arith.muli %add3A_618, %mul3A_619 : i32
      %get3A_621 = arith.index_cast %mul3A_620 : i32 to index
      %get3A_622 = tpu.vector_load %arg5[%get3A_621] {strides = array<i32>} : memref<16384xf32, #tpu.memory_space<vmem>>, vector<16xf32>,
      %add3A_623 = arith.constant 512 : i32
      %add3A_624 = arith.addi %add3A_623, %scan3A_583 : i32
      %mul3A_625 = arith.constant 16 : i32
      %mul3A_626 = arith.muli %add3A_624, %mul3A_625 : i32
      %get3A_627 = arith.index_cast %mul3A_626 : i32 to index
      %get3A_628 = tpu.vector_load %arg5[%get3A_627] {strides = array<i32>} : memref<16384xf32, #tpu.memory_space<vmem>>, vector<16xf32>,
      %add3A_629 = arith.constant 640 : i32
      %add3A_630 = arith.addi %add3A_629, %scan3A_583 : i32
      %mul3A_631 = arith.constant 16 : i32
      %mul3A_632 = arith.muli %add3A_630, %mul3A_631 : i32
      %get3A_633 = arith.index_cast %mul3A_632 : i32 to index
      %get3A_634 = tpu.vector_load %arg5[%get3A_633] {strides = array<i32>} : memref<16384xf32, #tpu.memory_space<vmem>>, vector<16xf32>,
      %add3A_635 = arith.constant 768 : i32
      %add3A_636 = arith.addi %add3A_635, %scan3A_583 : i32
      %mul3A_637 = arith.constant 16 : i32
      %mul3A_638 = arith.muli %add3A_636, %mul3A_637 : i32
      %get3A_639 = arith.index_cast %mul3A_638 : i32 to index
      %get3A_640 = tpu.vector_load %arg5[%get3A_639] {strides = array<i32>} : memref<16384xf32, #tpu.memory_space<vmem>>, vector<16xf32>,
      %add3A_641 = arith.constant 896 : i32
      %add3A_642 = arith.addi %add3A_641, %scan3A_583 : i32
      %mul3A_643 = arith.constant 16 : i32
      %mul3A_644 = arith.muli %add3A_642, %mul3A_643 : i32
      %get3A_645 = arith.index_cast %mul3A_644 : i32 to index
      %get3A_646 = tpu.vector_load %arg5[%get3A_645] {strides = array<i32>} : memref<16384xf32, #tpu.memory_space<vmem>>, vector<16xf32>,
      %gt3A = arith.constant 0.000000e+00 : f32
      %gt3A_647 = vector.broadcast %gt3A : f32 to vector<16xf32>
      %gt3A_648 = arith.cmpf ogt, %get3A_604, %gt3A_647 : vector<16xf32>
      %gt3A_649 = arith.constant 0.000000e+00 : f32
      %gt3A_650 = vector.broadcast %gt3A_649 : f32 to vector<16xf32>
      %gt3A_651 = arith.cmpf ogt, %get3A_610, %gt3A_650 : vector<16xf32>
      %gt3A_652 = arith.constant 0.000000e+00 : f32
      %gt3A_653 = vector.broadcast %gt3A_652 : f32 to vector<16xf32>
      %gt3A_654 = arith.cmpf ogt, %get3A_616, %gt3A_653 : vector<16xf32>
      %gt3A_655 = arith.constant 0.000000e+00 : f32
      %gt3A_656 = vector.broadcast %gt3A_655 : f32 to vector<16xf32>
      %gt3A_657 = arith.cmpf ogt, %get3A_622, %gt3A_656 : vector<16xf32>
      %gt3A_658 = arith.constant 0.000000e+00 : f32
      %gt3A_659 = vector.broadcast %gt3A_658 : f32 to vector<16xf32>
      %gt3A_660 = arith.cmpf ogt, %get3A_628, %gt3A_659 : vector<16xf32>
      %gt3A_661 = arith.constant 0.000000e+00 : f32
      %gt3A_662 = vector.broadcast %gt3A_661 : f32 to vector<16xf32>
      %gt3A_663 = arith.cmpf ogt, %get3A_634, %gt3A_662 : vector<16xf32>
      %gt3A_664 = arith.constant 0.000000e+00 : f32
      %gt3A_665 = vector.broadcast %gt3A_664 : f32 to vector<16xf32>
      %gt3A_666 = arith.cmpf ogt, %get3A_640, %gt3A_665 : vector<16xf32>
      %gt3A_667 = arith.constant 0.000000e+00 : f32
      %gt3A_668 = vector.broadcast %gt3A_667 : f32 to vector<16xf32>
      %gt3A_669 = arith.cmpf ogt, %get3A_646, %gt3A_668 : vector<16xf32>
      %select_n3A_670 = arith.select %gt3A_648, %broadcast_in_dim3A_39, %broadcast_in_dim3A_37 : vector<16xi1>, vector<16xi32>
      %select_n3A_671 = arith.select %gt3A_651, %broadcast_in_dim3A_39, %broadcast_in_dim3A_37 : vector<16xi1>, vector<16xi32>
      %select_n3A_672 = arith.select %gt3A_654, %broadcast_in_dim3A_39, %broadcast_in_dim3A_37 : vector<16xi1>, vector<16xi32>
      %select_n3A_673 = arith.select %gt3A_657, %broadcast_in_dim3A_39, %broadcast_in_dim3A_37 : vector<16xi1>, vector<16xi32>
      %select_n3A_674 = arith.select %gt3A_660, %broadcast_in_dim3A_39, %broadcast_in_dim3A_37 : vector<16xi1>, vector<16xi32>
      %select_n3A_675 = arith.select %gt3A_663, %broadcast_in_dim3A_39, %broadcast_in_dim3A_37 : vector<16xi1>, vector<16xi32>
      %select_n3A_676 = arith.select %gt3A_666, %broadcast_in_dim3A_39, %broadcast_in_dim3A_37 : vector<16xi1>, vector<16xi32>
      %select_n3A_677 = arith.select %gt3A_669, %broadcast_in_dim3A_39, %broadcast_in_dim3A_37 : vector<16xi1>, vector<16xi32>
      %broadcast_in_dim3A_678 = arith.constant true
      %broadcast_in_dim3A_679 = vector.broadcast %broadcast_in_dim3A_678 : i1 to vector<16xi1>
      %masked_cumsum3A = tpu.scan <sum>, %select_n3A_670 masked %broadcast_in_dim3A_679 : vector<16xi32>, vector<16xi1> -> vector<16xi32>
      %broadcast_in_dim3A_680 = arith.constant true
      %broadcast_in_dim3A_681 = vector.broadcast %broadcast_in_dim3A_680 : i1 to vector<16xi1>
      %masked_cumsum3A_682 = tpu.scan <sum>, %select_n3A_671 masked %broadcast_in_dim3A_681 : vector<16xi32>, vector<16xi1> -> vector<16xi32>
      %broadcast_in_dim3A_683 = arith.constant true
      %broadcast_in_dim3A_684 = vector.broadcast %broadcast_in_dim3A_683 : i1 to vector<16xi1>
      %masked_cumsum3A_685 = tpu.scan <sum>, %select_n3A_672 masked %broadcast_in_dim3A_684 : vector<16xi32>, vector<16xi1> -> vector<16xi32>
      %broadcast_in_dim3A_686 = arith.constant true
      %broadcast_in_dim3A_687 = vector.broadcast %broadcast_in_dim3A_686 : i1 to vector<16xi1>
      %masked_cumsum3A_688 = tpu.scan <sum>, %select_n3A_673 masked %broadcast_in_dim3A_687 : vector<16xi32>, vector<16xi1> -> vector<16xi32>
      %broadcast_in_dim3A_689 = arith.constant true
      %broadcast_in_dim3A_690 = vector.broadcast %broadcast_in_dim3A_689 : i1 to vector<16xi1>
      %masked_cumsum3A_691 = tpu.scan <sum>, %select_n3A_674 masked %broadcast_in_dim3A_690 : vector<16xi32>, vector<16xi1> -> vector<16xi32>
      %broadcast_in_dim3A_692 = arith.constant true
      %broadcast_in_dim3A_693 = vector.broadcast %broadcast_in_dim3A_692 : i1 to vector<16xi1>
      %masked_cumsum3A_694 = tpu.scan <sum>, %select_n3A_675 masked %broadcast_in_dim3A_693 : vector<16xi32>, vector<16xi1> -> vector<16xi32>
      %broadcast_in_dim3A_695 = arith.constant true
      %broadcast_in_dim3A_696 = vector.broadcast %broadcast_in_dim3A_695 : i1 to vector<16xi1>
      %masked_cumsum3A_697 = tpu.scan <sum>, %select_n3A_676 masked %broadcast_in_dim3A_696 : vector<16xi32>, vector<16xi1> -> vector<16xi32>
      %broadcast_in_dim3A_698 = arith.constant true
      %broadcast_in_dim3A_699 = vector.broadcast %broadcast_in_dim3A_698 : i1 to vector<16xi1>
      %masked_cumsum3A_700 = tpu.scan <sum>, %select_n3A_677 masked %broadcast_in_dim3A_699 : vector<16xi32>, vector<16xi1> -> vector<16xi32>
      %add3A_701 = arith.addi %scan3A_584, %masked_cumsum3A : vector<16xi32>
      %add3A_702 = arith.addi %scan3A_586, %masked_cumsum3A_682 : vector<16xi32>
      %add3A_703 = arith.addi %scan3A_588, %masked_cumsum3A_685 : vector<16xi32>
      %add3A_704 = arith.addi %scan3A_590, %masked_cumsum3A_688 : vector<16xi32>
      %add3A_705 = arith.addi %scan3A_592, %masked_cumsum3A_691 : vector<16xi32>
      %add3A_706 = arith.addi %scan3A_594, %masked_cumsum3A_694 : vector<16xi32>
      %add3A_707 = arith.addi %scan3A_596, %masked_cumsum3A_697 : vector<16xi32>
      %add3A_708 = arith.addi %scan3A_598, %masked_cumsum3A_700 : vector<16xi32>
      tpu.vector_store_idx %arg7[%add3A_701], %get3A_604 masked %gt3A_648 : memref<4096xf32, #tpu.memory_space<vmem>>[vector<16xi32>], vector<16xf32>, vector<16xi1>
      tpu.vector_store_idx %arg7[%add3A_702], %get3A_610 masked %gt3A_651 : memref<4096xf32, #tpu.memory_space<vmem>>[vector<16xi32>], vector<16xf32>, vector<16xi1>
      tpu.vector_store_idx %arg7[%add3A_703], %get3A_616 masked %gt3A_654 : memref<4096xf32, #tpu.memory_space<vmem>>[vector<16xi32>], vector<16xf32>, vector<16xi1>
      tpu.vector_store_idx %arg7[%add3A_704], %get3A_622 masked %gt3A_657 : memref<4096xf32, #tpu.memory_space<vmem>>[vector<16xi32>], vector<16xf32>, vector<16xi1>
      tpu.vector_store_idx %arg7[%add3A_705], %get3A_628 masked %gt3A_660 : memref<4096xf32, #tpu.memory_space<vmem>>[vector<16xi32>], vector<16xf32>, vector<16xi1>
      tpu.vector_store_idx %arg7[%add3A_706], %get3A_634 masked %gt3A_663 : memref<4096xf32, #tpu.memory_space<vmem>>[vector<16xi32>], vector<16xf32>, vector<16xi1>
      tpu.vector_store_idx %arg7[%add3A_707], %get3A_640 masked %gt3A_666 : memref<4096xf32, #tpu.memory_space<vmem>>[vector<16xi32>], vector<16xf32>, vector<16xi1>
      tpu.vector_store_idx %arg7[%add3A_708], %get3A_646 masked %gt3A_669 : memref<4096xf32, #tpu.memory_space<vmem>>[vector<16xi32>], vector<16xf32>, vector<16xi1>
      tpu.vector_store_idx %arg8[%add3A_701], %scan3A_585 masked %gt3A_648 : memref<4096xi32, #tpu.memory_space<vmem>>[vector<16xi32>], vector<16xi32>, vector<16xi1>
      tpu.vector_store_idx %arg8[%add3A_702], %scan3A_587 masked %gt3A_651 : memref<4096xi32, #tpu.memory_space<vmem>>[vector<16xi32>], vector<16xi32>, vector<16xi1>
      tpu.vector_store_idx %arg8[%add3A_703], %scan3A_589 masked %gt3A_654 : memref<4096xi32, #tpu.memory_space<vmem>>[vector<16xi32>], vector<16xi32>, vector<16xi1>
      tpu.vector_store_idx %arg8[%add3A_704], %scan3A_591 masked %gt3A_657 : memref<4096xi32, #tpu.memory_space<vmem>>[vector<16xi32>], vector<16xi32>, vector<16xi1>
      tpu.vector_store_idx %arg8[%add3A_705], %scan3A_593 masked %gt3A_660 : memref<4096xi32, #tpu.memory_space<vmem>>[vector<16xi32>], vector<16xi32>, vector<16xi1>
      tpu.vector_store_idx %arg8[%add3A_706], %scan3A_595 masked %gt3A_663 : memref<4096xi32, #tpu.memory_space<vmem>>[vector<16xi32>], vector<16xi32>, vector<16xi1>
      tpu.vector_store_idx %arg8[%add3A_707], %scan3A_597 masked %gt3A_666 : memref<4096xi32, #tpu.memory_space<vmem>>[vector<16xi32>], vector<16xi32>, vector<16xi1>
      tpu.vector_store_idx %arg8[%add3A_708], %scan3A_599 masked %gt3A_669 : memref<4096xi32, #tpu.memory_space<vmem>>[vector<16xi32>], vector<16xi32>, vector<16xi1>
      %all_reduce_population_count3A = tpu.all_reduce %gt3A_648 {dim = 0 : i64, kind = #tpu.reduction_kind<sum>} : vector<16xi1> -> vector<16xi32>
      %all_reduce_population_count3A_709 = tpu.all_reduce %gt3A_651 {dim = 0 : i64, kind = #tpu.reduction_kind<sum>} : vector<16xi1> -> vector<16xi32>
      %all_reduce_population_count3A_710 = tpu.all_reduce %gt3A_654 {dim = 0 : i64, kind = #tpu.reduction_kind<sum>} : vector<16xi1> -> vector<16xi32>
      %all_reduce_population_count3A_711 = tpu.all_reduce %gt3A_657 {dim = 0 : i64, kind = #tpu.reduction_kind<sum>} : vector<16xi1> -> vector<16xi32>
      %all_reduce_population_count3A_712 = tpu.all_reduce %gt3A_660 {dim = 0 : i64, kind = #tpu.reduction_kind<sum>} : vector<16xi1> -> vector<16xi32>
      %all_reduce_population_count3A_713 = tpu.all_reduce %gt3A_663 {dim = 0 : i64, kind = #tpu.reduction_kind<sum>} : vector<16xi1> -> vector<16xi32>
      %all_reduce_population_count3A_714 = tpu.all_reduce %gt3A_666 {dim = 0 : i64, kind = #tpu.reduction_kind<sum>} : vector<16xi1> -> vector<16xi32>
      %all_reduce_population_count3A_715 = tpu.all_reduce %gt3A_669 {dim = 0 : i64, kind = #tpu.reduction_kind<sum>} : vector<16xi1> -> vector<16xi32>
      %add3A_716 = arith.addi %scan3A_584, %all_reduce_population_count3A : vector<16xi32>
      %min3A = arith.minsi %add3A_716, %broadcast_in_dim3A_48 : vector<16xi32>
      %add3A_717 = arith.addi %scan3A_585, %broadcast_in_dim3A_46 : vector<16xi32>
      %add3A_718 = arith.addi %scan3A_586, %all_reduce_population_count3A_709 : vector<16xi32>
      %min3A_719 = arith.minsi %add3A_718, %broadcast_in_dim3A_50 : vector<16xi32>
      %add3A_720 = arith.addi %scan3A_587, %broadcast_in_dim3A_46 : vector<16xi32>
      %add3A_721 = arith.addi %scan3A_588, %all_reduce_population_count3A_710 : vector<16xi32>
      %min3A_722 = arith.minsi %add3A_721, %broadcast_in_dim3A_52 : vector<16xi32>
      %add3A_723 = arith.addi %scan3A_589, %broadcast_in_dim3A_46 : vector<16xi32>
      %add3A_724 = arith.addi %scan3A_590, %all_reduce_population_count3A_711 : vector<16xi32>
      %min3A_725 = arith.minsi %add3A_724, %broadcast_in_dim3A_54 : vector<16xi32>
      %add3A_726 = arith.addi %scan3A_591, %broadcast_in_dim3A_46 : vector<16xi32>
      %add3A_727 = arith.addi %scan3A_592, %all_reduce_population_count3A_712 : vector<16xi32>
      %min3A_728 = arith.minsi %add3A_727, %broadcast_in_dim3A_56 : vector<16xi32>
      %add3A_729 = arith.addi %scan3A_593, %broadcast_in_dim3A_46 : vector<16xi32>
      %add3A_730 = arith.addi %scan3A_594, %all_reduce_population_count3A_713 : vector<16xi32>
      %min3A_731 = arith.minsi %add3A_730, %broadcast_in_dim3A_58 : vector<16xi32>
      %add3A_732 = arith.addi %scan3A_595, %broadcast_in_dim3A_46 : vector<16xi32>
      %add3A_733 = arith.addi %scan3A_596, %all_reduce_population_count3A_714 : vector<16xi32>
      %min3A_734 = arith.minsi %add3A_733, %broadcast_in_dim3A_60 : vector<16xi32>
      %add3A_735 = arith.addi %scan3A_597, %broadcast_in_dim3A_46 : vector<16xi32>
      %add3A_736 = arith.addi %scan3A_598, %all_reduce_population_count3A_715 : vector<16xi32>
      %min3A_737 = arith.minsi %add3A_736, %broadcast_in_dim3A_62 : vector<16xi32>
      %add3A_738 = arith.addi %scan3A_599, %broadcast_in_dim3A_46 : vector<16xi32>
      %scan3A_739 = arith.constant 1 : i32
      %scan3A_740 = arith.addi %scan3A_583, %scan3A_739 : i32
      %add3A_741 = arith.constant 0 : i32
      %add3A_742 = arith.addi %add3A_741, %scan3A_740 : i32
      %mul3A_743 = arith.constant 16 : i32
      %mul3A_744 = arith.muli %add3A_742, %mul3A_743 : i32
      %get3A_745 = arith.index_cast %mul3A_744 : i32 to index
      %get3A_746 = tpu.vector_load %arg5[%get3A_745] {strides = array<i32>} : memref<16384xf32, #tpu.memory_space<vmem>>, vector<16xf32>,
      %add3A_747 = arith.constant 128 : i32
      %add3A_748 = arith.addi %add3A_747, %scan3A_740 : i32
      %mul3A_749 = arith.constant 16 : i32
      %mul3A_750 = arith.muli %add3A_748, %mul3A_749 : i32
      %get3A_751 = arith.index_cast %mul3A_750 : i32 to index
      %get3A_752 = tpu.vector_load %arg5[%get3A_751] {strides = array<i32>} : memref<16384xf32, #tpu.memory_space<vmem>>, vector<16xf32>,
      %add3A_753 = arith.constant 256 : i32
      %add3A_754 = arith.addi %add3A_753, %scan3A_740 : i32
      %mul3A_755 = arith.constant 16 : i32
      %mul3A_756 = arith.muli %add3A_754, %mul3A_755 : i32
      %get3A_757 = arith.index_cast %mul3A_756 : i32 to index
      %get3A_758 = tpu.vector_load %arg5[%get3A_757] {strides = array<i32>} : memref<16384xf32, #tpu.memory_space<vmem>>, vector<16xf32>,
      %add3A_759 = arith.constant 384 : i32
      %add3A_760 = arith.addi %add3A_759, %scan3A_740 : i32
      %mul3A_761 = arith.constant 16 : i32
      %mul3A_762 = arith.muli %add3A_760, %mul3A_761 : i32
      %get3A_763 = arith.index_cast %mul3A_762 : i32 to index
      %get3A_764 = tpu.vector_load %arg5[%get3A_763] {strides = array<i32>} : memref<16384xf32, #tpu.memory_space<vmem>>, vector<16xf32>,
      %add3A_765 = arith.constant 512 : i32
      %add3A_766 = arith.addi %add3A_765, %scan3A_740 : i32
      %mul3A_767 = arith.constant 16 : i32
      %mul3A_768 = arith.muli %add3A_766, %mul3A_767 : i32
      %get3A_769 = arith.index_cast %mul3A_768 : i32 to index
      %get3A_770 = tpu.vector_load %arg5[%get3A_769] {strides = array<i32>} : memref<16384xf32, #tpu.memory_space<vmem>>, vector<16xf32>,
      %add3A_771 = arith.constant 640 : i32
      %add3A_772 = arith.addi %add3A_771, %scan3A_740 : i32
      %mul3A_773 = arith.constant 16 : i32
      %mul3A_774 = arith.muli %add3A_772, %mul3A_773 : i32
      %get3A_775 = arith.index_cast %mul3A_774 : i32 to index
      %get3A_776 = tpu.vector_load %arg5[%get3A_775] {strides = array<i32>} : memref<16384xf32, #tpu.memory_space<vmem>>, vector<16xf32>,
      %add3A_777 = arith.constant 768 : i32
      %add3A_778 = arith.addi %add3A_777, %scan3A_740 : i32
      %mul3A_779 = arith.constant 16 : i32
      %mul3A_780 = arith.muli %add3A_778, %mul3A_779 : i32
      %get3A_781 = arith.index_cast %mul3A_780 : i32 to index
      %get3A_782 = tpu.vector_load %arg5[%get3A_781] {strides = array<i32>} : memref<16384xf32, #tpu.memory_space<vmem>>, vector<16xf32>,
      %add3A_783 = arith.constant 896 : i32
      %add3A_784 = arith.addi %add3A_783, %scan3A_740 : i32
      %mul3A_785 = arith.constant 16 : i32
      %mul3A_786 = arith.muli %add3A_784, %mul3A_785 : i32
      %get3A_787 = arith.index_cast %mul3A_786 : i32 to index
      %get3A_788 = tpu.vector_load %arg5[%get3A_787] {strides = array<i32>} : memref<16384xf32, #tpu.memory_space<vmem>>, vector<16xf32>,
      %gt3A_789 = arith.constant 0.000000e+00 : f32
      %gt3A_790 = vector.broadcast %gt3A_789 : f32 to vector<16xf32>
      %gt3A_791 = arith.cmpf ogt, %get3A_746, %gt3A_790 : vector<16xf32>
      %gt3A_792 = arith.constant 0.000000e+00 : f32
      %gt3A_793 = vector.broadcast %gt3A_792 : f32 to vector<16xf32>
      %gt3A_794 = arith.cmpf ogt, %get3A_752, %gt3A_793 : vector<16xf32>
      %gt3A_795 = arith.constant 0.000000e+00 : f32
      %gt3A_796 = vector.broadcast %gt3A_795 : f32 to vector<16xf32>
      %gt3A_797 = arith.cmpf ogt, %get3A_758, %gt3A_796 : vector<16xf32>
      %gt3A_798 = arith.constant 0.000000e+00 : f32
      %gt3A_799 = vector.broadcast %gt3A_798 : f32 to vector<16xf32>
      %gt3A_800 = arith.cmpf ogt, %get3A_764, %gt3A_799 : vector<16xf32>
      %gt3A_801 = arith.constant 0.000000e+00 : f32
      %gt3A_802 = vector.broadcast %gt3A_801 : f32 to vector<16xf32>
      %gt3A_803 = arith.cmpf ogt, %get3A_770, %gt3A_802 : vector<16xf32>
      %gt3A_804 = arith.constant 0.000000e+00 : f32
      %gt3A_805 = vector.broadcast %gt3A_804 : f32 to vector<16xf32>
      %gt3A_806 = arith.cmpf ogt, %get3A_776, %gt3A_805 : vector<16xf32>
      %gt3A_807 = arith.constant 0.000000e+00 : f32
      %gt3A_808 = vector.broadcast %gt3A_807 : f32 to vector<16xf32>
      %gt3A_809 = arith.cmpf ogt, %get3A_782, %gt3A_808 : vector<16xf32>
      %gt3A_810 = arith.constant 0.000000e+00 : f32
      %gt3A_811 = vector.broadcast %gt3A_810 : f32 to vector<16xf32>
      %gt3A_812 = arith.cmpf ogt, %get3A_788, %gt3A_811 : vector<16xf32>
      %select_n3A_813 = arith.select %gt3A_791, %broadcast_in_dim3A_39, %broadcast_in_dim3A_37 : vector<16xi1>, vector<16xi32>
      %select_n3A_814 = arith.select %gt3A_794, %broadcast_in_dim3A_39, %broadcast_in_dim3A_37 : vector<16xi1>, vector<16xi32>
      %select_n3A_815 = arith.select %gt3A_797, %broadcast_in_dim3A_39, %broadcast_in_dim3A_37 : vector<16xi1>, vector<16xi32>
      %select_n3A_816 = arith.select %gt3A_800, %broadcast_in_dim3A_39, %broadcast_in_dim3A_37 : vector<16xi1>, vector<16xi32>
      %select_n3A_817 = arith.select %gt3A_803, %broadcast_in_dim3A_39, %broadcast_in_dim3A_37 : vector<16xi1>, vector<16xi32>
      %select_n3A_818 = arith.select %gt3A_806, %broadcast_in_dim3A_39, %broadcast_in_dim3A_37 : vector<16xi1>, vector<16xi32>
      %select_n3A_819 = arith.select %gt3A_809, %broadcast_in_dim3A_39, %broadcast_in_dim3A_37 : vector<16xi1>, vector<16xi32>
      %select_n3A_820 = arith.select %gt3A_812, %broadcast_in_dim3A_39, %broadcast_in_dim3A_37 : vector<16xi1>, vector<16xi32>
      %broadcast_in_dim3A_821 = arith.constant true
      %broadcast_in_dim3A_822 = vector.broadcast %broadcast_in_dim3A_821 : i1 to vector<16xi1>
      %masked_cumsum3A_823 = tpu.scan <sum>, %select_n3A_813 masked %broadcast_in_dim3A_822 : vector<16xi32>, vector<16xi1> -> vector<16xi32>
      %broadcast_in_dim3A_824 = arith.constant true
      %broadcast_in_dim3A_825 = vector.broadcast %broadcast_in_dim3A_824 : i1 to vector<16xi1>
      %masked_cumsum3A_826 = tpu.scan <sum>, %select_n3A_814 masked %broadcast_in_dim3A_825 : vector<16xi32>, vector<16xi1> -> vector<16xi32>
      %broadcast_in_dim3A_827 = arith.constant true
      %broadcast_in_dim3A_828 = vector.broadcast %broadcast_in_dim3A_827 : i1 to vector<16xi1>
      %masked_cumsum3A_829 = tpu.scan <sum>, %select_n3A_815 masked %broadcast_in_dim3A_828 : vector<16xi32>, vector<16xi1> -> vector<16xi32>
      %broadcast_in_dim3A_830 = arith.constant true
      %broadcast_in_dim3A_831 = vector.broadcast %broadcast_in_dim3A_830 : i1 to vector<16xi1>
      %masked_cumsum3A_832 = tpu.scan <sum>, %select_n3A_816 masked %broadcast_in_dim3A_831 : vector<16xi32>, vector<16xi1> -> vector<16xi32>
      %broadcast_in_dim3A_833 = arith.constant true
      %broadcast_in_dim3A_834 = vector.broadcast %broadcast_in_dim3A_833 : i1 to vector<16xi1>
      %masked_cumsum3A_835 = tpu.scan <sum>, %select_n3A_817 masked %broadcast_in_dim3A_834 : vector<16xi32>, vector<16xi1> -> vector<16xi32>
      %broadcast_in_dim3A_836 = arith.constant true
      %broadcast_in_dim3A_837 = vector.broadcast %broadcast_in_dim3A_836 : i1 to vector<16xi1>
      %masked_cumsum3A_838 = tpu.scan <sum>, %select_n3A_818 masked %broadcast_in_dim3A_837 : vector<16xi32>, vector<16xi1> -> vector<16xi32>
      %broadcast_in_dim3A_839 = arith.constant true
      %broadcast_in_dim3A_840 = vector.broadcast %broadcast_in_dim3A_839 : i1 to vector<16xi1>
      %masked_cumsum3A_841 = tpu.scan <sum>, %select_n3A_819 masked %broadcast_in_dim3A_840 : vector<16xi32>, vector<16xi1> -> vector<16xi32>
      %broadcast_in_dim3A_842 = arith.constant true
      %broadcast_in_dim3A_843 = vector.broadcast %broadcast_in_dim3A_842 : i1 to vector<16xi1>
      %masked_cumsum3A_844 = tpu.scan <sum>, %select_n3A_820 masked %broadcast_in_dim3A_843 : vector<16xi32>, vector<16xi1> -> vector<16xi32>
      %add3A_845 = arith.addi %min3A, %masked_cumsum3A_823 : vector<16xi32>
      %add3A_846 = arith.addi %min3A_719, %masked_cumsum3A_826 : vector<16xi32>
      %add3A_847 = arith.addi %min3A_722, %masked_cumsum3A_829 : vector<16xi32>
      %add3A_848 = arith.addi %min3A_725, %masked_cumsum3A_832 : vector<16xi32>
      %add3A_849 = arith.addi %min3A_728, %masked_cumsum3A_835 : vector<16xi32>
      %add3A_850 = arith.addi %min3A_731, %masked_cumsum3A_838 : vector<16xi32>
      %add3A_851 = arith.addi %min3A_734, %masked_cumsum3A_841 : vector<16xi32>
      %add3A_852 = arith.addi %min3A_737, %masked_cumsum3A_844 : vector<16xi32>
      tpu.vector_store_idx %arg7[%add3A_845], %get3A_746 masked %gt3A_791 : memref<4096xf32, #tpu.memory_space<vmem>>[vector<16xi32>], vector<16xf32>, vector<16xi1>
      tpu.vector_store_idx %arg7[%add3A_846], %get3A_752 masked %gt3A_794 : memref<4096xf32, #tpu.memory_space<vmem>>[vector<16xi32>], vector<16xf32>, vector<16xi1>
      tpu.vector_store_idx %arg7[%add3A_847], %get3A_758 masked %gt3A_797 : memref<4096xf32, #tpu.memory_space<vmem>>[vector<16xi32>], vector<16xf32>, vector<16xi1>
      tpu.vector_store_idx %arg7[%add3A_848], %get3A_764 masked %gt3A_800 : memref<4096xf32, #tpu.memory_space<vmem>>[vector<16xi32>], vector<16xf32>, vector<16xi1>
      tpu.vector_store_idx %arg7[%add3A_849], %get3A_770 masked %gt3A_803 : memref<4096xf32, #tpu.memory_space<vmem>>[vector<16xi32>], vector<16xf32>, vector<16xi1>
      tpu.vector_store_idx %arg7[%add3A_850], %get3A_776 masked %gt3A_806 : memref<4096xf32, #tpu.memory_space<vmem>>[vector<16xi32>], vector<16xf32>, vector<16xi1>
      tpu.vector_store_idx %arg7[%add3A_851], %get3A_782 masked %gt3A_809 : memref<4096xf32, #tpu.memory_space<vmem>>[vector<16xi32>], vector<16xf32>, vector<16xi1>
      tpu.vector_store_idx %arg7[%add3A_852], %get3A_788 masked %gt3A_812 : memref<4096xf32, #tpu.memory_space<vmem>>[vector<16xi32>], vector<16xf32>, vector<16xi1>
      tpu.vector_store_idx %arg8[%add3A_845], %add3A_717 masked %gt3A_791 : memref<4096xi32, #tpu.memory_space<vmem>>[vector<16xi32>], vector<16xi32>, vector<16xi1>
      tpu.vector_store_idx %arg8[%add3A_846], %add3A_720 masked %gt3A_794 : memref<4096xi32, #tpu.memory_space<vmem>>[vector<16xi32>], vector<16xi32>, vector<16xi1>
      tpu.vector_store_idx %arg8[%add3A_847], %add3A_723 masked %gt3A_797 : memref<4096xi32, #tpu.memory_space<vmem>>[vector<16xi32>], vector<16xi32>, vector<16xi1>
      tpu.vector_store_idx %arg8[%add3A_848], %add3A_726 masked %gt3A_800 : memref<4096xi32, #tpu.memory_space<vmem>>[vector<16xi32>], vector<16xi32>, vector<16xi1>
      tpu.vector_store_idx %arg8[%add3A_849], %add3A_729 masked %gt3A_803 : memref<4096xi32, #tpu.memory_space<vmem>>[vector<16xi32>], vector<16xi32>, vector<16xi1>
      tpu.vector_store_idx %arg8[%add3A_850], %add3A_732 masked %gt3A_806 : memref<4096xi32, #tpu.memory_space<vmem>>[vector<16xi32>], vector<16xi32>, vector<16xi1>
      tpu.vector_store_idx %arg8[%add3A_851], %add3A_735 masked %gt3A_809 : memref<4096xi32, #tpu.memory_space<vmem>>[vector<16xi32>], vector<16xi32>, vector<16xi1>
      tpu.vector_store_idx %arg8[%add3A_852], %add3A_738 masked %gt3A_812 : memref<4096xi32, #tpu.memory_space<vmem>>[vector<16xi32>], vector<16xi32>, vector<16xi1>
      %all_reduce_population_count3A_853 = tpu.all_reduce %gt3A_791 {dim = 0 : i64, kind = #tpu.reduction_kind<sum>} : vector<16xi1> -> vector<16xi32>
      %all_reduce_population_count3A_854 = tpu.all_reduce %gt3A_794 {dim = 0 : i64, kind = #tpu.reduction_kind<sum>} : vector<16xi1> -> vector<16xi32>
      %all_reduce_population_count3A_855 = tpu.all_reduce %gt3A_797 {dim = 0 : i64, kind = #tpu.reduction_kind<sum>} : vector<16xi1> -> vector<16xi32>
      %all_reduce_population_count3A_856 = tpu.all_reduce %gt3A_800 {dim = 0 : i64, kind = #tpu.reduction_kind<sum>} : vector<16xi1> -> vector<16xi32>
      %all_reduce_population_count3A_857 = tpu.all_reduce %gt3A_803 {dim = 0 : i64, kind = #tpu.reduction_kind<sum>} : vector<16xi1> -> vector<16xi32>
      %all_reduce_population_count3A_858 = tpu.all_reduce %gt3A_806 {dim = 0 : i64, kind = #tpu.reduction_kind<sum>} : vector<16xi1> -> vector<16xi32>
      %all_reduce_population_count3A_859 = tpu.all_reduce %gt3A_809 {dim = 0 : i64, kind = #tpu.reduction_kind<sum>} : vector<16xi1> -> vector<16xi32>
      %all_reduce_population_count3A_860 = tpu.all_reduce %gt3A_812 {dim = 0 : i64, kind = #tpu.reduction_kind<sum>} : vector<16xi1> -> vector<16xi32>
      %add3A_861 = arith.addi %min3A, %all_reduce_population_count3A_853 : vector<16xi32>
      %min3A_862 = arith.minsi %add3A_861, %broadcast_in_dim3A_48 : vector<16xi32>
      %add3A_863 = arith.addi %add3A_717, %broadcast_in_dim3A_46 : vector<16xi32>
      %add3A_864 = arith.addi %min3A_719, %all_reduce_population_count3A_854 : vector<16xi32>
      %min3A_865 = arith.minsi %add3A_864, %broadcast_in_dim3A_50 : vector<16xi32>
      %add3A_866 = arith.addi %add3A_720, %broadcast_in_dim3A_46 : vector<16xi32>
      %add3A_867 = arith.addi %min3A_722, %all_reduce_population_count3A_855 : vector<16xi32>
      %min3A_868 = arith.minsi %add3A_867, %broadcast_in_dim3A_52 : vector<16xi32>
      %add3A_869 = arith.addi %add3A_723, %broadcast_in_dim3A_46 : vector<16xi32>
      %add3A_870 = arith.addi %min3A_725, %all_reduce_population_count3A_856 : vector<16xi32>
      %min3A_871 = arith.minsi %add3A_870, %broadcast_in_dim3A_54 : vector<16xi32>
      %add3A_872 = arith.addi %add3A_726, %broadcast_in_dim3A_46 : vector<16xi32>
      %add3A_873 = arith.addi %min3A_728, %all_reduce_population_count3A_857 : vector<16xi32>
      %min3A_874 = arith.minsi %add3A_873, %broadcast_in_dim3A_56 : vector<16xi32>
      %add3A_875 = arith.addi %add3A_729, %broadcast_in_dim3A_46 : vector<16xi32>
      %add3A_876 = arith.addi %min3A_731, %all_reduce_population_count3A_858 : vector<16xi32>
      %min3A_877 = arith.minsi %add3A_876, %broadcast_in_dim3A_58 : vector<16xi32>
      %add3A_878 = arith.addi %add3A_732, %broadcast_in_dim3A_46 : vector<16xi32>
      %add3A_879 = arith.addi %min3A_734, %all_reduce_population_count3A_859 : vector<16xi32>
      %min3A_880 = arith.minsi %add3A_879, %broadcast_in_dim3A_60 : vector<16xi32>
      %add3A_881 = arith.addi %add3A_735, %broadcast_in_dim3A_46 : vector<16xi32>
      %add3A_882 = arith.addi %min3A_737, %all_reduce_population_count3A_860 : vector<16xi32>
      %min3A_883 = arith.minsi %add3A_882, %broadcast_in_dim3A_62 : vector<16xi32>
      %add3A_884 = arith.addi %add3A_738, %broadcast_in_dim3A_46 : vector<16xi32>
      scf.yield %min3A_862, %add3A_863, %min3A_865, %add3A_866, %min3A_868, %add3A_869, %min3A_871, %add3A_872, %min3A_874, %add3A_875, %min3A_877, %add3A_878, %min3A_880, %add3A_881, %min3A_883, %add3A_884 : vector<16xi32>, vector<16xi32>, vector<16xi32>, vector<16xi32>, vector<16xi32>, vector<16xi32>, vector<16xi32>, vector<16xi32>, vector<16xi32>, vector<16xi32>, vector<16xi32>, vector<16xi32>, vector<16xi32>, vector<16xi32>, vector<16xi32>, vector<16xi32>
    }
    %scan3A_260 = arith.constant 128 : i32
    %add3A_261 = arith.constant 65536 : i32
    %add3A_262 = arith.addi %mul3A_32, %add3A_261 : i32
    %dma_start3A_263 = tpu.memref_slice %arg2[%add3A_262] : memref<4194304xf32, #tpu.memory_space<hbm>> -> memref<16384xf32, #tpu.memory_space<hbm>>
    %dma_start3A_264 = tpu.memref_slice %arg2[%add3A_262] : memref<4194304xf32, #tpu.memory_space<hbm>> -> memref<16384xf32, #tpu.memory_space<hbm>>
    tpu.enqueue_dma source(%dma_start3A_264 : memref<16384xf32, #tpu.memory_space<hbm>>) target(%arg5 : memref<16384xf32, #tpu.memory_space<vmem>>) target_semaphore(%arg11 : memref<!tpu.dma_semaphore, #tpu.memory_space<semaphore_mem>>)
    %dma_wait3A_265 = tpu.memref_slice %arg2[%add3A_202] : memref<4194304xf32, #tpu.memory_space<hbm>> -> memref<16384xf32, #tpu.memory_space<hbm>>
    %dma_wait3A_266 = tpu.memref_slice %arg2[%add3A_202] : memref<4194304xf32, #tpu.memory_space<hbm>> -> memref<16384xf32, #tpu.memory_space<hbm>>
    tpu.wait_dma2 semaphore(%arg12 : memref<!tpu.dma_semaphore, #tpu.memory_space<semaphore_mem>>) src(%dma_wait3A_266 : memref<16384xf32, #tpu.memory_space<hbm>>) dst(%arg6 : memref<16384xf32, #tpu.memory_space<vmem>>)
    %add3A_267 = arith.constant 49152 : i32
    %add3A_268 = arith.addi %mul3A_34, %add3A_267 : i32
    %add3A_269 = arith.constant 0 : i32
    %add3A_270 = arith.addi %add3A_268, %add3A_269 : i32
    %add3A_271 = vector.broadcast %add3A_270 : i32 to vector<16xi32>
    %add3A_272 = arith.addi %add3A_271, %iota3A : vector<16xi32>
    %add3A_273 = arith.constant 49152 : i32
    %add3A_274 = arith.addi %mul3A_34, %add3A_273 : i32
    %add3A_275 = arith.constant 2048 : i32
    %add3A_276 = arith.addi %add3A_274, %add3A_275 : i32
    %add3A_277 = vector.broadcast %add3A_276 : i32 to vector<16xi32>
    %add3A_278 = arith.addi %add3A_277, %iota3A : vector<16xi32>
    %add3A_279 = arith.constant 49152 : i32
    %add3A_280 = arith.addi %mul3A_34, %add3A_279 : i32
    %add3A_281 = arith.constant 4096 : i32
    %add3A_282 = arith.addi %add3A_280, %add3A_281 : i32
    %add3A_283 = vector.broadcast %add3A_282 : i32 to vector<16xi32>
    %add3A_284 = arith.addi %add3A_283, %iota3A : vector<16xi32>
    %add3A_285 = arith.constant 49152 : i32
    %add3A_286 = arith.addi %mul3A_34, %add3A_285 : i32
    %add3A_287 = arith.constant 6144 : i32
    %add3A_288 = arith.addi %add3A_286, %add3A_287 : i32
    %add3A_289 = vector.broadcast %add3A_288 : i32 to vector<16xi32>
    %add3A_290 = arith.addi %add3A_289, %iota3A : vector<16xi32>
    %add3A_291 = arith.constant 49152 : i32
    %add3A_292 = arith.addi %mul3A_34, %add3A_291 : i32
    %add3A_293 = arith.constant 8192 : i32
    %add3A_294 = arith.addi %add3A_292, %add3A_293 : i32
    %add3A_295 = vector.broadcast %add3A_294 : i32 to vector<16xi32>
    %add3A_296 = arith.addi %add3A_295, %iota3A : vector<16xi32>
    %add3A_297 = arith.constant 49152 : i32
    %add3A_298 = arith.addi %mul3A_34, %add3A_297 : i32
    %add3A_299 = arith.constant 10240 : i32
    %add3A_300 = arith.addi %add3A_298, %add3A_299 : i32
    %add3A_301 = vector.broadcast %add3A_300 : i32 to vector<16xi32>
    %add3A_302 = arith.addi %add3A_301, %iota3A : vector<16xi32>
    %add3A_303 = arith.constant 49152 : i32
    %add3A_304 = arith.addi %mul3A_34, %add3A_303 : i32
    %add3A_305 = arith.constant 12288 : i32
    %add3A_306 = arith.addi %add3A_304, %add3A_305 : i32
    %add3A_307 = vector.broadcast %add3A_306 : i32 to vector<16xi32>
    %add3A_308 = arith.addi %add3A_307, %iota3A : vector<16xi32>
    %add3A_309 = arith.constant 49152 : i32
    %add3A_310 = arith.addi %mul3A_34, %add3A_309 : i32
    %add3A_311 = arith.constant 14336 : i32
    %add3A_312 = arith.addi %add3A_310, %add3A_311 : i32
    %add3A_313 = vector.broadcast %add3A_312 : i32 to vector<16xi32>
    %add3A_314 = arith.addi %add3A_313, %iota3A : vector<16xi32>
    %scan3A_315 = arith.constant 0 : i32
    %scan3A_316 = arith.constant 128 : i32
    %scan3A_317 = arith.addi %scan3A_315, %scan3A_316 : i32
    %scan3A_318 = arith.constant 2 : i32
    %scan3A_319:16 = scf.for %scan3A_583 = %scan3A_315 to %scan3A_317 step %scan3A_318 iter_args(%scan3A_584 = %scan3A_259#0, %scan3A_585 = %add3A_272, %scan3A_586 = %scan3A_259#2, %scan3A_587 = %add3A_278, %scan3A_588 = %scan3A_259#4, %scan3A_589 = %add3A_284, %scan3A_590 = %scan3A_259#6, %scan3A_591 = %add3A_290, %scan3A_592 = %scan3A_259#8, %scan3A_593 = %add3A_296, %scan3A_594 = %scan3A_259#10, %scan3A_595 = %add3A_302, %scan3A_596 = %scan3A_259#12, %scan3A_597 = %add3A_308, %scan3A_598 = %scan3A_259#14, %scan3A_599 = %add3A_314) -> (vector<16xi32>, vector<16xi32>, vector<16xi32>, vector<16xi32>, vector<16xi32>, vector<16xi32>, vector<16xi32>, vector<16xi32>, vector<16xi32>, vector<16xi32>, vector<16xi32>, vector<16xi32>, vector<16xi32>, vector<16xi32>, vector<16xi32>, vector<16xi32>)  : i32 {
      %add3A_600 = arith.constant 0 : i32
      %add3A_601 = arith.addi %add3A_600, %scan3A_583 : i32
      %mul3A_602 = arith.constant 16 : i32
      %mul3A_603 = arith.muli %add3A_601, %mul3A_602 : i32
      %get3A = arith.index_cast %mul3A_603 : i32 to index
      %get3A_604 = tpu.vector_load %arg6[%get3A] {strides = array<i32>} : memref<16384xf32, #tpu.memory_space<vmem>>, vector<16xf32>,
      %add3A_605 = arith.constant 128 : i32
      %add3A_606 = arith.addi %add3A_605, %scan3A_583 : i32
      %mul3A_607 = arith.constant 16 : i32
      %mul3A_608 = arith.muli %add3A_606, %mul3A_607 : i32
      %get3A_609 = arith.index_cast %mul3A_608 : i32 to index
      %get3A_610 = tpu.vector_load %arg6[%get3A_609] {strides = array<i32>} : memref<16384xf32, #tpu.memory_space<vmem>>, vector<16xf32>,
      %add3A_611 = arith.constant 256 : i32
      %add3A_612 = arith.addi %add3A_611, %scan3A_583 : i32
      %mul3A_613 = arith.constant 16 : i32
      %mul3A_614 = arith.muli %add3A_612, %mul3A_613 : i32
      %get3A_615 = arith.index_cast %mul3A_614 : i32 to index
      %get3A_616 = tpu.vector_load %arg6[%get3A_615] {strides = array<i32>} : memref<16384xf32, #tpu.memory_space<vmem>>, vector<16xf32>,
      %add3A_617 = arith.constant 384 : i32
      %add3A_618 = arith.addi %add3A_617, %scan3A_583 : i32
      %mul3A_619 = arith.constant 16 : i32
      %mul3A_620 = arith.muli %add3A_618, %mul3A_619 : i32
      %get3A_621 = arith.index_cast %mul3A_620 : i32 to index
      %get3A_622 = tpu.vector_load %arg6[%get3A_621] {strides = array<i32>} : memref<16384xf32, #tpu.memory_space<vmem>>, vector<16xf32>,
      %add3A_623 = arith.constant 512 : i32
      %add3A_624 = arith.addi %add3A_623, %scan3A_583 : i32
      %mul3A_625 = arith.constant 16 : i32
      %mul3A_626 = arith.muli %add3A_624, %mul3A_625 : i32
      %get3A_627 = arith.index_cast %mul3A_626 : i32 to index
      %get3A_628 = tpu.vector_load %arg6[%get3A_627] {strides = array<i32>} : memref<16384xf32, #tpu.memory_space<vmem>>, vector<16xf32>,
      %add3A_629 = arith.constant 640 : i32
      %add3A_630 = arith.addi %add3A_629, %scan3A_583 : i32
      %mul3A_631 = arith.constant 16 : i32
      %mul3A_632 = arith.muli %add3A_630, %mul3A_631 : i32
      %get3A_633 = arith.index_cast %mul3A_632 : i32 to index
      %get3A_634 = tpu.vector_load %arg6[%get3A_633] {strides = array<i32>} : memref<16384xf32, #tpu.memory_space<vmem>>, vector<16xf32>,
      %add3A_635 = arith.constant 768 : i32
      %add3A_636 = arith.addi %add3A_635, %scan3A_583 : i32
      %mul3A_637 = arith.constant 16 : i32
      %mul3A_638 = arith.muli %add3A_636, %mul3A_637 : i32
      %get3A_639 = arith.index_cast %mul3A_638 : i32 to index
      %get3A_640 = tpu.vector_load %arg6[%get3A_639] {strides = array<i32>} : memref<16384xf32, #tpu.memory_space<vmem>>, vector<16xf32>,
      %add3A_641 = arith.constant 896 : i32
      %add3A_642 = arith.addi %add3A_641, %scan3A_583 : i32
      %mul3A_643 = arith.constant 16 : i32
      %mul3A_644 = arith.muli %add3A_642, %mul3A_643 : i32
      %get3A_645 = arith.index_cast %mul3A_644 : i32 to index
      %get3A_646 = tpu.vector_load %arg6[%get3A_645] {strides = array<i32>} : memref<16384xf32, #tpu.memory_space<vmem>>, vector<16xf32>,
      %gt3A = arith.constant 0.000000e+00 : f32
      %gt3A_647 = vector.broadcast %gt3A : f32 to vector<16xf32>
      %gt3A_648 = arith.cmpf ogt, %get3A_604, %gt3A_647 : vector<16xf32>
      %gt3A_649 = arith.constant 0.000000e+00 : f32
      %gt3A_650 = vector.broadcast %gt3A_649 : f32 to vector<16xf32>
      %gt3A_651 = arith.cmpf ogt, %get3A_610, %gt3A_650 : vector<16xf32>
      %gt3A_652 = arith.constant 0.000000e+00 : f32
      %gt3A_653 = vector.broadcast %gt3A_652 : f32 to vector<16xf32>
      %gt3A_654 = arith.cmpf ogt, %get3A_616, %gt3A_653 : vector<16xf32>
      %gt3A_655 = arith.constant 0.000000e+00 : f32
      %gt3A_656 = vector.broadcast %gt3A_655 : f32 to vector<16xf32>
      %gt3A_657 = arith.cmpf ogt, %get3A_622, %gt3A_656 : vector<16xf32>
      %gt3A_658 = arith.constant 0.000000e+00 : f32
      %gt3A_659 = vector.broadcast %gt3A_658 : f32 to vector<16xf32>
      %gt3A_660 = arith.cmpf ogt, %get3A_628, %gt3A_659 : vector<16xf32>
      %gt3A_661 = arith.constant 0.000000e+00 : f32
      %gt3A_662 = vector.broadcast %gt3A_661 : f32 to vector<16xf32>
      %gt3A_663 = arith.cmpf ogt, %get3A_634, %gt3A_662 : vector<16xf32>
      %gt3A_664 = arith.constant 0.000000e+00 : f32
      %gt3A_665 = vector.broadcast %gt3A_664 : f32 to vector<16xf32>
      %gt3A_666 = arith.cmpf ogt, %get3A_640, %gt3A_665 : vector<16xf32>
      %gt3A_667 = arith.constant 0.000000e+00 : f32
      %gt3A_668 = vector.broadcast %gt3A_667 : f32 to vector<16xf32>
      %gt3A_669 = arith.cmpf ogt, %get3A_646, %gt3A_668 : vector<16xf32>
      %select_n3A_670 = arith.select %gt3A_648, %broadcast_in_dim3A_39, %broadcast_in_dim3A_37 : vector<16xi1>, vector<16xi32>
      %select_n3A_671 = arith.select %gt3A_651, %broadcast_in_dim3A_39, %broadcast_in_dim3A_37 : vector<16xi1>, vector<16xi32>
      %select_n3A_672 = arith.select %gt3A_654, %broadcast_in_dim3A_39, %broadcast_in_dim3A_37 : vector<16xi1>, vector<16xi32>
      %select_n3A_673 = arith.select %gt3A_657, %broadcast_in_dim3A_39, %broadcast_in_dim3A_37 : vector<16xi1>, vector<16xi32>
      %select_n3A_674 = arith.select %gt3A_660, %broadcast_in_dim3A_39, %broadcast_in_dim3A_37 : vector<16xi1>, vector<16xi32>
      %select_n3A_675 = arith.select %gt3A_663, %broadcast_in_dim3A_39, %broadcast_in_dim3A_37 : vector<16xi1>, vector<16xi32>
      %select_n3A_676 = arith.select %gt3A_666, %broadcast_in_dim3A_39, %broadcast_in_dim3A_37 : vector<16xi1>, vector<16xi32>
      %select_n3A_677 = arith.select %gt3A_669, %broadcast_in_dim3A_39, %broadcast_in_dim3A_37 : vector<16xi1>, vector<16xi32>
      %broadcast_in_dim3A_678 = arith.constant true
      %broadcast_in_dim3A_679 = vector.broadcast %broadcast_in_dim3A_678 : i1 to vector<16xi1>
      %masked_cumsum3A = tpu.scan <sum>, %select_n3A_670 masked %broadcast_in_dim3A_679 : vector<16xi32>, vector<16xi1> -> vector<16xi32>
      %broadcast_in_dim3A_680 = arith.constant true
      %broadcast_in_dim3A_681 = vector.broadcast %broadcast_in_dim3A_680 : i1 to vector<16xi1>
      %masked_cumsum3A_682 = tpu.scan <sum>, %select_n3A_671 masked %broadcast_in_dim3A_681 : vector<16xi32>, vector<16xi1> -> vector<16xi32>
      %broadcast_in_dim3A_683 = arith.constant true
      %broadcast_in_dim3A_684 = vector.broadcast %broadcast_in_dim3A_683 : i1 to vector<16xi1>
      %masked_cumsum3A_685 = tpu.scan <sum>, %select_n3A_672 masked %broadcast_in_dim3A_684 : vector<16xi32>, vector<16xi1> -> vector<16xi32>
      %broadcast_in_dim3A_686 = arith.constant true
      %broadcast_in_dim3A_687 = vector.broadcast %broadcast_in_dim3A_686 : i1 to vector<16xi1>
      %masked_cumsum3A_688 = tpu.scan <sum>, %select_n3A_673 masked %broadcast_in_dim3A_687 : vector<16xi32>, vector<16xi1> -> vector<16xi32>
      %broadcast_in_dim3A_689 = arith.constant true
      %broadcast_in_dim3A_690 = vector.broadcast %broadcast_in_dim3A_689 : i1 to vector<16xi1>
      %masked_cumsum3A_691 = tpu.scan <sum>, %select_n3A_674 masked %broadcast_in_dim3A_690 : vector<16xi32>, vector<16xi1> -> vector<16xi32>
      %broadcast_in_dim3A_692 = arith.constant true
      %broadcast_in_dim3A_693 = vector.broadcast %broadcast_in_dim3A_692 : i1 to vector<16xi1>
      %masked_cumsum3A_694 = tpu.scan <sum>, %select_n3A_675 masked %broadcast_in_dim3A_693 : vector<16xi32>, vector<16xi1> -> vector<16xi32>
      %broadcast_in_dim3A_695 = arith.constant true
      %broadcast_in_dim3A_696 = vector.broadcast %broadcast_in_dim3A_695 : i1 to vector<16xi1>
      %masked_cumsum3A_697 = tpu.scan <sum>, %select_n3A_676 masked %broadcast_in_dim3A_696 : vector<16xi32>, vector<16xi1> -> vector<16xi32>
      %broadcast_in_dim3A_698 = arith.constant true
      %broadcast_in_dim3A_699 = vector.broadcast %broadcast_in_dim3A_698 : i1 to vector<16xi1>
      %masked_cumsum3A_700 = tpu.scan <sum>, %select_n3A_677 masked %broadcast_in_dim3A_699 : vector<16xi32>, vector<16xi1> -> vector<16xi32>
      %add3A_701 = arith.addi %scan3A_584, %masked_cumsum3A : vector<16xi32>
      %add3A_702 = arith.addi %scan3A_586, %masked_cumsum3A_682 : vector<16xi32>
      %add3A_703 = arith.addi %scan3A_588, %masked_cumsum3A_685 : vector<16xi32>
      %add3A_704 = arith.addi %scan3A_590, %masked_cumsum3A_688 : vector<16xi32>
      %add3A_705 = arith.addi %scan3A_592, %masked_cumsum3A_691 : vector<16xi32>
      %add3A_706 = arith.addi %scan3A_594, %masked_cumsum3A_694 : vector<16xi32>
      %add3A_707 = arith.addi %scan3A_596, %masked_cumsum3A_697 : vector<16xi32>
      %add3A_708 = arith.addi %scan3A_598, %masked_cumsum3A_700 : vector<16xi32>
      tpu.vector_store_idx %arg7[%add3A_701], %get3A_604 masked %gt3A_648 : memref<4096xf32, #tpu.memory_space<vmem>>[vector<16xi32>], vector<16xf32>, vector<16xi1>
      tpu.vector_store_idx %arg7[%add3A_702], %get3A_610 masked %gt3A_651 : memref<4096xf32, #tpu.memory_space<vmem>>[vector<16xi32>], vector<16xf32>, vector<16xi1>
      tpu.vector_store_idx %arg7[%add3A_703], %get3A_616 masked %gt3A_654 : memref<4096xf32, #tpu.memory_space<vmem>>[vector<16xi32>], vector<16xf32>, vector<16xi1>
      tpu.vector_store_idx %arg7[%add3A_704], %get3A_622 masked %gt3A_657 : memref<4096xf32, #tpu.memory_space<vmem>>[vector<16xi32>], vector<16xf32>, vector<16xi1>
      tpu.vector_store_idx %arg7[%add3A_705], %get3A_628 masked %gt3A_660 : memref<4096xf32, #tpu.memory_space<vmem>>[vector<16xi32>], vector<16xf32>, vector<16xi1>
      tpu.vector_store_idx %arg7[%add3A_706], %get3A_634 masked %gt3A_663 : memref<4096xf32, #tpu.memory_space<vmem>>[vector<16xi32>], vector<16xf32>, vector<16xi1>
      tpu.vector_store_idx %arg7[%add3A_707], %get3A_640 masked %gt3A_666 : memref<4096xf32, #tpu.memory_space<vmem>>[vector<16xi32>], vector<16xf32>, vector<16xi1>
      tpu.vector_store_idx %arg7[%add3A_708], %get3A_646 masked %gt3A_669 : memref<4096xf32, #tpu.memory_space<vmem>>[vector<16xi32>], vector<16xf32>, vector<16xi1>
      tpu.vector_store_idx %arg8[%add3A_701], %scan3A_585 masked %gt3A_648 : memref<4096xi32, #tpu.memory_space<vmem>>[vector<16xi32>], vector<16xi32>, vector<16xi1>
      tpu.vector_store_idx %arg8[%add3A_702], %scan3A_587 masked %gt3A_651 : memref<4096xi32, #tpu.memory_space<vmem>>[vector<16xi32>], vector<16xi32>, vector<16xi1>
      tpu.vector_store_idx %arg8[%add3A_703], %scan3A_589 masked %gt3A_654 : memref<4096xi32, #tpu.memory_space<vmem>>[vector<16xi32>], vector<16xi32>, vector<16xi1>
      tpu.vector_store_idx %arg8[%add3A_704], %scan3A_591 masked %gt3A_657 : memref<4096xi32, #tpu.memory_space<vmem>>[vector<16xi32>], vector<16xi32>, vector<16xi1>
      tpu.vector_store_idx %arg8[%add3A_705], %scan3A_593 masked %gt3A_660 : memref<4096xi32, #tpu.memory_space<vmem>>[vector<16xi32>], vector<16xi32>, vector<16xi1>
      tpu.vector_store_idx %arg8[%add3A_706], %scan3A_595 masked %gt3A_663 : memref<4096xi32, #tpu.memory_space<vmem>>[vector<16xi32>], vector<16xi32>, vector<16xi1>
      tpu.vector_store_idx %arg8[%add3A_707], %scan3A_597 masked %gt3A_666 : memref<4096xi32, #tpu.memory_space<vmem>>[vector<16xi32>], vector<16xi32>, vector<16xi1>
      tpu.vector_store_idx %arg8[%add3A_708], %scan3A_599 masked %gt3A_669 : memref<4096xi32, #tpu.memory_space<vmem>>[vector<16xi32>], vector<16xi32>, vector<16xi1>
      %all_reduce_population_count3A = tpu.all_reduce %gt3A_648 {dim = 0 : i64, kind = #tpu.reduction_kind<sum>} : vector<16xi1> -> vector<16xi32>
      %all_reduce_population_count3A_709 = tpu.all_reduce %gt3A_651 {dim = 0 : i64, kind = #tpu.reduction_kind<sum>} : vector<16xi1> -> vector<16xi32>
      %all_reduce_population_count3A_710 = tpu.all_reduce %gt3A_654 {dim = 0 : i64, kind = #tpu.reduction_kind<sum>} : vector<16xi1> -> vector<16xi32>
      %all_reduce_population_count3A_711 = tpu.all_reduce %gt3A_657 {dim = 0 : i64, kind = #tpu.reduction_kind<sum>} : vector<16xi1> -> vector<16xi32>
      %all_reduce_population_count3A_712 = tpu.all_reduce %gt3A_660 {dim = 0 : i64, kind = #tpu.reduction_kind<sum>} : vector<16xi1> -> vector<16xi32>
      %all_reduce_population_count3A_713 = tpu.all_reduce %gt3A_663 {dim = 0 : i64, kind = #tpu.reduction_kind<sum>} : vector<16xi1> -> vector<16xi32>
      %all_reduce_population_count3A_714 = tpu.all_reduce %gt3A_666 {dim = 0 : i64, kind = #tpu.reduction_kind<sum>} : vector<16xi1> -> vector<16xi32>
      %all_reduce_population_count3A_715 = tpu.all_reduce %gt3A_669 {dim = 0 : i64, kind = #tpu.reduction_kind<sum>} : vector<16xi1> -> vector<16xi32>
      %add3A_716 = arith.addi %scan3A_584, %all_reduce_population_count3A : vector<16xi32>
      %min3A = arith.minsi %add3A_716, %broadcast_in_dim3A_48 : vector<16xi32>
      %add3A_717 = arith.addi %scan3A_585, %broadcast_in_dim3A_46 : vector<16xi32>
      %add3A_718 = arith.addi %scan3A_586, %all_reduce_population_count3A_709 : vector<16xi32>
      %min3A_719 = arith.minsi %add3A_718, %broadcast_in_dim3A_50 : vector<16xi32>
      %add3A_720 = arith.addi %scan3A_587, %broadcast_in_dim3A_46 : vector<16xi32>
      %add3A_721 = arith.addi %scan3A_588, %all_reduce_population_count3A_710 : vector<16xi32>
      %min3A_722 = arith.minsi %add3A_721, %broadcast_in_dim3A_52 : vector<16xi32>
      %add3A_723 = arith.addi %scan3A_589, %broadcast_in_dim3A_46 : vector<16xi32>
      %add3A_724 = arith.addi %scan3A_590, %all_reduce_population_count3A_711 : vector<16xi32>
      %min3A_725 = arith.minsi %add3A_724, %broadcast_in_dim3A_54 : vector<16xi32>
      %add3A_726 = arith.addi %scan3A_591, %broadcast_in_dim3A_46 : vector<16xi32>
      %add3A_727 = arith.addi %scan3A_592, %all_reduce_population_count3A_712 : vector<16xi32>
      %min3A_728 = arith.minsi %add3A_727, %broadcast_in_dim3A_56 : vector<16xi32>
      %add3A_729 = arith.addi %scan3A_593, %broadcast_in_dim3A_46 : vector<16xi32>
      %add3A_730 = arith.addi %scan3A_594, %all_reduce_population_count3A_713 : vector<16xi32>
      %min3A_731 = arith.minsi %add3A_730, %broadcast_in_dim3A_58 : vector<16xi32>
      %add3A_732 = arith.addi %scan3A_595, %broadcast_in_dim3A_46 : vector<16xi32>
      %add3A_733 = arith.addi %scan3A_596, %all_reduce_population_count3A_714 : vector<16xi32>
      %min3A_734 = arith.minsi %add3A_733, %broadcast_in_dim3A_60 : vector<16xi32>
      %add3A_735 = arith.addi %scan3A_597, %broadcast_in_dim3A_46 : vector<16xi32>
      %add3A_736 = arith.addi %scan3A_598, %all_reduce_population_count3A_715 : vector<16xi32>
      %min3A_737 = arith.minsi %add3A_736, %broadcast_in_dim3A_62 : vector<16xi32>
      %add3A_738 = arith.addi %scan3A_599, %broadcast_in_dim3A_46 : vector<16xi32>
      %scan3A_739 = arith.constant 1 : i32
      %scan3A_740 = arith.addi %scan3A_583, %scan3A_739 : i32
      %add3A_741 = arith.constant 0 : i32
      %add3A_742 = arith.addi %add3A_741, %scan3A_740 : i32
      %mul3A_743 = arith.constant 16 : i32
      %mul3A_744 = arith.muli %add3A_742, %mul3A_743 : i32
      %get3A_745 = arith.index_cast %mul3A_744 : i32 to index
      %get3A_746 = tpu.vector_load %arg6[%get3A_745] {strides = array<i32>} : memref<16384xf32, #tpu.memory_space<vmem>>, vector<16xf32>,
      %add3A_747 = arith.constant 128 : i32
      %add3A_748 = arith.addi %add3A_747, %scan3A_740 : i32
      %mul3A_749 = arith.constant 16 : i32
      %mul3A_750 = arith.muli %add3A_748, %mul3A_749 : i32
      %get3A_751 = arith.index_cast %mul3A_750 : i32 to index
      %get3A_752 = tpu.vector_load %arg6[%get3A_751] {strides = array<i32>} : memref<16384xf32, #tpu.memory_space<vmem>>, vector<16xf32>,
      %add3A_753 = arith.constant 256 : i32
      %add3A_754 = arith.addi %add3A_753, %scan3A_740 : i32
      %mul3A_755 = arith.constant 16 : i32
      %mul3A_756 = arith.muli %add3A_754, %mul3A_755 : i32
      %get3A_757 = arith.index_cast %mul3A_756 : i32 to index
      %get3A_758 = tpu.vector_load %arg6[%get3A_757] {strides = array<i32>} : memref<16384xf32, #tpu.memory_space<vmem>>, vector<16xf32>,
      %add3A_759 = arith.constant 384 : i32
      %add3A_760 = arith.addi %add3A_759, %scan3A_740 : i32
      %mul3A_761 = arith.constant 16 : i32
      %mul3A_762 = arith.muli %add3A_760, %mul3A_761 : i32
      %get3A_763 = arith.index_cast %mul3A_762 : i32 to index
      %get3A_764 = tpu.vector_load %arg6[%get3A_763] {strides = array<i32>} : memref<16384xf32, #tpu.memory_space<vmem>>, vector<16xf32>,
      %add3A_765 = arith.constant 512 : i32
      %add3A_766 = arith.addi %add3A_765, %scan3A_740 : i32
      %mul3A_767 = arith.constant 16 : i32
      %mul3A_768 = arith.muli %add3A_766, %mul3A_767 : i32
      %get3A_769 = arith.index_cast %mul3A_768 : i32 to index
      %get3A_770 = tpu.vector_load %arg6[%get3A_769] {strides = array<i32>} : memref<16384xf32, #tpu.memory_space<vmem>>, vector<16xf32>,
      %add3A_771 = arith.constant 640 : i32
      %add3A_772 = arith.addi %add3A_771, %scan3A_740 : i32
      %mul3A_773 = arith.constant 16 : i32
      %mul3A_774 = arith.muli %add3A_772, %mul3A_773 : i32
      %get3A_775 = arith.index_cast %mul3A_774 : i32 to index
      %get3A_776 = tpu.vector_load %arg6[%get3A_775] {strides = array<i32>} : memref<16384xf32, #tpu.memory_space<vmem>>, vector<16xf32>,
      %add3A_777 = arith.constant 768 : i32
      %add3A_778 = arith.addi %add3A_777, %scan3A_740 : i32
      %mul3A_779 = arith.constant 16 : i32
      %mul3A_780 = arith.muli %add3A_778, %mul3A_779 : i32
      %get3A_781 = arith.index_cast %mul3A_780 : i32 to index
      %get3A_782 = tpu.vector_load %arg6[%get3A_781] {strides = array<i32>} : memref<16384xf32, #tpu.memory_space<vmem>>, vector<16xf32>,
      %add3A_783 = arith.constant 896 : i32
      %add3A_784 = arith.addi %add3A_783, %scan3A_740 : i32
      %mul3A_785 = arith.constant 16 : i32
      %mul3A_786 = arith.muli %add3A_784, %mul3A_785 : i32
      %get3A_787 = arith.index_cast %mul3A_786 : i32 to index
      %get3A_788 = tpu.vector_load %arg6[%get3A_787] {strides = array<i32>} : memref<16384xf32, #tpu.memory_space<vmem>>, vector<16xf32>,
      %gt3A_789 = arith.constant 0.000000e+00 : f32
      %gt3A_790 = vector.broadcast %gt3A_789 : f32 to vector<16xf32>
      %gt3A_791 = arith.cmpf ogt, %get3A_746, %gt3A_790 : vector<16xf32>
      %gt3A_792 = arith.constant 0.000000e+00 : f32
      %gt3A_793 = vector.broadcast %gt3A_792 : f32 to vector<16xf32>
      %gt3A_794 = arith.cmpf ogt, %get3A_752, %gt3A_793 : vector<16xf32>
      %gt3A_795 = arith.constant 0.000000e+00 : f32
      %gt3A_796 = vector.broadcast %gt3A_795 : f32 to vector<16xf32>
      %gt3A_797 = arith.cmpf ogt, %get3A_758, %gt3A_796 : vector<16xf32>
      %gt3A_798 = arith.constant 0.000000e+00 : f32
      %gt3A_799 = vector.broadcast %gt3A_798 : f32 to vector<16xf32>
      %gt3A_800 = arith.cmpf ogt, %get3A_764, %gt3A_799 : vector<16xf32>
      %gt3A_801 = arith.constant 0.000000e+00 : f32
      %gt3A_802 = vector.broadcast %gt3A_801 : f32 to vector<16xf32>
      %gt3A_803 = arith.cmpf ogt, %get3A_770, %gt3A_802 : vector<16xf32>
      %gt3A_804 = arith.constant 0.000000e+00 : f32
      %gt3A_805 = vector.broadcast %gt3A_804 : f32 to vector<16xf32>
      %gt3A_806 = arith.cmpf ogt, %get3A_776, %gt3A_805 : vector<16xf32>
      %gt3A_807 = arith.constant 0.000000e+00 : f32
      %gt3A_808 = vector.broadcast %gt3A_807 : f32 to vector<16xf32>
      %gt3A_809 = arith.cmpf ogt, %get3A_782, %gt3A_808 : vector<16xf32>
      %gt3A_810 = arith.constant 0.000000e+00 : f32
      %gt3A_811 = vector.broadcast %gt3A_810 : f32 to vector<16xf32>
      %gt3A_812 = arith.cmpf ogt, %get3A_788, %gt3A_811 : vector<16xf32>
      %select_n3A_813 = arith.select %gt3A_791, %broadcast_in_dim3A_39, %broadcast_in_dim3A_37 : vector<16xi1>, vector<16xi32>
      %select_n3A_814 = arith.select %gt3A_794, %broadcast_in_dim3A_39, %broadcast_in_dim3A_37 : vector<16xi1>, vector<16xi32>
      %select_n3A_815 = arith.select %gt3A_797, %broadcast_in_dim3A_39, %broadcast_in_dim3A_37 : vector<16xi1>, vector<16xi32>
      %select_n3A_816 = arith.select %gt3A_800, %broadcast_in_dim3A_39, %broadcast_in_dim3A_37 : vector<16xi1>, vector<16xi32>
      %select_n3A_817 = arith.select %gt3A_803, %broadcast_in_dim3A_39, %broadcast_in_dim3A_37 : vector<16xi1>, vector<16xi32>
      %select_n3A_818 = arith.select %gt3A_806, %broadcast_in_dim3A_39, %broadcast_in_dim3A_37 : vector<16xi1>, vector<16xi32>
      %select_n3A_819 = arith.select %gt3A_809, %broadcast_in_dim3A_39, %broadcast_in_dim3A_37 : vector<16xi1>, vector<16xi32>
      %select_n3A_820 = arith.select %gt3A_812, %broadcast_in_dim3A_39, %broadcast_in_dim3A_37 : vector<16xi1>, vector<16xi32>
      %broadcast_in_dim3A_821 = arith.constant true
      %broadcast_in_dim3A_822 = vector.broadcast %broadcast_in_dim3A_821 : i1 to vector<16xi1>
      %masked_cumsum3A_823 = tpu.scan <sum>, %select_n3A_813 masked %broadcast_in_dim3A_822 : vector<16xi32>, vector<16xi1> -> vector<16xi32>
      %broadcast_in_dim3A_824 = arith.constant true
      %broadcast_in_dim3A_825 = vector.broadcast %broadcast_in_dim3A_824 : i1 to vector<16xi1>
      %masked_cumsum3A_826 = tpu.scan <sum>, %select_n3A_814 masked %broadcast_in_dim3A_825 : vector<16xi32>, vector<16xi1> -> vector<16xi32>
      %broadcast_in_dim3A_827 = arith.constant true
      %broadcast_in_dim3A_828 = vector.broadcast %broadcast_in_dim3A_827 : i1 to vector<16xi1>
      %masked_cumsum3A_829 = tpu.scan <sum>, %select_n3A_815 masked %broadcast_in_dim3A_828 : vector<16xi32>, vector<16xi1> -> vector<16xi32>
      %broadcast_in_dim3A_830 = arith.constant true
      %broadcast_in_dim3A_831 = vector.broadcast %broadcast_in_dim3A_830 : i1 to vector<16xi1>
      %masked_cumsum3A_832 = tpu.scan <sum>, %select_n3A_816 masked %broadcast_in_dim3A_831 : vector<16xi32>, vector<16xi1> -> vector<16xi32>
      %broadcast_in_dim3A_833 = arith.constant true
      %broadcast_in_dim3A_834 = vector.broadcast %broadcast_in_dim3A_833 : i1 to vector<16xi1>
      %masked_cumsum3A_835 = tpu.scan <sum>, %select_n3A_817 masked %broadcast_in_dim3A_834 : vector<16xi32>, vector<16xi1> -> vector<16xi32>
      %broadcast_in_dim3A_836 = arith.constant true
      %broadcast_in_dim3A_837 = vector.broadcast %broadcast_in_dim3A_836 : i1 to vector<16xi1>
      %masked_cumsum3A_838 = tpu.scan <sum>, %select_n3A_818 masked %broadcast_in_dim3A_837 : vector<16xi32>, vector<16xi1> -> vector<16xi32>
      %broadcast_in_dim3A_839 = arith.constant true
      %broadcast_in_dim3A_840 = vector.broadcast %broadcast_in_dim3A_839 : i1 to vector<16xi1>
      %masked_cumsum3A_841 = tpu.scan <sum>, %select_n3A_819 masked %broadcast_in_dim3A_840 : vector<16xi32>, vector<16xi1> -> vector<16xi32>
      %broadcast_in_dim3A_842 = arith.constant true
      %broadcast_in_dim3A_843 = vector.broadcast %broadcast_in_dim3A_842 : i1 to vector<16xi1>
      %masked_cumsum3A_844 = tpu.scan <sum>, %select_n3A_820 masked %broadcast_in_dim3A_843 : vector<16xi32>, vector<16xi1> -> vector<16xi32>
      %add3A_845 = arith.addi %min3A, %masked_cumsum3A_823 : vector<16xi32>
      %add3A_846 = arith.addi %min3A_719, %masked_cumsum3A_826 : vector<16xi32>
      %add3A_847 = arith.addi %min3A_722, %masked_cumsum3A_829 : vector<16xi32>
      %add3A_848 = arith.addi %min3A_725, %masked_cumsum3A_832 : vector<16xi32>
      %add3A_849 = arith.addi %min3A_728, %masked_cumsum3A_835 : vector<16xi32>
      %add3A_850 = arith.addi %min3A_731, %masked_cumsum3A_838 : vector<16xi32>
      %add3A_851 = arith.addi %min3A_734, %masked_cumsum3A_841 : vector<16xi32>
      %add3A_852 = arith.addi %min3A_737, %masked_cumsum3A_844 : vector<16xi32>
      tpu.vector_store_idx %arg7[%add3A_845], %get3A_746 masked %gt3A_791 : memref<4096xf32, #tpu.memory_space<vmem>>[vector<16xi32>], vector<16xf32>, vector<16xi1>
      tpu.vector_store_idx %arg7[%add3A_846], %get3A_752 masked %gt3A_794 : memref<4096xf32, #tpu.memory_space<vmem>>[vector<16xi32>], vector<16xf32>, vector<16xi1>
      tpu.vector_store_idx %arg7[%add3A_847], %get3A_758 masked %gt3A_797 : memref<4096xf32, #tpu.memory_space<vmem>>[vector<16xi32>], vector<16xf32>, vector<16xi1>
      tpu.vector_store_idx %arg7[%add3A_848], %get3A_764 masked %gt3A_800 : memref<4096xf32, #tpu.memory_space<vmem>>[vector<16xi32>], vector<16xf32>, vector<16xi1>
      tpu.vector_store_idx %arg7[%add3A_849], %get3A_770 masked %gt3A_803 : memref<4096xf32, #tpu.memory_space<vmem>>[vector<16xi32>], vector<16xf32>, vector<16xi1>
      tpu.vector_store_idx %arg7[%add3A_850], %get3A_776 masked %gt3A_806 : memref<4096xf32, #tpu.memory_space<vmem>>[vector<16xi32>], vector<16xf32>, vector<16xi1>
      tpu.vector_store_idx %arg7[%add3A_851], %get3A_782 masked %gt3A_809 : memref<4096xf32, #tpu.memory_space<vmem>>[vector<16xi32>], vector<16xf32>, vector<16xi1>
      tpu.vector_store_idx %arg7[%add3A_852], %get3A_788 masked %gt3A_812 : memref<4096xf32, #tpu.memory_space<vmem>>[vector<16xi32>], vector<16xf32>, vector<16xi1>
      tpu.vector_store_idx %arg8[%add3A_845], %add3A_717 masked %gt3A_791 : memref<4096xi32, #tpu.memory_space<vmem>>[vector<16xi32>], vector<16xi32>, vector<16xi1>
      tpu.vector_store_idx %arg8[%add3A_846], %add3A_720 masked %gt3A_794 : memref<4096xi32, #tpu.memory_space<vmem>>[vector<16xi32>], vector<16xi32>, vector<16xi1>
      tpu.vector_store_idx %arg8[%add3A_847], %add3A_723 masked %gt3A_797 : memref<4096xi32, #tpu.memory_space<vmem>>[vector<16xi32>], vector<16xi32>, vector<16xi1>
      tpu.vector_store_idx %arg8[%add3A_848], %add3A_726 masked %gt3A_800 : memref<4096xi32, #tpu.memory_space<vmem>>[vector<16xi32>], vector<16xi32>, vector<16xi1>
      tpu.vector_store_idx %arg8[%add3A_849], %add3A_729 masked %gt3A_803 : memref<4096xi32, #tpu.memory_space<vmem>>[vector<16xi32>], vector<16xi32>, vector<16xi1>
      tpu.vector_store_idx %arg8[%add3A_850], %add3A_732 masked %gt3A_806 : memref<4096xi32, #tpu.memory_space<vmem>>[vector<16xi32>], vector<16xi32>, vector<16xi1>
      tpu.vector_store_idx %arg8[%add3A_851], %add3A_735 masked %gt3A_809 : memref<4096xi32, #tpu.memory_space<vmem>>[vector<16xi32>], vector<16xi32>, vector<16xi1>
      tpu.vector_store_idx %arg8[%add3A_852], %add3A_738 masked %gt3A_812 : memref<4096xi32, #tpu.memory_space<vmem>>[vector<16xi32>], vector<16xi32>, vector<16xi1>
      %all_reduce_population_count3A_853 = tpu.all_reduce %gt3A_791 {dim = 0 : i64, kind = #tpu.reduction_kind<sum>} : vector<16xi1> -> vector<16xi32>
      %all_reduce_population_count3A_854 = tpu.all_reduce %gt3A_794 {dim = 0 : i64, kind = #tpu.reduction_kind<sum>} : vector<16xi1> -> vector<16xi32>
      %all_reduce_population_count3A_855 = tpu.all_reduce %gt3A_797 {dim = 0 : i64, kind = #tpu.reduction_kind<sum>} : vector<16xi1> -> vector<16xi32>
      %all_reduce_population_count3A_856 = tpu.all_reduce %gt3A_800 {dim = 0 : i64, kind = #tpu.reduction_kind<sum>} : vector<16xi1> -> vector<16xi32>
      %all_reduce_population_count3A_857 = tpu.all_reduce %gt3A_803 {dim = 0 : i64, kind = #tpu.reduction_kind<sum>} : vector<16xi1> -> vector<16xi32>
      %all_reduce_population_count3A_858 = tpu.all_reduce %gt3A_806 {dim = 0 : i64, kind = #tpu.reduction_kind<sum>} : vector<16xi1> -> vector<16xi32>
      %all_reduce_population_count3A_859 = tpu.all_reduce %gt3A_809 {dim = 0 : i64, kind = #tpu.reduction_kind<sum>} : vector<16xi1> -> vector<16xi32>
      %all_reduce_population_count3A_860 = tpu.all_reduce %gt3A_812 {dim = 0 : i64, kind = #tpu.reduction_kind<sum>} : vector<16xi1> -> vector<16xi32>
      %add3A_861 = arith.addi %min3A, %all_reduce_population_count3A_853 : vector<16xi32>
      %min3A_862 = arith.minsi %add3A_861, %broadcast_in_dim3A_48 : vector<16xi32>
      %add3A_863 = arith.addi %add3A_717, %broadcast_in_dim3A_46 : vector<16xi32>
      %add3A_864 = arith.addi %min3A_719, %all_reduce_population_count3A_854 : vector<16xi32>
      %min3A_865 = arith.minsi %add3A_864, %broadcast_in_dim3A_50 : vector<16xi32>
      %add3A_866 = arith.addi %add3A_720, %broadcast_in_dim3A_46 : vector<16xi32>
      %add3A_867 = arith.addi %min3A_722, %all_reduce_population_count3A_855 : vector<16xi32>
      %min3A_868 = arith.minsi %add3A_867, %broadcast_in_dim3A_52 : vector<16xi32>
      %add3A_869 = arith.addi %add3A_723, %broadcast_in_dim3A_46 : vector<16xi32>
      %add3A_870 = arith.addi %min3A_725, %all_reduce_population_count3A_856 : vector<16xi32>
      %min3A_871 = arith.minsi %add3A_870, %broadcast_in_dim3A_54 : vector<16xi32>
      %add3A_872 = arith.addi %add3A_726, %broadcast_in_dim3A_46 : vector<16xi32>
      %add3A_873 = arith.addi %min3A_728, %all_reduce_population_count3A_857 : vector<16xi32>
      %min3A_874 = arith.minsi %add3A_873, %broadcast_in_dim3A_56 : vector<16xi32>
      %add3A_875 = arith.addi %add3A_729, %broadcast_in_dim3A_46 : vector<16xi32>
      %add3A_876 = arith.addi %min3A_731, %all_reduce_population_count3A_858 : vector<16xi32>
      %min3A_877 = arith.minsi %add3A_876, %broadcast_in_dim3A_58 : vector<16xi32>
      %add3A_878 = arith.addi %add3A_732, %broadcast_in_dim3A_46 : vector<16xi32>
      %add3A_879 = arith.addi %min3A_734, %all_reduce_population_count3A_859 : vector<16xi32>
      %min3A_880 = arith.minsi %add3A_879, %broadcast_in_dim3A_60 : vector<16xi32>
      %add3A_881 = arith.addi %add3A_735, %broadcast_in_dim3A_46 : vector<16xi32>
      %add3A_882 = arith.addi %min3A_737, %all_reduce_population_count3A_860 : vector<16xi32>
      %min3A_883 = arith.minsi %add3A_882, %broadcast_in_dim3A_62 : vector<16xi32>
      %add3A_884 = arith.addi %add3A_738, %broadcast_in_dim3A_46 : vector<16xi32>
      scf.yield %min3A_862, %add3A_863, %min3A_865, %add3A_866, %min3A_868, %add3A_869, %min3A_871, %add3A_872, %min3A_874, %add3A_875, %min3A_877, %add3A_878, %min3A_880, %add3A_881, %min3A_883, %add3A_884 : vector<16xi32>, vector<16xi32>, vector<16xi32>, vector<16xi32>, vector<16xi32>, vector<16xi32>, vector<16xi32>, vector<16xi32>, vector<16xi32>, vector<16xi32>, vector<16xi32>, vector<16xi32>, vector<16xi32>, vector<16xi32>, vector<16xi32>, vector<16xi32>
    }
    %scan3A_320 = arith.constant 128 : i32
    %add3A_321 = arith.constant 81920 : i32
    %add3A_322 = arith.addi %mul3A_32, %add3A_321 : i32
    %dma_start3A_323 = tpu.memref_slice %arg2[%add3A_322] : memref<4194304xf32, #tpu.memory_space<hbm>> -> memref<16384xf32, #tpu.memory_space<hbm>>
    %dma_start3A_324 = tpu.memref_slice %arg2[%add3A_322] : memref<4194304xf32, #tpu.memory_space<hbm>> -> memref<16384xf32, #tpu.memory_space<hbm>>
    tpu.enqueue_dma source(%dma_start3A_324 : memref<16384xf32, #tpu.memory_space<hbm>>) target(%arg6 : memref<16384xf32, #tpu.memory_space<vmem>>) target_semaphore(%arg12 : memref<!tpu.dma_semaphore, #tpu.memory_space<semaphore_mem>>)
    %dma_wait3A_325 = tpu.memref_slice %arg2[%add3A_262] : memref<4194304xf32, #tpu.memory_space<hbm>> -> memref<16384xf32, #tpu.memory_space<hbm>>
    %dma_wait3A_326 = tpu.memref_slice %arg2[%add3A_262] : memref<4194304xf32, #tpu.memory_space<hbm>> -> memref<16384xf32, #tpu.memory_space<hbm>>
    tpu.wait_dma2 semaphore(%arg11 : memref<!tpu.dma_semaphore, #tpu.memory_space<semaphore_mem>>) src(%dma_wait3A_326 : memref<16384xf32, #tpu.memory_space<hbm>>) dst(%arg5 : memref<16384xf32, #tpu.memory_space<vmem>>)
    %add3A_327 = arith.constant 65536 : i32
    %add3A_328 = arith.addi %mul3A_34, %add3A_327 : i32
    %add3A_329 = arith.constant 0 : i32
    %add3A_330 = arith.addi %add3A_328, %add3A_329 : i32
    %add3A_331 = vector.broadcast %add3A_330 : i32 to vector<16xi32>
    %add3A_332 = arith.addi %add3A_331, %iota3A : vector<16xi32>
    %add3A_333 = arith.constant 65536 : i32
    %add3A_334 = arith.addi %mul3A_34, %add3A_333 : i32
    %add3A_335 = arith.constant 2048 : i32
    %add3A_336 = arith.addi %add3A_334, %add3A_335 : i32
    %add3A_337 = vector.broadcast %add3A_336 : i32 to vector<16xi32>
    %add3A_338 = arith.addi %add3A_337, %iota3A : vector<16xi32>
    %add3A_339 = arith.constant 65536 : i32
    %add3A_340 = arith.addi %mul3A_34, %add3A_339 : i32
    %add3A_341 = arith.constant 4096 : i32
    %add3A_342 = arith.addi %add3A_340, %add3A_341 : i32
    %add3A_343 = vector.broadcast %add3A_342 : i32 to vector<16xi32>
    %add3A_344 = arith.addi %add3A_343, %iota3A : vector<16xi32>
    %add3A_345 = arith.constant 65536 : i32
    %add3A_346 = arith.addi %mul3A_34, %add3A_345 : i32
    %add3A_347 = arith.constant 6144 : i32
    %add3A_348 = arith.addi %add3A_346, %add3A_347 : i32
    %add3A_349 = vector.broadcast %add3A_348 : i32 to vector<16xi32>
    %add3A_350 = arith.addi %add3A_349, %iota3A : vector<16xi32>
    %add3A_351 = arith.constant 65536 : i32
    %add3A_352 = arith.addi %mul3A_34, %add3A_351 : i32
    %add3A_353 = arith.constant 8192 : i32
    %add3A_354 = arith.addi %add3A_352, %add3A_353 : i32
    %add3A_355 = vector.broadcast %add3A_354 : i32 to vector<16xi32>
    %add3A_356 = arith.addi %add3A_355, %iota3A : vector<16xi32>
    %add3A_357 = arith.constant 65536 : i32
    %add3A_358 = arith.addi %mul3A_34, %add3A_357 : i32
    %add3A_359 = arith.constant 10240 : i32
    %add3A_360 = arith.addi %add3A_358, %add3A_359 : i32
    %add3A_361 = vector.broadcast %add3A_360 : i32 to vector<16xi32>
    %add3A_362 = arith.addi %add3A_361, %iota3A : vector<16xi32>
    %add3A_363 = arith.constant 65536 : i32
    %add3A_364 = arith.addi %mul3A_34, %add3A_363 : i32
    %add3A_365 = arith.constant 12288 : i32
    %add3A_366 = arith.addi %add3A_364, %add3A_365 : i32
    %add3A_367 = vector.broadcast %add3A_366 : i32 to vector<16xi32>
    %add3A_368 = arith.addi %add3A_367, %iota3A : vector<16xi32>
    %add3A_369 = arith.constant 65536 : i32
    %add3A_370 = arith.addi %mul3A_34, %add3A_369 : i32
    %add3A_371 = arith.constant 14336 : i32
    %add3A_372 = arith.addi %add3A_370, %add3A_371 : i32
    %add3A_373 = vector.broadcast %add3A_372 : i32 to vector<16xi32>
    %add3A_374 = arith.addi %add3A_373, %iota3A : vector<16xi32>
    %scan3A_375 = arith.constant 0 : i32
    %scan3A_376 = arith.constant 128 : i32
    %scan3A_377 = arith.addi %scan3A_375, %scan3A_376 : i32
    %scan3A_378 = arith.constant 2 : i32
    %scan3A_379:16 = scf.for %scan3A_583 = %scan3A_375 to %scan3A_377 step %scan3A_378 iter_args(%scan3A_584 = %scan3A_319#0, %scan3A_585 = %add3A_332, %scan3A_586 = %scan3A_319#2, %scan3A_587 = %add3A_338, %scan3A_588 = %scan3A_319#4, %scan3A_589 = %add3A_344, %scan3A_590 = %scan3A_319#6, %scan3A_591 = %add3A_350, %scan3A_592 = %scan3A_319#8, %scan3A_593 = %add3A_356, %scan3A_594 = %scan3A_319#10, %scan3A_595 = %add3A_362, %scan3A_596 = %scan3A_319#12, %scan3A_597 = %add3A_368, %scan3A_598 = %scan3A_319#14, %scan3A_599 = %add3A_374) -> (vector<16xi32>, vector<16xi32>, vector<16xi32>, vector<16xi32>, vector<16xi32>, vector<16xi32>, vector<16xi32>, vector<16xi32>, vector<16xi32>, vector<16xi32>, vector<16xi32>, vector<16xi32>, vector<16xi32>, vector<16xi32>, vector<16xi32>, vector<16xi32>)  : i32 {
      %add3A_600 = arith.constant 0 : i32
      %add3A_601 = arith.addi %add3A_600, %scan3A_583 : i32
      %mul3A_602 = arith.constant 16 : i32
      %mul3A_603 = arith.muli %add3A_601, %mul3A_602 : i32
      %get3A = arith.index_cast %mul3A_603 : i32 to index
      %get3A_604 = tpu.vector_load %arg5[%get3A] {strides = array<i32>} : memref<16384xf32, #tpu.memory_space<vmem>>, vector<16xf32>,
      %add3A_605 = arith.constant 128 : i32
      %add3A_606 = arith.addi %add3A_605, %scan3A_583 : i32
      %mul3A_607 = arith.constant 16 : i32
      %mul3A_608 = arith.muli %add3A_606, %mul3A_607 : i32
      %get3A_609 = arith.index_cast %mul3A_608 : i32 to index
      %get3A_610 = tpu.vector_load %arg5[%get3A_609] {strides = array<i32>} : memref<16384xf32, #tpu.memory_space<vmem>>, vector<16xf32>,
      %add3A_611 = arith.constant 256 : i32
      %add3A_612 = arith.addi %add3A_611, %scan3A_583 : i32
      %mul3A_613 = arith.constant 16 : i32
      %mul3A_614 = arith.muli %add3A_612, %mul3A_613 : i32
      %get3A_615 = arith.index_cast %mul3A_614 : i32 to index
      %get3A_616 = tpu.vector_load %arg5[%get3A_615] {strides = array<i32>} : memref<16384xf32, #tpu.memory_space<vmem>>, vector<16xf32>,
      %add3A_617 = arith.constant 384 : i32
      %add3A_618 = arith.addi %add3A_617, %scan3A_583 : i32
      %mul3A_619 = arith.constant 16 : i32
      %mul3A_620 = arith.muli %add3A_618, %mul3A_619 : i32
      %get3A_621 = arith.index_cast %mul3A_620 : i32 to index
      %get3A_622 = tpu.vector_load %arg5[%get3A_621] {strides = array<i32>} : memref<16384xf32, #tpu.memory_space<vmem>>, vector<16xf32>,
      %add3A_623 = arith.constant 512 : i32
      %add3A_624 = arith.addi %add3A_623, %scan3A_583 : i32
      %mul3A_625 = arith.constant 16 : i32
      %mul3A_626 = arith.muli %add3A_624, %mul3A_625 : i32
      %get3A_627 = arith.index_cast %mul3A_626 : i32 to index
      %get3A_628 = tpu.vector_load %arg5[%get3A_627] {strides = array<i32>} : memref<16384xf32, #tpu.memory_space<vmem>>, vector<16xf32>,
      %add3A_629 = arith.constant 640 : i32
      %add3A_630 = arith.addi %add3A_629, %scan3A_583 : i32
      %mul3A_631 = arith.constant 16 : i32
      %mul3A_632 = arith.muli %add3A_630, %mul3A_631 : i32
      %get3A_633 = arith.index_cast %mul3A_632 : i32 to index
      %get3A_634 = tpu.vector_load %arg5[%get3A_633] {strides = array<i32>} : memref<16384xf32, #tpu.memory_space<vmem>>, vector<16xf32>,
      %add3A_635 = arith.constant 768 : i32
      %add3A_636 = arith.addi %add3A_635, %scan3A_583 : i32
      %mul3A_637 = arith.constant 16 : i32
      %mul3A_638 = arith.muli %add3A_636, %mul3A_637 : i32
      %get3A_639 = arith.index_cast %mul3A_638 : i32 to index
      %get3A_640 = tpu.vector_load %arg5[%get3A_639] {strides = array<i32>} : memref<16384xf32, #tpu.memory_space<vmem>>, vector<16xf32>,
      %add3A_641 = arith.constant 896 : i32
      %add3A_642 = arith.addi %add3A_641, %scan3A_583 : i32
      %mul3A_643 = arith.constant 16 : i32
      %mul3A_644 = arith.muli %add3A_642, %mul3A_643 : i32
      %get3A_645 = arith.index_cast %mul3A_644 : i32 to index
      %get3A_646 = tpu.vector_load %arg5[%get3A_645] {strides = array<i32>} : memref<16384xf32, #tpu.memory_space<vmem>>, vector<16xf32>,
      %gt3A = arith.constant 0.000000e+00 : f32
      %gt3A_647 = vector.broadcast %gt3A : f32 to vector<16xf32>
      %gt3A_648 = arith.cmpf ogt, %get3A_604, %gt3A_647 : vector<16xf32>
      %gt3A_649 = arith.constant 0.000000e+00 : f32
      %gt3A_650 = vector.broadcast %gt3A_649 : f32 to vector<16xf32>
      %gt3A_651 = arith.cmpf ogt, %get3A_610, %gt3A_650 : vector<16xf32>
      %gt3A_652 = arith.constant 0.000000e+00 : f32
      %gt3A_653 = vector.broadcast %gt3A_652 : f32 to vector<16xf32>
      %gt3A_654 = arith.cmpf ogt, %get3A_616, %gt3A_653 : vector<16xf32>
      %gt3A_655 = arith.constant 0.000000e+00 : f32
      %gt3A_656 = vector.broadcast %gt3A_655 : f32 to vector<16xf32>
      %gt3A_657 = arith.cmpf ogt, %get3A_622, %gt3A_656 : vector<16xf32>
      %gt3A_658 = arith.constant 0.000000e+00 : f32
      %gt3A_659 = vector.broadcast %gt3A_658 : f32 to vector<16xf32>
      %gt3A_660 = arith.cmpf ogt, %get3A_628, %gt3A_659 : vector<16xf32>
      %gt3A_661 = arith.constant 0.000000e+00 : f32
      %gt3A_662 = vector.broadcast %gt3A_661 : f32 to vector<16xf32>
      %gt3A_663 = arith.cmpf ogt, %get3A_634, %gt3A_662 : vector<16xf32>
      %gt3A_664 = arith.constant 0.000000e+00 : f32
      %gt3A_665 = vector.broadcast %gt3A_664 : f32 to vector<16xf32>
      %gt3A_666 = arith.cmpf ogt, %get3A_640, %gt3A_665 : vector<16xf32>
      %gt3A_667 = arith.constant 0.000000e+00 : f32
      %gt3A_668 = vector.broadcast %gt3A_667 : f32 to vector<16xf32>
      %gt3A_669 = arith.cmpf ogt, %get3A_646, %gt3A_668 : vector<16xf32>
      %select_n3A_670 = arith.select %gt3A_648, %broadcast_in_dim3A_39, %broadcast_in_dim3A_37 : vector<16xi1>, vector<16xi32>
      %select_n3A_671 = arith.select %gt3A_651, %broadcast_in_dim3A_39, %broadcast_in_dim3A_37 : vector<16xi1>, vector<16xi32>
      %select_n3A_672 = arith.select %gt3A_654, %broadcast_in_dim3A_39, %broadcast_in_dim3A_37 : vector<16xi1>, vector<16xi32>
      %select_n3A_673 = arith.select %gt3A_657, %broadcast_in_dim3A_39, %broadcast_in_dim3A_37 : vector<16xi1>, vector<16xi32>
      %select_n3A_674 = arith.select %gt3A_660, %broadcast_in_dim3A_39, %broadcast_in_dim3A_37 : vector<16xi1>, vector<16xi32>
      %select_n3A_675 = arith.select %gt3A_663, %broadcast_in_dim3A_39, %broadcast_in_dim3A_37 : vector<16xi1>, vector<16xi32>
      %select_n3A_676 = arith.select %gt3A_666, %broadcast_in_dim3A_39, %broadcast_in_dim3A_37 : vector<16xi1>, vector<16xi32>
      %select_n3A_677 = arith.select %gt3A_669, %broadcast_in_dim3A_39, %broadcast_in_dim3A_37 : vector<16xi1>, vector<16xi32>
      %broadcast_in_dim3A_678 = arith.constant true
      %broadcast_in_dim3A_679 = vector.broadcast %broadcast_in_dim3A_678 : i1 to vector<16xi1>
      %masked_cumsum3A = tpu.scan <sum>, %select_n3A_670 masked %broadcast_in_dim3A_679 : vector<16xi32>, vector<16xi1> -> vector<16xi32>
      %broadcast_in_dim3A_680 = arith.constant true
      %broadcast_in_dim3A_681 = vector.broadcast %broadcast_in_dim3A_680 : i1 to vector<16xi1>
      %masked_cumsum3A_682 = tpu.scan <sum>, %select_n3A_671 masked %broadcast_in_dim3A_681 : vector<16xi32>, vector<16xi1> -> vector<16xi32>
      %broadcast_in_dim3A_683 = arith.constant true
      %broadcast_in_dim3A_684 = vector.broadcast %broadcast_in_dim3A_683 : i1 to vector<16xi1>
      %masked_cumsum3A_685 = tpu.scan <sum>, %select_n3A_672 masked %broadcast_in_dim3A_684 : vector<16xi32>, vector<16xi1> -> vector<16xi32>
      %broadcast_in_dim3A_686 = arith.constant true
      %broadcast_in_dim3A_687 = vector.broadcast %broadcast_in_dim3A_686 : i1 to vector<16xi1>
      %masked_cumsum3A_688 = tpu.scan <sum>, %select_n3A_673 masked %broadcast_in_dim3A_687 : vector<16xi32>, vector<16xi1> -> vector<16xi32>
      %broadcast_in_dim3A_689 = arith.constant true
      %broadcast_in_dim3A_690 = vector.broadcast %broadcast_in_dim3A_689 : i1 to vector<16xi1>
      %masked_cumsum3A_691 = tpu.scan <sum>, %select_n3A_674 masked %broadcast_in_dim3A_690 : vector<16xi32>, vector<16xi1> -> vector<16xi32>
      %broadcast_in_dim3A_692 = arith.constant true
      %broadcast_in_dim3A_693 = vector.broadcast %broadcast_in_dim3A_692 : i1 to vector<16xi1>
      %masked_cumsum3A_694 = tpu.scan <sum>, %select_n3A_675 masked %broadcast_in_dim3A_693 : vector<16xi32>, vector<16xi1> -> vector<16xi32>
      %broadcast_in_dim3A_695 = arith.constant true
      %broadcast_in_dim3A_696 = vector.broadcast %broadcast_in_dim3A_695 : i1 to vector<16xi1>
      %masked_cumsum3A_697 = tpu.scan <sum>, %select_n3A_676 masked %broadcast_in_dim3A_696 : vector<16xi32>, vector<16xi1> -> vector<16xi32>
      %broadcast_in_dim3A_698 = arith.constant true
      %broadcast_in_dim3A_699 = vector.broadcast %broadcast_in_dim3A_698 : i1 to vector<16xi1>
      %masked_cumsum3A_700 = tpu.scan <sum>, %select_n3A_677 masked %broadcast_in_dim3A_699 : vector<16xi32>, vector<16xi1> -> vector<16xi32>
      %add3A_701 = arith.addi %scan3A_584, %masked_cumsum3A : vector<16xi32>
      %add3A_702 = arith.addi %scan3A_586, %masked_cumsum3A_682 : vector<16xi32>
      %add3A_703 = arith.addi %scan3A_588, %masked_cumsum3A_685 : vector<16xi32>
      %add3A_704 = arith.addi %scan3A_590, %masked_cumsum3A_688 : vector<16xi32>
      %add3A_705 = arith.addi %scan3A_592, %masked_cumsum3A_691 : vector<16xi32>
      %add3A_706 = arith.addi %scan3A_594, %masked_cumsum3A_694 : vector<16xi32>
      %add3A_707 = arith.addi %scan3A_596, %masked_cumsum3A_697 : vector<16xi32>
      %add3A_708 = arith.addi %scan3A_598, %masked_cumsum3A_700 : vector<16xi32>
      tpu.vector_store_idx %arg7[%add3A_701], %get3A_604 masked %gt3A_648 : memref<4096xf32, #tpu.memory_space<vmem>>[vector<16xi32>], vector<16xf32>, vector<16xi1>
      tpu.vector_store_idx %arg7[%add3A_702], %get3A_610 masked %gt3A_651 : memref<4096xf32, #tpu.memory_space<vmem>>[vector<16xi32>], vector<16xf32>, vector<16xi1>
      tpu.vector_store_idx %arg7[%add3A_703], %get3A_616 masked %gt3A_654 : memref<4096xf32, #tpu.memory_space<vmem>>[vector<16xi32>], vector<16xf32>, vector<16xi1>
      tpu.vector_store_idx %arg7[%add3A_704], %get3A_622 masked %gt3A_657 : memref<4096xf32, #tpu.memory_space<vmem>>[vector<16xi32>], vector<16xf32>, vector<16xi1>
      tpu.vector_store_idx %arg7[%add3A_705], %get3A_628 masked %gt3A_660 : memref<4096xf32, #tpu.memory_space<vmem>>[vector<16xi32>], vector<16xf32>, vector<16xi1>
      tpu.vector_store_idx %arg7[%add3A_706], %get3A_634 masked %gt3A_663 : memref<4096xf32, #tpu.memory_space<vmem>>[vector<16xi32>], vector<16xf32>, vector<16xi1>
      tpu.vector_store_idx %arg7[%add3A_707], %get3A_640 masked %gt3A_666 : memref<4096xf32, #tpu.memory_space<vmem>>[vector<16xi32>], vector<16xf32>, vector<16xi1>
      tpu.vector_store_idx %arg7[%add3A_708], %get3A_646 masked %gt3A_669 : memref<4096xf32, #tpu.memory_space<vmem>>[vector<16xi32>], vector<16xf32>, vector<16xi1>
      tpu.vector_store_idx %arg8[%add3A_701], %scan3A_585 masked %gt3A_648 : memref<4096xi32, #tpu.memory_space<vmem>>[vector<16xi32>], vector<16xi32>, vector<16xi1>
      tpu.vector_store_idx %arg8[%add3A_702], %scan3A_587 masked %gt3A_651 : memref<4096xi32, #tpu.memory_space<vmem>>[vector<16xi32>], vector<16xi32>, vector<16xi1>
      tpu.vector_store_idx %arg8[%add3A_703], %scan3A_589 masked %gt3A_654 : memref<4096xi32, #tpu.memory_space<vmem>>[vector<16xi32>], vector<16xi32>, vector<16xi1>
      tpu.vector_store_idx %arg8[%add3A_704], %scan3A_591 masked %gt3A_657 : memref<4096xi32, #tpu.memory_space<vmem>>[vector<16xi32>], vector<16xi32>, vector<16xi1>
      tpu.vector_store_idx %arg8[%add3A_705], %scan3A_593 masked %gt3A_660 : memref<4096xi32, #tpu.memory_space<vmem>>[vector<16xi32>], vector<16xi32>, vector<16xi1>
      tpu.vector_store_idx %arg8[%add3A_706], %scan3A_595 masked %gt3A_663 : memref<4096xi32, #tpu.memory_space<vmem>>[vector<16xi32>], vector<16xi32>, vector<16xi1>
      tpu.vector_store_idx %arg8[%add3A_707], %scan3A_597 masked %gt3A_666 : memref<4096xi32, #tpu.memory_space<vmem>>[vector<16xi32>], vector<16xi32>, vector<16xi1>
      tpu.vector_store_idx %arg8[%add3A_708], %scan3A_599 masked %gt3A_669 : memref<4096xi32, #tpu.memory_space<vmem>>[vector<16xi32>], vector<16xi32>, vector<16xi1>
      %all_reduce_population_count3A = tpu.all_reduce %gt3A_648 {dim = 0 : i64, kind = #tpu.reduction_kind<sum>} : vector<16xi1> -> vector<16xi32>
      %all_reduce_population_count3A_709 = tpu.all_reduce %gt3A_651 {dim = 0 : i64, kind = #tpu.reduction_kind<sum>} : vector<16xi1> -> vector<16xi32>
      %all_reduce_population_count3A_710 = tpu.all_reduce %gt3A_654 {dim = 0 : i64, kind = #tpu.reduction_kind<sum>} : vector<16xi1> -> vector<16xi32>
      %all_reduce_population_count3A_711 = tpu.all_reduce %gt3A_657 {dim = 0 : i64, kind = #tpu.reduction_kind<sum>} : vector<16xi1> -> vector<16xi32>
      %all_reduce_population_count3A_712 = tpu.all_reduce %gt3A_660 {dim = 0 : i64, kind = #tpu.reduction_kind<sum>} : vector<16xi1> -> vector<16xi32>
      %all_reduce_population_count3A_713 = tpu.all_reduce %gt3A_663 {dim = 0 : i64, kind = #tpu.reduction_kind<sum>} : vector<16xi1> -> vector<16xi32>
      %all_reduce_population_count3A_714 = tpu.all_reduce %gt3A_666 {dim = 0 : i64, kind = #tpu.reduction_kind<sum>} : vector<16xi1> -> vector<16xi32>
      %all_reduce_population_count3A_715 = tpu.all_reduce %gt3A_669 {dim = 0 : i64, kind = #tpu.reduction_kind<sum>} : vector<16xi1> -> vector<16xi32>
      %add3A_716 = arith.addi %scan3A_584, %all_reduce_population_count3A : vector<16xi32>
      %min3A = arith.minsi %add3A_716, %broadcast_in_dim3A_48 : vector<16xi32>
      %add3A_717 = arith.addi %scan3A_585, %broadcast_in_dim3A_46 : vector<16xi32>
      %add3A_718 = arith.addi %scan3A_586, %all_reduce_population_count3A_709 : vector<16xi32>
      %min3A_719 = arith.minsi %add3A_718, %broadcast_in_dim3A_50 : vector<16xi32>
      %add3A_720 = arith.addi %scan3A_587, %broadcast_in_dim3A_46 : vector<16xi32>
      %add3A_721 = arith.addi %scan3A_588, %all_reduce_population_count3A_710 : vector<16xi32>
      %min3A_722 = arith.minsi %add3A_721, %broadcast_in_dim3A_52 : vector<16xi32>
      %add3A_723 = arith.addi %scan3A_589, %broadcast_in_dim3A_46 : vector<16xi32>
      %add3A_724 = arith.addi %scan3A_590, %all_reduce_population_count3A_711 : vector<16xi32>
      %min3A_725 = arith.minsi %add3A_724, %broadcast_in_dim3A_54 : vector<16xi32>
      %add3A_726 = arith.addi %scan3A_591, %broadcast_in_dim3A_46 : vector<16xi32>
      %add3A_727 = arith.addi %scan3A_592, %all_reduce_population_count3A_712 : vector<16xi32>
      %min3A_728 = arith.minsi %add3A_727, %broadcast_in_dim3A_56 : vector<16xi32>
      %add3A_729 = arith.addi %scan3A_593, %broadcast_in_dim3A_46 : vector<16xi32>
      %add3A_730 = arith.addi %scan3A_594, %all_reduce_population_count3A_713 : vector<16xi32>
      %min3A_731 = arith.minsi %add3A_730, %broadcast_in_dim3A_58 : vector<16xi32>
      %add3A_732 = arith.addi %scan3A_595, %broadcast_in_dim3A_46 : vector<16xi32>
      %add3A_733 = arith.addi %scan3A_596, %all_reduce_population_count3A_714 : vector<16xi32>
      %min3A_734 = arith.minsi %add3A_733, %broadcast_in_dim3A_60 : vector<16xi32>
      %add3A_735 = arith.addi %scan3A_597, %broadcast_in_dim3A_46 : vector<16xi32>
      %add3A_736 = arith.addi %scan3A_598, %all_reduce_population_count3A_715 : vector<16xi32>
      %min3A_737 = arith.minsi %add3A_736, %broadcast_in_dim3A_62 : vector<16xi32>
      %add3A_738 = arith.addi %scan3A_599, %broadcast_in_dim3A_46 : vector<16xi32>
      %scan3A_739 = arith.constant 1 : i32
      %scan3A_740 = arith.addi %scan3A_583, %scan3A_739 : i32
      %add3A_741 = arith.constant 0 : i32
      %add3A_742 = arith.addi %add3A_741, %scan3A_740 : i32
      %mul3A_743 = arith.constant 16 : i32
      %mul3A_744 = arith.muli %add3A_742, %mul3A_743 : i32
      %get3A_745 = arith.index_cast %mul3A_744 : i32 to index
      %get3A_746 = tpu.vector_load %arg5[%get3A_745] {strides = array<i32>} : memref<16384xf32, #tpu.memory_space<vmem>>, vector<16xf32>,
      %add3A_747 = arith.constant 128 : i32
      %add3A_748 = arith.addi %add3A_747, %scan3A_740 : i32
      %mul3A_749 = arith.constant 16 : i32
      %mul3A_750 = arith.muli %add3A_748, %mul3A_749 : i32
      %get3A_751 = arith.index_cast %mul3A_750 : i32 to index
      %get3A_752 = tpu.vector_load %arg5[%get3A_751] {strides = array<i32>} : memref<16384xf32, #tpu.memory_space<vmem>>, vector<16xf32>,
      %add3A_753 = arith.constant 256 : i32
      %add3A_754 = arith.addi %add3A_753, %scan3A_740 : i32
      %mul3A_755 = arith.constant 16 : i32
      %mul3A_756 = arith.muli %add3A_754, %mul3A_755 : i32
      %get3A_757 = arith.index_cast %mul3A_756 : i32 to index
      %get3A_758 = tpu.vector_load %arg5[%get3A_757] {strides = array<i32>} : memref<16384xf32, #tpu.memory_space<vmem>>, vector<16xf32>,
      %add3A_759 = arith.constant 384 : i32
      %add3A_760 = arith.addi %add3A_759, %scan3A_740 : i32
      %mul3A_761 = arith.constant 16 : i32
      %mul3A_762 = arith.muli %add3A_760, %mul3A_761 : i32
      %get3A_763 = arith.index_cast %mul3A_762 : i32 to index
      %get3A_764 = tpu.vector_load %arg5[%get3A_763] {strides = array<i32>} : memref<16384xf32, #tpu.memory_space<vmem>>, vector<16xf32>,
      %add3A_765 = arith.constant 512 : i32
      %add3A_766 = arith.addi %add3A_765, %scan3A_740 : i32
      %mul3A_767 = arith.constant 16 : i32
      %mul3A_768 = arith.muli %add3A_766, %mul3A_767 : i32
      %get3A_769 = arith.index_cast %mul3A_768 : i32 to index
      %get3A_770 = tpu.vector_load %arg5[%get3A_769] {strides = array<i32>} : memref<16384xf32, #tpu.memory_space<vmem>>, vector<16xf32>,
      %add3A_771 = arith.constant 640 : i32
      %add3A_772 = arith.addi %add3A_771, %scan3A_740 : i32
      %mul3A_773 = arith.constant 16 : i32
      %mul3A_774 = arith.muli %add3A_772, %mul3A_773 : i32
      %get3A_775 = arith.index_cast %mul3A_774 : i32 to index
      %get3A_776 = tpu.vector_load %arg5[%get3A_775] {strides = array<i32>} : memref<16384xf32, #tpu.memory_space<vmem>>, vector<16xf32>,
      %add3A_777 = arith.constant 768 : i32
      %add3A_778 = arith.addi %add3A_777, %scan3A_740 : i32
      %mul3A_779 = arith.constant 16 : i32
      %mul3A_780 = arith.muli %add3A_778, %mul3A_779 : i32
      %get3A_781 = arith.index_cast %mul3A_780 : i32 to index
      %get3A_782 = tpu.vector_load %arg5[%get3A_781] {strides = array<i32>} : memref<16384xf32, #tpu.memory_space<vmem>>, vector<16xf32>,
      %add3A_783 = arith.constant 896 : i32
      %add3A_784 = arith.addi %add3A_783, %scan3A_740 : i32
      %mul3A_785 = arith.constant 16 : i32
      %mul3A_786 = arith.muli %add3A_784, %mul3A_785 : i32
      %get3A_787 = arith.index_cast %mul3A_786 : i32 to index
      %get3A_788 = tpu.vector_load %arg5[%get3A_787] {strides = array<i32>} : memref<16384xf32, #tpu.memory_space<vmem>>, vector<16xf32>,
      %gt3A_789 = arith.constant 0.000000e+00 : f32
      %gt3A_790 = vector.broadcast %gt3A_789 : f32 to vector<16xf32>
      %gt3A_791 = arith.cmpf ogt, %get3A_746, %gt3A_790 : vector<16xf32>
      %gt3A_792 = arith.constant 0.000000e+00 : f32
      %gt3A_793 = vector.broadcast %gt3A_792 : f32 to vector<16xf32>
      %gt3A_794 = arith.cmpf ogt, %get3A_752, %gt3A_793 : vector<16xf32>
      %gt3A_795 = arith.constant 0.000000e+00 : f32
      %gt3A_796 = vector.broadcast %gt3A_795 : f32 to vector<16xf32>
      %gt3A_797 = arith.cmpf ogt, %get3A_758, %gt3A_796 : vector<16xf32>
      %gt3A_798 = arith.constant 0.000000e+00 : f32
      %gt3A_799 = vector.broadcast %gt3A_798 : f32 to vector<16xf32>
      %gt3A_800 = arith.cmpf ogt, %get3A_764, %gt3A_799 : vector<16xf32>
      %gt3A_801 = arith.constant 0.000000e+00 : f32
      %gt3A_802 = vector.broadcast %gt3A_801 : f32 to vector<16xf32>
      %gt3A_803 = arith.cmpf ogt, %get3A_770, %gt3A_802 : vector<16xf32>
      %gt3A_804 = arith.constant 0.000000e+00 : f32
      %gt3A_805 = vector.broadcast %gt3A_804 : f32 to vector<16xf32>
      %gt3A_806 = arith.cmpf ogt, %get3A_776, %gt3A_805 : vector<16xf32>
      %gt3A_807 = arith.constant 0.000000e+00 : f32
      %gt3A_808 = vector.broadcast %gt3A_807 : f32 to vector<16xf32>
      %gt3A_809 = arith.cmpf ogt, %get3A_782, %gt3A_808 : vector<16xf32>
      %gt3A_810 = arith.constant 0.000000e+00 : f32
      %gt3A_811 = vector.broadcast %gt3A_810 : f32 to vector<16xf32>
      %gt3A_812 = arith.cmpf ogt, %get3A_788, %gt3A_811 : vector<16xf32>
      %select_n3A_813 = arith.select %gt3A_791, %broadcast_in_dim3A_39, %broadcast_in_dim3A_37 : vector<16xi1>, vector<16xi32>
      %select_n3A_814 = arith.select %gt3A_794, %broadcast_in_dim3A_39, %broadcast_in_dim3A_37 : vector<16xi1>, vector<16xi32>
      %select_n3A_815 = arith.select %gt3A_797, %broadcast_in_dim3A_39, %broadcast_in_dim3A_37 : vector<16xi1>, vector<16xi32>
      %select_n3A_816 = arith.select %gt3A_800, %broadcast_in_dim3A_39, %broadcast_in_dim3A_37 : vector<16xi1>, vector<16xi32>
      %select_n3A_817 = arith.select %gt3A_803, %broadcast_in_dim3A_39, %broadcast_in_dim3A_37 : vector<16xi1>, vector<16xi32>
      %select_n3A_818 = arith.select %gt3A_806, %broadcast_in_dim3A_39, %broadcast_in_dim3A_37 : vector<16xi1>, vector<16xi32>
      %select_n3A_819 = arith.select %gt3A_809, %broadcast_in_dim3A_39, %broadcast_in_dim3A_37 : vector<16xi1>, vector<16xi32>
      %select_n3A_820 = arith.select %gt3A_812, %broadcast_in_dim3A_39, %broadcast_in_dim3A_37 : vector<16xi1>, vector<16xi32>
      %broadcast_in_dim3A_821 = arith.constant true
      %broadcast_in_dim3A_822 = vector.broadcast %broadcast_in_dim3A_821 : i1 to vector<16xi1>
      %masked_cumsum3A_823 = tpu.scan <sum>, %select_n3A_813 masked %broadcast_in_dim3A_822 : vector<16xi32>, vector<16xi1> -> vector<16xi32>
      %broadcast_in_dim3A_824 = arith.constant true
      %broadcast_in_dim3A_825 = vector.broadcast %broadcast_in_dim3A_824 : i1 to vector<16xi1>
      %masked_cumsum3A_826 = tpu.scan <sum>, %select_n3A_814 masked %broadcast_in_dim3A_825 : vector<16xi32>, vector<16xi1> -> vector<16xi32>
      %broadcast_in_dim3A_827 = arith.constant true
      %broadcast_in_dim3A_828 = vector.broadcast %broadcast_in_dim3A_827 : i1 to vector<16xi1>
      %masked_cumsum3A_829 = tpu.scan <sum>, %select_n3A_815 masked %broadcast_in_dim3A_828 : vector<16xi32>, vector<16xi1> -> vector<16xi32>
      %broadcast_in_dim3A_830 = arith.constant true
      %broadcast_in_dim3A_831 = vector.broadcast %broadcast_in_dim3A_830 : i1 to vector<16xi1>
      %masked_cumsum3A_832 = tpu.scan <sum>, %select_n3A_816 masked %broadcast_in_dim3A_831 : vector<16xi32>, vector<16xi1> -> vector<16xi32>
      %broadcast_in_dim3A_833 = arith.constant true
      %broadcast_in_dim3A_834 = vector.broadcast %broadcast_in_dim3A_833 : i1 to vector<16xi1>
      %masked_cumsum3A_835 = tpu.scan <sum>, %select_n3A_817 masked %broadcast_in_dim3A_834 : vector<16xi32>, vector<16xi1> -> vector<16xi32>
      %broadcast_in_dim3A_836 = arith.constant true
      %broadcast_in_dim3A_837 = vector.broadcast %broadcast_in_dim3A_836 : i1 to vector<16xi1>
      %masked_cumsum3A_838 = tpu.scan <sum>, %select_n3A_818 masked %broadcast_in_dim3A_837 : vector<16xi32>, vector<16xi1> -> vector<16xi32>
      %broadcast_in_dim3A_839 = arith.constant true
      %broadcast_in_dim3A_840 = vector.broadcast %broadcast_in_dim3A_839 : i1 to vector<16xi1>
      %masked_cumsum3A_841 = tpu.scan <sum>, %select_n3A_819 masked %broadcast_in_dim3A_840 : vector<16xi32>, vector<16xi1> -> vector<16xi32>
      %broadcast_in_dim3A_842 = arith.constant true
      %broadcast_in_dim3A_843 = vector.broadcast %broadcast_in_dim3A_842 : i1 to vector<16xi1>
      %masked_cumsum3A_844 = tpu.scan <sum>, %select_n3A_820 masked %broadcast_in_dim3A_843 : vector<16xi32>, vector<16xi1> -> vector<16xi32>
      %add3A_845 = arith.addi %min3A, %masked_cumsum3A_823 : vector<16xi32>
      %add3A_846 = arith.addi %min3A_719, %masked_cumsum3A_826 : vector<16xi32>
      %add3A_847 = arith.addi %min3A_722, %masked_cumsum3A_829 : vector<16xi32>
      %add3A_848 = arith.addi %min3A_725, %masked_cumsum3A_832 : vector<16xi32>
      %add3A_849 = arith.addi %min3A_728, %masked_cumsum3A_835 : vector<16xi32>
      %add3A_850 = arith.addi %min3A_731, %masked_cumsum3A_838 : vector<16xi32>
      %add3A_851 = arith.addi %min3A_734, %masked_cumsum3A_841 : vector<16xi32>
      %add3A_852 = arith.addi %min3A_737, %masked_cumsum3A_844 : vector<16xi32>
      tpu.vector_store_idx %arg7[%add3A_845], %get3A_746 masked %gt3A_791 : memref<4096xf32, #tpu.memory_space<vmem>>[vector<16xi32>], vector<16xf32>, vector<16xi1>
      tpu.vector_store_idx %arg7[%add3A_846], %get3A_752 masked %gt3A_794 : memref<4096xf32, #tpu.memory_space<vmem>>[vector<16xi32>], vector<16xf32>, vector<16xi1>
      tpu.vector_store_idx %arg7[%add3A_847], %get3A_758 masked %gt3A_797 : memref<4096xf32, #tpu.memory_space<vmem>>[vector<16xi32>], vector<16xf32>, vector<16xi1>
      tpu.vector_store_idx %arg7[%add3A_848], %get3A_764 masked %gt3A_800 : memref<4096xf32, #tpu.memory_space<vmem>>[vector<16xi32>], vector<16xf32>, vector<16xi1>
      tpu.vector_store_idx %arg7[%add3A_849], %get3A_770 masked %gt3A_803 : memref<4096xf32, #tpu.memory_space<vmem>>[vector<16xi32>], vector<16xf32>, vector<16xi1>
      tpu.vector_store_idx %arg7[%add3A_850], %get3A_776 masked %gt3A_806 : memref<4096xf32, #tpu.memory_space<vmem>>[vector<16xi32>], vector<16xf32>, vector<16xi1>
      tpu.vector_store_idx %arg7[%add3A_851], %get3A_782 masked %gt3A_809 : memref<4096xf32, #tpu.memory_space<vmem>>[vector<16xi32>], vector<16xf32>, vector<16xi1>
      tpu.vector_store_idx %arg7[%add3A_852], %get3A_788 masked %gt3A_812 : memref<4096xf32, #tpu.memory_space<vmem>>[vector<16xi32>], vector<16xf32>, vector<16xi1>
      tpu.vector_store_idx %arg8[%add3A_845], %add3A_717 masked %gt3A_791 : memref<4096xi32, #tpu.memory_space<vmem>>[vector<16xi32>], vector<16xi32>, vector<16xi1>
      tpu.vector_store_idx %arg8[%add3A_846], %add3A_720 masked %gt3A_794 : memref<4096xi32, #tpu.memory_space<vmem>>[vector<16xi32>], vector<16xi32>, vector<16xi1>
      tpu.vector_store_idx %arg8[%add3A_847], %add3A_723 masked %gt3A_797 : memref<4096xi32, #tpu.memory_space<vmem>>[vector<16xi32>], vector<16xi32>, vector<16xi1>
      tpu.vector_store_idx %arg8[%add3A_848], %add3A_726 masked %gt3A_800 : memref<4096xi32, #tpu.memory_space<vmem>>[vector<16xi32>], vector<16xi32>, vector<16xi1>
      tpu.vector_store_idx %arg8[%add3A_849], %add3A_729 masked %gt3A_803 : memref<4096xi32, #tpu.memory_space<vmem>>[vector<16xi32>], vector<16xi32>, vector<16xi1>
      tpu.vector_store_idx %arg8[%add3A_850], %add3A_732 masked %gt3A_806 : memref<4096xi32, #tpu.memory_space<vmem>>[vector<16xi32>], vector<16xi32>, vector<16xi1>
      tpu.vector_store_idx %arg8[%add3A_851], %add3A_735 masked %gt3A_809 : memref<4096xi32, #tpu.memory_space<vmem>>[vector<16xi32>], vector<16xi32>, vector<16xi1>
      tpu.vector_store_idx %arg8[%add3A_852], %add3A_738 masked %gt3A_812 : memref<4096xi32, #tpu.memory_space<vmem>>[vector<16xi32>], vector<16xi32>, vector<16xi1>
      %all_reduce_population_count3A_853 = tpu.all_reduce %gt3A_791 {dim = 0 : i64, kind = #tpu.reduction_kind<sum>} : vector<16xi1> -> vector<16xi32>
      %all_reduce_population_count3A_854 = tpu.all_reduce %gt3A_794 {dim = 0 : i64, kind = #tpu.reduction_kind<sum>} : vector<16xi1> -> vector<16xi32>
      %all_reduce_population_count3A_855 = tpu.all_reduce %gt3A_797 {dim = 0 : i64, kind = #tpu.reduction_kind<sum>} : vector<16xi1> -> vector<16xi32>
      %all_reduce_population_count3A_856 = tpu.all_reduce %gt3A_800 {dim = 0 : i64, kind = #tpu.reduction_kind<sum>} : vector<16xi1> -> vector<16xi32>
      %all_reduce_population_count3A_857 = tpu.all_reduce %gt3A_803 {dim = 0 : i64, kind = #tpu.reduction_kind<sum>} : vector<16xi1> -> vector<16xi32>
      %all_reduce_population_count3A_858 = tpu.all_reduce %gt3A_806 {dim = 0 : i64, kind = #tpu.reduction_kind<sum>} : vector<16xi1> -> vector<16xi32>
      %all_reduce_population_count3A_859 = tpu.all_reduce %gt3A_809 {dim = 0 : i64, kind = #tpu.reduction_kind<sum>} : vector<16xi1> -> vector<16xi32>
      %all_reduce_population_count3A_860 = tpu.all_reduce %gt3A_812 {dim = 0 : i64, kind = #tpu.reduction_kind<sum>} : vector<16xi1> -> vector<16xi32>
      %add3A_861 = arith.addi %min3A, %all_reduce_population_count3A_853 : vector<16xi32>
      %min3A_862 = arith.minsi %add3A_861, %broadcast_in_dim3A_48 : vector<16xi32>
      %add3A_863 = arith.addi %add3A_717, %broadcast_in_dim3A_46 : vector<16xi32>
      %add3A_864 = arith.addi %min3A_719, %all_reduce_population_count3A_854 : vector<16xi32>
      %min3A_865 = arith.minsi %add3A_864, %broadcast_in_dim3A_50 : vector<16xi32>
      %add3A_866 = arith.addi %add3A_720, %broadcast_in_dim3A_46 : vector<16xi32>
      %add3A_867 = arith.addi %min3A_722, %all_reduce_population_count3A_855 : vector<16xi32>
      %min3A_868 = arith.minsi %add3A_867, %broadcast_in_dim3A_52 : vector<16xi32>
      %add3A_869 = arith.addi %add3A_723, %broadcast_in_dim3A_46 : vector<16xi32>
      %add3A_870 = arith.addi %min3A_725, %all_reduce_population_count3A_856 : vector<16xi32>
      %min3A_871 = arith.minsi %add3A_870, %broadcast_in_dim3A_54 : vector<16xi32>
      %add3A_872 = arith.addi %add3A_726, %broadcast_in_dim3A_46 : vector<16xi32>
      %add3A_873 = arith.addi %min3A_728, %all_reduce_population_count3A_857 : vector<16xi32>
      %min3A_874 = arith.minsi %add3A_873, %broadcast_in_dim3A_56 : vector<16xi32>
      %add3A_875 = arith.addi %add3A_729, %broadcast_in_dim3A_46 : vector<16xi32>
      %add3A_876 = arith.addi %min3A_731, %all_reduce_population_count3A_858 : vector<16xi32>
      %min3A_877 = arith.minsi %add3A_876, %broadcast_in_dim3A_58 : vector<16xi32>
      %add3A_878 = arith.addi %add3A_732, %broadcast_in_dim3A_46 : vector<16xi32>
      %add3A_879 = arith.addi %min3A_734, %all_reduce_population_count3A_859 : vector<16xi32>
      %min3A_880 = arith.minsi %add3A_879, %broadcast_in_dim3A_60 : vector<16xi32>
      %add3A_881 = arith.addi %add3A_735, %broadcast_in_dim3A_46 : vector<16xi32>
      %add3A_882 = arith.addi %min3A_737, %all_reduce_population_count3A_860 : vector<16xi32>
      %min3A_883 = arith.minsi %add3A_882, %broadcast_in_dim3A_62 : vector<16xi32>
      %add3A_884 = arith.addi %add3A_738, %broadcast_in_dim3A_46 : vector<16xi32>
      scf.yield %min3A_862, %add3A_863, %min3A_865, %add3A_866, %min3A_868, %add3A_869, %min3A_871, %add3A_872, %min3A_874, %add3A_875, %min3A_877, %add3A_878, %min3A_880, %add3A_881, %min3A_883, %add3A_884 : vector<16xi32>, vector<16xi32>, vector<16xi32>, vector<16xi32>, vector<16xi32>, vector<16xi32>, vector<16xi32>, vector<16xi32>, vector<16xi32>, vector<16xi32>, vector<16xi32>, vector<16xi32>, vector<16xi32>, vector<16xi32>, vector<16xi32>, vector<16xi32>
    }
    %scan3A_380 = arith.constant 128 : i32
    %add3A_381 = arith.constant 98304 : i32
    %add3A_382 = arith.addi %mul3A_32, %add3A_381 : i32
    %dma_start3A_383 = tpu.memref_slice %arg2[%add3A_382] : memref<4194304xf32, #tpu.memory_space<hbm>> -> memref<16384xf32, #tpu.memory_space<hbm>>
    %dma_start3A_384 = tpu.memref_slice %arg2[%add3A_382] : memref<4194304xf32, #tpu.memory_space<hbm>> -> memref<16384xf32, #tpu.memory_space<hbm>>
    tpu.enqueue_dma source(%dma_start3A_384 : memref<16384xf32, #tpu.memory_space<hbm>>) target(%arg5 : memref<16384xf32, #tpu.memory_space<vmem>>) target_semaphore(%arg11 : memref<!tpu.dma_semaphore, #tpu.memory_space<semaphore_mem>>)
    %dma_wait3A_385 = tpu.memref_slice %arg2[%add3A_322] : memref<4194304xf32, #tpu.memory_space<hbm>> -> memref<16384xf32, #tpu.memory_space<hbm>>
    %dma_wait3A_386 = tpu.memref_slice %arg2[%add3A_322] : memref<4194304xf32, #tpu.memory_space<hbm>> -> memref<16384xf32, #tpu.memory_space<hbm>>
    tpu.wait_dma2 semaphore(%arg12 : memref<!tpu.dma_semaphore, #tpu.memory_space<semaphore_mem>>) src(%dma_wait3A_386 : memref<16384xf32, #tpu.memory_space<hbm>>) dst(%arg6 : memref<16384xf32, #tpu.memory_space<vmem>>)
    %add3A_387 = arith.constant 81920 : i32
    %add3A_388 = arith.addi %mul3A_34, %add3A_387 : i32
    %add3A_389 = arith.constant 0 : i32
    %add3A_390 = arith.addi %add3A_388, %add3A_389 : i32
    %add3A_391 = vector.broadcast %add3A_390 : i32 to vector<16xi32>
    %add3A_392 = arith.addi %add3A_391, %iota3A : vector<16xi32>
    %add3A_393 = arith.constant 81920 : i32
    %add3A_394 = arith.addi %mul3A_34, %add3A_393 : i32
    %add3A_395 = arith.constant 2048 : i32
    %add3A_396 = arith.addi %add3A_394, %add3A_395 : i32
    %add3A_397 = vector.broadcast %add3A_396 : i32 to vector<16xi32>
    %add3A_398 = arith.addi %add3A_397, %iota3A : vector<16xi32>
    %add3A_399 = arith.constant 81920 : i32
    %add3A_400 = arith.addi %mul3A_34, %add3A_399 : i32
    %add3A_401 = arith.constant 4096 : i32
    %add3A_402 = arith.addi %add3A_400, %add3A_401 : i32
    %add3A_403 = vector.broadcast %add3A_402 : i32 to vector<16xi32>
    %add3A_404 = arith.addi %add3A_403, %iota3A : vector<16xi32>
    %add3A_405 = arith.constant 81920 : i32
    %add3A_406 = arith.addi %mul3A_34, %add3A_405 : i32
    %add3A_407 = arith.constant 6144 : i32
    %add3A_408 = arith.addi %add3A_406, %add3A_407 : i32
    %add3A_409 = vector.broadcast %add3A_408 : i32 to vector<16xi32>
    %add3A_410 = arith.addi %add3A_409, %iota3A : vector<16xi32>
    %add3A_411 = arith.constant 81920 : i32
    %add3A_412 = arith.addi %mul3A_34, %add3A_411 : i32
    %add3A_413 = arith.constant 8192 : i32
    %add3A_414 = arith.addi %add3A_412, %add3A_413 : i32
    %add3A_415 = vector.broadcast %add3A_414 : i32 to vector<16xi32>
    %add3A_416 = arith.addi %add3A_415, %iota3A : vector<16xi32>
    %add3A_417 = arith.constant 81920 : i32
    %add3A_418 = arith.addi %mul3A_34, %add3A_417 : i32
    %add3A_419 = arith.constant 10240 : i32
    %add3A_420 = arith.addi %add3A_418, %add3A_419 : i32
    %add3A_421 = vector.broadcast %add3A_420 : i32 to vector<16xi32>
    %add3A_422 = arith.addi %add3A_421, %iota3A : vector<16xi32>
    %add3A_423 = arith.constant 81920 : i32
    %add3A_424 = arith.addi %mul3A_34, %add3A_423 : i32
    %add3A_425 = arith.constant 12288 : i32
    %add3A_426 = arith.addi %add3A_424, %add3A_425 : i32
    %add3A_427 = vector.broadcast %add3A_426 : i32 to vector<16xi32>
    %add3A_428 = arith.addi %add3A_427, %iota3A : vector<16xi32>
    %add3A_429 = arith.constant 81920 : i32
    %add3A_430 = arith.addi %mul3A_34, %add3A_429 : i32
    %add3A_431 = arith.constant 14336 : i32
    %add3A_432 = arith.addi %add3A_430, %add3A_431 : i32
    %add3A_433 = vector.broadcast %add3A_432 : i32 to vector<16xi32>
    %add3A_434 = arith.addi %add3A_433, %iota3A : vector<16xi32>
    %scan3A_435 = arith.constant 0 : i32
    %scan3A_436 = arith.constant 128 : i32
    %scan3A_437 = arith.addi %scan3A_435, %scan3A_436 : i32
    %scan3A_438 = arith.constant 2 : i32
    %scan3A_439:16 = scf.for %scan3A_583 = %scan3A_435 to %scan3A_437 step %scan3A_438 iter_args(%scan3A_584 = %scan3A_379#0, %scan3A_585 = %add3A_392, %scan3A_586 = %scan3A_379#2, %scan3A_587 = %add3A_398, %scan3A_588 = %scan3A_379#4, %scan3A_589 = %add3A_404, %scan3A_590 = %scan3A_379#6, %scan3A_591 = %add3A_410, %scan3A_592 = %scan3A_379#8, %scan3A_593 = %add3A_416, %scan3A_594 = %scan3A_379#10, %scan3A_595 = %add3A_422, %scan3A_596 = %scan3A_379#12, %scan3A_597 = %add3A_428, %scan3A_598 = %scan3A_379#14, %scan3A_599 = %add3A_434) -> (vector<16xi32>, vector<16xi32>, vector<16xi32>, vector<16xi32>, vector<16xi32>, vector<16xi32>, vector<16xi32>, vector<16xi32>, vector<16xi32>, vector<16xi32>, vector<16xi32>, vector<16xi32>, vector<16xi32>, vector<16xi32>, vector<16xi32>, vector<16xi32>)  : i32 {
      %add3A_600 = arith.constant 0 : i32
      %add3A_601 = arith.addi %add3A_600, %scan3A_583 : i32
      %mul3A_602 = arith.constant 16 : i32
      %mul3A_603 = arith.muli %add3A_601, %mul3A_602 : i32
      %get3A = arith.index_cast %mul3A_603 : i32 to index
      %get3A_604 = tpu.vector_load %arg6[%get3A] {strides = array<i32>} : memref<16384xf32, #tpu.memory_space<vmem>>, vector<16xf32>,
      %add3A_605 = arith.constant 128 : i32
      %add3A_606 = arith.addi %add3A_605, %scan3A_583 : i32
      %mul3A_607 = arith.constant 16 : i32
      %mul3A_608 = arith.muli %add3A_606, %mul3A_607 : i32
      %get3A_609 = arith.index_cast %mul3A_608 : i32 to index
      %get3A_610 = tpu.vector_load %arg6[%get3A_609] {strides = array<i32>} : memref<16384xf32, #tpu.memory_space<vmem>>, vector<16xf32>,
      %add3A_611 = arith.constant 256 : i32
      %add3A_612 = arith.addi %add3A_611, %scan3A_583 : i32
      %mul3A_613 = arith.constant 16 : i32
      %mul3A_614 = arith.muli %add3A_612, %mul3A_613 : i32
      %get3A_615 = arith.index_cast %mul3A_614 : i32 to index
      %get3A_616 = tpu.vector_load %arg6[%get3A_615] {strides = array<i32>} : memref<16384xf32, #tpu.memory_space<vmem>>, vector<16xf32>,
      %add3A_617 = arith.constant 384 : i32
      %add3A_618 = arith.addi %add3A_617, %scan3A_583 : i32
      %mul3A_619 = arith.constant 16 : i32
      %mul3A_620 = arith.muli %add3A_618, %mul3A_619 : i32
      %get3A_621 = arith.index_cast %mul3A_620 : i32 to index
      %get3A_622 = tpu.vector_load %arg6[%get3A_621] {strides = array<i32>} : memref<16384xf32, #tpu.memory_space<vmem>>, vector<16xf32>,
      %add3A_623 = arith.constant 512 : i32
      %add3A_624 = arith.addi %add3A_623, %scan3A_583 : i32
      %mul3A_625 = arith.constant 16 : i32
      %mul3A_626 = arith.muli %add3A_624, %mul3A_625 : i32
      %get3A_627 = arith.index_cast %mul3A_626 : i32 to index
      %get3A_628 = tpu.vector_load %arg6[%get3A_627] {strides = array<i32>} : memref<16384xf32, #tpu.memory_space<vmem>>, vector<16xf32>,
      %add3A_629 = arith.constant 640 : i32
      %add3A_630 = arith.addi %add3A_629, %scan3A_583 : i32
      %mul3A_631 = arith.constant 16 : i32
      %mul3A_632 = arith.muli %add3A_630, %mul3A_631 : i32
      %get3A_633 = arith.index_cast %mul3A_632 : i32 to index
      %get3A_634 = tpu.vector_load %arg6[%get3A_633] {strides = array<i32>} : memref<16384xf32, #tpu.memory_space<vmem>>, vector<16xf32>,
      %add3A_635 = arith.constant 768 : i32
      %add3A_636 = arith.addi %add3A_635, %scan3A_583 : i32
      %mul3A_637 = arith.constant 16 : i32
      %mul3A_638 = arith.muli %add3A_636, %mul3A_637 : i32
      %get3A_639 = arith.index_cast %mul3A_638 : i32 to index
      %get3A_640 = tpu.vector_load %arg6[%get3A_639] {strides = array<i32>} : memref<16384xf32, #tpu.memory_space<vmem>>, vector<16xf32>,
      %add3A_641 = arith.constant 896 : i32
      %add3A_642 = arith.addi %add3A_641, %scan3A_583 : i32
      %mul3A_643 = arith.constant 16 : i32
      %mul3A_644 = arith.muli %add3A_642, %mul3A_643 : i32
      %get3A_645 = arith.index_cast %mul3A_644 : i32 to index
      %get3A_646 = tpu.vector_load %arg6[%get3A_645] {strides = array<i32>} : memref<16384xf32, #tpu.memory_space<vmem>>, vector<16xf32>,
      %gt3A = arith.constant 0.000000e+00 : f32
      %gt3A_647 = vector.broadcast %gt3A : f32 to vector<16xf32>
      %gt3A_648 = arith.cmpf ogt, %get3A_604, %gt3A_647 : vector<16xf32>
      %gt3A_649 = arith.constant 0.000000e+00 : f32
      %gt3A_650 = vector.broadcast %gt3A_649 : f32 to vector<16xf32>
      %gt3A_651 = arith.cmpf ogt, %get3A_610, %gt3A_650 : vector<16xf32>
      %gt3A_652 = arith.constant 0.000000e+00 : f32
      %gt3A_653 = vector.broadcast %gt3A_652 : f32 to vector<16xf32>
      %gt3A_654 = arith.cmpf ogt, %get3A_616, %gt3A_653 : vector<16xf32>
      %gt3A_655 = arith.constant 0.000000e+00 : f32
      %gt3A_656 = vector.broadcast %gt3A_655 : f32 to vector<16xf32>
      %gt3A_657 = arith.cmpf ogt, %get3A_622, %gt3A_656 : vector<16xf32>
      %gt3A_658 = arith.constant 0.000000e+00 : f32
      %gt3A_659 = vector.broadcast %gt3A_658 : f32 to vector<16xf32>
      %gt3A_660 = arith.cmpf ogt, %get3A_628, %gt3A_659 : vector<16xf32>
      %gt3A_661 = arith.constant 0.000000e+00 : f32
      %gt3A_662 = vector.broadcast %gt3A_661 : f32 to vector<16xf32>
      %gt3A_663 = arith.cmpf ogt, %get3A_634, %gt3A_662 : vector<16xf32>
      %gt3A_664 = arith.constant 0.000000e+00 : f32
      %gt3A_665 = vector.broadcast %gt3A_664 : f32 to vector<16xf32>
      %gt3A_666 = arith.cmpf ogt, %get3A_640, %gt3A_665 : vector<16xf32>
      %gt3A_667 = arith.constant 0.000000e+00 : f32
      %gt3A_668 = vector.broadcast %gt3A_667 : f32 to vector<16xf32>
      %gt3A_669 = arith.cmpf ogt, %get3A_646, %gt3A_668 : vector<16xf32>
      %select_n3A_670 = arith.select %gt3A_648, %broadcast_in_dim3A_39, %broadcast_in_dim3A_37 : vector<16xi1>, vector<16xi32>
      %select_n3A_671 = arith.select %gt3A_651, %broadcast_in_dim3A_39, %broadcast_in_dim3A_37 : vector<16xi1>, vector<16xi32>
      %select_n3A_672 = arith.select %gt3A_654, %broadcast_in_dim3A_39, %broadcast_in_dim3A_37 : vector<16xi1>, vector<16xi32>
      %select_n3A_673 = arith.select %gt3A_657, %broadcast_in_dim3A_39, %broadcast_in_dim3A_37 : vector<16xi1>, vector<16xi32>
      %select_n3A_674 = arith.select %gt3A_660, %broadcast_in_dim3A_39, %broadcast_in_dim3A_37 : vector<16xi1>, vector<16xi32>
      %select_n3A_675 = arith.select %gt3A_663, %broadcast_in_dim3A_39, %broadcast_in_dim3A_37 : vector<16xi1>, vector<16xi32>
      %select_n3A_676 = arith.select %gt3A_666, %broadcast_in_dim3A_39, %broadcast_in_dim3A_37 : vector<16xi1>, vector<16xi32>
      %select_n3A_677 = arith.select %gt3A_669, %broadcast_in_dim3A_39, %broadcast_in_dim3A_37 : vector<16xi1>, vector<16xi32>
      %broadcast_in_dim3A_678 = arith.constant true
      %broadcast_in_dim3A_679 = vector.broadcast %broadcast_in_dim3A_678 : i1 to vector<16xi1>
      %masked_cumsum3A = tpu.scan <sum>, %select_n3A_670 masked %broadcast_in_dim3A_679 : vector<16xi32>, vector<16xi1> -> vector<16xi32>
      %broadcast_in_dim3A_680 = arith.constant true
      %broadcast_in_dim3A_681 = vector.broadcast %broadcast_in_dim3A_680 : i1 to vector<16xi1>
      %masked_cumsum3A_682 = tpu.scan <sum>, %select_n3A_671 masked %broadcast_in_dim3A_681 : vector<16xi32>, vector<16xi1> -> vector<16xi32>
      %broadcast_in_dim3A_683 = arith.constant true
      %broadcast_in_dim3A_684 = vector.broadcast %broadcast_in_dim3A_683 : i1 to vector<16xi1>
      %masked_cumsum3A_685 = tpu.scan <sum>, %select_n3A_672 masked %broadcast_in_dim3A_684 : vector<16xi32>, vector<16xi1> -> vector<16xi32>
      %broadcast_in_dim3A_686 = arith.constant true
      %broadcast_in_dim3A_687 = vector.broadcast %broadcast_in_dim3A_686 : i1 to vector<16xi1>
      %masked_cumsum3A_688 = tpu.scan <sum>, %select_n3A_673 masked %broadcast_in_dim3A_687 : vector<16xi32>, vector<16xi1> -> vector<16xi32>
      %broadcast_in_dim3A_689 = arith.constant true
      %broadcast_in_dim3A_690 = vector.broadcast %broadcast_in_dim3A_689 : i1 to vector<16xi1>
      %masked_cumsum3A_691 = tpu.scan <sum>, %select_n3A_674 masked %broadcast_in_dim3A_690 : vector<16xi32>, vector<16xi1> -> vector<16xi32>
      %broadcast_in_dim3A_692 = arith.constant true
      %broadcast_in_dim3A_693 = vector.broadcast %broadcast_in_dim3A_692 : i1 to vector<16xi1>
      %masked_cumsum3A_694 = tpu.scan <sum>, %select_n3A_675 masked %broadcast_in_dim3A_693 : vector<16xi32>, vector<16xi1> -> vector<16xi32>
      %broadcast_in_dim3A_695 = arith.constant true
      %broadcast_in_dim3A_696 = vector.broadcast %broadcast_in_dim3A_695 : i1 to vector<16xi1>
      %masked_cumsum3A_697 = tpu.scan <sum>, %select_n3A_676 masked %broadcast_in_dim3A_696 : vector<16xi32>, vector<16xi1> -> vector<16xi32>
      %broadcast_in_dim3A_698 = arith.constant true
      %broadcast_in_dim3A_699 = vector.broadcast %broadcast_in_dim3A_698 : i1 to vector<16xi1>
      %masked_cumsum3A_700 = tpu.scan <sum>, %select_n3A_677 masked %broadcast_in_dim3A_699 : vector<16xi32>, vector<16xi1> -> vector<16xi32>
      %add3A_701 = arith.addi %scan3A_584, %masked_cumsum3A : vector<16xi32>
      %add3A_702 = arith.addi %scan3A_586, %masked_cumsum3A_682 : vector<16xi32>
      %add3A_703 = arith.addi %scan3A_588, %masked_cumsum3A_685 : vector<16xi32>
      %add3A_704 = arith.addi %scan3A_590, %masked_cumsum3A_688 : vector<16xi32>
      %add3A_705 = arith.addi %scan3A_592, %masked_cumsum3A_691 : vector<16xi32>
      %add3A_706 = arith.addi %scan3A_594, %masked_cumsum3A_694 : vector<16xi32>
      %add3A_707 = arith.addi %scan3A_596, %masked_cumsum3A_697 : vector<16xi32>
      %add3A_708 = arith.addi %scan3A_598, %masked_cumsum3A_700 : vector<16xi32>
      tpu.vector_store_idx %arg7[%add3A_701], %get3A_604 masked %gt3A_648 : memref<4096xf32, #tpu.memory_space<vmem>>[vector<16xi32>], vector<16xf32>, vector<16xi1>
      tpu.vector_store_idx %arg7[%add3A_702], %get3A_610 masked %gt3A_651 : memref<4096xf32, #tpu.memory_space<vmem>>[vector<16xi32>], vector<16xf32>, vector<16xi1>
      tpu.vector_store_idx %arg7[%add3A_703], %get3A_616 masked %gt3A_654 : memref<4096xf32, #tpu.memory_space<vmem>>[vector<16xi32>], vector<16xf32>, vector<16xi1>
      tpu.vector_store_idx %arg7[%add3A_704], %get3A_622 masked %gt3A_657 : memref<4096xf32, #tpu.memory_space<vmem>>[vector<16xi32>], vector<16xf32>, vector<16xi1>
      tpu.vector_store_idx %arg7[%add3A_705], %get3A_628 masked %gt3A_660 : memref<4096xf32, #tpu.memory_space<vmem>>[vector<16xi32>], vector<16xf32>, vector<16xi1>
      tpu.vector_store_idx %arg7[%add3A_706], %get3A_634 masked %gt3A_663 : memref<4096xf32, #tpu.memory_space<vmem>>[vector<16xi32>], vector<16xf32>, vector<16xi1>
      tpu.vector_store_idx %arg7[%add3A_707], %get3A_640 masked %gt3A_666 : memref<4096xf32, #tpu.memory_space<vmem>>[vector<16xi32>], vector<16xf32>, vector<16xi1>
      tpu.vector_store_idx %arg7[%add3A_708], %get3A_646 masked %gt3A_669 : memref<4096xf32, #tpu.memory_space<vmem>>[vector<16xi32>], vector<16xf32>, vector<16xi1>
      tpu.vector_store_idx %arg8[%add3A_701], %scan3A_585 masked %gt3A_648 : memref<4096xi32, #tpu.memory_space<vmem>>[vector<16xi32>], vector<16xi32>, vector<16xi1>
      tpu.vector_store_idx %arg8[%add3A_702], %scan3A_587 masked %gt3A_651 : memref<4096xi32, #tpu.memory_space<vmem>>[vector<16xi32>], vector<16xi32>, vector<16xi1>
      tpu.vector_store_idx %arg8[%add3A_703], %scan3A_589 masked %gt3A_654 : memref<4096xi32, #tpu.memory_space<vmem>>[vector<16xi32>], vector<16xi32>, vector<16xi1>
      tpu.vector_store_idx %arg8[%add3A_704], %scan3A_591 masked %gt3A_657 : memref<4096xi32, #tpu.memory_space<vmem>>[vector<16xi32>], vector<16xi32>, vector<16xi1>
      tpu.vector_store_idx %arg8[%add3A_705], %scan3A_593 masked %gt3A_660 : memref<4096xi32, #tpu.memory_space<vmem>>[vector<16xi32>], vector<16xi32>, vector<16xi1>
      tpu.vector_store_idx %arg8[%add3A_706], %scan3A_595 masked %gt3A_663 : memref<4096xi32, #tpu.memory_space<vmem>>[vector<16xi32>], vector<16xi32>, vector<16xi1>
      tpu.vector_store_idx %arg8[%add3A_707], %scan3A_597 masked %gt3A_666 : memref<4096xi32, #tpu.memory_space<vmem>>[vector<16xi32>], vector<16xi32>, vector<16xi1>
      tpu.vector_store_idx %arg8[%add3A_708], %scan3A_599 masked %gt3A_669 : memref<4096xi32, #tpu.memory_space<vmem>>[vector<16xi32>], vector<16xi32>, vector<16xi1>
      %all_reduce_population_count3A = tpu.all_reduce %gt3A_648 {dim = 0 : i64, kind = #tpu.reduction_kind<sum>} : vector<16xi1> -> vector<16xi32>
      %all_reduce_population_count3A_709 = tpu.all_reduce %gt3A_651 {dim = 0 : i64, kind = #tpu.reduction_kind<sum>} : vector<16xi1> -> vector<16xi32>
      %all_reduce_population_count3A_710 = tpu.all_reduce %gt3A_654 {dim = 0 : i64, kind = #tpu.reduction_kind<sum>} : vector<16xi1> -> vector<16xi32>
      %all_reduce_population_count3A_711 = tpu.all_reduce %gt3A_657 {dim = 0 : i64, kind = #tpu.reduction_kind<sum>} : vector<16xi1> -> vector<16xi32>
      %all_reduce_population_count3A_712 = tpu.all_reduce %gt3A_660 {dim = 0 : i64, kind = #tpu.reduction_kind<sum>} : vector<16xi1> -> vector<16xi32>
      %all_reduce_population_count3A_713 = tpu.all_reduce %gt3A_663 {dim = 0 : i64, kind = #tpu.reduction_kind<sum>} : vector<16xi1> -> vector<16xi32>
      %all_reduce_population_count3A_714 = tpu.all_reduce %gt3A_666 {dim = 0 : i64, kind = #tpu.reduction_kind<sum>} : vector<16xi1> -> vector<16xi32>
      %all_reduce_population_count3A_715 = tpu.all_reduce %gt3A_669 {dim = 0 : i64, kind = #tpu.reduction_kind<sum>} : vector<16xi1> -> vector<16xi32>
      %add3A_716 = arith.addi %scan3A_584, %all_reduce_population_count3A : vector<16xi32>
      %min3A = arith.minsi %add3A_716, %broadcast_in_dim3A_48 : vector<16xi32>
      %add3A_717 = arith.addi %scan3A_585, %broadcast_in_dim3A_46 : vector<16xi32>
      %add3A_718 = arith.addi %scan3A_586, %all_reduce_population_count3A_709 : vector<16xi32>
      %min3A_719 = arith.minsi %add3A_718, %broadcast_in_dim3A_50 : vector<16xi32>
      %add3A_720 = arith.addi %scan3A_587, %broadcast_in_dim3A_46 : vector<16xi32>
      %add3A_721 = arith.addi %scan3A_588, %all_reduce_population_count3A_710 : vector<16xi32>
      %min3A_722 = arith.minsi %add3A_721, %broadcast_in_dim3A_52 : vector<16xi32>
      %add3A_723 = arith.addi %scan3A_589, %broadcast_in_dim3A_46 : vector<16xi32>
      %add3A_724 = arith.addi %scan3A_590, %all_reduce_population_count3A_711 : vector<16xi32>
      %min3A_725 = arith.minsi %add3A_724, %broadcast_in_dim3A_54 : vector<16xi32>
      %add3A_726 = arith.addi %scan3A_591, %broadcast_in_dim3A_46 : vector<16xi32>
      %add3A_727 = arith.addi %scan3A_592, %all_reduce_population_count3A_712 : vector<16xi32>
      %min3A_728 = arith.minsi %add3A_727, %broadcast_in_dim3A_56 : vector<16xi32>
      %add3A_729 = arith.addi %scan3A_593, %broadcast_in_dim3A_46 : vector<16xi32>
      %add3A_730 = arith.addi %scan3A_594, %all_reduce_population_count3A_713 : vector<16xi32>
      %min3A_731 = arith.minsi %add3A_730, %broadcast_in_dim3A_58 : vector<16xi32>
      %add3A_732 = arith.addi %scan3A_595, %broadcast_in_dim3A_46 : vector<16xi32>
      %add3A_733 = arith.addi %scan3A_596, %all_reduce_population_count3A_714 : vector<16xi32>
      %min3A_734 = arith.minsi %add3A_733, %broadcast_in_dim3A_60 : vector<16xi32>
      %add3A_735 = arith.addi %scan3A_597, %broadcast_in_dim3A_46 : vector<16xi32>
      %add3A_736 = arith.addi %scan3A_598, %all_reduce_population_count3A_715 : vector<16xi32>
      %min3A_737 = arith.minsi %add3A_736, %broadcast_in_dim3A_62 : vector<16xi32>
      %add3A_738 = arith.addi %scan3A_599, %broadcast_in_dim3A_46 : vector<16xi32>
      %scan3A_739 = arith.constant 1 : i32
      %scan3A_740 = arith.addi %scan3A_583, %scan3A_739 : i32
      %add3A_741 = arith.constant 0 : i32
      %add3A_742 = arith.addi %add3A_741, %scan3A_740 : i32
      %mul3A_743 = arith.constant 16 : i32
      %mul3A_744 = arith.muli %add3A_742, %mul3A_743 : i32
      %get3A_745 = arith.index_cast %mul3A_744 : i32 to index
      %get3A_746 = tpu.vector_load %arg6[%get3A_745] {strides = array<i32>} : memref<16384xf32, #tpu.memory_space<vmem>>, vector<16xf32>,
      %add3A_747 = arith.constant 128 : i32
      %add3A_748 = arith.addi %add3A_747, %scan3A_740 : i32
      %mul3A_749 = arith.constant 16 : i32
      %mul3A_750 = arith.muli %add3A_748, %mul3A_749 : i32
      %get3A_751 = arith.index_cast %mul3A_750 : i32 to index
      %get3A_752 = tpu.vector_load %arg6[%get3A_751] {strides = array<i32>} : memref<16384xf32, #tpu.memory_space<vmem>>, vector<16xf32>,
      %add3A_753 = arith.constant 256 : i32
      %add3A_754 = arith.addi %add3A_753, %scan3A_740 : i32
      %mul3A_755 = arith.constant 16 : i32
      %mul3A_756 = arith.muli %add3A_754, %mul3A_755 : i32
      %get3A_757 = arith.index_cast %mul3A_756 : i32 to index
      %get3A_758 = tpu.vector_load %arg6[%get3A_757] {strides = array<i32>} : memref<16384xf32, #tpu.memory_space<vmem>>, vector<16xf32>,
      %add3A_759 = arith.constant 384 : i32
      %add3A_760 = arith.addi %add3A_759, %scan3A_740 : i32
      %mul3A_761 = arith.constant 16 : i32
      %mul3A_762 = arith.muli %add3A_760, %mul3A_761 : i32
      %get3A_763 = arith.index_cast %mul3A_762 : i32 to index
      %get3A_764 = tpu.vector_load %arg6[%get3A_763] {strides = array<i32>} : memref<16384xf32, #tpu.memory_space<vmem>>, vector<16xf32>,
      %add3A_765 = arith.constant 512 : i32
      %add3A_766 = arith.addi %add3A_765, %scan3A_740 : i32
      %mul3A_767 = arith.constant 16 : i32
      %mul3A_768 = arith.muli %add3A_766, %mul3A_767 : i32
      %get3A_769 = arith.index_cast %mul3A_768 : i32 to index
      %get3A_770 = tpu.vector_load %arg6[%get3A_769] {strides = array<i32>} : memref<16384xf32, #tpu.memory_space<vmem>>, vector<16xf32>,
      %add3A_771 = arith.constant 640 : i32
      %add3A_772 = arith.addi %add3A_771, %scan3A_740 : i32
      %mul3A_773 = arith.constant 16 : i32
      %mul3A_774 = arith.muli %add3A_772, %mul3A_773 : i32
      %get3A_775 = arith.index_cast %mul3A_774 : i32 to index
      %get3A_776 = tpu.vector_load %arg6[%get3A_775] {strides = array<i32>} : memref<16384xf32, #tpu.memory_space<vmem>>, vector<16xf32>,
      %add3A_777 = arith.constant 768 : i32
      %add3A_778 = arith.addi %add3A_777, %scan3A_740 : i32
      %mul3A_779 = arith.constant 16 : i32
      %mul3A_780 = arith.muli %add3A_778, %mul3A_779 : i32
      %get3A_781 = arith.index_cast %mul3A_780 : i32 to index
      %get3A_782 = tpu.vector_load %arg6[%get3A_781] {strides = array<i32>} : memref<16384xf32, #tpu.memory_space<vmem>>, vector<16xf32>,
      %add3A_783 = arith.constant 896 : i32
      %add3A_784 = arith.addi %add3A_783, %scan3A_740 : i32
      %mul3A_785 = arith.constant 16 : i32
      %mul3A_786 = arith.muli %add3A_784, %mul3A_785 : i32
      %get3A_787 = arith.index_cast %mul3A_786 : i32 to index
      %get3A_788 = tpu.vector_load %arg6[%get3A_787] {strides = array<i32>} : memref<16384xf32, #tpu.memory_space<vmem>>, vector<16xf32>,
      %gt3A_789 = arith.constant 0.000000e+00 : f32
      %gt3A_790 = vector.broadcast %gt3A_789 : f32 to vector<16xf32>
      %gt3A_791 = arith.cmpf ogt, %get3A_746, %gt3A_790 : vector<16xf32>
      %gt3A_792 = arith.constant 0.000000e+00 : f32
      %gt3A_793 = vector.broadcast %gt3A_792 : f32 to vector<16xf32>
      %gt3A_794 = arith.cmpf ogt, %get3A_752, %gt3A_793 : vector<16xf32>
      %gt3A_795 = arith.constant 0.000000e+00 : f32
      %gt3A_796 = vector.broadcast %gt3A_795 : f32 to vector<16xf32>
      %gt3A_797 = arith.cmpf ogt, %get3A_758, %gt3A_796 : vector<16xf32>
      %gt3A_798 = arith.constant 0.000000e+00 : f32
      %gt3A_799 = vector.broadcast %gt3A_798 : f32 to vector<16xf32>
      %gt3A_800 = arith.cmpf ogt, %get3A_764, %gt3A_799 : vector<16xf32>
      %gt3A_801 = arith.constant 0.000000e+00 : f32
      %gt3A_802 = vector.broadcast %gt3A_801 : f32 to vector<16xf32>
      %gt3A_803 = arith.cmpf ogt, %get3A_770, %gt3A_802 : vector<16xf32>
      %gt3A_804 = arith.constant 0.000000e+00 : f32
      %gt3A_805 = vector.broadcast %gt3A_804 : f32 to vector<16xf32>
      %gt3A_806 = arith.cmpf ogt, %get3A_776, %gt3A_805 : vector<16xf32>
      %gt3A_807 = arith.constant 0.000000e+00 : f32
      %gt3A_808 = vector.broadcast %gt3A_807 : f32 to vector<16xf32>
      %gt3A_809 = arith.cmpf ogt, %get3A_782, %gt3A_808 : vector<16xf32>
      %gt3A_810 = arith.constant 0.000000e+00 : f32
      %gt3A_811 = vector.broadcast %gt3A_810 : f32 to vector<16xf32>
      %gt3A_812 = arith.cmpf ogt, %get3A_788, %gt3A_811 : vector<16xf32>
      %select_n3A_813 = arith.select %gt3A_791, %broadcast_in_dim3A_39, %broadcast_in_dim3A_37 : vector<16xi1>, vector<16xi32>
      %select_n3A_814 = arith.select %gt3A_794, %broadcast_in_dim3A_39, %broadcast_in_dim3A_37 : vector<16xi1>, vector<16xi32>
      %select_n3A_815 = arith.select %gt3A_797, %broadcast_in_dim3A_39, %broadcast_in_dim3A_37 : vector<16xi1>, vector<16xi32>
      %select_n3A_816 = arith.select %gt3A_800, %broadcast_in_dim3A_39, %broadcast_in_dim3A_37 : vector<16xi1>, vector<16xi32>
      %select_n3A_817 = arith.select %gt3A_803, %broadcast_in_dim3A_39, %broadcast_in_dim3A_37 : vector<16xi1>, vector<16xi32>
      %select_n3A_818 = arith.select %gt3A_806, %broadcast_in_dim3A_39, %broadcast_in_dim3A_37 : vector<16xi1>, vector<16xi32>
      %select_n3A_819 = arith.select %gt3A_809, %broadcast_in_dim3A_39, %broadcast_in_dim3A_37 : vector<16xi1>, vector<16xi32>
      %select_n3A_820 = arith.select %gt3A_812, %broadcast_in_dim3A_39, %broadcast_in_dim3A_37 : vector<16xi1>, vector<16xi32>
      %broadcast_in_dim3A_821 = arith.constant true
      %broadcast_in_dim3A_822 = vector.broadcast %broadcast_in_dim3A_821 : i1 to vector<16xi1>
      %masked_cumsum3A_823 = tpu.scan <sum>, %select_n3A_813 masked %broadcast_in_dim3A_822 : vector<16xi32>, vector<16xi1> -> vector<16xi32>
      %broadcast_in_dim3A_824 = arith.constant true
      %broadcast_in_dim3A_825 = vector.broadcast %broadcast_in_dim3A_824 : i1 to vector<16xi1>
      %masked_cumsum3A_826 = tpu.scan <sum>, %select_n3A_814 masked %broadcast_in_dim3A_825 : vector<16xi32>, vector<16xi1> -> vector<16xi32>
      %broadcast_in_dim3A_827 = arith.constant true
      %broadcast_in_dim3A_828 = vector.broadcast %broadcast_in_dim3A_827 : i1 to vector<16xi1>
      %masked_cumsum3A_829 = tpu.scan <sum>, %select_n3A_815 masked %broadcast_in_dim3A_828 : vector<16xi32>, vector<16xi1> -> vector<16xi32>
      %broadcast_in_dim3A_830 = arith.constant true
      %broadcast_in_dim3A_831 = vector.broadcast %broadcast_in_dim3A_830 : i1 to vector<16xi1>
      %masked_cumsum3A_832 = tpu.scan <sum>, %select_n3A_816 masked %broadcast_in_dim3A_831 : vector<16xi32>, vector<16xi1> -> vector<16xi32>
      %broadcast_in_dim3A_833 = arith.constant true
      %broadcast_in_dim3A_834 = vector.broadcast %broadcast_in_dim3A_833 : i1 to vector<16xi1>
      %masked_cumsum3A_835 = tpu.scan <sum>, %select_n3A_817 masked %broadcast_in_dim3A_834 : vector<16xi32>, vector<16xi1> -> vector<16xi32>
      %broadcast_in_dim3A_836 = arith.constant true
      %broadcast_in_dim3A_837 = vector.broadcast %broadcast_in_dim3A_836 : i1 to vector<16xi1>
      %masked_cumsum3A_838 = tpu.scan <sum>, %select_n3A_818 masked %broadcast_in_dim3A_837 : vector<16xi32>, vector<16xi1> -> vector<16xi32>
      %broadcast_in_dim3A_839 = arith.constant true
      %broadcast_in_dim3A_840 = vector.broadcast %broadcast_in_dim3A_839 : i1 to vector<16xi1>
      %masked_cumsum3A_841 = tpu.scan <sum>, %select_n3A_819 masked %broadcast_in_dim3A_840 : vector<16xi32>, vector<16xi1> -> vector<16xi32>
      %broadcast_in_dim3A_842 = arith.constant true
      %broadcast_in_dim3A_843 = vector.broadcast %broadcast_in_dim3A_842 : i1 to vector<16xi1>
      %masked_cumsum3A_844 = tpu.scan <sum>, %select_n3A_820 masked %broadcast_in_dim3A_843 : vector<16xi32>, vector<16xi1> -> vector<16xi32>
      %add3A_845 = arith.addi %min3A, %masked_cumsum3A_823 : vector<16xi32>
      %add3A_846 = arith.addi %min3A_719, %masked_cumsum3A_826 : vector<16xi32>
      %add3A_847 = arith.addi %min3A_722, %masked_cumsum3A_829 : vector<16xi32>
      %add3A_848 = arith.addi %min3A_725, %masked_cumsum3A_832 : vector<16xi32>
      %add3A_849 = arith.addi %min3A_728, %masked_cumsum3A_835 : vector<16xi32>
      %add3A_850 = arith.addi %min3A_731, %masked_cumsum3A_838 : vector<16xi32>
      %add3A_851 = arith.addi %min3A_734, %masked_cumsum3A_841 : vector<16xi32>
      %add3A_852 = arith.addi %min3A_737, %masked_cumsum3A_844 : vector<16xi32>
      tpu.vector_store_idx %arg7[%add3A_845], %get3A_746 masked %gt3A_791 : memref<4096xf32, #tpu.memory_space<vmem>>[vector<16xi32>], vector<16xf32>, vector<16xi1>
      tpu.vector_store_idx %arg7[%add3A_846], %get3A_752 masked %gt3A_794 : memref<4096xf32, #tpu.memory_space<vmem>>[vector<16xi32>], vector<16xf32>, vector<16xi1>
      tpu.vector_store_idx %arg7[%add3A_847], %get3A_758 masked %gt3A_797 : memref<4096xf32, #tpu.memory_space<vmem>>[vector<16xi32>], vector<16xf32>, vector<16xi1>
      tpu.vector_store_idx %arg7[%add3A_848], %get3A_764 masked %gt3A_800 : memref<4096xf32, #tpu.memory_space<vmem>>[vector<16xi32>], vector<16xf32>, vector<16xi1>
      tpu.vector_store_idx %arg7[%add3A_849], %get3A_770 masked %gt3A_803 : memref<4096xf32, #tpu.memory_space<vmem>>[vector<16xi32>], vector<16xf32>, vector<16xi1>
      tpu.vector_store_idx %arg7[%add3A_850], %get3A_776 masked %gt3A_806 : memref<4096xf32, #tpu.memory_space<vmem>>[vector<16xi32>], vector<16xf32>, vector<16xi1>
      tpu.vector_store_idx %arg7[%add3A_851], %get3A_782 masked %gt3A_809 : memref<4096xf32, #tpu.memory_space<vmem>>[vector<16xi32>], vector<16xf32>, vector<16xi1>
      tpu.vector_store_idx %arg7[%add3A_852], %get3A_788 masked %gt3A_812 : memref<4096xf32, #tpu.memory_space<vmem>>[vector<16xi32>], vector<16xf32>, vector<16xi1>
      tpu.vector_store_idx %arg8[%add3A_845], %add3A_717 masked %gt3A_791 : memref<4096xi32, #tpu.memory_space<vmem>>[vector<16xi32>], vector<16xi32>, vector<16xi1>
      tpu.vector_store_idx %arg8[%add3A_846], %add3A_720 masked %gt3A_794 : memref<4096xi32, #tpu.memory_space<vmem>>[vector<16xi32>], vector<16xi32>, vector<16xi1>
      tpu.vector_store_idx %arg8[%add3A_847], %add3A_723 masked %gt3A_797 : memref<4096xi32, #tpu.memory_space<vmem>>[vector<16xi32>], vector<16xi32>, vector<16xi1>
      tpu.vector_store_idx %arg8[%add3A_848], %add3A_726 masked %gt3A_800 : memref<4096xi32, #tpu.memory_space<vmem>>[vector<16xi32>], vector<16xi32>, vector<16xi1>
      tpu.vector_store_idx %arg8[%add3A_849], %add3A_729 masked %gt3A_803 : memref<4096xi32, #tpu.memory_space<vmem>>[vector<16xi32>], vector<16xi32>, vector<16xi1>
      tpu.vector_store_idx %arg8[%add3A_850], %add3A_732 masked %gt3A_806 : memref<4096xi32, #tpu.memory_space<vmem>>[vector<16xi32>], vector<16xi32>, vector<16xi1>
      tpu.vector_store_idx %arg8[%add3A_851], %add3A_735 masked %gt3A_809 : memref<4096xi32, #tpu.memory_space<vmem>>[vector<16xi32>], vector<16xi32>, vector<16xi1>
      tpu.vector_store_idx %arg8[%add3A_852], %add3A_738 masked %gt3A_812 : memref<4096xi32, #tpu.memory_space<vmem>>[vector<16xi32>], vector<16xi32>, vector<16xi1>
      %all_reduce_population_count3A_853 = tpu.all_reduce %gt3A_791 {dim = 0 : i64, kind = #tpu.reduction_kind<sum>} : vector<16xi1> -> vector<16xi32>
      %all_reduce_population_count3A_854 = tpu.all_reduce %gt3A_794 {dim = 0 : i64, kind = #tpu.reduction_kind<sum>} : vector<16xi1> -> vector<16xi32>
      %all_reduce_population_count3A_855 = tpu.all_reduce %gt3A_797 {dim = 0 : i64, kind = #tpu.reduction_kind<sum>} : vector<16xi1> -> vector<16xi32>
      %all_reduce_population_count3A_856 = tpu.all_reduce %gt3A_800 {dim = 0 : i64, kind = #tpu.reduction_kind<sum>} : vector<16xi1> -> vector<16xi32>
      %all_reduce_population_count3A_857 = tpu.all_reduce %gt3A_803 {dim = 0 : i64, kind = #tpu.reduction_kind<sum>} : vector<16xi1> -> vector<16xi32>
      %all_reduce_population_count3A_858 = tpu.all_reduce %gt3A_806 {dim = 0 : i64, kind = #tpu.reduction_kind<sum>} : vector<16xi1> -> vector<16xi32>
      %all_reduce_population_count3A_859 = tpu.all_reduce %gt3A_809 {dim = 0 : i64, kind = #tpu.reduction_kind<sum>} : vector<16xi1> -> vector<16xi32>
      %all_reduce_population_count3A_860 = tpu.all_reduce %gt3A_812 {dim = 0 : i64, kind = #tpu.reduction_kind<sum>} : vector<16xi1> -> vector<16xi32>
      %add3A_861 = arith.addi %min3A, %all_reduce_population_count3A_853 : vector<16xi32>
      %min3A_862 = arith.minsi %add3A_861, %broadcast_in_dim3A_48 : vector<16xi32>
      %add3A_863 = arith.addi %add3A_717, %broadcast_in_dim3A_46 : vector<16xi32>
      %add3A_864 = arith.addi %min3A_719, %all_reduce_population_count3A_854 : vector<16xi32>
      %min3A_865 = arith.minsi %add3A_864, %broadcast_in_dim3A_50 : vector<16xi32>
      %add3A_866 = arith.addi %add3A_720, %broadcast_in_dim3A_46 : vector<16xi32>
      %add3A_867 = arith.addi %min3A_722, %all_reduce_population_count3A_855 : vector<16xi32>
      %min3A_868 = arith.minsi %add3A_867, %broadcast_in_dim3A_52 : vector<16xi32>
      %add3A_869 = arith.addi %add3A_723, %broadcast_in_dim3A_46 : vector<16xi32>
      %add3A_870 = arith.addi %min3A_725, %all_reduce_population_count3A_856 : vector<16xi32>
      %min3A_871 = arith.minsi %add3A_870, %broadcast_in_dim3A_54 : vector<16xi32>
      %add3A_872 = arith.addi %add3A_726, %broadcast_in_dim3A_46 : vector<16xi32>
      %add3A_873 = arith.addi %min3A_728, %all_reduce_population_count3A_857 : vector<16xi32>
      %min3A_874 = arith.minsi %add3A_873, %broadcast_in_dim3A_56 : vector<16xi32>
      %add3A_875 = arith.addi %add3A_729, %broadcast_in_dim3A_46 : vector<16xi32>
      %add3A_876 = arith.addi %min3A_731, %all_reduce_population_count3A_858 : vector<16xi32>
      %min3A_877 = arith.minsi %add3A_876, %broadcast_in_dim3A_58 : vector<16xi32>
      %add3A_878 = arith.addi %add3A_732, %broadcast_in_dim3A_46 : vector<16xi32>
      %add3A_879 = arith.addi %min3A_734, %all_reduce_population_count3A_859 : vector<16xi32>
      %min3A_880 = arith.minsi %add3A_879, %broadcast_in_dim3A_60 : vector<16xi32>
      %add3A_881 = arith.addi %add3A_735, %broadcast_in_dim3A_46 : vector<16xi32>
      %add3A_882 = arith.addi %min3A_737, %all_reduce_population_count3A_860 : vector<16xi32>
      %min3A_883 = arith.minsi %add3A_882, %broadcast_in_dim3A_62 : vector<16xi32>
      %add3A_884 = arith.addi %add3A_738, %broadcast_in_dim3A_46 : vector<16xi32>
      scf.yield %min3A_862, %add3A_863, %min3A_865, %add3A_866, %min3A_868, %add3A_869, %min3A_871, %add3A_872, %min3A_874, %add3A_875, %min3A_877, %add3A_878, %min3A_880, %add3A_881, %min3A_883, %add3A_884 : vector<16xi32>, vector<16xi32>, vector<16xi32>, vector<16xi32>, vector<16xi32>, vector<16xi32>, vector<16xi32>, vector<16xi32>, vector<16xi32>, vector<16xi32>, vector<16xi32>, vector<16xi32>, vector<16xi32>, vector<16xi32>, vector<16xi32>, vector<16xi32>
    }
    %scan3A_440 = arith.constant 128 : i32
    %add3A_441 = arith.constant 114688 : i32
    %add3A_442 = arith.addi %mul3A_32, %add3A_441 : i32
    %dma_start3A_443 = tpu.memref_slice %arg2[%add3A_442] : memref<4194304xf32, #tpu.memory_space<hbm>> -> memref<16384xf32, #tpu.memory_space<hbm>>
    %dma_start3A_444 = tpu.memref_slice %arg2[%add3A_442] : memref<4194304xf32, #tpu.memory_space<hbm>> -> memref<16384xf32, #tpu.memory_space<hbm>>
    tpu.enqueue_dma source(%dma_start3A_444 : memref<16384xf32, #tpu.memory_space<hbm>>) target(%arg6 : memref<16384xf32, #tpu.memory_space<vmem>>) target_semaphore(%arg12 : memref<!tpu.dma_semaphore, #tpu.memory_space<semaphore_mem>>)
    %dma_wait3A_445 = tpu.memref_slice %arg2[%add3A_382] : memref<4194304xf32, #tpu.memory_space<hbm>> -> memref<16384xf32, #tpu.memory_space<hbm>>
    %dma_wait3A_446 = tpu.memref_slice %arg2[%add3A_382] : memref<4194304xf32, #tpu.memory_space<hbm>> -> memref<16384xf32, #tpu.memory_space<hbm>>
    tpu.wait_dma2 semaphore(%arg11 : memref<!tpu.dma_semaphore, #tpu.memory_space<semaphore_mem>>) src(%dma_wait3A_446 : memref<16384xf32, #tpu.memory_space<hbm>>) dst(%arg5 : memref<16384xf32, #tpu.memory_space<vmem>>)
    %add3A_447 = arith.constant 98304 : i32
    %add3A_448 = arith.addi %mul3A_34, %add3A_447 : i32
    %add3A_449 = arith.constant 0 : i32
    %add3A_450 = arith.addi %add3A_448, %add3A_449 : i32
    %add3A_451 = vector.broadcast %add3A_450 : i32 to vector<16xi32>
    %add3A_452 = arith.addi %add3A_451, %iota3A : vector<16xi32>
    %add3A_453 = arith.constant 98304 : i32
    %add3A_454 = arith.addi %mul3A_34, %add3A_453 : i32
    %add3A_455 = arith.constant 2048 : i32
    %add3A_456 = arith.addi %add3A_454, %add3A_455 : i32
    %add3A_457 = vector.broadcast %add3A_456 : i32 to vector<16xi32>
    %add3A_458 = arith.addi %add3A_457, %iota3A : vector<16xi32>
    %add3A_459 = arith.constant 98304 : i32
    %add3A_460 = arith.addi %mul3A_34, %add3A_459 : i32
    %add3A_461 = arith.constant 4096 : i32
    %add3A_462 = arith.addi %add3A_460, %add3A_461 : i32
    %add3A_463 = vector.broadcast %add3A_462 : i32 to vector<16xi32>
    %add3A_464 = arith.addi %add3A_463, %iota3A : vector<16xi32>
    %add3A_465 = arith.constant 98304 : i32
    %add3A_466 = arith.addi %mul3A_34, %add3A_465 : i32
    %add3A_467 = arith.constant 6144 : i32
    %add3A_468 = arith.addi %add3A_466, %add3A_467 : i32
    %add3A_469 = vector.broadcast %add3A_468 : i32 to vector<16xi32>
    %add3A_470 = arith.addi %add3A_469, %iota3A : vector<16xi32>
    %add3A_471 = arith.constant 98304 : i32
    %add3A_472 = arith.addi %mul3A_34, %add3A_471 : i32
    %add3A_473 = arith.constant 8192 : i32
    %add3A_474 = arith.addi %add3A_472, %add3A_473 : i32
    %add3A_475 = vector.broadcast %add3A_474 : i32 to vector<16xi32>
    %add3A_476 = arith.addi %add3A_475, %iota3A : vector<16xi32>
    %add3A_477 = arith.constant 98304 : i32
    %add3A_478 = arith.addi %mul3A_34, %add3A_477 : i32
    %add3A_479 = arith.constant 10240 : i32
    %add3A_480 = arith.addi %add3A_478, %add3A_479 : i32
    %add3A_481 = vector.broadcast %add3A_480 : i32 to vector<16xi32>
    %add3A_482 = arith.addi %add3A_481, %iota3A : vector<16xi32>
    %add3A_483 = arith.constant 98304 : i32
    %add3A_484 = arith.addi %mul3A_34, %add3A_483 : i32
    %add3A_485 = arith.constant 12288 : i32
    %add3A_486 = arith.addi %add3A_484, %add3A_485 : i32
    %add3A_487 = vector.broadcast %add3A_486 : i32 to vector<16xi32>
    %add3A_488 = arith.addi %add3A_487, %iota3A : vector<16xi32>
    %add3A_489 = arith.constant 98304 : i32
    %add3A_490 = arith.addi %mul3A_34, %add3A_489 : i32
    %add3A_491 = arith.constant 14336 : i32
    %add3A_492 = arith.addi %add3A_490, %add3A_491 : i32
    %add3A_493 = vector.broadcast %add3A_492 : i32 to vector<16xi32>
    %add3A_494 = arith.addi %add3A_493, %iota3A : vector<16xi32>
    %scan3A_495 = arith.constant 0 : i32
    %scan3A_496 = arith.constant 128 : i32
    %scan3A_497 = arith.addi %scan3A_495, %scan3A_496 : i32
    %scan3A_498 = arith.constant 2 : i32
    %scan3A_499:16 = scf.for %scan3A_583 = %scan3A_495 to %scan3A_497 step %scan3A_498 iter_args(%scan3A_584 = %scan3A_439#0, %scan3A_585 = %add3A_452, %scan3A_586 = %scan3A_439#2, %scan3A_587 = %add3A_458, %scan3A_588 = %scan3A_439#4, %scan3A_589 = %add3A_464, %scan3A_590 = %scan3A_439#6, %scan3A_591 = %add3A_470, %scan3A_592 = %scan3A_439#8, %scan3A_593 = %add3A_476, %scan3A_594 = %scan3A_439#10, %scan3A_595 = %add3A_482, %scan3A_596 = %scan3A_439#12, %scan3A_597 = %add3A_488, %scan3A_598 = %scan3A_439#14, %scan3A_599 = %add3A_494) -> (vector<16xi32>, vector<16xi32>, vector<16xi32>, vector<16xi32>, vector<16xi32>, vector<16xi32>, vector<16xi32>, vector<16xi32>, vector<16xi32>, vector<16xi32>, vector<16xi32>, vector<16xi32>, vector<16xi32>, vector<16xi32>, vector<16xi32>, vector<16xi32>)  : i32 {
      %add3A_600 = arith.constant 0 : i32
      %add3A_601 = arith.addi %add3A_600, %scan3A_583 : i32
      %mul3A_602 = arith.constant 16 : i32
      %mul3A_603 = arith.muli %add3A_601, %mul3A_602 : i32
      %get3A = arith.index_cast %mul3A_603 : i32 to index
      %get3A_604 = tpu.vector_load %arg5[%get3A] {strides = array<i32>} : memref<16384xf32, #tpu.memory_space<vmem>>, vector<16xf32>,
      %add3A_605 = arith.constant 128 : i32
      %add3A_606 = arith.addi %add3A_605, %scan3A_583 : i32
      %mul3A_607 = arith.constant 16 : i32
      %mul3A_608 = arith.muli %add3A_606, %mul3A_607 : i32
      %get3A_609 = arith.index_cast %mul3A_608 : i32 to index
      %get3A_610 = tpu.vector_load %arg5[%get3A_609] {strides = array<i32>} : memref<16384xf32, #tpu.memory_space<vmem>>, vector<16xf32>,
      %add3A_611 = arith.constant 256 : i32
      %add3A_612 = arith.addi %add3A_611, %scan3A_583 : i32
      %mul3A_613 = arith.constant 16 : i32
      %mul3A_614 = arith.muli %add3A_612, %mul3A_613 : i32
      %get3A_615 = arith.index_cast %mul3A_614 : i32 to index
      %get3A_616 = tpu.vector_load %arg5[%get3A_615] {strides = array<i32>} : memref<16384xf32, #tpu.memory_space<vmem>>, vector<16xf32>,
      %add3A_617 = arith.constant 384 : i32
      %add3A_618 = arith.addi %add3A_617, %scan3A_583 : i32
      %mul3A_619 = arith.constant 16 : i32
      %mul3A_620 = arith.muli %add3A_618, %mul3A_619 : i32
      %get3A_621 = arith.index_cast %mul3A_620 : i32 to index
      %get3A_622 = tpu.vector_load %arg5[%get3A_621] {strides = array<i32>} : memref<16384xf32, #tpu.memory_space<vmem>>, vector<16xf32>,
      %add3A_623 = arith.constant 512 : i32
      %add3A_624 = arith.addi %add3A_623, %scan3A_583 : i32
      %mul3A_625 = arith.constant 16 : i32
      %mul3A_626 = arith.muli %add3A_624, %mul3A_625 : i32
      %get3A_627 = arith.index_cast %mul3A_626 : i32 to index
      %get3A_628 = tpu.vector_load %arg5[%get3A_627] {strides = array<i32>} : memref<16384xf32, #tpu.memory_space<vmem>>, vector<16xf32>,
      %add3A_629 = arith.constant 640 : i32
      %add3A_630 = arith.addi %add3A_629, %scan3A_583 : i32
      %mul3A_631 = arith.constant 16 : i32
      %mul3A_632 = arith.muli %add3A_630, %mul3A_631 : i32
      %get3A_633 = arith.index_cast %mul3A_632 : i32 to index
      %get3A_634 = tpu.vector_load %arg5[%get3A_633] {strides = array<i32>} : memref<16384xf32, #tpu.memory_space<vmem>>, vector<16xf32>,
      %add3A_635 = arith.constant 768 : i32
      %add3A_636 = arith.addi %add3A_635, %scan3A_583 : i32
      %mul3A_637 = arith.constant 16 : i32
      %mul3A_638 = arith.muli %add3A_636, %mul3A_637 : i32
      %get3A_639 = arith.index_cast %mul3A_638 : i32 to index
      %get3A_640 = tpu.vector_load %arg5[%get3A_639] {strides = array<i32>} : memref<16384xf32, #tpu.memory_space<vmem>>, vector<16xf32>,
      %add3A_641 = arith.constant 896 : i32
      %add3A_642 = arith.addi %add3A_641, %scan3A_583 : i32
      %mul3A_643 = arith.constant 16 : i32
      %mul3A_644 = arith.muli %add3A_642, %mul3A_643 : i32
      %get3A_645 = arith.index_cast %mul3A_644 : i32 to index
      %get3A_646 = tpu.vector_load %arg5[%get3A_645] {strides = array<i32>} : memref<16384xf32, #tpu.memory_space<vmem>>, vector<16xf32>,
      %gt3A = arith.constant 0.000000e+00 : f32
      %gt3A_647 = vector.broadcast %gt3A : f32 to vector<16xf32>
      %gt3A_648 = arith.cmpf ogt, %get3A_604, %gt3A_647 : vector<16xf32>
      %gt3A_649 = arith.constant 0.000000e+00 : f32
      %gt3A_650 = vector.broadcast %gt3A_649 : f32 to vector<16xf32>
      %gt3A_651 = arith.cmpf ogt, %get3A_610, %gt3A_650 : vector<16xf32>
      %gt3A_652 = arith.constant 0.000000e+00 : f32
      %gt3A_653 = vector.broadcast %gt3A_652 : f32 to vector<16xf32>
      %gt3A_654 = arith.cmpf ogt, %get3A_616, %gt3A_653 : vector<16xf32>
      %gt3A_655 = arith.constant 0.000000e+00 : f32
      %gt3A_656 = vector.broadcast %gt3A_655 : f32 to vector<16xf32>
      %gt3A_657 = arith.cmpf ogt, %get3A_622, %gt3A_656 : vector<16xf32>
      %gt3A_658 = arith.constant 0.000000e+00 : f32
      %gt3A_659 = vector.broadcast %gt3A_658 : f32 to vector<16xf32>
      %gt3A_660 = arith.cmpf ogt, %get3A_628, %gt3A_659 : vector<16xf32>
      %gt3A_661 = arith.constant 0.000000e+00 : f32
      %gt3A_662 = vector.broadcast %gt3A_661 : f32 to vector<16xf32>
      %gt3A_663 = arith.cmpf ogt, %get3A_634, %gt3A_662 : vector<16xf32>
      %gt3A_664 = arith.constant 0.000000e+00 : f32
      %gt3A_665 = vector.broadcast %gt3A_664 : f32 to vector<16xf32>
      %gt3A_666 = arith.cmpf ogt, %get3A_640, %gt3A_665 : vector<16xf32>
      %gt3A_667 = arith.constant 0.000000e+00 : f32
      %gt3A_668 = vector.broadcast %gt3A_667 : f32 to vector<16xf32>
      %gt3A_669 = arith.cmpf ogt, %get3A_646, %gt3A_668 : vector<16xf32>
      %select_n3A_670 = arith.select %gt3A_648, %broadcast_in_dim3A_39, %broadcast_in_dim3A_37 : vector<16xi1>, vector<16xi32>
      %select_n3A_671 = arith.select %gt3A_651, %broadcast_in_dim3A_39, %broadcast_in_dim3A_37 : vector<16xi1>, vector<16xi32>
      %select_n3A_672 = arith.select %gt3A_654, %broadcast_in_dim3A_39, %broadcast_in_dim3A_37 : vector<16xi1>, vector<16xi32>
      %select_n3A_673 = arith.select %gt3A_657, %broadcast_in_dim3A_39, %broadcast_in_dim3A_37 : vector<16xi1>, vector<16xi32>
      %select_n3A_674 = arith.select %gt3A_660, %broadcast_in_dim3A_39, %broadcast_in_dim3A_37 : vector<16xi1>, vector<16xi32>
      %select_n3A_675 = arith.select %gt3A_663, %broadcast_in_dim3A_39, %broadcast_in_dim3A_37 : vector<16xi1>, vector<16xi32>
      %select_n3A_676 = arith.select %gt3A_666, %broadcast_in_dim3A_39, %broadcast_in_dim3A_37 : vector<16xi1>, vector<16xi32>
      %select_n3A_677 = arith.select %gt3A_669, %broadcast_in_dim3A_39, %broadcast_in_dim3A_37 : vector<16xi1>, vector<16xi32>
      %broadcast_in_dim3A_678 = arith.constant true
      %broadcast_in_dim3A_679 = vector.broadcast %broadcast_in_dim3A_678 : i1 to vector<16xi1>
      %masked_cumsum3A = tpu.scan <sum>, %select_n3A_670 masked %broadcast_in_dim3A_679 : vector<16xi32>, vector<16xi1> -> vector<16xi32>
      %broadcast_in_dim3A_680 = arith.constant true
      %broadcast_in_dim3A_681 = vector.broadcast %broadcast_in_dim3A_680 : i1 to vector<16xi1>
      %masked_cumsum3A_682 = tpu.scan <sum>, %select_n3A_671 masked %broadcast_in_dim3A_681 : vector<16xi32>, vector<16xi1> -> vector<16xi32>
      %broadcast_in_dim3A_683 = arith.constant true
      %broadcast_in_dim3A_684 = vector.broadcast %broadcast_in_dim3A_683 : i1 to vector<16xi1>
      %masked_cumsum3A_685 = tpu.scan <sum>, %select_n3A_672 masked %broadcast_in_dim3A_684 : vector<16xi32>, vector<16xi1> -> vector<16xi32>
      %broadcast_in_dim3A_686 = arith.constant true
      %broadcast_in_dim3A_687 = vector.broadcast %broadcast_in_dim3A_686 : i1 to vector<16xi1>
      %masked_cumsum3A_688 = tpu.scan <sum>, %select_n3A_673 masked %broadcast_in_dim3A_687 : vector<16xi32>, vector<16xi1> -> vector<16xi32>
      %broadcast_in_dim3A_689 = arith.constant true
      %broadcast_in_dim3A_690 = vector.broadcast %broadcast_in_dim3A_689 : i1 to vector<16xi1>
      %masked_cumsum3A_691 = tpu.scan <sum>, %select_n3A_674 masked %broadcast_in_dim3A_690 : vector<16xi32>, vector<16xi1> -> vector<16xi32>
      %broadcast_in_dim3A_692 = arith.constant true
      %broadcast_in_dim3A_693 = vector.broadcast %broadcast_in_dim3A_692 : i1 to vector<16xi1>
      %masked_cumsum3A_694 = tpu.scan <sum>, %select_n3A_675 masked %broadcast_in_dim3A_693 : vector<16xi32>, vector<16xi1> -> vector<16xi32>
      %broadcast_in_dim3A_695 = arith.constant true
      %broadcast_in_dim3A_696 = vector.broadcast %broadcast_in_dim3A_695 : i1 to vector<16xi1>
      %masked_cumsum3A_697 = tpu.scan <sum>, %select_n3A_676 masked %broadcast_in_dim3A_696 : vector<16xi32>, vector<16xi1> -> vector<16xi32>
      %broadcast_in_dim3A_698 = arith.constant true
      %broadcast_in_dim3A_699 = vector.broadcast %broadcast_in_dim3A_698 : i1 to vector<16xi1>
      %masked_cumsum3A_700 = tpu.scan <sum>, %select_n3A_677 masked %broadcast_in_dim3A_699 : vector<16xi32>, vector<16xi1> -> vector<16xi32>
      %add3A_701 = arith.addi %scan3A_584, %masked_cumsum3A : vector<16xi32>
      %add3A_702 = arith.addi %scan3A_586, %masked_cumsum3A_682 : vector<16xi32>
      %add3A_703 = arith.addi %scan3A_588, %masked_cumsum3A_685 : vector<16xi32>
      %add3A_704 = arith.addi %scan3A_590, %masked_cumsum3A_688 : vector<16xi32>
      %add3A_705 = arith.addi %scan3A_592, %masked_cumsum3A_691 : vector<16xi32>
      %add3A_706 = arith.addi %scan3A_594, %masked_cumsum3A_694 : vector<16xi32>
      %add3A_707 = arith.addi %scan3A_596, %masked_cumsum3A_697 : vector<16xi32>
      %add3A_708 = arith.addi %scan3A_598, %masked_cumsum3A_700 : vector<16xi32>
      tpu.vector_store_idx %arg7[%add3A_701], %get3A_604 masked %gt3A_648 : memref<4096xf32, #tpu.memory_space<vmem>>[vector<16xi32>], vector<16xf32>, vector<16xi1>
      tpu.vector_store_idx %arg7[%add3A_702], %get3A_610 masked %gt3A_651 : memref<4096xf32, #tpu.memory_space<vmem>>[vector<16xi32>], vector<16xf32>, vector<16xi1>
      tpu.vector_store_idx %arg7[%add3A_703], %get3A_616 masked %gt3A_654 : memref<4096xf32, #tpu.memory_space<vmem>>[vector<16xi32>], vector<16xf32>, vector<16xi1>
      tpu.vector_store_idx %arg7[%add3A_704], %get3A_622 masked %gt3A_657 : memref<4096xf32, #tpu.memory_space<vmem>>[vector<16xi32>], vector<16xf32>, vector<16xi1>
      tpu.vector_store_idx %arg7[%add3A_705], %get3A_628 masked %gt3A_660 : memref<4096xf32, #tpu.memory_space<vmem>>[vector<16xi32>], vector<16xf32>, vector<16xi1>
      tpu.vector_store_idx %arg7[%add3A_706], %get3A_634 masked %gt3A_663 : memref<4096xf32, #tpu.memory_space<vmem>>[vector<16xi32>], vector<16xf32>, vector<16xi1>
      tpu.vector_store_idx %arg7[%add3A_707], %get3A_640 masked %gt3A_666 : memref<4096xf32, #tpu.memory_space<vmem>>[vector<16xi32>], vector<16xf32>, vector<16xi1>
      tpu.vector_store_idx %arg7[%add3A_708], %get3A_646 masked %gt3A_669 : memref<4096xf32, #tpu.memory_space<vmem>>[vector<16xi32>], vector<16xf32>, vector<16xi1>
      tpu.vector_store_idx %arg8[%add3A_701], %scan3A_585 masked %gt3A_648 : memref<4096xi32, #tpu.memory_space<vmem>>[vector<16xi32>], vector<16xi32>, vector<16xi1>
      tpu.vector_store_idx %arg8[%add3A_702], %scan3A_587 masked %gt3A_651 : memref<4096xi32, #tpu.memory_space<vmem>>[vector<16xi32>], vector<16xi32>, vector<16xi1>
      tpu.vector_store_idx %arg8[%add3A_703], %scan3A_589 masked %gt3A_654 : memref<4096xi32, #tpu.memory_space<vmem>>[vector<16xi32>], vector<16xi32>, vector<16xi1>
      tpu.vector_store_idx %arg8[%add3A_704], %scan3A_591 masked %gt3A_657 : memref<4096xi32, #tpu.memory_space<vmem>>[vector<16xi32>], vector<16xi32>, vector<16xi1>
      tpu.vector_store_idx %arg8[%add3A_705], %scan3A_593 masked %gt3A_660 : memref<4096xi32, #tpu.memory_space<vmem>>[vector<16xi32>], vector<16xi32>, vector<16xi1>
      tpu.vector_store_idx %arg8[%add3A_706], %scan3A_595 masked %gt3A_663 : memref<4096xi32, #tpu.memory_space<vmem>>[vector<16xi32>], vector<16xi32>, vector<16xi1>
      tpu.vector_store_idx %arg8[%add3A_707], %scan3A_597 masked %gt3A_666 : memref<4096xi32, #tpu.memory_space<vmem>>[vector<16xi32>], vector<16xi32>, vector<16xi1>
      tpu.vector_store_idx %arg8[%add3A_708], %scan3A_599 masked %gt3A_669 : memref<4096xi32, #tpu.memory_space<vmem>>[vector<16xi32>], vector<16xi32>, vector<16xi1>
      %all_reduce_population_count3A = tpu.all_reduce %gt3A_648 {dim = 0 : i64, kind = #tpu.reduction_kind<sum>} : vector<16xi1> -> vector<16xi32>
      %all_reduce_population_count3A_709 = tpu.all_reduce %gt3A_651 {dim = 0 : i64, kind = #tpu.reduction_kind<sum>} : vector<16xi1> -> vector<16xi32>
      %all_reduce_population_count3A_710 = tpu.all_reduce %gt3A_654 {dim = 0 : i64, kind = #tpu.reduction_kind<sum>} : vector<16xi1> -> vector<16xi32>
      %all_reduce_population_count3A_711 = tpu.all_reduce %gt3A_657 {dim = 0 : i64, kind = #tpu.reduction_kind<sum>} : vector<16xi1> -> vector<16xi32>
      %all_reduce_population_count3A_712 = tpu.all_reduce %gt3A_660 {dim = 0 : i64, kind = #tpu.reduction_kind<sum>} : vector<16xi1> -> vector<16xi32>
      %all_reduce_population_count3A_713 = tpu.all_reduce %gt3A_663 {dim = 0 : i64, kind = #tpu.reduction_kind<sum>} : vector<16xi1> -> vector<16xi32>
      %all_reduce_population_count3A_714 = tpu.all_reduce %gt3A_666 {dim = 0 : i64, kind = #tpu.reduction_kind<sum>} : vector<16xi1> -> vector<16xi32>
      %all_reduce_population_count3A_715 = tpu.all_reduce %gt3A_669 {dim = 0 : i64, kind = #tpu.reduction_kind<sum>} : vector<16xi1> -> vector<16xi32>
      %add3A_716 = arith.addi %scan3A_584, %all_reduce_population_count3A : vector<16xi32>
      %min3A = arith.minsi %add3A_716, %broadcast_in_dim3A_48 : vector<16xi32>
      %add3A_717 = arith.addi %scan3A_585, %broadcast_in_dim3A_46 : vector<16xi32>
      %add3A_718 = arith.addi %scan3A_586, %all_reduce_population_count3A_709 : vector<16xi32>
      %min3A_719 = arith.minsi %add3A_718, %broadcast_in_dim3A_50 : vector<16xi32>
      %add3A_720 = arith.addi %scan3A_587, %broadcast_in_dim3A_46 : vector<16xi32>
      %add3A_721 = arith.addi %scan3A_588, %all_reduce_population_count3A_710 : vector<16xi32>
      %min3A_722 = arith.minsi %add3A_721, %broadcast_in_dim3A_52 : vector<16xi32>
      %add3A_723 = arith.addi %scan3A_589, %broadcast_in_dim3A_46 : vector<16xi32>
      %add3A_724 = arith.addi %scan3A_590, %all_reduce_population_count3A_711 : vector<16xi32>
      %min3A_725 = arith.minsi %add3A_724, %broadcast_in_dim3A_54 : vector<16xi32>
      %add3A_726 = arith.addi %scan3A_591, %broadcast_in_dim3A_46 : vector<16xi32>
      %add3A_727 = arith.addi %scan3A_592, %all_reduce_population_count3A_712 : vector<16xi32>
      %min3A_728 = arith.minsi %add3A_727, %broadcast_in_dim3A_56 : vector<16xi32>
      %add3A_729 = arith.addi %scan3A_593, %broadcast_in_dim3A_46 : vector<16xi32>
      %add3A_730 = arith.addi %scan3A_594, %all_reduce_population_count3A_713 : vector<16xi32>
      %min3A_731 = arith.minsi %add3A_730, %broadcast_in_dim3A_58 : vector<16xi32>
      %add3A_732 = arith.addi %scan3A_595, %broadcast_in_dim3A_46 : vector<16xi32>
      %add3A_733 = arith.addi %scan3A_596, %all_reduce_population_count3A_714 : vector<16xi32>
      %min3A_734 = arith.minsi %add3A_733, %broadcast_in_dim3A_60 : vector<16xi32>
      %add3A_735 = arith.addi %scan3A_597, %broadcast_in_dim3A_46 : vector<16xi32>
      %add3A_736 = arith.addi %scan3A_598, %all_reduce_population_count3A_715 : vector<16xi32>
      %min3A_737 = arith.minsi %add3A_736, %broadcast_in_dim3A_62 : vector<16xi32>
      %add3A_738 = arith.addi %scan3A_599, %broadcast_in_dim3A_46 : vector<16xi32>
      %scan3A_739 = arith.constant 1 : i32
      %scan3A_740 = arith.addi %scan3A_583, %scan3A_739 : i32
      %add3A_741 = arith.constant 0 : i32
      %add3A_742 = arith.addi %add3A_741, %scan3A_740 : i32
      %mul3A_743 = arith.constant 16 : i32
      %mul3A_744 = arith.muli %add3A_742, %mul3A_743 : i32
      %get3A_745 = arith.index_cast %mul3A_744 : i32 to index
      %get3A_746 = tpu.vector_load %arg5[%get3A_745] {strides = array<i32>} : memref<16384xf32, #tpu.memory_space<vmem>>, vector<16xf32>,
      %add3A_747 = arith.constant 128 : i32
      %add3A_748 = arith.addi %add3A_747, %scan3A_740 : i32
      %mul3A_749 = arith.constant 16 : i32
      %mul3A_750 = arith.muli %add3A_748, %mul3A_749 : i32
      %get3A_751 = arith.index_cast %mul3A_750 : i32 to index
      %get3A_752 = tpu.vector_load %arg5[%get3A_751] {strides = array<i32>} : memref<16384xf32, #tpu.memory_space<vmem>>, vector<16xf32>,
      %add3A_753 = arith.constant 256 : i32
      %add3A_754 = arith.addi %add3A_753, %scan3A_740 : i32
      %mul3A_755 = arith.constant 16 : i32
      %mul3A_756 = arith.muli %add3A_754, %mul3A_755 : i32
      %get3A_757 = arith.index_cast %mul3A_756 : i32 to index
      %get3A_758 = tpu.vector_load %arg5[%get3A_757] {strides = array<i32>} : memref<16384xf32, #tpu.memory_space<vmem>>, vector<16xf32>,
      %add3A_759 = arith.constant 384 : i32
      %add3A_760 = arith.addi %add3A_759, %scan3A_740 : i32
      %mul3A_761 = arith.constant 16 : i32
      %mul3A_762 = arith.muli %add3A_760, %mul3A_761 : i32
      %get3A_763 = arith.index_cast %mul3A_762 : i32 to index
      %get3A_764 = tpu.vector_load %arg5[%get3A_763] {strides = array<i32>} : memref<16384xf32, #tpu.memory_space<vmem>>, vector<16xf32>,
      %add3A_765 = arith.constant 512 : i32
      %add3A_766 = arith.addi %add3A_765, %scan3A_740 : i32
      %mul3A_767 = arith.constant 16 : i32
      %mul3A_768 = arith.muli %add3A_766, %mul3A_767 : i32
      %get3A_769 = arith.index_cast %mul3A_768 : i32 to index
      %get3A_770 = tpu.vector_load %arg5[%get3A_769] {strides = array<i32>} : memref<16384xf32, #tpu.memory_space<vmem>>, vector<16xf32>,
      %add3A_771 = arith.constant 640 : i32
      %add3A_772 = arith.addi %add3A_771, %scan3A_740 : i32
      %mul3A_773 = arith.constant 16 : i32
      %mul3A_774 = arith.muli %add3A_772, %mul3A_773 : i32
      %get3A_775 = arith.index_cast %mul3A_774 : i32 to index
      %get3A_776 = tpu.vector_load %arg5[%get3A_775] {strides = array<i32>} : memref<16384xf32, #tpu.memory_space<vmem>>, vector<16xf32>,
      %add3A_777 = arith.constant 768 : i32
      %add3A_778 = arith.addi %add3A_777, %scan3A_740 : i32
      %mul3A_779 = arith.constant 16 : i32
      %mul3A_780 = arith.muli %add3A_778, %mul3A_779 : i32
      %get3A_781 = arith.index_cast %mul3A_780 : i32 to index
      %get3A_782 = tpu.vector_load %arg5[%get3A_781] {strides = array<i32>} : memref<16384xf32, #tpu.memory_space<vmem>>, vector<16xf32>,
      %add3A_783 = arith.constant 896 : i32
      %add3A_784 = arith.addi %add3A_783, %scan3A_740 : i32
      %mul3A_785 = arith.constant 16 : i32
      %mul3A_786 = arith.muli %add3A_784, %mul3A_785 : i32
      %get3A_787 = arith.index_cast %mul3A_786 : i32 to index
      %get3A_788 = tpu.vector_load %arg5[%get3A_787] {strides = array<i32>} : memref<16384xf32, #tpu.memory_space<vmem>>, vector<16xf32>,
      %gt3A_789 = arith.constant 0.000000e+00 : f32
      %gt3A_790 = vector.broadcast %gt3A_789 : f32 to vector<16xf32>
      %gt3A_791 = arith.cmpf ogt, %get3A_746, %gt3A_790 : vector<16xf32>
      %gt3A_792 = arith.constant 0.000000e+00 : f32
      %gt3A_793 = vector.broadcast %gt3A_792 : f32 to vector<16xf32>
      %gt3A_794 = arith.cmpf ogt, %get3A_752, %gt3A_793 : vector<16xf32>
      %gt3A_795 = arith.constant 0.000000e+00 : f32
      %gt3A_796 = vector.broadcast %gt3A_795 : f32 to vector<16xf32>
      %gt3A_797 = arith.cmpf ogt, %get3A_758, %gt3A_796 : vector<16xf32>
      %gt3A_798 = arith.constant 0.000000e+00 : f32
      %gt3A_799 = vector.broadcast %gt3A_798 : f32 to vector<16xf32>
      %gt3A_800 = arith.cmpf ogt, %get3A_764, %gt3A_799 : vector<16xf32>
      %gt3A_801 = arith.constant 0.000000e+00 : f32
      %gt3A_802 = vector.broadcast %gt3A_801 : f32 to vector<16xf32>
      %gt3A_803 = arith.cmpf ogt, %get3A_770, %gt3A_802 : vector<16xf32>
      %gt3A_804 = arith.constant 0.000000e+00 : f32
      %gt3A_805 = vector.broadcast %gt3A_804 : f32 to vector<16xf32>
      %gt3A_806 = arith.cmpf ogt, %get3A_776, %gt3A_805 : vector<16xf32>
      %gt3A_807 = arith.constant 0.000000e+00 : f32
      %gt3A_808 = vector.broadcast %gt3A_807 : f32 to vector<16xf32>
      %gt3A_809 = arith.cmpf ogt, %get3A_782, %gt3A_808 : vector<16xf32>
      %gt3A_810 = arith.constant 0.000000e+00 : f32
      %gt3A_811 = vector.broadcast %gt3A_810 : f32 to vector<16xf32>
      %gt3A_812 = arith.cmpf ogt, %get3A_788, %gt3A_811 : vector<16xf32>
      %select_n3A_813 = arith.select %gt3A_791, %broadcast_in_dim3A_39, %broadcast_in_dim3A_37 : vector<16xi1>, vector<16xi32>
      %select_n3A_814 = arith.select %gt3A_794, %broadcast_in_dim3A_39, %broadcast_in_dim3A_37 : vector<16xi1>, vector<16xi32>
      %select_n3A_815 = arith.select %gt3A_797, %broadcast_in_dim3A_39, %broadcast_in_dim3A_37 : vector<16xi1>, vector<16xi32>
      %select_n3A_816 = arith.select %gt3A_800, %broadcast_in_dim3A_39, %broadcast_in_dim3A_37 : vector<16xi1>, vector<16xi32>
      %select_n3A_817 = arith.select %gt3A_803, %broadcast_in_dim3A_39, %broadcast_in_dim3A_37 : vector<16xi1>, vector<16xi32>
      %select_n3A_818 = arith.select %gt3A_806, %broadcast_in_dim3A_39, %broadcast_in_dim3A_37 : vector<16xi1>, vector<16xi32>
      %select_n3A_819 = arith.select %gt3A_809, %broadcast_in_dim3A_39, %broadcast_in_dim3A_37 : vector<16xi1>, vector<16xi32>
      %select_n3A_820 = arith.select %gt3A_812, %broadcast_in_dim3A_39, %broadcast_in_dim3A_37 : vector<16xi1>, vector<16xi32>
      %broadcast_in_dim3A_821 = arith.constant true
      %broadcast_in_dim3A_822 = vector.broadcast %broadcast_in_dim3A_821 : i1 to vector<16xi1>
      %masked_cumsum3A_823 = tpu.scan <sum>, %select_n3A_813 masked %broadcast_in_dim3A_822 : vector<16xi32>, vector<16xi1> -> vector<16xi32>
      %broadcast_in_dim3A_824 = arith.constant true
      %broadcast_in_dim3A_825 = vector.broadcast %broadcast_in_dim3A_824 : i1 to vector<16xi1>
      %masked_cumsum3A_826 = tpu.scan <sum>, %select_n3A_814 masked %broadcast_in_dim3A_825 : vector<16xi32>, vector<16xi1> -> vector<16xi32>
      %broadcast_in_dim3A_827 = arith.constant true
      %broadcast_in_dim3A_828 = vector.broadcast %broadcast_in_dim3A_827 : i1 to vector<16xi1>
      %masked_cumsum3A_829 = tpu.scan <sum>, %select_n3A_815 masked %broadcast_in_dim3A_828 : vector<16xi32>, vector<16xi1> -> vector<16xi32>
      %broadcast_in_dim3A_830 = arith.constant true
      %broadcast_in_dim3A_831 = vector.broadcast %broadcast_in_dim3A_830 : i1 to vector<16xi1>
      %masked_cumsum3A_832 = tpu.scan <sum>, %select_n3A_816 masked %broadcast_in_dim3A_831 : vector<16xi32>, vector<16xi1> -> vector<16xi32>
      %broadcast_in_dim3A_833 = arith.constant true
      %broadcast_in_dim3A_834 = vector.broadcast %broadcast_in_dim3A_833 : i1 to vector<16xi1>
      %masked_cumsum3A_835 = tpu.scan <sum>, %select_n3A_817 masked %broadcast_in_dim3A_834 : vector<16xi32>, vector<16xi1> -> vector<16xi32>
      %broadcast_in_dim3A_836 = arith.constant true
      %broadcast_in_dim3A_837 = vector.broadcast %broadcast_in_dim3A_836 : i1 to vector<16xi1>
      %masked_cumsum3A_838 = tpu.scan <sum>, %select_n3A_818 masked %broadcast_in_dim3A_837 : vector<16xi32>, vector<16xi1> -> vector<16xi32>
      %broadcast_in_dim3A_839 = arith.constant true
      %broadcast_in_dim3A_840 = vector.broadcast %broadcast_in_dim3A_839 : i1 to vector<16xi1>
      %masked_cumsum3A_841 = tpu.scan <sum>, %select_n3A_819 masked %broadcast_in_dim3A_840 : vector<16xi32>, vector<16xi1> -> vector<16xi32>
      %broadcast_in_dim3A_842 = arith.constant true
      %broadcast_in_dim3A_843 = vector.broadcast %broadcast_in_dim3A_842 : i1 to vector<16xi1>
      %masked_cumsum3A_844 = tpu.scan <sum>, %select_n3A_820 masked %broadcast_in_dim3A_843 : vector<16xi32>, vector<16xi1> -> vector<16xi32>
      %add3A_845 = arith.addi %min3A, %masked_cumsum3A_823 : vector<16xi32>
      %add3A_846 = arith.addi %min3A_719, %masked_cumsum3A_826 : vector<16xi32>
      %add3A_847 = arith.addi %min3A_722, %masked_cumsum3A_829 : vector<16xi32>
      %add3A_848 = arith.addi %min3A_725, %masked_cumsum3A_832 : vector<16xi32>
      %add3A_849 = arith.addi %min3A_728, %masked_cumsum3A_835 : vector<16xi32>
      %add3A_850 = arith.addi %min3A_731, %masked_cumsum3A_838 : vector<16xi32>
      %add3A_851 = arith.addi %min3A_734, %masked_cumsum3A_841 : vector<16xi32>
      %add3A_852 = arith.addi %min3A_737, %masked_cumsum3A_844 : vector<16xi32>
      tpu.vector_store_idx %arg7[%add3A_845], %get3A_746 masked %gt3A_791 : memref<4096xf32, #tpu.memory_space<vmem>>[vector<16xi32>], vector<16xf32>, vector<16xi1>
      tpu.vector_store_idx %arg7[%add3A_846], %get3A_752 masked %gt3A_794 : memref<4096xf32, #tpu.memory_space<vmem>>[vector<16xi32>], vector<16xf32>, vector<16xi1>
      tpu.vector_store_idx %arg7[%add3A_847], %get3A_758 masked %gt3A_797 : memref<4096xf32, #tpu.memory_space<vmem>>[vector<16xi32>], vector<16xf32>, vector<16xi1>
      tpu.vector_store_idx %arg7[%add3A_848], %get3A_764 masked %gt3A_800 : memref<4096xf32, #tpu.memory_space<vmem>>[vector<16xi32>], vector<16xf32>, vector<16xi1>
      tpu.vector_store_idx %arg7[%add3A_849], %get3A_770 masked %gt3A_803 : memref<4096xf32, #tpu.memory_space<vmem>>[vector<16xi32>], vector<16xf32>, vector<16xi1>
      tpu.vector_store_idx %arg7[%add3A_850], %get3A_776 masked %gt3A_806 : memref<4096xf32, #tpu.memory_space<vmem>>[vector<16xi32>], vector<16xf32>, vector<16xi1>
      tpu.vector_store_idx %arg7[%add3A_851], %get3A_782 masked %gt3A_809 : memref<4096xf32, #tpu.memory_space<vmem>>[vector<16xi32>], vector<16xf32>, vector<16xi1>
      tpu.vector_store_idx %arg7[%add3A_852], %get3A_788 masked %gt3A_812 : memref<4096xf32, #tpu.memory_space<vmem>>[vector<16xi32>], vector<16xf32>, vector<16xi1>
      tpu.vector_store_idx %arg8[%add3A_845], %add3A_717 masked %gt3A_791 : memref<4096xi32, #tpu.memory_space<vmem>>[vector<16xi32>], vector<16xi32>, vector<16xi1>
      tpu.vector_store_idx %arg8[%add3A_846], %add3A_720 masked %gt3A_794 : memref<4096xi32, #tpu.memory_space<vmem>>[vector<16xi32>], vector<16xi32>, vector<16xi1>
      tpu.vector_store_idx %arg8[%add3A_847], %add3A_723 masked %gt3A_797 : memref<4096xi32, #tpu.memory_space<vmem>>[vector<16xi32>], vector<16xi32>, vector<16xi1>
      tpu.vector_store_idx %arg8[%add3A_848], %add3A_726 masked %gt3A_800 : memref<4096xi32, #tpu.memory_space<vmem>>[vector<16xi32>], vector<16xi32>, vector<16xi1>
      tpu.vector_store_idx %arg8[%add3A_849], %add3A_729 masked %gt3A_803 : memref<4096xi32, #tpu.memory_space<vmem>>[vector<16xi32>], vector<16xi32>, vector<16xi1>
      tpu.vector_store_idx %arg8[%add3A_850], %add3A_732 masked %gt3A_806 : memref<4096xi32, #tpu.memory_space<vmem>>[vector<16xi32>], vector<16xi32>, vector<16xi1>
      tpu.vector_store_idx %arg8[%add3A_851], %add3A_735 masked %gt3A_809 : memref<4096xi32, #tpu.memory_space<vmem>>[vector<16xi32>], vector<16xi32>, vector<16xi1>
      tpu.vector_store_idx %arg8[%add3A_852], %add3A_738 masked %gt3A_812 : memref<4096xi32, #tpu.memory_space<vmem>>[vector<16xi32>], vector<16xi32>, vector<16xi1>
      %all_reduce_population_count3A_853 = tpu.all_reduce %gt3A_791 {dim = 0 : i64, kind = #tpu.reduction_kind<sum>} : vector<16xi1> -> vector<16xi32>
      %all_reduce_population_count3A_854 = tpu.all_reduce %gt3A_794 {dim = 0 : i64, kind = #tpu.reduction_kind<sum>} : vector<16xi1> -> vector<16xi32>
      %all_reduce_population_count3A_855 = tpu.all_reduce %gt3A_797 {dim = 0 : i64, kind = #tpu.reduction_kind<sum>} : vector<16xi1> -> vector<16xi32>
      %all_reduce_population_count3A_856 = tpu.all_reduce %gt3A_800 {dim = 0 : i64, kind = #tpu.reduction_kind<sum>} : vector<16xi1> -> vector<16xi32>
      %all_reduce_population_count3A_857 = tpu.all_reduce %gt3A_803 {dim = 0 : i64, kind = #tpu.reduction_kind<sum>} : vector<16xi1> -> vector<16xi32>
      %all_reduce_population_count3A_858 = tpu.all_reduce %gt3A_806 {dim = 0 : i64, kind = #tpu.reduction_kind<sum>} : vector<16xi1> -> vector<16xi32>
      %all_reduce_population_count3A_859 = tpu.all_reduce %gt3A_809 {dim = 0 : i64, kind = #tpu.reduction_kind<sum>} : vector<16xi1> -> vector<16xi32>
      %all_reduce_population_count3A_860 = tpu.all_reduce %gt3A_812 {dim = 0 : i64, kind = #tpu.reduction_kind<sum>} : vector<16xi1> -> vector<16xi32>
      %add3A_861 = arith.addi %min3A, %all_reduce_population_count3A_853 : vector<16xi32>
      %min3A_862 = arith.minsi %add3A_861, %broadcast_in_dim3A_48 : vector<16xi32>
      %add3A_863 = arith.addi %add3A_717, %broadcast_in_dim3A_46 : vector<16xi32>
      %add3A_864 = arith.addi %min3A_719, %all_reduce_population_count3A_854 : vector<16xi32>
      %min3A_865 = arith.minsi %add3A_864, %broadcast_in_dim3A_50 : vector<16xi32>
      %add3A_866 = arith.addi %add3A_720, %broadcast_in_dim3A_46 : vector<16xi32>
      %add3A_867 = arith.addi %min3A_722, %all_reduce_population_count3A_855 : vector<16xi32>
      %min3A_868 = arith.minsi %add3A_867, %broadcast_in_dim3A_52 : vector<16xi32>
      %add3A_869 = arith.addi %add3A_723, %broadcast_in_dim3A_46 : vector<16xi32>
      %add3A_870 = arith.addi %min3A_725, %all_reduce_population_count3A_856 : vector<16xi32>
      %min3A_871 = arith.minsi %add3A_870, %broadcast_in_dim3A_54 : vector<16xi32>
      %add3A_872 = arith.addi %add3A_726, %broadcast_in_dim3A_46 : vector<16xi32>
      %add3A_873 = arith.addi %min3A_728, %all_reduce_population_count3A_857 : vector<16xi32>
      %min3A_874 = arith.minsi %add3A_873, %broadcast_in_dim3A_56 : vector<16xi32>
      %add3A_875 = arith.addi %add3A_729, %broadcast_in_dim3A_46 : vector<16xi32>
      %add3A_876 = arith.addi %min3A_731, %all_reduce_population_count3A_858 : vector<16xi32>
      %min3A_877 = arith.minsi %add3A_876, %broadcast_in_dim3A_58 : vector<16xi32>
      %add3A_878 = arith.addi %add3A_732, %broadcast_in_dim3A_46 : vector<16xi32>
      %add3A_879 = arith.addi %min3A_734, %all_reduce_population_count3A_859 : vector<16xi32>
      %min3A_880 = arith.minsi %add3A_879, %broadcast_in_dim3A_60 : vector<16xi32>
      %add3A_881 = arith.addi %add3A_735, %broadcast_in_dim3A_46 : vector<16xi32>
      %add3A_882 = arith.addi %min3A_737, %all_reduce_population_count3A_860 : vector<16xi32>
      %min3A_883 = arith.minsi %add3A_882, %broadcast_in_dim3A_62 : vector<16xi32>
      %add3A_884 = arith.addi %add3A_738, %broadcast_in_dim3A_46 : vector<16xi32>
      scf.yield %min3A_862, %add3A_863, %min3A_865, %add3A_866, %min3A_868, %add3A_869, %min3A_871, %add3A_872, %min3A_874, %add3A_875, %min3A_877, %add3A_878, %min3A_880, %add3A_881, %min3A_883, %add3A_884 : vector<16xi32>, vector<16xi32>, vector<16xi32>, vector<16xi32>, vector<16xi32>, vector<16xi32>, vector<16xi32>, vector<16xi32>, vector<16xi32>, vector<16xi32>, vector<16xi32>, vector<16xi32>, vector<16xi32>, vector<16xi32>, vector<16xi32>, vector<16xi32>
    }
    %scan3A_500 = arith.constant 128 : i32
    %dma_wait3A_501 = tpu.memref_slice %arg2[%add3A_442] : memref<4194304xf32, #tpu.memory_space<hbm>> -> memref<16384xf32, #tpu.memory_space<hbm>>
    %dma_wait3A_502 = tpu.memref_slice %arg2[%add3A_442] : memref<4194304xf32, #tpu.memory_space<hbm>> -> memref<16384xf32, #tpu.memory_space<hbm>>
    tpu.wait_dma2 semaphore(%arg12 : memref<!tpu.dma_semaphore, #tpu.memory_space<semaphore_mem>>) src(%dma_wait3A_502 : memref<16384xf32, #tpu.memory_space<hbm>>) dst(%arg6 : memref<16384xf32, #tpu.memory_space<vmem>>)
    %add3A_503 = arith.constant 114688 : i32
    %add3A_504 = arith.addi %mul3A_34, %add3A_503 : i32
    %add3A_505 = arith.constant 0 : i32
    %add3A_506 = arith.addi %add3A_504, %add3A_505 : i32
    %add3A_507 = vector.broadcast %add3A_506 : i32 to vector<16xi32>
    %add3A_508 = arith.addi %add3A_507, %iota3A : vector<16xi32>
    %add3A_509 = arith.constant 114688 : i32
    %add3A_510 = arith.addi %mul3A_34, %add3A_509 : i32
    %add3A_511 = arith.constant 2048 : i32
    %add3A_512 = arith.addi %add3A_510, %add3A_511 : i32
    %add3A_513 = vector.broadcast %add3A_512 : i32 to vector<16xi32>
    %add3A_514 = arith.addi %add3A_513, %iota3A : vector<16xi32>
    %add3A_515 = arith.constant 114688 : i32
    %add3A_516 = arith.addi %mul3A_34, %add3A_515 : i32
    %add3A_517 = arith.constant 4096 : i32
    %add3A_518 = arith.addi %add3A_516, %add3A_517 : i32
    %add3A_519 = vector.broadcast %add3A_518 : i32 to vector<16xi32>
    %add3A_520 = arith.addi %add3A_519, %iota3A : vector<16xi32>
    %add3A_521 = arith.constant 114688 : i32
    %add3A_522 = arith.addi %mul3A_34, %add3A_521 : i32
    %add3A_523 = arith.constant 6144 : i32
    %add3A_524 = arith.addi %add3A_522, %add3A_523 : i32
    %add3A_525 = vector.broadcast %add3A_524 : i32 to vector<16xi32>
    %add3A_526 = arith.addi %add3A_525, %iota3A : vector<16xi32>
    %add3A_527 = arith.constant 114688 : i32
    %add3A_528 = arith.addi %mul3A_34, %add3A_527 : i32
    %add3A_529 = arith.constant 8192 : i32
    %add3A_530 = arith.addi %add3A_528, %add3A_529 : i32
    %add3A_531 = vector.broadcast %add3A_530 : i32 to vector<16xi32>
    %add3A_532 = arith.addi %add3A_531, %iota3A : vector<16xi32>
    %add3A_533 = arith.constant 114688 : i32
    %add3A_534 = arith.addi %mul3A_34, %add3A_533 : i32
    %add3A_535 = arith.constant 10240 : i32
    %add3A_536 = arith.addi %add3A_534, %add3A_535 : i32
    %add3A_537 = vector.broadcast %add3A_536 : i32 to vector<16xi32>
    %add3A_538 = arith.addi %add3A_537, %iota3A : vector<16xi32>
    %add3A_539 = arith.constant 114688 : i32
    %add3A_540 = arith.addi %mul3A_34, %add3A_539 : i32
    %add3A_541 = arith.constant 12288 : i32
    %add3A_542 = arith.addi %add3A_540, %add3A_541 : i32
    %add3A_543 = vector.broadcast %add3A_542 : i32 to vector<16xi32>
    %add3A_544 = arith.addi %add3A_543, %iota3A : vector<16xi32>
    %add3A_545 = arith.constant 114688 : i32
    %add3A_546 = arith.addi %mul3A_34, %add3A_545 : i32
    %add3A_547 = arith.constant 14336 : i32
    %add3A_548 = arith.addi %add3A_546, %add3A_547 : i32
    %add3A_549 = vector.broadcast %add3A_548 : i32 to vector<16xi32>
    %add3A_550 = arith.addi %add3A_549, %iota3A : vector<16xi32>
    %scan3A_551 = arith.constant 0 : i32
    %scan3A_552 = arith.constant 128 : i32
    %scan3A_553 = arith.addi %scan3A_551, %scan3A_552 : i32
    %scan3A_554 = arith.constant 2 : i32
    %scan3A_555:16 = scf.for %scan3A_583 = %scan3A_551 to %scan3A_553 step %scan3A_554 iter_args(%scan3A_584 = %scan3A_499#0, %scan3A_585 = %add3A_508, %scan3A_586 = %scan3A_499#2, %scan3A_587 = %add3A_514, %scan3A_588 = %scan3A_499#4, %scan3A_589 = %add3A_520, %scan3A_590 = %scan3A_499#6, %scan3A_591 = %add3A_526, %scan3A_592 = %scan3A_499#8, %scan3A_593 = %add3A_532, %scan3A_594 = %scan3A_499#10, %scan3A_595 = %add3A_538, %scan3A_596 = %scan3A_499#12, %scan3A_597 = %add3A_544, %scan3A_598 = %scan3A_499#14, %scan3A_599 = %add3A_550) -> (vector<16xi32>, vector<16xi32>, vector<16xi32>, vector<16xi32>, vector<16xi32>, vector<16xi32>, vector<16xi32>, vector<16xi32>, vector<16xi32>, vector<16xi32>, vector<16xi32>, vector<16xi32>, vector<16xi32>, vector<16xi32>, vector<16xi32>, vector<16xi32>)  : i32 {
      %add3A_600 = arith.constant 0 : i32
      %add3A_601 = arith.addi %add3A_600, %scan3A_583 : i32
      %mul3A_602 = arith.constant 16 : i32
      %mul3A_603 = arith.muli %add3A_601, %mul3A_602 : i32
      %get3A = arith.index_cast %mul3A_603 : i32 to index
      %get3A_604 = tpu.vector_load %arg6[%get3A] {strides = array<i32>} : memref<16384xf32, #tpu.memory_space<vmem>>, vector<16xf32>,
      %add3A_605 = arith.constant 128 : i32
      %add3A_606 = arith.addi %add3A_605, %scan3A_583 : i32
      %mul3A_607 = arith.constant 16 : i32
      %mul3A_608 = arith.muli %add3A_606, %mul3A_607 : i32
      %get3A_609 = arith.index_cast %mul3A_608 : i32 to index
      %get3A_610 = tpu.vector_load %arg6[%get3A_609] {strides = array<i32>} : memref<16384xf32, #tpu.memory_space<vmem>>, vector<16xf32>,
      %add3A_611 = arith.constant 256 : i32
      %add3A_612 = arith.addi %add3A_611, %scan3A_583 : i32
      %mul3A_613 = arith.constant 16 : i32
      %mul3A_614 = arith.muli %add3A_612, %mul3A_613 : i32
      %get3A_615 = arith.index_cast %mul3A_614 : i32 to index
      %get3A_616 = tpu.vector_load %arg6[%get3A_615] {strides = array<i32>} : memref<16384xf32, #tpu.memory_space<vmem>>, vector<16xf32>,
      %add3A_617 = arith.constant 384 : i32
      %add3A_618 = arith.addi %add3A_617, %scan3A_583 : i32
      %mul3A_619 = arith.constant 16 : i32
      %mul3A_620 = arith.muli %add3A_618, %mul3A_619 : i32
      %get3A_621 = arith.index_cast %mul3A_620 : i32 to index
      %get3A_622 = tpu.vector_load %arg6[%get3A_621] {strides = array<i32>} : memref<16384xf32, #tpu.memory_space<vmem>>, vector<16xf32>,
      %add3A_623 = arith.constant 512 : i32
      %add3A_624 = arith.addi %add3A_623, %scan3A_583 : i32
      %mul3A_625 = arith.constant 16 : i32
      %mul3A_626 = arith.muli %add3A_624, %mul3A_625 : i32
      %get3A_627 = arith.index_cast %mul3A_626 : i32 to index
      %get3A_628 = tpu.vector_load %arg6[%get3A_627] {strides = array<i32>} : memref<16384xf32, #tpu.memory_space<vmem>>, vector<16xf32>,
      %add3A_629 = arith.constant 640 : i32
      %add3A_630 = arith.addi %add3A_629, %scan3A_583 : i32
      %mul3A_631 = arith.constant 16 : i32
      %mul3A_632 = arith.muli %add3A_630, %mul3A_631 : i32
      %get3A_633 = arith.index_cast %mul3A_632 : i32 to index
      %get3A_634 = tpu.vector_load %arg6[%get3A_633] {strides = array<i32>} : memref<16384xf32, #tpu.memory_space<vmem>>, vector<16xf32>,
      %add3A_635 = arith.constant 768 : i32
      %add3A_636 = arith.addi %add3A_635, %scan3A_583 : i32
      %mul3A_637 = arith.constant 16 : i32
      %mul3A_638 = arith.muli %add3A_636, %mul3A_637 : i32
      %get3A_639 = arith.index_cast %mul3A_638 : i32 to index
      %get3A_640 = tpu.vector_load %arg6[%get3A_639] {strides = array<i32>} : memref<16384xf32, #tpu.memory_space<vmem>>, vector<16xf32>,
      %add3A_641 = arith.constant 896 : i32
      %add3A_642 = arith.addi %add3A_641, %scan3A_583 : i32
      %mul3A_643 = arith.constant 16 : i32
      %mul3A_644 = arith.muli %add3A_642, %mul3A_643 : i32
      %get3A_645 = arith.index_cast %mul3A_644 : i32 to index
      %get3A_646 = tpu.vector_load %arg6[%get3A_645] {strides = array<i32>} : memref<16384xf32, #tpu.memory_space<vmem>>, vector<16xf32>,
      %gt3A = arith.constant 0.000000e+00 : f32
      %gt3A_647 = vector.broadcast %gt3A : f32 to vector<16xf32>
      %gt3A_648 = arith.cmpf ogt, %get3A_604, %gt3A_647 : vector<16xf32>
      %gt3A_649 = arith.constant 0.000000e+00 : f32
      %gt3A_650 = vector.broadcast %gt3A_649 : f32 to vector<16xf32>
      %gt3A_651 = arith.cmpf ogt, %get3A_610, %gt3A_650 : vector<16xf32>
      %gt3A_652 = arith.constant 0.000000e+00 : f32
      %gt3A_653 = vector.broadcast %gt3A_652 : f32 to vector<16xf32>
      %gt3A_654 = arith.cmpf ogt, %get3A_616, %gt3A_653 : vector<16xf32>
      %gt3A_655 = arith.constant 0.000000e+00 : f32
      %gt3A_656 = vector.broadcast %gt3A_655 : f32 to vector<16xf32>
      %gt3A_657 = arith.cmpf ogt, %get3A_622, %gt3A_656 : vector<16xf32>
      %gt3A_658 = arith.constant 0.000000e+00 : f32
      %gt3A_659 = vector.broadcast %gt3A_658 : f32 to vector<16xf32>
      %gt3A_660 = arith.cmpf ogt, %get3A_628, %gt3A_659 : vector<16xf32>
      %gt3A_661 = arith.constant 0.000000e+00 : f32
      %gt3A_662 = vector.broadcast %gt3A_661 : f32 to vector<16xf32>
      %gt3A_663 = arith.cmpf ogt, %get3A_634, %gt3A_662 : vector<16xf32>
      %gt3A_664 = arith.constant 0.000000e+00 : f32
      %gt3A_665 = vector.broadcast %gt3A_664 : f32 to vector<16xf32>
      %gt3A_666 = arith.cmpf ogt, %get3A_640, %gt3A_665 : vector<16xf32>
      %gt3A_667 = arith.constant 0.000000e+00 : f32
      %gt3A_668 = vector.broadcast %gt3A_667 : f32 to vector<16xf32>
      %gt3A_669 = arith.cmpf ogt, %get3A_646, %gt3A_668 : vector<16xf32>
      %select_n3A_670 = arith.select %gt3A_648, %broadcast_in_dim3A_39, %broadcast_in_dim3A_37 : vector<16xi1>, vector<16xi32>
      %select_n3A_671 = arith.select %gt3A_651, %broadcast_in_dim3A_39, %broadcast_in_dim3A_37 : vector<16xi1>, vector<16xi32>
      %select_n3A_672 = arith.select %gt3A_654, %broadcast_in_dim3A_39, %broadcast_in_dim3A_37 : vector<16xi1>, vector<16xi32>
      %select_n3A_673 = arith.select %gt3A_657, %broadcast_in_dim3A_39, %broadcast_in_dim3A_37 : vector<16xi1>, vector<16xi32>
      %select_n3A_674 = arith.select %gt3A_660, %broadcast_in_dim3A_39, %broadcast_in_dim3A_37 : vector<16xi1>, vector<16xi32>
      %select_n3A_675 = arith.select %gt3A_663, %broadcast_in_dim3A_39, %broadcast_in_dim3A_37 : vector<16xi1>, vector<16xi32>
      %select_n3A_676 = arith.select %gt3A_666, %broadcast_in_dim3A_39, %broadcast_in_dim3A_37 : vector<16xi1>, vector<16xi32>
      %select_n3A_677 = arith.select %gt3A_669, %broadcast_in_dim3A_39, %broadcast_in_dim3A_37 : vector<16xi1>, vector<16xi32>
      %broadcast_in_dim3A_678 = arith.constant true
      %broadcast_in_dim3A_679 = vector.broadcast %broadcast_in_dim3A_678 : i1 to vector<16xi1>
      %masked_cumsum3A = tpu.scan <sum>, %select_n3A_670 masked %broadcast_in_dim3A_679 : vector<16xi32>, vector<16xi1> -> vector<16xi32>
      %broadcast_in_dim3A_680 = arith.constant true
      %broadcast_in_dim3A_681 = vector.broadcast %broadcast_in_dim3A_680 : i1 to vector<16xi1>
      %masked_cumsum3A_682 = tpu.scan <sum>, %select_n3A_671 masked %broadcast_in_dim3A_681 : vector<16xi32>, vector<16xi1> -> vector<16xi32>
      %broadcast_in_dim3A_683 = arith.constant true
      %broadcast_in_dim3A_684 = vector.broadcast %broadcast_in_dim3A_683 : i1 to vector<16xi1>
      %masked_cumsum3A_685 = tpu.scan <sum>, %select_n3A_672 masked %broadcast_in_dim3A_684 : vector<16xi32>, vector<16xi1> -> vector<16xi32>
      %broadcast_in_dim3A_686 = arith.constant true
      %broadcast_in_dim3A_687 = vector.broadcast %broadcast_in_dim3A_686 : i1 to vector<16xi1>
      %masked_cumsum3A_688 = tpu.scan <sum>, %select_n3A_673 masked %broadcast_in_dim3A_687 : vector<16xi32>, vector<16xi1> -> vector<16xi32>
      %broadcast_in_dim3A_689 = arith.constant true
      %broadcast_in_dim3A_690 = vector.broadcast %broadcast_in_dim3A_689 : i1 to vector<16xi1>
      %masked_cumsum3A_691 = tpu.scan <sum>, %select_n3A_674 masked %broadcast_in_dim3A_690 : vector<16xi32>, vector<16xi1> -> vector<16xi32>
      %broadcast_in_dim3A_692 = arith.constant true
      %broadcast_in_dim3A_693 = vector.broadcast %broadcast_in_dim3A_692 : i1 to vector<16xi1>
      %masked_cumsum3A_694 = tpu.scan <sum>, %select_n3A_675 masked %broadcast_in_dim3A_693 : vector<16xi32>, vector<16xi1> -> vector<16xi32>
      %broadcast_in_dim3A_695 = arith.constant true
      %broadcast_in_dim3A_696 = vector.broadcast %broadcast_in_dim3A_695 : i1 to vector<16xi1>
      %masked_cumsum3A_697 = tpu.scan <sum>, %select_n3A_676 masked %broadcast_in_dim3A_696 : vector<16xi32>, vector<16xi1> -> vector<16xi32>
      %broadcast_in_dim3A_698 = arith.constant true
      %broadcast_in_dim3A_699 = vector.broadcast %broadcast_in_dim3A_698 : i1 to vector<16xi1>
      %masked_cumsum3A_700 = tpu.scan <sum>, %select_n3A_677 masked %broadcast_in_dim3A_699 : vector<16xi32>, vector<16xi1> -> vector<16xi32>
      %add3A_701 = arith.addi %scan3A_584, %masked_cumsum3A : vector<16xi32>
      %add3A_702 = arith.addi %scan3A_586, %masked_cumsum3A_682 : vector<16xi32>
      %add3A_703 = arith.addi %scan3A_588, %masked_cumsum3A_685 : vector<16xi32>
      %add3A_704 = arith.addi %scan3A_590, %masked_cumsum3A_688 : vector<16xi32>
      %add3A_705 = arith.addi %scan3A_592, %masked_cumsum3A_691 : vector<16xi32>
      %add3A_706 = arith.addi %scan3A_594, %masked_cumsum3A_694 : vector<16xi32>
      %add3A_707 = arith.addi %scan3A_596, %masked_cumsum3A_697 : vector<16xi32>
      %add3A_708 = arith.addi %scan3A_598, %masked_cumsum3A_700 : vector<16xi32>
      tpu.vector_store_idx %arg7[%add3A_701], %get3A_604 masked %gt3A_648 : memref<4096xf32, #tpu.memory_space<vmem>>[vector<16xi32>], vector<16xf32>, vector<16xi1>
      tpu.vector_store_idx %arg7[%add3A_702], %get3A_610 masked %gt3A_651 : memref<4096xf32, #tpu.memory_space<vmem>>[vector<16xi32>], vector<16xf32>, vector<16xi1>
      tpu.vector_store_idx %arg7[%add3A_703], %get3A_616 masked %gt3A_654 : memref<4096xf32, #tpu.memory_space<vmem>>[vector<16xi32>], vector<16xf32>, vector<16xi1>
      tpu.vector_store_idx %arg7[%add3A_704], %get3A_622 masked %gt3A_657 : memref<4096xf32, #tpu.memory_space<vmem>>[vector<16xi32>], vector<16xf32>, vector<16xi1>
      tpu.vector_store_idx %arg7[%add3A_705], %get3A_628 masked %gt3A_660 : memref<4096xf32, #tpu.memory_space<vmem>>[vector<16xi32>], vector<16xf32>, vector<16xi1>
      tpu.vector_store_idx %arg7[%add3A_706], %get3A_634 masked %gt3A_663 : memref<4096xf32, #tpu.memory_space<vmem>>[vector<16xi32>], vector<16xf32>, vector<16xi1>
      tpu.vector_store_idx %arg7[%add3A_707], %get3A_640 masked %gt3A_666 : memref<4096xf32, #tpu.memory_space<vmem>>[vector<16xi32>], vector<16xf32>, vector<16xi1>
      tpu.vector_store_idx %arg7[%add3A_708], %get3A_646 masked %gt3A_669 : memref<4096xf32, #tpu.memory_space<vmem>>[vector<16xi32>], vector<16xf32>, vector<16xi1>
      tpu.vector_store_idx %arg8[%add3A_701], %scan3A_585 masked %gt3A_648 : memref<4096xi32, #tpu.memory_space<vmem>>[vector<16xi32>], vector<16xi32>, vector<16xi1>
      tpu.vector_store_idx %arg8[%add3A_702], %scan3A_587 masked %gt3A_651 : memref<4096xi32, #tpu.memory_space<vmem>>[vector<16xi32>], vector<16xi32>, vector<16xi1>
      tpu.vector_store_idx %arg8[%add3A_703], %scan3A_589 masked %gt3A_654 : memref<4096xi32, #tpu.memory_space<vmem>>[vector<16xi32>], vector<16xi32>, vector<16xi1>
      tpu.vector_store_idx %arg8[%add3A_704], %scan3A_591 masked %gt3A_657 : memref<4096xi32, #tpu.memory_space<vmem>>[vector<16xi32>], vector<16xi32>, vector<16xi1>
      tpu.vector_store_idx %arg8[%add3A_705], %scan3A_593 masked %gt3A_660 : memref<4096xi32, #tpu.memory_space<vmem>>[vector<16xi32>], vector<16xi32>, vector<16xi1>
      tpu.vector_store_idx %arg8[%add3A_706], %scan3A_595 masked %gt3A_663 : memref<4096xi32, #tpu.memory_space<vmem>>[vector<16xi32>], vector<16xi32>, vector<16xi1>
      tpu.vector_store_idx %arg8[%add3A_707], %scan3A_597 masked %gt3A_666 : memref<4096xi32, #tpu.memory_space<vmem>>[vector<16xi32>], vector<16xi32>, vector<16xi1>
      tpu.vector_store_idx %arg8[%add3A_708], %scan3A_599 masked %gt3A_669 : memref<4096xi32, #tpu.memory_space<vmem>>[vector<16xi32>], vector<16xi32>, vector<16xi1>
      %all_reduce_population_count3A = tpu.all_reduce %gt3A_648 {dim = 0 : i64, kind = #tpu.reduction_kind<sum>} : vector<16xi1> -> vector<16xi32>
      %all_reduce_population_count3A_709 = tpu.all_reduce %gt3A_651 {dim = 0 : i64, kind = #tpu.reduction_kind<sum>} : vector<16xi1> -> vector<16xi32>
      %all_reduce_population_count3A_710 = tpu.all_reduce %gt3A_654 {dim = 0 : i64, kind = #tpu.reduction_kind<sum>} : vector<16xi1> -> vector<16xi32>
      %all_reduce_population_count3A_711 = tpu.all_reduce %gt3A_657 {dim = 0 : i64, kind = #tpu.reduction_kind<sum>} : vector<16xi1> -> vector<16xi32>
      %all_reduce_population_count3A_712 = tpu.all_reduce %gt3A_660 {dim = 0 : i64, kind = #tpu.reduction_kind<sum>} : vector<16xi1> -> vector<16xi32>
      %all_reduce_population_count3A_713 = tpu.all_reduce %gt3A_663 {dim = 0 : i64, kind = #tpu.reduction_kind<sum>} : vector<16xi1> -> vector<16xi32>
      %all_reduce_population_count3A_714 = tpu.all_reduce %gt3A_666 {dim = 0 : i64, kind = #tpu.reduction_kind<sum>} : vector<16xi1> -> vector<16xi32>
      %all_reduce_population_count3A_715 = tpu.all_reduce %gt3A_669 {dim = 0 : i64, kind = #tpu.reduction_kind<sum>} : vector<16xi1> -> vector<16xi32>
      %add3A_716 = arith.addi %scan3A_584, %all_reduce_population_count3A : vector<16xi32>
      %min3A = arith.minsi %add3A_716, %broadcast_in_dim3A_48 : vector<16xi32>
      %add3A_717 = arith.addi %scan3A_585, %broadcast_in_dim3A_46 : vector<16xi32>
      %add3A_718 = arith.addi %scan3A_586, %all_reduce_population_count3A_709 : vector<16xi32>
      %min3A_719 = arith.minsi %add3A_718, %broadcast_in_dim3A_50 : vector<16xi32>
      %add3A_720 = arith.addi %scan3A_587, %broadcast_in_dim3A_46 : vector<16xi32>
      %add3A_721 = arith.addi %scan3A_588, %all_reduce_population_count3A_710 : vector<16xi32>
      %min3A_722 = arith.minsi %add3A_721, %broadcast_in_dim3A_52 : vector<16xi32>
      %add3A_723 = arith.addi %scan3A_589, %broadcast_in_dim3A_46 : vector<16xi32>
      %add3A_724 = arith.addi %scan3A_590, %all_reduce_population_count3A_711 : vector<16xi32>
      %min3A_725 = arith.minsi %add3A_724, %broadcast_in_dim3A_54 : vector<16xi32>
      %add3A_726 = arith.addi %scan3A_591, %broadcast_in_dim3A_46 : vector<16xi32>
      %add3A_727 = arith.addi %scan3A_592, %all_reduce_population_count3A_712 : vector<16xi32>
      %min3A_728 = arith.minsi %add3A_727, %broadcast_in_dim3A_56 : vector<16xi32>
      %add3A_729 = arith.addi %scan3A_593, %broadcast_in_dim3A_46 : vector<16xi32>
      %add3A_730 = arith.addi %scan3A_594, %all_reduce_population_count3A_713 : vector<16xi32>
      %min3A_731 = arith.minsi %add3A_730, %broadcast_in_dim3A_58 : vector<16xi32>
      %add3A_732 = arith.addi %scan3A_595, %broadcast_in_dim3A_46 : vector<16xi32>
      %add3A_733 = arith.addi %scan3A_596, %all_reduce_population_count3A_714 : vector<16xi32>
      %min3A_734 = arith.minsi %add3A_733, %broadcast_in_dim3A_60 : vector<16xi32>
      %add3A_735 = arith.addi %scan3A_597, %broadcast_in_dim3A_46 : vector<16xi32>
      %add3A_736 = arith.addi %scan3A_598, %all_reduce_population_count3A_715 : vector<16xi32>
      %min3A_737 = arith.minsi %add3A_736, %broadcast_in_dim3A_62 : vector<16xi32>
      %add3A_738 = arith.addi %scan3A_599, %broadcast_in_dim3A_46 : vector<16xi32>
      %scan3A_739 = arith.constant 1 : i32
      %scan3A_740 = arith.addi %scan3A_583, %scan3A_739 : i32
      %add3A_741 = arith.constant 0 : i32
      %add3A_742 = arith.addi %add3A_741, %scan3A_740 : i32
      %mul3A_743 = arith.constant 16 : i32
      %mul3A_744 = arith.muli %add3A_742, %mul3A_743 : i32
      %get3A_745 = arith.index_cast %mul3A_744 : i32 to index
      %get3A_746 = tpu.vector_load %arg6[%get3A_745] {strides = array<i32>} : memref<16384xf32, #tpu.memory_space<vmem>>, vector<16xf32>,
      %add3A_747 = arith.constant 128 : i32
      %add3A_748 = arith.addi %add3A_747, %scan3A_740 : i32
      %mul3A_749 = arith.constant 16 : i32
      %mul3A_750 = arith.muli %add3A_748, %mul3A_749 : i32
      %get3A_751 = arith.index_cast %mul3A_750 : i32 to index
      %get3A_752 = tpu.vector_load %arg6[%get3A_751] {strides = array<i32>} : memref<16384xf32, #tpu.memory_space<vmem>>, vector<16xf32>,
      %add3A_753 = arith.constant 256 : i32
      %add3A_754 = arith.addi %add3A_753, %scan3A_740 : i32
      %mul3A_755 = arith.constant 16 : i32
      %mul3A_756 = arith.muli %add3A_754, %mul3A_755 : i32
      %get3A_757 = arith.index_cast %mul3A_756 : i32 to index
      %get3A_758 = tpu.vector_load %arg6[%get3A_757] {strides = array<i32>} : memref<16384xf32, #tpu.memory_space<vmem>>, vector<16xf32>,
      %add3A_759 = arith.constant 384 : i32
      %add3A_760 = arith.addi %add3A_759, %scan3A_740 : i32
      %mul3A_761 = arith.constant 16 : i32
      %mul3A_762 = arith.muli %add3A_760, %mul3A_761 : i32
      %get3A_763 = arith.index_cast %mul3A_762 : i32 to index
      %get3A_764 = tpu.vector_load %arg6[%get3A_763] {strides = array<i32>} : memref<16384xf32, #tpu.memory_space<vmem>>, vector<16xf32>,
      %add3A_765 = arith.constant 512 : i32
      %add3A_766 = arith.addi %add3A_765, %scan3A_740 : i32
      %mul3A_767 = arith.constant 16 : i32
      %mul3A_768 = arith.muli %add3A_766, %mul3A_767 : i32
      %get3A_769 = arith.index_cast %mul3A_768 : i32 to index
      %get3A_770 = tpu.vector_load %arg6[%get3A_769] {strides = array<i32>} : memref<16384xf32, #tpu.memory_space<vmem>>, vector<16xf32>,
      %add3A_771 = arith.constant 640 : i32
      %add3A_772 = arith.addi %add3A_771, %scan3A_740 : i32
      %mul3A_773 = arith.constant 16 : i32
      %mul3A_774 = arith.muli %add3A_772, %mul3A_773 : i32
      %get3A_775 = arith.index_cast %mul3A_774 : i32 to index
      %get3A_776 = tpu.vector_load %arg6[%get3A_775] {strides = array<i32>} : memref<16384xf32, #tpu.memory_space<vmem>>, vector<16xf32>,
      %add3A_777 = arith.constant 768 : i32
      %add3A_778 = arith.addi %add3A_777, %scan3A_740 : i32
      %mul3A_779 = arith.constant 16 : i32
      %mul3A_780 = arith.muli %add3A_778, %mul3A_779 : i32
      %get3A_781 = arith.index_cast %mul3A_780 : i32 to index
      %get3A_782 = tpu.vector_load %arg6[%get3A_781] {strides = array<i32>} : memref<16384xf32, #tpu.memory_space<vmem>>, vector<16xf32>,
      %add3A_783 = arith.constant 896 : i32
      %add3A_784 = arith.addi %add3A_783, %scan3A_740 : i32
      %mul3A_785 = arith.constant 16 : i32
      %mul3A_786 = arith.muli %add3A_784, %mul3A_785 : i32
      %get3A_787 = arith.index_cast %mul3A_786 : i32 to index
      %get3A_788 = tpu.vector_load %arg6[%get3A_787] {strides = array<i32>} : memref<16384xf32, #tpu.memory_space<vmem>>, vector<16xf32>,
      %gt3A_789 = arith.constant 0.000000e+00 : f32
      %gt3A_790 = vector.broadcast %gt3A_789 : f32 to vector<16xf32>
      %gt3A_791 = arith.cmpf ogt, %get3A_746, %gt3A_790 : vector<16xf32>
      %gt3A_792 = arith.constant 0.000000e+00 : f32
      %gt3A_793 = vector.broadcast %gt3A_792 : f32 to vector<16xf32>
      %gt3A_794 = arith.cmpf ogt, %get3A_752, %gt3A_793 : vector<16xf32>
      %gt3A_795 = arith.constant 0.000000e+00 : f32
      %gt3A_796 = vector.broadcast %gt3A_795 : f32 to vector<16xf32>
      %gt3A_797 = arith.cmpf ogt, %get3A_758, %gt3A_796 : vector<16xf32>
      %gt3A_798 = arith.constant 0.000000e+00 : f32
      %gt3A_799 = vector.broadcast %gt3A_798 : f32 to vector<16xf32>
      %gt3A_800 = arith.cmpf ogt, %get3A_764, %gt3A_799 : vector<16xf32>
      %gt3A_801 = arith.constant 0.000000e+00 : f32
      %gt3A_802 = vector.broadcast %gt3A_801 : f32 to vector<16xf32>
      %gt3A_803 = arith.cmpf ogt, %get3A_770, %gt3A_802 : vector<16xf32>
      %gt3A_804 = arith.constant 0.000000e+00 : f32
      %gt3A_805 = vector.broadcast %gt3A_804 : f32 to vector<16xf32>
      %gt3A_806 = arith.cmpf ogt, %get3A_776, %gt3A_805 : vector<16xf32>
      %gt3A_807 = arith.constant 0.000000e+00 : f32
      %gt3A_808 = vector.broadcast %gt3A_807 : f32 to vector<16xf32>
      %gt3A_809 = arith.cmpf ogt, %get3A_782, %gt3A_808 : vector<16xf32>
      %gt3A_810 = arith.constant 0.000000e+00 : f32
      %gt3A_811 = vector.broadcast %gt3A_810 : f32 to vector<16xf32>
      %gt3A_812 = arith.cmpf ogt, %get3A_788, %gt3A_811 : vector<16xf32>
      %select_n3A_813 = arith.select %gt3A_791, %broadcast_in_dim3A_39, %broadcast_in_dim3A_37 : vector<16xi1>, vector<16xi32>
      %select_n3A_814 = arith.select %gt3A_794, %broadcast_in_dim3A_39, %broadcast_in_dim3A_37 : vector<16xi1>, vector<16xi32>
      %select_n3A_815 = arith.select %gt3A_797, %broadcast_in_dim3A_39, %broadcast_in_dim3A_37 : vector<16xi1>, vector<16xi32>
      %select_n3A_816 = arith.select %gt3A_800, %broadcast_in_dim3A_39, %broadcast_in_dim3A_37 : vector<16xi1>, vector<16xi32>
      %select_n3A_817 = arith.select %gt3A_803, %broadcast_in_dim3A_39, %broadcast_in_dim3A_37 : vector<16xi1>, vector<16xi32>
      %select_n3A_818 = arith.select %gt3A_806, %broadcast_in_dim3A_39, %broadcast_in_dim3A_37 : vector<16xi1>, vector<16xi32>
      %select_n3A_819 = arith.select %gt3A_809, %broadcast_in_dim3A_39, %broadcast_in_dim3A_37 : vector<16xi1>, vector<16xi32>
      %select_n3A_820 = arith.select %gt3A_812, %broadcast_in_dim3A_39, %broadcast_in_dim3A_37 : vector<16xi1>, vector<16xi32>
      %broadcast_in_dim3A_821 = arith.constant true
      %broadcast_in_dim3A_822 = vector.broadcast %broadcast_in_dim3A_821 : i1 to vector<16xi1>
      %masked_cumsum3A_823 = tpu.scan <sum>, %select_n3A_813 masked %broadcast_in_dim3A_822 : vector<16xi32>, vector<16xi1> -> vector<16xi32>
      %broadcast_in_dim3A_824 = arith.constant true
      %broadcast_in_dim3A_825 = vector.broadcast %broadcast_in_dim3A_824 : i1 to vector<16xi1>
      %masked_cumsum3A_826 = tpu.scan <sum>, %select_n3A_814 masked %broadcast_in_dim3A_825 : vector<16xi32>, vector<16xi1> -> vector<16xi32>
      %broadcast_in_dim3A_827 = arith.constant true
      %broadcast_in_dim3A_828 = vector.broadcast %broadcast_in_dim3A_827 : i1 to vector<16xi1>
      %masked_cumsum3A_829 = tpu.scan <sum>, %select_n3A_815 masked %broadcast_in_dim3A_828 : vector<16xi32>, vector<16xi1> -> vector<16xi32>
      %broadcast_in_dim3A_830 = arith.constant true
      %broadcast_in_dim3A_831 = vector.broadcast %broadcast_in_dim3A_830 : i1 to vector<16xi1>
      %masked_cumsum3A_832 = tpu.scan <sum>, %select_n3A_816 masked %broadcast_in_dim3A_831 : vector<16xi32>, vector<16xi1> -> vector<16xi32>
      %broadcast_in_dim3A_833 = arith.constant true
      %broadcast_in_dim3A_834 = vector.broadcast %broadcast_in_dim3A_833 : i1 to vector<16xi1>
      %masked_cumsum3A_835 = tpu.scan <sum>, %select_n3A_817 masked %broadcast_in_dim3A_834 : vector<16xi32>, vector<16xi1> -> vector<16xi32>
      %broadcast_in_dim3A_836 = arith.constant true
      %broadcast_in_dim3A_837 = vector.broadcast %broadcast_in_dim3A_836 : i1 to vector<16xi1>
      %masked_cumsum3A_838 = tpu.scan <sum>, %select_n3A_818 masked %broadcast_in_dim3A_837 : vector<16xi32>, vector<16xi1> -> vector<16xi32>
      %broadcast_in_dim3A_839 = arith.constant true
      %broadcast_in_dim3A_840 = vector.broadcast %broadcast_in_dim3A_839 : i1 to vector<16xi1>
      %masked_cumsum3A_841 = tpu.scan <sum>, %select_n3A_819 masked %broadcast_in_dim3A_840 : vector<16xi32>, vector<16xi1> -> vector<16xi32>
      %broadcast_in_dim3A_842 = arith.constant true
      %broadcast_in_dim3A_843 = vector.broadcast %broadcast_in_dim3A_842 : i1 to vector<16xi1>
      %masked_cumsum3A_844 = tpu.scan <sum>, %select_n3A_820 masked %broadcast_in_dim3A_843 : vector<16xi32>, vector<16xi1> -> vector<16xi32>
      %add3A_845 = arith.addi %min3A, %masked_cumsum3A_823 : vector<16xi32>
      %add3A_846 = arith.addi %min3A_719, %masked_cumsum3A_826 : vector<16xi32>
      %add3A_847 = arith.addi %min3A_722, %masked_cumsum3A_829 : vector<16xi32>
      %add3A_848 = arith.addi %min3A_725, %masked_cumsum3A_832 : vector<16xi32>
      %add3A_849 = arith.addi %min3A_728, %masked_cumsum3A_835 : vector<16xi32>
      %add3A_850 = arith.addi %min3A_731, %masked_cumsum3A_838 : vector<16xi32>
      %add3A_851 = arith.addi %min3A_734, %masked_cumsum3A_841 : vector<16xi32>
      %add3A_852 = arith.addi %min3A_737, %masked_cumsum3A_844 : vector<16xi32>
      tpu.vector_store_idx %arg7[%add3A_845], %get3A_746 masked %gt3A_791 : memref<4096xf32, #tpu.memory_space<vmem>>[vector<16xi32>], vector<16xf32>, vector<16xi1>
      tpu.vector_store_idx %arg7[%add3A_846], %get3A_752 masked %gt3A_794 : memref<4096xf32, #tpu.memory_space<vmem>>[vector<16xi32>], vector<16xf32>, vector<16xi1>
      tpu.vector_store_idx %arg7[%add3A_847], %get3A_758 masked %gt3A_797 : memref<4096xf32, #tpu.memory_space<vmem>>[vector<16xi32>], vector<16xf32>, vector<16xi1>
      tpu.vector_store_idx %arg7[%add3A_848], %get3A_764 masked %gt3A_800 : memref<4096xf32, #tpu.memory_space<vmem>>[vector<16xi32>], vector<16xf32>, vector<16xi1>
      tpu.vector_store_idx %arg7[%add3A_849], %get3A_770 masked %gt3A_803 : memref<4096xf32, #tpu.memory_space<vmem>>[vector<16xi32>], vector<16xf32>, vector<16xi1>
      tpu.vector_store_idx %arg7[%add3A_850], %get3A_776 masked %gt3A_806 : memref<4096xf32, #tpu.memory_space<vmem>>[vector<16xi32>], vector<16xf32>, vector<16xi1>
      tpu.vector_store_idx %arg7[%add3A_851], %get3A_782 masked %gt3A_809 : memref<4096xf32, #tpu.memory_space<vmem>>[vector<16xi32>], vector<16xf32>, vector<16xi1>
      tpu.vector_store_idx %arg7[%add3A_852], %get3A_788 masked %gt3A_812 : memref<4096xf32, #tpu.memory_space<vmem>>[vector<16xi32>], vector<16xf32>, vector<16xi1>
      tpu.vector_store_idx %arg8[%add3A_845], %add3A_717 masked %gt3A_791 : memref<4096xi32, #tpu.memory_space<vmem>>[vector<16xi32>], vector<16xi32>, vector<16xi1>
      tpu.vector_store_idx %arg8[%add3A_846], %add3A_720 masked %gt3A_794 : memref<4096xi32, #tpu.memory_space<vmem>>[vector<16xi32>], vector<16xi32>, vector<16xi1>
      tpu.vector_store_idx %arg8[%add3A_847], %add3A_723 masked %gt3A_797 : memref<4096xi32, #tpu.memory_space<vmem>>[vector<16xi32>], vector<16xi32>, vector<16xi1>
      tpu.vector_store_idx %arg8[%add3A_848], %add3A_726 masked %gt3A_800 : memref<4096xi32, #tpu.memory_space<vmem>>[vector<16xi32>], vector<16xi32>, vector<16xi1>
      tpu.vector_store_idx %arg8[%add3A_849], %add3A_729 masked %gt3A_803 : memref<4096xi32, #tpu.memory_space<vmem>>[vector<16xi32>], vector<16xi32>, vector<16xi1>
      tpu.vector_store_idx %arg8[%add3A_850], %add3A_732 masked %gt3A_806 : memref<4096xi32, #tpu.memory_space<vmem>>[vector<16xi32>], vector<16xi32>, vector<16xi1>
      tpu.vector_store_idx %arg8[%add3A_851], %add3A_735 masked %gt3A_809 : memref<4096xi32, #tpu.memory_space<vmem>>[vector<16xi32>], vector<16xi32>, vector<16xi1>
      tpu.vector_store_idx %arg8[%add3A_852], %add3A_738 masked %gt3A_812 : memref<4096xi32, #tpu.memory_space<vmem>>[vector<16xi32>], vector<16xi32>, vector<16xi1>
      %all_reduce_population_count3A_853 = tpu.all_reduce %gt3A_791 {dim = 0 : i64, kind = #tpu.reduction_kind<sum>} : vector<16xi1> -> vector<16xi32>
      %all_reduce_population_count3A_854 = tpu.all_reduce %gt3A_794 {dim = 0 : i64, kind = #tpu.reduction_kind<sum>} : vector<16xi1> -> vector<16xi32>
      %all_reduce_population_count3A_855 = tpu.all_reduce %gt3A_797 {dim = 0 : i64, kind = #tpu.reduction_kind<sum>} : vector<16xi1> -> vector<16xi32>
      %all_reduce_population_count3A_856 = tpu.all_reduce %gt3A_800 {dim = 0 : i64, kind = #tpu.reduction_kind<sum>} : vector<16xi1> -> vector<16xi32>
      %all_reduce_population_count3A_857 = tpu.all_reduce %gt3A_803 {dim = 0 : i64, kind = #tpu.reduction_kind<sum>} : vector<16xi1> -> vector<16xi32>
      %all_reduce_population_count3A_858 = tpu.all_reduce %gt3A_806 {dim = 0 : i64, kind = #tpu.reduction_kind<sum>} : vector<16xi1> -> vector<16xi32>
      %all_reduce_population_count3A_859 = tpu.all_reduce %gt3A_809 {dim = 0 : i64, kind = #tpu.reduction_kind<sum>} : vector<16xi1> -> vector<16xi32>
      %all_reduce_population_count3A_860 = tpu.all_reduce %gt3A_812 {dim = 0 : i64, kind = #tpu.reduction_kind<sum>} : vector<16xi1> -> vector<16xi32>
      %add3A_861 = arith.addi %min3A, %all_reduce_population_count3A_853 : vector<16xi32>
      %min3A_862 = arith.minsi %add3A_861, %broadcast_in_dim3A_48 : vector<16xi32>
      %add3A_863 = arith.addi %add3A_717, %broadcast_in_dim3A_46 : vector<16xi32>
      %add3A_864 = arith.addi %min3A_719, %all_reduce_population_count3A_854 : vector<16xi32>
      %min3A_865 = arith.minsi %add3A_864, %broadcast_in_dim3A_50 : vector<16xi32>
      %add3A_866 = arith.addi %add3A_720, %broadcast_in_dim3A_46 : vector<16xi32>
      %add3A_867 = arith.addi %min3A_722, %all_reduce_population_count3A_855 : vector<16xi32>
      %min3A_868 = arith.minsi %add3A_867, %broadcast_in_dim3A_52 : vector<16xi32>
      %add3A_869 = arith.addi %add3A_723, %broadcast_in_dim3A_46 : vector<16xi32>
      %add3A_870 = arith.addi %min3A_725, %all_reduce_population_count3A_856 : vector<16xi32>
      %min3A_871 = arith.minsi %add3A_870, %broadcast_in_dim3A_54 : vector<16xi32>
      %add3A_872 = arith.addi %add3A_726, %broadcast_in_dim3A_46 : vector<16xi32>
      %add3A_873 = arith.addi %min3A_728, %all_reduce_population_count3A_857 : vector<16xi32>
      %min3A_874 = arith.minsi %add3A_873, %broadcast_in_dim3A_56 : vector<16xi32>
      %add3A_875 = arith.addi %add3A_729, %broadcast_in_dim3A_46 : vector<16xi32>
      %add3A_876 = arith.addi %min3A_731, %all_reduce_population_count3A_858 : vector<16xi32>
      %min3A_877 = arith.minsi %add3A_876, %broadcast_in_dim3A_58 : vector<16xi32>
      %add3A_878 = arith.addi %add3A_732, %broadcast_in_dim3A_46 : vector<16xi32>
      %add3A_879 = arith.addi %min3A_734, %all_reduce_population_count3A_859 : vector<16xi32>
      %min3A_880 = arith.minsi %add3A_879, %broadcast_in_dim3A_60 : vector<16xi32>
      %add3A_881 = arith.addi %add3A_735, %broadcast_in_dim3A_46 : vector<16xi32>
      %add3A_882 = arith.addi %min3A_737, %all_reduce_population_count3A_860 : vector<16xi32>
      %min3A_883 = arith.minsi %add3A_882, %broadcast_in_dim3A_62 : vector<16xi32>
      %add3A_884 = arith.addi %add3A_738, %broadcast_in_dim3A_46 : vector<16xi32>
      scf.yield %min3A_862, %add3A_863, %min3A_865, %add3A_866, %min3A_868, %add3A_869, %min3A_871, %add3A_872, %min3A_874, %add3A_875, %min3A_877, %add3A_878, %min3A_880, %add3A_881, %min3A_883, %add3A_884 : vector<16xi32>, vector<16xi32>, vector<16xi32>, vector<16xi32>, vector<16xi32>, vector<16xi32>, vector<16xi32>, vector<16xi32>, vector<16xi32>, vector<16xi32>, vector<16xi32>, vector<16xi32>, vector<16xi32>, vector<16xi32>, vector<16xi32>, vector<16xi32>
    }
    %scan3A_556 = arith.constant 128 : i32
    %broadcast_in_dim3A_557 = arith.constant 0.000000e+00 : f32
    %broadcast_in_dim3A_558 = vector.broadcast %broadcast_in_dim3A_557 : f32 to vector<16xf32>
    %broadcast_in_dim3A_559 = arith.constant 1.000000e+00 : f32
    %broadcast_in_dim3A_560 = vector.broadcast %broadcast_in_dim3A_559 : f32 to vector<16xf32>
    %broadcast_in_dim3A_561 = arith.constant 256 : i32
    %broadcast_in_dim3A_562 = vector.broadcast %broadcast_in_dim3A_561 : i32 to vector<16xi32>
    %scan3A_563 = arith.constant 0 : i32
    %scan3A_564 = arith.constant 14 : i32
    %scan3A_565 = arith.addi %scan3A_563, %scan3A_564 : i32
    %scan3A_566 = arith.constant 1 : i32
    %scan3A_567:2 = scf.for %scan3A_583 = %scan3A_563 to %scan3A_565 step %scan3A_566 iter_args(%scan3A_584 = %broadcast_in_dim3A_558, %scan3A_585 = %broadcast_in_dim3A_560) -> (vector<16xf32>, vector<16xf32>)  : i32 {
      %add3A_586 = arith.addf %scan3A_584, %scan3A_585 : vector<16xf32>
      %mul3A_587 = arith.constant 5.000000e-01 : f32
      %mul3A_588 = vector.broadcast %mul3A_587 : f32 to vector<16xf32>
      %mul3A_589 = arith.mulf %add3A_586, %mul3A_588 : vector<16xf32>
      %scan3A_590 = arith.constant 0 : i32
      %scan3A_591 = arith.constant 32 : i32
      %scan3A_592 = arith.addi %scan3A_590, %scan3A_591 : i32
      %scan3A_593 = arith.constant 2 : i32
      %scan3A_594:8 = scf.for %scan3A_605 = %scan3A_590 to %scan3A_592 step %scan3A_593 iter_args(%scan3A_606 = %broadcast_in_dim3A_37, %scan3A_607 = %broadcast_in_dim3A_37, %scan3A_608 = %broadcast_in_dim3A_37, %scan3A_609 = %broadcast_in_dim3A_37, %scan3A_610 = %broadcast_in_dim3A_37, %scan3A_611 = %broadcast_in_dim3A_37, %scan3A_612 = %broadcast_in_dim3A_37, %scan3A_613 = %broadcast_in_dim3A_37) -> (vector<16xi32>, vector<16xi32>, vector<16xi32>, vector<16xi32>, vector<16xi32>, vector<16xi32>, vector<16xi32>, vector<16xi32>)  : i32 {
        %add3A_614 = arith.constant 0 : i32
        %add3A_615 = arith.addi %add3A_614, %scan3A_605 : i32
        %mul3A_616 = arith.constant 16 : i32
        %mul3A_617 = arith.muli %add3A_615, %mul3A_616 : i32
        %get3A = arith.index_cast %mul3A_617 : i32 to index
        %get3A_618 = tpu.vector_load %arg7[%get3A] {strides = array<i32>} : memref<4096xf32, #tpu.memory_space<vmem>>, vector<16xf32>,
        %add3A_619 = arith.constant 32 : i32
        %add3A_620 = arith.addi %add3A_619, %scan3A_605 : i32
        %mul3A_621 = arith.constant 16 : i32
        %mul3A_622 = arith.muli %add3A_620, %mul3A_621 : i32
        %get3A_623 = arith.index_cast %mul3A_622 : i32 to index
        %get3A_624 = tpu.vector_load %arg7[%get3A_623] {strides = array<i32>} : memref<4096xf32, #tpu.memory_space<vmem>>, vector<16xf32>,
        %add3A_625 = arith.constant 64 : i32
        %add3A_626 = arith.addi %add3A_625, %scan3A_605 : i32
        %mul3A_627 = arith.constant 16 : i32
        %mul3A_628 = arith.muli %add3A_626, %mul3A_627 : i32
        %get3A_629 = arith.index_cast %mul3A_628 : i32 to index
        %get3A_630 = tpu.vector_load %arg7[%get3A_629] {strides = array<i32>} : memref<4096xf32, #tpu.memory_space<vmem>>, vector<16xf32>,
        %add3A_631 = arith.constant 96 : i32
        %add3A_632 = arith.addi %add3A_631, %scan3A_605 : i32
        %mul3A_633 = arith.constant 16 : i32
        %mul3A_634 = arith.muli %add3A_632, %mul3A_633 : i32
        %get3A_635 = arith.index_cast %mul3A_634 : i32 to index
        %get3A_636 = tpu.vector_load %arg7[%get3A_635] {strides = array<i32>} : memref<4096xf32, #tpu.memory_space<vmem>>, vector<16xf32>,
        %add3A_637 = arith.constant 128 : i32
        %add3A_638 = arith.addi %add3A_637, %scan3A_605 : i32
        %mul3A_639 = arith.constant 16 : i32
        %mul3A_640 = arith.muli %add3A_638, %mul3A_639 : i32
        %get3A_641 = arith.index_cast %mul3A_640 : i32 to index
        %get3A_642 = tpu.vector_load %arg7[%get3A_641] {strides = array<i32>} : memref<4096xf32, #tpu.memory_space<vmem>>, vector<16xf32>,
        %add3A_643 = arith.constant 160 : i32
        %add3A_644 = arith.addi %add3A_643, %scan3A_605 : i32
        %mul3A_645 = arith.constant 16 : i32
        %mul3A_646 = arith.muli %add3A_644, %mul3A_645 : i32
        %get3A_647 = arith.index_cast %mul3A_646 : i32 to index
        %get3A_648 = tpu.vector_load %arg7[%get3A_647] {strides = array<i32>} : memref<4096xf32, #tpu.memory_space<vmem>>, vector<16xf32>,
        %add3A_649 = arith.constant 192 : i32
        %add3A_650 = arith.addi %add3A_649, %scan3A_605 : i32
        %mul3A_651 = arith.constant 16 : i32
        %mul3A_652 = arith.muli %add3A_650, %mul3A_651 : i32
        %get3A_653 = arith.index_cast %mul3A_652 : i32 to index
        %get3A_654 = tpu.vector_load %arg7[%get3A_653] {strides = array<i32>} : memref<4096xf32, #tpu.memory_space<vmem>>, vector<16xf32>,
        %add3A_655 = arith.constant 224 : i32
        %add3A_656 = arith.addi %add3A_655, %scan3A_605 : i32
        %mul3A_657 = arith.constant 16 : i32
        %mul3A_658 = arith.muli %add3A_656, %mul3A_657 : i32
        %get3A_659 = arith.index_cast %mul3A_658 : i32 to index
        %get3A_660 = tpu.vector_load %arg7[%get3A_659] {strides = array<i32>} : memref<4096xf32, #tpu.memory_space<vmem>>, vector<16xf32>,
        %ge3A_661 = arith.cmpf oge, %get3A_618, %mul3A_589 : vector<16xf32>
        %ge3A_662 = arith.cmpf oge, %get3A_624, %mul3A_589 : vector<16xf32>
        %ge3A_663 = arith.cmpf oge, %get3A_630, %mul3A_589 : vector<16xf32>
        %ge3A_664 = arith.cmpf oge, %get3A_636, %mul3A_589 : vector<16xf32>
        %ge3A_665 = arith.cmpf oge, %get3A_642, %mul3A_589 : vector<16xf32>
        %ge3A_666 = arith.cmpf oge, %get3A_648, %mul3A_589 : vector<16xf32>
        %ge3A_667 = arith.cmpf oge, %get3A_654, %mul3A_589 : vector<16xf32>
        %ge3A_668 = arith.cmpf oge, %get3A_660, %mul3A_589 : vector<16xf32>
        %all_reduce_population_count3A = tpu.all_reduce %ge3A_661 {dim = 0 : i64, kind = #tpu.reduction_kind<sum>} : vector<16xi1> -> vector<16xi32>
        %all_reduce_population_count3A_669 = tpu.all_reduce %ge3A_662 {dim = 0 : i64, kind = #tpu.reduction_kind<sum>} : vector<16xi1> -> vector<16xi32>
        %all_reduce_population_count3A_670 = tpu.all_reduce %ge3A_663 {dim = 0 : i64, kind = #tpu.reduction_kind<sum>} : vector<16xi1> -> vector<16xi32>
        %all_reduce_population_count3A_671 = tpu.all_reduce %ge3A_664 {dim = 0 : i64, kind = #tpu.reduction_kind<sum>} : vector<16xi1> -> vector<16xi32>
        %all_reduce_population_count3A_672 = tpu.all_reduce %ge3A_665 {dim = 0 : i64, kind = #tpu.reduction_kind<sum>} : vector<16xi1> -> vector<16xi32>
        %all_reduce_population_count3A_673 = tpu.all_reduce %ge3A_666 {dim = 0 : i64, kind = #tpu.reduction_kind<sum>} : vector<16xi1> -> vector<16xi32>
        %all_reduce_population_count3A_674 = tpu.all_reduce %ge3A_667 {dim = 0 : i64, kind = #tpu.reduction_kind<sum>} : vector<16xi1> -> vector<16xi32>
        %all_reduce_population_count3A_675 = tpu.all_reduce %ge3A_668 {dim = 0 : i64, kind = #tpu.reduction_kind<sum>} : vector<16xi1> -> vector<16xi32>
        %add3A_676 = arith.addi %scan3A_606, %all_reduce_population_count3A : vector<16xi32>
        %add3A_677 = arith.addi %scan3A_607, %all_reduce_population_count3A_669 : vector<16xi32>
        %add3A_678 = arith.addi %scan3A_608, %all_reduce_population_count3A_670 : vector<16xi32>
        %add3A_679 = arith.addi %scan3A_609, %all_reduce_population_count3A_671 : vector<16xi32>
        %add3A_680 = arith.addi %scan3A_610, %all_reduce_population_count3A_672 : vector<16xi32>
        %add3A_681 = arith.addi %scan3A_611, %all_reduce_population_count3A_673 : vector<16xi32>
        %add3A_682 = arith.addi %scan3A_612, %all_reduce_population_count3A_674 : vector<16xi32>
        %add3A_683 = arith.addi %scan3A_613, %all_reduce_population_count3A_675 : vector<16xi32>
        %scan3A_684 = arith.constant 1 : i32
        %scan3A_685 = arith.addi %scan3A_605, %scan3A_684 : i32
        %add3A_686 = arith.constant 0 : i32
        %add3A_687 = arith.addi %add3A_686, %scan3A_685 : i32
        %mul3A_688 = arith.constant 16 : i32
        %mul3A_689 = arith.muli %add3A_687, %mul3A_688 : i32
        %get3A_690 = arith.index_cast %mul3A_689 : i32 to index
        %get3A_691 = tpu.vector_load %arg7[%get3A_690] {strides = array<i32>} : memref<4096xf32, #tpu.memory_space<vmem>>, vector<16xf32>,
        %add3A_692 = arith.constant 32 : i32
        %add3A_693 = arith.addi %add3A_692, %scan3A_685 : i32
        %mul3A_694 = arith.constant 16 : i32
        %mul3A_695 = arith.muli %add3A_693, %mul3A_694 : i32
        %get3A_696 = arith.index_cast %mul3A_695 : i32 to index
        %get3A_697 = tpu.vector_load %arg7[%get3A_696] {strides = array<i32>} : memref<4096xf32, #tpu.memory_space<vmem>>, vector<16xf32>,
        %add3A_698 = arith.constant 64 : i32
        %add3A_699 = arith.addi %add3A_698, %scan3A_685 : i32
        %mul3A_700 = arith.constant 16 : i32
        %mul3A_701 = arith.muli %add3A_699, %mul3A_700 : i32
        %get3A_702 = arith.index_cast %mul3A_701 : i32 to index
        %get3A_703 = tpu.vector_load %arg7[%get3A_702] {strides = array<i32>} : memref<4096xf32, #tpu.memory_space<vmem>>, vector<16xf32>,
        %add3A_704 = arith.constant 96 : i32
        %add3A_705 = arith.addi %add3A_704, %scan3A_685 : i32
        %mul3A_706 = arith.constant 16 : i32
        %mul3A_707 = arith.muli %add3A_705, %mul3A_706 : i32
        %get3A_708 = arith.index_cast %mul3A_707 : i32 to index
        %get3A_709 = tpu.vector_load %arg7[%get3A_708] {strides = array<i32>} : memref<4096xf32, #tpu.memory_space<vmem>>, vector<16xf32>,
        %add3A_710 = arith.constant 128 : i32
        %add3A_711 = arith.addi %add3A_710, %scan3A_685 : i32
        %mul3A_712 = arith.constant 16 : i32
        %mul3A_713 = arith.muli %add3A_711, %mul3A_712 : i32
        %get3A_714 = arith.index_cast %mul3A_713 : i32 to index
        %get3A_715 = tpu.vector_load %arg7[%get3A_714] {strides = array<i32>} : memref<4096xf32, #tpu.memory_space<vmem>>, vector<16xf32>,
        %add3A_716 = arith.constant 160 : i32
        %add3A_717 = arith.addi %add3A_716, %scan3A_685 : i32
        %mul3A_718 = arith.constant 16 : i32
        %mul3A_719 = arith.muli %add3A_717, %mul3A_718 : i32
        %get3A_720 = arith.index_cast %mul3A_719 : i32 to index
        %get3A_721 = tpu.vector_load %arg7[%get3A_720] {strides = array<i32>} : memref<4096xf32, #tpu.memory_space<vmem>>, vector<16xf32>,
        %add3A_722 = arith.constant 192 : i32
        %add3A_723 = arith.addi %add3A_722, %scan3A_685 : i32
        %mul3A_724 = arith.constant 16 : i32
        %mul3A_725 = arith.muli %add3A_723, %mul3A_724 : i32
        %get3A_726 = arith.index_cast %mul3A_725 : i32 to index
        %get3A_727 = tpu.vector_load %arg7[%get3A_726] {strides = array<i32>} : memref<4096xf32, #tpu.memory_space<vmem>>, vector<16xf32>,
        %add3A_728 = arith.constant 224 : i32
        %add3A_729 = arith.addi %add3A_728, %scan3A_685 : i32
        %mul3A_730 = arith.constant 16 : i32
        %mul3A_731 = arith.muli %add3A_729, %mul3A_730 : i32
        %get3A_732 = arith.index_cast %mul3A_731 : i32 to index
        %get3A_733 = tpu.vector_load %arg7[%get3A_732] {strides = array<i32>} : memref<4096xf32, #tpu.memory_space<vmem>>, vector<16xf32>,
        %ge3A_734 = arith.cmpf oge, %get3A_691, %mul3A_589 : vector<16xf32>
        %ge3A_735 = arith.cmpf oge, %get3A_697, %mul3A_589 : vector<16xf32>
        %ge3A_736 = arith.cmpf oge, %get3A_703, %mul3A_589 : vector<16xf32>
        %ge3A_737 = arith.cmpf oge, %get3A_709, %mul3A_589 : vector<16xf32>
        %ge3A_738 = arith.cmpf oge, %get3A_715, %mul3A_589 : vector<16xf32>
        %ge3A_739 = arith.cmpf oge, %get3A_721, %mul3A_589 : vector<16xf32>
        %ge3A_740 = arith.cmpf oge, %get3A_727, %mul3A_589 : vector<16xf32>
        %ge3A_741 = arith.cmpf oge, %get3A_733, %mul3A_589 : vector<16xf32>
        %all_reduce_population_count3A_742 = tpu.all_reduce %ge3A_734 {dim = 0 : i64, kind = #tpu.reduction_kind<sum>} : vector<16xi1> -> vector<16xi32>
        %all_reduce_population_count3A_743 = tpu.all_reduce %ge3A_735 {dim = 0 : i64, kind = #tpu.reduction_kind<sum>} : vector<16xi1> -> vector<16xi32>
        %all_reduce_population_count3A_744 = tpu.all_reduce %ge3A_736 {dim = 0 : i64, kind = #tpu.reduction_kind<sum>} : vector<16xi1> -> vector<16xi32>
        %all_reduce_population_count3A_745 = tpu.all_reduce %ge3A_737 {dim = 0 : i64, kind = #tpu.reduction_kind<sum>} : vector<16xi1> -> vector<16xi32>
        %all_reduce_population_count3A_746 = tpu.all_reduce %ge3A_738 {dim = 0 : i64, kind = #tpu.reduction_kind<sum>} : vector<16xi1> -> vector<16xi32>
        %all_reduce_population_count3A_747 = tpu.all_reduce %ge3A_739 {dim = 0 : i64, kind = #tpu.reduction_kind<sum>} : vector<16xi1> -> vector<16xi32>
        %all_reduce_population_count3A_748 = tpu.all_reduce %ge3A_740 {dim = 0 : i64, kind = #tpu.reduction_kind<sum>} : vector<16xi1> -> vector<16xi32>
        %all_reduce_population_count3A_749 = tpu.all_reduce %ge3A_741 {dim = 0 : i64, kind = #tpu.reduction_kind<sum>} : vector<16xi1> -> vector<16xi32>
        %add3A_750 = arith.addi %add3A_676, %all_reduce_population_count3A_742 : vector<16xi32>
        %add3A_751 = arith.addi %add3A_677, %all_reduce_population_count3A_743 : vector<16xi32>
        %add3A_752 = arith.addi %add3A_678, %all_reduce_population_count3A_744 : vector<16xi32>
        %add3A_753 = arith.addi %add3A_679, %all_reduce_population_count3A_745 : vector<16xi32>
        %add3A_754 = arith.addi %add3A_680, %all_reduce_population_count3A_746 : vector<16xi32>
        %add3A_755 = arith.addi %add3A_681, %all_reduce_population_count3A_747 : vector<16xi32>
        %add3A_756 = arith.addi %add3A_682, %all_reduce_population_count3A_748 : vector<16xi32>
        %add3A_757 = arith.addi %add3A_683, %all_reduce_population_count3A_749 : vector<16xi32>
        scf.yield %add3A_750, %add3A_751, %add3A_752, %add3A_753, %add3A_754, %add3A_755, %add3A_756, %add3A_757 : vector<16xi32>, vector<16xi32>, vector<16xi32>, vector<16xi32>, vector<16xi32>, vector<16xi32>, vector<16xi32>, vector<16xi32>
      }
      %scan3A_595 = arith.constant 32 : i32
      %add3A_596 = arith.addi %scan3A_594#0, %scan3A_594#1 : vector<16xi32>
      %add3A_597 = arith.addi %add3A_596, %scan3A_594#2 : vector<16xi32>
      %add3A_598 = arith.addi %add3A_597, %scan3A_594#3 : vector<16xi32>
      %add3A_599 = arith.addi %add3A_598, %scan3A_594#4 : vector<16xi32>
      %add3A_600 = arith.addi %add3A_599, %scan3A_594#5 : vector<16xi32>
      %add3A_601 = arith.addi %add3A_600, %scan3A_594#6 : vector<16xi32>
      %add3A_602 = arith.addi %add3A_601, %scan3A_594#7 : vector<16xi32>
      %ge3A = arith.cmpi sge, %add3A_602, %broadcast_in_dim3A_562 : vector<16xi32>
      %select_n3A_603 = arith.select %ge3A, %mul3A_589, %scan3A_584 : vector<16xi1>, vector<16xf32>
      %select_n3A_604 = arith.select %ge3A, %scan3A_585, %mul3A_589 : vector<16xi1>, vector<16xf32>
      scf.yield %select_n3A_603, %select_n3A_604 : vector<16xf32>, vector<16xf32>
    }
    %scan3A_568 = arith.constant 14 : i32
    %broadcast_in_dim3A_569 = arith.constant 511 : i32
    %broadcast_in_dim3A_570 = vector.broadcast %broadcast_in_dim3A_569 : i32 to vector<16xi32>
    %neg3A = arith.constant 0 : i32
    %neg3A_571 = vector.broadcast %neg3A : i32 to vector<16xi32>
    %neg3A_572 = arith.subi %neg3A_571, %broadcast_in_dim3A_39 : vector<16xi32>
    %scan3A_573 = arith.constant 0 : i32
    %scan3A_574 = arith.constant 256 : i32
    %scan3A_575 = arith.addi %scan3A_573, %scan3A_574 : i32
    %scan3A_576 = arith.constant 8 : i32
    %scan3A_577 = scf.for %scan3A_583 = %scan3A_573 to %scan3A_575 step %scan3A_576 iter_args(%scan3A_584 = %neg3A_572) -> (vector<16xi32>)  : i32 {
      %mul3A_585 = arith.constant 16 : i32
      %mul3A_586 = arith.muli %scan3A_583, %mul3A_585 : i32
      %get3A = arith.index_cast %mul3A_586 : i32 to index
      %get3A_587 = tpu.vector_load %arg7[%get3A] {strides = array<i32>} : memref<4096xf32, #tpu.memory_space<vmem>>, vector<16xf32>,
      %mul3A_588 = arith.constant 16 : i32
      %mul3A_589 = arith.muli %scan3A_583, %mul3A_588 : i32
      %get3A_590 = arith.index_cast %mul3A_589 : i32 to index
      %get3A_591 = tpu.vector_load %arg8[%get3A_590] {strides = array<i32>} : memref<4096xi32, #tpu.memory_space<vmem>>, vector<16xi32>,
      %ge3A = arith.cmpf oge, %get3A_587, %scan3A_567#0 : vector<16xf32>
      %gt3A = arith.constant 0.000000e+00 : f32
      %gt3A_592 = vector.broadcast %gt3A : f32 to vector<16xf32>
      %gt3A_593 = arith.cmpf ogt, %get3A_587, %gt3A_592 : vector<16xf32>
      %and3A_594 = arith.andi %ge3A, %gt3A_593 : vector<16xi1>
      %select_n3A_595 = arith.select %and3A_594, %broadcast_in_dim3A_39, %broadcast_in_dim3A_37 : vector<16xi1>, vector<16xi32>
      %broadcast_in_dim3A_596 = arith.constant true
      %broadcast_in_dim3A_597 = vector.broadcast %broadcast_in_dim3A_596 : i1 to vector<16xi1>
      %masked_cumsum3A = tpu.scan <sum>, %select_n3A_595 masked %broadcast_in_dim3A_597 : vector<16xi32>, vector<16xi1> -> vector<16xi32>
      %add3A_598 = arith.addi %scan3A_584, %masked_cumsum3A : vector<16xi32>
      %min3A = arith.minsi %add3A_598, %broadcast_in_dim3A_570 : vector<16xi32>
      tpu.vector_store_idx %arg9[%min3A], %get3A_587 masked %and3A_594 : memref<512xf32, #tpu.memory_space<vmem>>[vector<16xi32>], vector<16xf32>, vector<16xi1>
      tpu.vector_store_idx %arg10[%min3A], %get3A_591 masked %and3A_594 : memref<512xi32, #tpu.memory_space<vmem>>[vector<16xi32>], vector<16xi32>, vector<16xi1>
      %all_reduce_population_count3A = tpu.all_reduce %and3A_594 {dim = 0 : i64, kind = #tpu.reduction_kind<sum>} : vector<16xi1> -> vector<16xi32>
      %add3A_599 = arith.addi %scan3A_584, %all_reduce_population_count3A : vector<16xi32>
      %scan3A_600 = arith.constant 1 : i32
      %scan3A_601 = arith.addi %scan3A_583, %scan3A_600 : i32
      %mul3A_602 = arith.constant 16 : i32
      %mul3A_603 = arith.muli %scan3A_601, %mul3A_602 : i32
      %get3A_604 = arith.index_cast %mul3A_603 : i32 to index
      %get3A_605 = tpu.vector_load %arg7[%get3A_604] {strides = array<i32>} : memref<4096xf32, #tpu.memory_space<vmem>>, vector<16xf32>,
      %mul3A_606 = arith.constant 16 : i32
      %mul3A_607 = arith.muli %scan3A_601, %mul3A_606 : i32
      %get3A_608 = arith.index_cast %mul3A_607 : i32 to index
      %get3A_609 = tpu.vector_load %arg8[%get3A_608] {strides = array<i32>} : memref<4096xi32, #tpu.memory_space<vmem>>, vector<16xi32>,
      %ge3A_610 = arith.cmpf oge, %get3A_605, %scan3A_567#0 : vector<16xf32>
      %gt3A_611 = arith.constant 0.000000e+00 : f32
      %gt3A_612 = vector.broadcast %gt3A_611 : f32 to vector<16xf32>
      %gt3A_613 = arith.cmpf ogt, %get3A_605, %gt3A_612 : vector<16xf32>
      %and3A_614 = arith.andi %ge3A_610, %gt3A_613 : vector<16xi1>
      %select_n3A_615 = arith.select %and3A_614, %broadcast_in_dim3A_39, %broadcast_in_dim3A_37 : vector<16xi1>, vector<16xi32>
      %broadcast_in_dim3A_616 = arith.constant true
      %broadcast_in_dim3A_617 = vector.broadcast %broadcast_in_dim3A_616 : i1 to vector<16xi1>
      %masked_cumsum3A_618 = tpu.scan <sum>, %select_n3A_615 masked %broadcast_in_dim3A_617 : vector<16xi32>, vector<16xi1> -> vector<16xi32>
      %add3A_619 = arith.addi %add3A_599, %masked_cumsum3A_618 : vector<16xi32>
      %min3A_620 = arith.minsi %add3A_619, %broadcast_in_dim3A_570 : vector<16xi32>
      tpu.vector_store_idx %arg9[%min3A_620], %get3A_605 masked %and3A_614 : memref<512xf32, #tpu.memory_space<vmem>>[vector<16xi32>], vector<16xf32>, vector<16xi1>
      tpu.vector_store_idx %arg10[%min3A_620], %get3A_609 masked %and3A_614 : memref<512xi32, #tpu.memory_space<vmem>>[vector<16xi32>], vector<16xi32>, vector<16xi1>
      %all_reduce_population_count3A_621 = tpu.all_reduce %and3A_614 {dim = 0 : i64, kind = #tpu.reduction_kind<sum>} : vector<16xi1> -> vector<16xi32>
      %add3A_622 = arith.addi %add3A_599, %all_reduce_population_count3A_621 : vector<16xi32>
      %scan3A_623 = arith.constant 2 : i32
      %scan3A_624 = arith.addi %scan3A_583, %scan3A_623 : i32
      %mul3A_625 = arith.constant 16 : i32
      %mul3A_626 = arith.muli %scan3A_624, %mul3A_625 : i32
      %get3A_627 = arith.index_cast %mul3A_626 : i32 to index
      %get3A_628 = tpu.vector_load %arg7[%get3A_627] {strides = array<i32>} : memref<4096xf32, #tpu.memory_space<vmem>>, vector<16xf32>,
      %mul3A_629 = arith.constant 16 : i32
      %mul3A_630 = arith.muli %scan3A_624, %mul3A_629 : i32
      %get3A_631 = arith.index_cast %mul3A_630 : i32 to index
      %get3A_632 = tpu.vector_load %arg8[%get3A_631] {strides = array<i32>} : memref<4096xi32, #tpu.memory_space<vmem>>, vector<16xi32>,
      %ge3A_633 = arith.cmpf oge, %get3A_628, %scan3A_567#0 : vector<16xf32>
      %gt3A_634 = arith.constant 0.000000e+00 : f32
      %gt3A_635 = vector.broadcast %gt3A_634 : f32 to vector<16xf32>
      %gt3A_636 = arith.cmpf ogt, %get3A_628, %gt3A_635 : vector<16xf32>
      %and3A_637 = arith.andi %ge3A_633, %gt3A_636 : vector<16xi1>
      %select_n3A_638 = arith.select %and3A_637, %broadcast_in_dim3A_39, %broadcast_in_dim3A_37 : vector<16xi1>, vector<16xi32>
      %broadcast_in_dim3A_639 = arith.constant true
      %broadcast_in_dim3A_640 = vector.broadcast %broadcast_in_dim3A_639 : i1 to vector<16xi1>
      %masked_cumsum3A_641 = tpu.scan <sum>, %select_n3A_638 masked %broadcast_in_dim3A_640 : vector<16xi32>, vector<16xi1> -> vector<16xi32>
      %add3A_642 = arith.addi %add3A_622, %masked_cumsum3A_641 : vector<16xi32>
      %min3A_643 = arith.minsi %add3A_642, %broadcast_in_dim3A_570 : vector<16xi32>
      tpu.vector_store_idx %arg9[%min3A_643], %get3A_628 masked %and3A_637 : memref<512xf32, #tpu.memory_space<vmem>>[vector<16xi32>], vector<16xf32>, vector<16xi1>
      tpu.vector_store_idx %arg10[%min3A_643], %get3A_632 masked %and3A_637 : memref<512xi32, #tpu.memory_space<vmem>>[vector<16xi32>], vector<16xi32>, vector<16xi1>
      %all_reduce_population_count3A_644 = tpu.all_reduce %and3A_637 {dim = 0 : i64, kind = #tpu.reduction_kind<sum>} : vector<16xi1> -> vector<16xi32>
      %add3A_645 = arith.addi %add3A_622, %all_reduce_population_count3A_644 : vector<16xi32>
      %scan3A_646 = arith.constant 3 : i32
      %scan3A_647 = arith.addi %scan3A_583, %scan3A_646 : i32
      %mul3A_648 = arith.constant 16 : i32
      %mul3A_649 = arith.muli %scan3A_647, %mul3A_648 : i32
      %get3A_650 = arith.index_cast %mul3A_649 : i32 to index
      %get3A_651 = tpu.vector_load %arg7[%get3A_650] {strides = array<i32>} : memref<4096xf32, #tpu.memory_space<vmem>>, vector<16xf32>,
      %mul3A_652 = arith.constant 16 : i32
      %mul3A_653 = arith.muli %scan3A_647, %mul3A_652 : i32
      %get3A_654 = arith.index_cast %mul3A_653 : i32 to index
      %get3A_655 = tpu.vector_load %arg8[%get3A_654] {strides = array<i32>} : memref<4096xi32, #tpu.memory_space<vmem>>, vector<16xi32>,
      %ge3A_656 = arith.cmpf oge, %get3A_651, %scan3A_567#0 : vector<16xf32>
      %gt3A_657 = arith.constant 0.000000e+00 : f32
      %gt3A_658 = vector.broadcast %gt3A_657 : f32 to vector<16xf32>
      %gt3A_659 = arith.cmpf ogt, %get3A_651, %gt3A_658 : vector<16xf32>
      %and3A_660 = arith.andi %ge3A_656, %gt3A_659 : vector<16xi1>
      %select_n3A_661 = arith.select %and3A_660, %broadcast_in_dim3A_39, %broadcast_in_dim3A_37 : vector<16xi1>, vector<16xi32>
      %broadcast_in_dim3A_662 = arith.constant true
      %broadcast_in_dim3A_663 = vector.broadcast %broadcast_in_dim3A_662 : i1 to vector<16xi1>
      %masked_cumsum3A_664 = tpu.scan <sum>, %select_n3A_661 masked %broadcast_in_dim3A_663 : vector<16xi32>, vector<16xi1> -> vector<16xi32>
      %add3A_665 = arith.addi %add3A_645, %masked_cumsum3A_664 : vector<16xi32>
      %min3A_666 = arith.minsi %add3A_665, %broadcast_in_dim3A_570 : vector<16xi32>
      tpu.vector_store_idx %arg9[%min3A_666], %get3A_651 masked %and3A_660 : memref<512xf32, #tpu.memory_space<vmem>>[vector<16xi32>], vector<16xf32>, vector<16xi1>
      tpu.vector_store_idx %arg10[%min3A_666], %get3A_655 masked %and3A_660 : memref<512xi32, #tpu.memory_space<vmem>>[vector<16xi32>], vector<16xi32>, vector<16xi1>
      %all_reduce_population_count3A_667 = tpu.all_reduce %and3A_660 {dim = 0 : i64, kind = #tpu.reduction_kind<sum>} : vector<16xi1> -> vector<16xi32>
      %add3A_668 = arith.addi %add3A_645, %all_reduce_population_count3A_667 : vector<16xi32>
      %scan3A_669 = arith.constant 4 : i32
      %scan3A_670 = arith.addi %scan3A_583, %scan3A_669 : i32
      %mul3A_671 = arith.constant 16 : i32
      %mul3A_672 = arith.muli %scan3A_670, %mul3A_671 : i32
      %get3A_673 = arith.index_cast %mul3A_672 : i32 to index
      %get3A_674 = tpu.vector_load %arg7[%get3A_673] {strides = array<i32>} : memref<4096xf32, #tpu.memory_space<vmem>>, vector<16xf32>,
      %mul3A_675 = arith.constant 16 : i32
      %mul3A_676 = arith.muli %scan3A_670, %mul3A_675 : i32
      %get3A_677 = arith.index_cast %mul3A_676 : i32 to index
      %get3A_678 = tpu.vector_load %arg8[%get3A_677] {strides = array<i32>} : memref<4096xi32, #tpu.memory_space<vmem>>, vector<16xi32>,
      %ge3A_679 = arith.cmpf oge, %get3A_674, %scan3A_567#0 : vector<16xf32>
      %gt3A_680 = arith.constant 0.000000e+00 : f32
      %gt3A_681 = vector.broadcast %gt3A_680 : f32 to vector<16xf32>
      %gt3A_682 = arith.cmpf ogt, %get3A_674, %gt3A_681 : vector<16xf32>
      %and3A_683 = arith.andi %ge3A_679, %gt3A_682 : vector<16xi1>
      %select_n3A_684 = arith.select %and3A_683, %broadcast_in_dim3A_39, %broadcast_in_dim3A_37 : vector<16xi1>, vector<16xi32>
      %broadcast_in_dim3A_685 = arith.constant true
      %broadcast_in_dim3A_686 = vector.broadcast %broadcast_in_dim3A_685 : i1 to vector<16xi1>
      %masked_cumsum3A_687 = tpu.scan <sum>, %select_n3A_684 masked %broadcast_in_dim3A_686 : vector<16xi32>, vector<16xi1> -> vector<16xi32>
      %add3A_688 = arith.addi %add3A_668, %masked_cumsum3A_687 : vector<16xi32>
      %min3A_689 = arith.minsi %add3A_688, %broadcast_in_dim3A_570 : vector<16xi32>
      tpu.vector_store_idx %arg9[%min3A_689], %get3A_674 masked %and3A_683 : memref<512xf32, #tpu.memory_space<vmem>>[vector<16xi32>], vector<16xf32>, vector<16xi1>
      tpu.vector_store_idx %arg10[%min3A_689], %get3A_678 masked %and3A_683 : memref<512xi32, #tpu.memory_space<vmem>>[vector<16xi32>], vector<16xi32>, vector<16xi1>
      %all_reduce_population_count3A_690 = tpu.all_reduce %and3A_683 {dim = 0 : i64, kind = #tpu.reduction_kind<sum>} : vector<16xi1> -> vector<16xi32>
      %add3A_691 = arith.addi %add3A_668, %all_reduce_population_count3A_690 : vector<16xi32>
      %scan3A_692 = arith.constant 5 : i32
      %scan3A_693 = arith.addi %scan3A_583, %scan3A_692 : i32
      %mul3A_694 = arith.constant 16 : i32
      %mul3A_695 = arith.muli %scan3A_693, %mul3A_694 : i32
      %get3A_696 = arith.index_cast %mul3A_695 : i32 to index
      %get3A_697 = tpu.vector_load %arg7[%get3A_696] {strides = array<i32>} : memref<4096xf32, #tpu.memory_space<vmem>>, vector<16xf32>,
      %mul3A_698 = arith.constant 16 : i32
      %mul3A_699 = arith.muli %scan3A_693, %mul3A_698 : i32
      %get3A_700 = arith.index_cast %mul3A_699 : i32 to index
      %get3A_701 = tpu.vector_load %arg8[%get3A_700] {strides = array<i32>} : memref<4096xi32, #tpu.memory_space<vmem>>, vector<16xi32>,
      %ge3A_702 = arith.cmpf oge, %get3A_697, %scan3A_567#0 : vector<16xf32>
      %gt3A_703 = arith.constant 0.000000e+00 : f32
      %gt3A_704 = vector.broadcast %gt3A_703 : f32 to vector<16xf32>
      %gt3A_705 = arith.cmpf ogt, %get3A_697, %gt3A_704 : vector<16xf32>
      %and3A_706 = arith.andi %ge3A_702, %gt3A_705 : vector<16xi1>
      %select_n3A_707 = arith.select %and3A_706, %broadcast_in_dim3A_39, %broadcast_in_dim3A_37 : vector<16xi1>, vector<16xi32>
      %broadcast_in_dim3A_708 = arith.constant true
      %broadcast_in_dim3A_709 = vector.broadcast %broadcast_in_dim3A_708 : i1 to vector<16xi1>
      %masked_cumsum3A_710 = tpu.scan <sum>, %select_n3A_707 masked %broadcast_in_dim3A_709 : vector<16xi32>, vector<16xi1> -> vector<16xi32>
      %add3A_711 = arith.addi %add3A_691, %masked_cumsum3A_710 : vector<16xi32>
      %min3A_712 = arith.minsi %add3A_711, %broadcast_in_dim3A_570 : vector<16xi32>
      tpu.vector_store_idx %arg9[%min3A_712], %get3A_697 masked %and3A_706 : memref<512xf32, #tpu.memory_space<vmem>>[vector<16xi32>], vector<16xf32>, vector<16xi1>
      tpu.vector_store_idx %arg10[%min3A_712], %get3A_701 masked %and3A_706 : memref<512xi32, #tpu.memory_space<vmem>>[vector<16xi32>], vector<16xi32>, vector<16xi1>
      %all_reduce_population_count3A_713 = tpu.all_reduce %and3A_706 {dim = 0 : i64, kind = #tpu.reduction_kind<sum>} : vector<16xi1> -> vector<16xi32>
      %add3A_714 = arith.addi %add3A_691, %all_reduce_population_count3A_713 : vector<16xi32>
      %scan3A_715 = arith.constant 6 : i32
      %scan3A_716 = arith.addi %scan3A_583, %scan3A_715 : i32
      %mul3A_717 = arith.constant 16 : i32
      %mul3A_718 = arith.muli %scan3A_716, %mul3A_717 : i32
      %get3A_719 = arith.index_cast %mul3A_718 : i32 to index
      %get3A_720 = tpu.vector_load %arg7[%get3A_719] {strides = array<i32>} : memref<4096xf32, #tpu.memory_space<vmem>>, vector<16xf32>,
      %mul3A_721 = arith.constant 16 : i32
      %mul3A_722 = arith.muli %scan3A_716, %mul3A_721 : i32
      %get3A_723 = arith.index_cast %mul3A_722 : i32 to index
      %get3A_724 = tpu.vector_load %arg8[%get3A_723] {strides = array<i32>} : memref<4096xi32, #tpu.memory_space<vmem>>, vector<16xi32>,
      %ge3A_725 = arith.cmpf oge, %get3A_720, %scan3A_567#0 : vector<16xf32>
      %gt3A_726 = arith.constant 0.000000e+00 : f32
      %gt3A_727 = vector.broadcast %gt3A_726 : f32 to vector<16xf32>
      %gt3A_728 = arith.cmpf ogt, %get3A_720, %gt3A_727 : vector<16xf32>
      %and3A_729 = arith.andi %ge3A_725, %gt3A_728 : vector<16xi1>
      %select_n3A_730 = arith.select %and3A_729, %broadcast_in_dim3A_39, %broadcast_in_dim3A_37 : vector<16xi1>, vector<16xi32>
      %broadcast_in_dim3A_731 = arith.constant true
      %broadcast_in_dim3A_732 = vector.broadcast %broadcast_in_dim3A_731 : i1 to vector<16xi1>
      %masked_cumsum3A_733 = tpu.scan <sum>, %select_n3A_730 masked %broadcast_in_dim3A_732 : vector<16xi32>, vector<16xi1> -> vector<16xi32>
      %add3A_734 = arith.addi %add3A_714, %masked_cumsum3A_733 : vector<16xi32>
      %min3A_735 = arith.minsi %add3A_734, %broadcast_in_dim3A_570 : vector<16xi32>
      tpu.vector_store_idx %arg9[%min3A_735], %get3A_720 masked %and3A_729 : memref<512xf32, #tpu.memory_space<vmem>>[vector<16xi32>], vector<16xf32>, vector<16xi1>
      tpu.vector_store_idx %arg10[%min3A_735], %get3A_724 masked %and3A_729 : memref<512xi32, #tpu.memory_space<vmem>>[vector<16xi32>], vector<16xi32>, vector<16xi1>
      %all_reduce_population_count3A_736 = tpu.all_reduce %and3A_729 {dim = 0 : i64, kind = #tpu.reduction_kind<sum>} : vector<16xi1> -> vector<16xi32>
      %add3A_737 = arith.addi %add3A_714, %all_reduce_population_count3A_736 : vector<16xi32>
      %scan3A_738 = arith.constant 7 : i32
      %scan3A_739 = arith.addi %scan3A_583, %scan3A_738 : i32
      %mul3A_740 = arith.constant 16 : i32
      %mul3A_741 = arith.muli %scan3A_739, %mul3A_740 : i32
      %get3A_742 = arith.index_cast %mul3A_741 : i32 to index
      %get3A_743 = tpu.vector_load %arg7[%get3A_742] {strides = array<i32>} : memref<4096xf32, #tpu.memory_space<vmem>>, vector<16xf32>,
      %mul3A_744 = arith.constant 16 : i32
      %mul3A_745 = arith.muli %scan3A_739, %mul3A_744 : i32
      %get3A_746 = arith.index_cast %mul3A_745 : i32 to index
      %get3A_747 = tpu.vector_load %arg8[%get3A_746] {strides = array<i32>} : memref<4096xi32, #tpu.memory_space<vmem>>, vector<16xi32>,
      %ge3A_748 = arith.cmpf oge, %get3A_743, %scan3A_567#0 : vector<16xf32>
      %gt3A_749 = arith.constant 0.000000e+00 : f32
      %gt3A_750 = vector.broadcast %gt3A_749 : f32 to vector<16xf32>
      %gt3A_751 = arith.cmpf ogt, %get3A_743, %gt3A_750 : vector<16xf32>
      %and3A_752 = arith.andi %ge3A_748, %gt3A_751 : vector<16xi1>
      %select_n3A_753 = arith.select %and3A_752, %broadcast_in_dim3A_39, %broadcast_in_dim3A_37 : vector<16xi1>, vector<16xi32>
      %broadcast_in_dim3A_754 = arith.constant true
      %broadcast_in_dim3A_755 = vector.broadcast %broadcast_in_dim3A_754 : i1 to vector<16xi1>
      %masked_cumsum3A_756 = tpu.scan <sum>, %select_n3A_753 masked %broadcast_in_dim3A_755 : vector<16xi32>, vector<16xi1> -> vector<16xi32>
      %add3A_757 = arith.addi %add3A_737, %masked_cumsum3A_756 : vector<16xi32>
      %min3A_758 = arith.minsi %add3A_757, %broadcast_in_dim3A_570 : vector<16xi32>
      tpu.vector_store_idx %arg9[%min3A_758], %get3A_743 masked %and3A_752 : memref<512xf32, #tpu.memory_space<vmem>>[vector<16xi32>], vector<16xf32>, vector<16xi1>
      tpu.vector_store_idx %arg10[%min3A_758], %get3A_747 masked %and3A_752 : memref<512xi32, #tpu.memory_space<vmem>>[vector<16xi32>], vector<16xi32>, vector<16xi1>
      %all_reduce_population_count3A_759 = tpu.all_reduce %and3A_752 {dim = 0 : i64, kind = #tpu.reduction_kind<sum>} : vector<16xi1> -> vector<16xi32>
      %add3A_760 = arith.addi %add3A_737, %all_reduce_population_count3A_759 : vector<16xi32>
      scf.yield %add3A_760 : vector<16xi32>
    }
    %scan3A_578 = arith.constant 256 : i32
    %mul3A_579 = arith.constant 512 : i32
    %mul3A_580 = arith.muli %select_n3A_30, %mul3A_579 : i32
    "tpu.region"() ({
      %run_scoped3A = tpu.sem_alloc : memref<!tpu.dma_semaphore, #tpu.memory_space<semaphore_mem>>
      %dma_start3A_583 = tpu.memref_slice %arg3[%select_n3A, %mul3A_580] : memref<16x1024xf32, #tpu.memory_space<hbm>> -> memref<1x512xf32, #tpu.memory_space<hbm>>
      %dma_start3A_584 = tpu.memref_squeeze %dma_start3A_583 : memref<1x512xf32, #tpu.memory_space<hbm>> -> memref<512xf32, #tpu.memory_space<hbm>>
      %dma_start3A_585 = tpu.memref_slice %arg3[%select_n3A, %mul3A_580] : memref<16x1024xf32, #tpu.memory_space<hbm>> -> memref<1x512xf32, #tpu.memory_space<hbm>>
      %dma_start3A_586 = tpu.memref_squeeze %dma_start3A_585 : memref<1x512xf32, #tpu.memory_space<hbm>> -> memref<512xf32, #tpu.memory_space<hbm>>
      tpu.enqueue_dma source(%arg9 : memref<512xf32, #tpu.memory_space<vmem>>) target(%dma_start3A_586 : memref<512xf32, #tpu.memory_space<hbm>>) target_semaphore(%run_scoped3A : memref<!tpu.dma_semaphore, #tpu.memory_space<semaphore_mem>>)
      %dma_wait3A_587 = tpu.memref_slice %arg3[%select_n3A, %mul3A_580] : memref<16x1024xf32, #tpu.memory_space<hbm>> -> memref<1x512xf32, #tpu.memory_space<hbm>>
      %dma_wait3A_588 = tpu.memref_squeeze %dma_wait3A_587 : memref<1x512xf32, #tpu.memory_space<hbm>> -> memref<512xf32, #tpu.memory_space<hbm>>
      %dma_wait3A_589 = tpu.memref_slice %arg3[%select_n3A, %mul3A_580] : memref<16x1024xf32, #tpu.memory_space<hbm>> -> memref<1x512xf32, #tpu.memory_space<hbm>>
      %dma_wait3A_590 = tpu.memref_squeeze %dma_wait3A_589 : memref<1x512xf32, #tpu.memory_space<hbm>> -> memref<512xf32, #tpu.memory_space<hbm>>
      tpu.wait_dma2 semaphore(%run_scoped3A : memref<!tpu.dma_semaphore, #tpu.memory_space<semaphore_mem>>) src(%arg9 : memref<512xf32, #tpu.memory_space<vmem>>) dst(%dma_wait3A_590 : memref<512xf32, #tpu.memory_space<hbm>>)
      tpu.yield
    }) : () -> ()
    %mul3A_581 = arith.constant 512 : i32
    %mul3A_582 = arith.muli %select_n3A_30, %mul3A_581 : i32
    "tpu.region"() ({
      %run_scoped3A = tpu.sem_alloc : memref<!tpu.dma_semaphore, #tpu.memory_space<semaphore_mem>>
      %dma_start3A_583 = tpu.memref_slice %arg4[%select_n3A, %mul3A_582] : memref<16x1024xi32, #tpu.memory_space<hbm>> -> memref<1x512xi32, #tpu.memory_space<hbm>>
      %dma_start3A_584 = tpu.memref_squeeze %dma_start3A_583 : memref<1x512xi32, #tpu.memory_space<hbm>> -> memref<512xi32, #tpu.memory_space<hbm>>
      %dma_start3A_585 = tpu.memref_slice %arg4[%select_n3A, %mul3A_582] : memref<16x1024xi32, #tpu.memory_space<hbm>> -> memref<1x512xi32, #tpu.memory_space<hbm>>
      %dma_start3A_586 = tpu.memref_squeeze %dma_start3A_585 : memref<1x512xi32, #tpu.memory_space<hbm>> -> memref<512xi32, #tpu.memory_space<hbm>>
      tpu.enqueue_dma source(%arg10 : memref<512xi32, #tpu.memory_space<vmem>>) target(%dma_start3A_586 : memref<512xi32, #tpu.memory_space<hbm>>) target_semaphore(%run_scoped3A : memref<!tpu.dma_semaphore, #tpu.memory_space<semaphore_mem>>)
      %dma_wait3A_587 = tpu.memref_slice %arg4[%select_n3A, %mul3A_582] : memref<16x1024xi32, #tpu.memory_space<hbm>> -> memref<1x512xi32, #tpu.memory_space<hbm>>
      %dma_wait3A_588 = tpu.memref_squeeze %dma_wait3A_587 : memref<1x512xi32, #tpu.memory_space<hbm>> -> memref<512xi32, #tpu.memory_space<hbm>>
      %dma_wait3A_589 = tpu.memref_slice %arg4[%select_n3A, %mul3A_582] : memref<16x1024xi32, #tpu.memory_space<hbm>> -> memref<1x512xi32, #tpu.memory_space<hbm>>
      %dma_wait3A_590 = tpu.memref_squeeze %dma_wait3A_589 : memref<1x512xi32, #tpu.memory_space<hbm>> -> memref<512xi32, #tpu.memory_space<hbm>>
      tpu.wait_dma2 semaphore(%run_scoped3A : memref<!tpu.dma_semaphore, #tpu.memory_space<semaphore_mem>>) src(%arg10 : memref<512xi32, #tpu.memory_space<vmem>>) dst(%dma_wait3A_590 : memref<512xi32, #tpu.memory_space<hbm>>)
      tpu.yield
    }) : () -> ()
    return
  }
}

module attributes {stable_mosaic.version = 14 : i64} {
  func.func @_nms_body(%arg0: i32, %arg1: memref<1x512x512xf32, #tpu.memory_space<vmem>>, %arg2: memref<1x512x512xf32, #tpu.memory_space<vmem>>) attributes {dimension_semantics = [#tpu.dimension_semantics<arbitrary>], iteration_bounds = array<i64: 16>, scalar_prefetch = 0 : i64, scratch_operands = 0 : i64, tpu.core_type = #tpu.core_type<tc>, window_params = [{transform_indices = @transform_0, window_bounds = array<i64: 1, 512, 512>}, {transform_indices = @transform_1, window_bounds = array<i64: 1, 512, 512>}]} {
    %get3A = arith.constant 0 : index
    %get3A_0 = arith.constant 0 : index
    %get3A_1 = arith.constant 0 : index
    %get3A_2 = vector.load %arg1[%get3A, %get3A_0, %get3A_1] : memref<1x512x512xf32, #tpu.memory_space<vmem>>, vector<1x512x512xf32>
    %get3A_3 = vector.shape_cast %get3A_2 : vector<1x512x512xf32> to vector<512x512xf32>
    %slice3A = vector.extract_strided_slice %get3A_3 {offsets = [0, 1], sizes = [512, 511], strides = [1, 1]} : vector<512x512xf32> to vector<512x511xf32>
    %broadcast_in_dim3A = arith.constant 0xFF800000 : f32
    %broadcast_in_dim3A_4 = vector.broadcast %broadcast_in_dim3A : f32 to vector<512x1xf32>
    %concatenate3A = tpu.concatenate %slice3A, %broadcast_in_dim3A_4 in 1 : vector<512x511xf32>, vector<512x1xf32> -> vector<512x512xf32>
    %max3A = arith.maximumf %get3A_3, %concatenate3A : vector<512x512xf32>
    %slice3A_5 = vector.extract_strided_slice %max3A {offsets = [0, 2], sizes = [512, 510], strides = [1, 1]} : vector<512x512xf32> to vector<512x510xf32>
    %broadcast_in_dim3A_6 = arith.constant 0xFF800000 : f32
    %broadcast_in_dim3A_7 = vector.broadcast %broadcast_in_dim3A_6 : f32 to vector<512x2xf32>
    %concatenate3A_8 = tpu.concatenate %slice3A_5, %broadcast_in_dim3A_7 in 1 : vector<512x510xf32>, vector<512x2xf32> -> vector<512x512xf32>
    %max3A_9 = arith.maximumf %max3A, %concatenate3A_8 : vector<512x512xf32>
    %broadcast_in_dim3A_10 = arith.constant 0xFF800000 : f32
    %broadcast_in_dim3A_11 = vector.broadcast %broadcast_in_dim3A_10 : f32 to vector<512x1xf32>
    %slice3A_12 = vector.extract_strided_slice %get3A_3 {offsets = [0, 0], sizes = [512, 511], strides = [1, 1]} : vector<512x512xf32> to vector<512x511xf32>
    %concatenate3A_13 = tpu.concatenate %broadcast_in_dim3A_11, %slice3A_12 in 1 : vector<512x1xf32>, vector<512x511xf32> -> vector<512x512xf32>
    %max3A_14 = arith.maximumf %get3A_3, %concatenate3A_13 : vector<512x512xf32>
    %broadcast_in_dim3A_15 = arith.constant 0xFF800000 : f32
    %broadcast_in_dim3A_16 = vector.broadcast %broadcast_in_dim3A_15 : f32 to vector<512x2xf32>
    %slice3A_17 = vector.extract_strided_slice %max3A_14 {offsets = [0, 0], sizes = [512, 510], strides = [1, 1]} : vector<512x512xf32> to vector<512x510xf32>
    %concatenate3A_18 = tpu.concatenate %broadcast_in_dim3A_16, %slice3A_17 in 1 : vector<512x2xf32>, vector<512x510xf32> -> vector<512x512xf32>
    %max3A_19 = arith.maximumf %max3A_14, %concatenate3A_18 : vector<512x512xf32>
    %max3A_20 = arith.maximumf %max3A_9, %max3A_19 : vector<512x512xf32>
    %slice3A_21 = vector.extract_strided_slice %max3A_20 {offsets = [1, 0], sizes = [511, 512], strides = [1, 1]} : vector<512x512xf32> to vector<511x512xf32>
    %broadcast_in_dim3A_22 = arith.constant 0xFF800000 : f32
    %broadcast_in_dim3A_23 = vector.broadcast %broadcast_in_dim3A_22 : f32 to vector<1x512xf32>
    %concatenate3A_24 = tpu.concatenate %slice3A_21, %broadcast_in_dim3A_23 in 0 : vector<511x512xf32>, vector<1x512xf32> -> vector<512x512xf32>
    %max3A_25 = arith.maximumf %max3A_20, %concatenate3A_24 : vector<512x512xf32>
    %slice3A_26 = vector.extract_strided_slice %max3A_25 {offsets = [2, 0], sizes = [510, 512], strides = [1, 1]} : vector<512x512xf32> to vector<510x512xf32>
    %broadcast_in_dim3A_27 = arith.constant 0xFF800000 : f32
    %broadcast_in_dim3A_28 = vector.broadcast %broadcast_in_dim3A_27 : f32 to vector<2x512xf32>
    %concatenate3A_29 = tpu.concatenate %slice3A_26, %broadcast_in_dim3A_28 in 0 : vector<510x512xf32>, vector<2x512xf32> -> vector<512x512xf32>
    %max3A_30 = arith.maximumf %max3A_25, %concatenate3A_29 : vector<512x512xf32>
    %broadcast_in_dim3A_31 = arith.constant 0xFF800000 : f32
    %broadcast_in_dim3A_32 = vector.broadcast %broadcast_in_dim3A_31 : f32 to vector<1x512xf32>
    %slice3A_33 = vector.extract_strided_slice %max3A_20 {offsets = [0, 0], sizes = [511, 512], strides = [1, 1]} : vector<512x512xf32> to vector<511x512xf32>
    %concatenate3A_34 = tpu.concatenate %broadcast_in_dim3A_32, %slice3A_33 in 0 : vector<1x512xf32>, vector<511x512xf32> -> vector<512x512xf32>
    %max3A_35 = arith.maximumf %max3A_20, %concatenate3A_34 : vector<512x512xf32>
    %broadcast_in_dim3A_36 = arith.constant 0xFF800000 : f32
    %broadcast_in_dim3A_37 = vector.broadcast %broadcast_in_dim3A_36 : f32 to vector<2x512xf32>
    %slice3A_38 = vector.extract_strided_slice %max3A_35 {offsets = [0, 0], sizes = [510, 512], strides = [1, 1]} : vector<512x512xf32> to vector<510x512xf32>
    %concatenate3A_39 = tpu.concatenate %broadcast_in_dim3A_37, %slice3A_38 in 0 : vector<2x512xf32>, vector<510x512xf32> -> vector<512x512xf32>
    %max3A_40 = arith.maximumf %max3A_35, %concatenate3A_39 : vector<512x512xf32>
    %max3A_41 = arith.maximumf %max3A_30, %max3A_40 : vector<512x512xf32>
    %gt3A = arith.constant 1.000000e-01 : f32
    %gt3A_42 = vector.broadcast %gt3A : f32 to vector<512x512xf32>
    %gt3A_43 = arith.cmpf ogt, %max3A_41, %gt3A_42 : vector<512x512xf32>
    %eq3A = arith.cmpf oeq, %max3A_41, %get3A_3 : vector<512x512xf32>
    %and3A = arith.andi %gt3A_43, %eq3A : vector<512x512xi1>
    %jit3A = arith.constant 0.000000e+00 : f32
    %broadcast_in_dim3A_44 = vector.broadcast %jit3A : f32 to vector<512x512xf32>
    %select_n3A = arith.select %and3A, %get3A_3, %broadcast_in_dim3A_44 : vector<512x512xi1>, vector<512x512xf32>
    %swap3A = arith.constant 0 : index
    %swap3A_45 = arith.constant 0 : index
    %swap3A_46 = arith.constant 0 : index
    %swap3A_47 = vector.load %arg2[%swap3A, %swap3A_45, %swap3A_46] : memref<1x512x512xf32, #tpu.memory_space<vmem>>, vector<1x512x512xf32>
    %swap3A_48 = vector.shape_cast %swap3A_47 : vector<1x512x512xf32> to vector<512x512xf32>
    %swap3A_49 = vector.shape_cast %select_n3A : vector<512x512xf32> to vector<1x512x512xf32>
    tpu.vector_store %arg2[%swap3A, %swap3A_45, %swap3A_46], %swap3A_49 {strides = array<i32>} : memref<1x512x512xf32, #tpu.memory_space<vmem>>, vector<1x512x512xf32>,
    return
  }
  func.func @transform_0(%arg0: i32) -> (i32, i32, i32) {
    %c0_i32 = arith.constant 0 : i32
    %c0_i32_0 = arith.constant 0 : i32
    %c0_i32_1 = arith.constant 0 : i32
    return %arg0, %c0_i32, %c0_i32_0 : i32, i32, i32
  }
  func.func @transform_1(%arg0: i32) -> (i32, i32, i32) {
    %c0_i32 = arith.constant 0 : i32
    %c0_i32_0 = arith.constant 0 : i32
    %c0_i32_1 = arith.constant 0 : i32
    return %arg0, %c0_i32, %c0_i32_0 : i32, i32, i32
  }
}

module attributes {stable_mosaic.version = 14 : i64} {
  func.func @_select_body(%arg0: memref<16x1024xf32, #tpu.memory_space<vmem>>, %arg1: memref<16x1024xi32, #tpu.memory_space<vmem>>, %arg2: memref<2x16x200xi32, #tpu.memory_space<vmem>>, %arg3: memref<16x200xf32, #tpu.memory_space<vmem>>, %arg4: memref<16x1024xf32, #tpu.memory_space<vmem>>, %arg5: memref<16x200xi32, #tpu.memory_space<vmem>>) attributes {dimension_semantics = [], scalar_prefetch = 0 : i64, scratch_operands = 2 : i64, tpu.core_type = #tpu.core_type<tc>} {
    %get3A = arith.constant 0 : index
    %get3A_0 = arith.constant 0 : index
    %get3A_1 = vector.load %arg0[%get3A, %get3A_0] : memref<16x1024xf32, #tpu.memory_space<vmem>>, vector<16x1024xf32>
    %swap3A = arith.constant 0 : index
    %swap3A_2 = arith.constant 0 : index
    %swap3A_3 = vector.load %arg4[%swap3A, %swap3A_2] : memref<16x1024xf32, #tpu.memory_space<vmem>>, vector<16x1024xf32>
    tpu.vector_store %arg4[%swap3A, %swap3A_2], %get3A_1 {strides = array<i32>} : memref<16x1024xf32, #tpu.memory_space<vmem>>, vector<16x1024xf32>,
    %iota3A = tpu.iota {dimensions = array<i32: 1>} : vector<16x200xi32>
    %get3A_4 = arith.constant 0 : index
    %get3A_5 = arith.constant 0 : index
    %get3A_6 = vector.load %arg4[%get3A_4, %get3A_5] : memref<16x1024xf32, #tpu.memory_space<vmem>>, vector<16x1024xf32>
    %reduce_max3A = arith.constant dense<0xFF800000> : vector<16xf32>
    %reduce_max3A_7 = vector.multi_reduction <maximumf>, %get3A_6, %reduce_max3A [1] : vector<16x1024xf32> to vector<16xf32>
    %broadcast_in_dim3A = vector.shape_cast %reduce_max3A_7 : vector<16xf32> to vector<16x1xf32>
    %scan3A = arith.constant 1073741824 : i32
    %scan3A_8 = arith.constant 1 : i32
    %scan3A_9 = arith.constant 0 : i32
    %scan3A_10 = arith.constant -1.000000e+00 : f32
    %scan3A_11 = arith.constant 0 : i32
    %scan3A_12 = arith.constant 200 : i32
    %scan3A_13 = arith.addi %scan3A_11, %scan3A_12 : i32
    %scan3A_14 = arith.constant 1 : i32
    %scan3A_15 = scf.for %scan3A_74 = %scan3A_11 to %scan3A_13 step %scan3A_14 iter_args(%scan3A_75 = %broadcast_in_dim3A) -> (vector<16x1xf32>)  : i32 {
      %get3A_76 = arith.constant 0 : index
      %get3A_77 = arith.constant 0 : index
      %get3A_78 = vector.load %arg4[%get3A_76, %get3A_77] : memref<16x1024xf32, #tpu.memory_space<vmem>>, vector<16x1024xf32>
      %eq3A_79 = vector.broadcast %scan3A_75 : vector<16x1xf32> to vector<16x1024xf32>
      %eq3A_80 = arith.cmpf oeq, %get3A_78, %eq3A_79 : vector<16x1024xf32>
      %get3A_81 = arith.constant 0 : index
      %get3A_82 = arith.constant 0 : index
      %get3A_83 = vector.load %arg1[%get3A_81, %get3A_82] : memref<16x1024xi32, #tpu.memory_space<vmem>>, vector<16x1024xi32>
      %broadcast_in_dim3A_84 = vector.broadcast %scan3A : i32 to vector<16x1024xi32>
      %select_n3A_85 = arith.select %eq3A_80, %get3A_83, %broadcast_in_dim3A_84 : vector<16x1024xi1>, vector<16x1024xi32>
      %reduce_min3A = arith.constant dense<2147483647> : vector<16xi32>
      %reduce_min3A_86 = vector.multi_reduction <minsi>, %select_n3A_85, %reduce_min3A [1] : vector<16x1024xi32> to vector<16xi32>
      %broadcast_in_dim3A_87 = vector.shape_cast %reduce_min3A_86 : vector<16xi32> to vector<16x1xi32>
      %broadcast_in_dim3A_88 = vector.broadcast %scan3A_8 : i32 to vector<16x1024xi32>
      %broadcast_in_dim3A_89 = vector.broadcast %scan3A_9 : i32 to vector<16x1024xi32>
      %select_n3A_90 = arith.select %eq3A_80, %broadcast_in_dim3A_88, %broadcast_in_dim3A_89 : vector<16x1024xi1>, vector<16x1024xi32>
      %reduce_sum3A = arith.constant dense<0> : vector<16xi32>
      %reduce_sum3A_91 = vector.multi_reduction <add>, %select_n3A_90, %reduce_sum3A [1] : vector<16x1024xi32> to vector<16xi32>
      %broadcast_in_dim3A_92 = vector.shape_cast %reduce_sum3A_91 : vector<16xi32> to vector<16x1xi32>
      %broadcast_in_dim3A_93 = vector.broadcast %scan3A_10 : f32 to vector<16x1024xf32>
      %select_n3A_94 = arith.select %eq3A_80, %broadcast_in_dim3A_93, %get3A_78 : vector<16x1024xi1>, vector<16x1024xf32>
      %reduce_max3A_95 = arith.constant dense<0xFF800000> : vector<16xf32>
      %reduce_max3A_96 = vector.multi_reduction <maximumf>, %select_n3A_94, %reduce_max3A_95 [1] : vector<16x1024xf32> to vector<16xf32>
      %broadcast_in_dim3A_97 = vector.shape_cast %reduce_max3A_96 : vector<16xf32> to vector<16x1xf32>
      %eq3A_98 = vector.broadcast %scan3A_74 : i32 to vector<16x200xi32>
      %eq3A_99 = arith.cmpi eq, %iota3A, %eq3A_98 : vector<16x200xi32>
      %get3A_100 = arith.constant 0 : index
      %get3A_101 = arith.constant 0 : index
      %get3A_102 = vector.load %arg3[%get3A_100, %get3A_101] : memref<16x200xf32, #tpu.memory_space<vmem>>, vector<16x200xf32>
      %broadcast_in_dim3A_103 = vector.shape_cast %scan3A_75 : vector<16x1xf32> to vector<16x1xf32>
      %broadcast_in_dim3A_104 = vector.broadcast %broadcast_in_dim3A_103 : vector<16x1xf32> to vector<16x200xf32>
      %select_n3A_105 = arith.select %eq3A_99, %broadcast_in_dim3A_104, %get3A_102 : vector<16x200xi1>, vector<16x200xf32>
      %swap3A_106 = arith.constant 0 : index
      %swap3A_107 = arith.constant 0 : index
      %swap3A_108 = vector.load %arg3[%swap3A_106, %swap3A_107] : memref<16x200xf32, #tpu.memory_space<vmem>>, vector<16x200xf32>
      tpu.vector_store %arg3[%swap3A_106, %swap3A_107], %select_n3A_105 {strides = array<i32>} : memref<16x200xf32, #tpu.memory_space<vmem>>, vector<16x200xf32>,
      %get3A_109 = arith.constant 0 : index
      %get3A_110 = arith.constant 0 : index
      %get3A_111 = vector.load %arg5[%get3A_109, %get3A_110] : memref<16x200xi32, #tpu.memory_space<vmem>>, vector<16x200xi32>
      %broadcast_in_dim3A_112 = vector.shape_cast %broadcast_in_dim3A_87 : vector<16x1xi32> to vector<16x1xi32>
      %broadcast_in_dim3A_113 = vector.broadcast %broadcast_in_dim3A_112 : vector<16x1xi32> to vector<16x200xi32>
      %select_n3A_114 = arith.select %eq3A_99, %broadcast_in_dim3A_113, %get3A_111 : vector<16x200xi1>, vector<16x200xi32>
      %swap3A_115 = arith.constant 0 : index
      %swap3A_116 = arith.constant 0 : index
      %swap3A_117 = vector.load %arg5[%swap3A_115, %swap3A_116] : memref<16x200xi32, #tpu.memory_space<vmem>>, vector<16x200xi32>
      tpu.vector_store %arg5[%swap3A_115, %swap3A_116], %select_n3A_114 {strides = array<i32>} : memref<16x200xi32, #tpu.memory_space<vmem>>, vector<16x200xi32>,
      %eq3A_118 = vector.broadcast %broadcast_in_dim3A_87 : vector<16x1xi32> to vector<16x1024xi32>
      %eq3A_119 = arith.cmpi eq, %get3A_83, %eq3A_118 : vector<16x1024xi32>
      %and3A_120 = arith.andi %eq3A_80, %eq3A_119 : vector<16x1024xi1>
      %broadcast_in_dim3A_121 = vector.broadcast %scan3A_10 : f32 to vector<16x1024xf32>
      %select_n3A_122 = arith.select %and3A_120, %broadcast_in_dim3A_121, %get3A_78 : vector<16x1024xi1>, vector<16x1024xf32>
      %swap3A_123 = arith.constant 0 : index
      %swap3A_124 = arith.constant 0 : index
      %swap3A_125 = vector.load %arg4[%swap3A_123, %swap3A_124] : memref<16x1024xf32, #tpu.memory_space<vmem>>, vector<16x1024xf32>
      tpu.vector_store %arg4[%swap3A_123, %swap3A_124], %select_n3A_122 {strides = array<i32>} : memref<16x1024xf32, #tpu.memory_space<vmem>>, vector<16x1024xf32>,
      %gt3A = arith.constant 1 : i32
      %gt3A_126 = vector.broadcast %gt3A : i32 to vector<16x1xi32>
      %gt3A_127 = arith.cmpi sgt, %broadcast_in_dim3A_92, %gt3A_126 : vector<16x1xi32>
      %select_n3A_128 = arith.select %gt3A_127, %scan3A_75, %broadcast_in_dim3A_97 : vector<16x1xi1>, vector<16x1xf32>
      scf.yield %select_n3A_128 : vector<16x1xf32>
    }
    %scan3A_16 = arith.constant 200 : i32
    %get3A_17 = arith.constant 0 : index
    %get3A_18 = arith.constant 0 : index
    %get3A_19 = vector.load %arg5[%get3A_17, %get3A_18] : memref<16x200xi32, #tpu.memory_space<vmem>>, vector<16x200xi32>
    %jit3A = arith.constant 512 : i32
    %div3A = vector.broadcast %jit3A : i32 to vector<16x200xi32>
    %div3A_20 = arith.divsi %get3A_19, %div3A : vector<16x200xi32>
    %sign3A = arith.constant 0 : i32
    %sign3A_21 = vector.broadcast %sign3A : i32 to vector<16x200xi32>
    %sign3A_22 = arith.cmpi sgt, %get3A_19, %sign3A_21 : vector<16x200xi32>
    %sign3A_23 = arith.extui %sign3A_22 : vector<16x200xi1> to vector<16x200xi32>
    %sign3A_24 = arith.constant 0 : i32
    %sign3A_25 = vector.broadcast %sign3A_24 : i32 to vector<16x200xi32>
    %sign3A_26 = arith.cmpi slt, %get3A_19, %sign3A_25 : vector<16x200xi32>
    %sign3A_27 = arith.extui %sign3A_26 : vector<16x200xi1> to vector<16x200xi32>
    %sign3A_28 = arith.subi %sign3A_23, %sign3A_27 : vector<16x200xi32>
    %sign3A_29 = arith.constant 0 : i32
    %sign3A_30 = arith.cmpi sgt, %jit3A, %sign3A_29 : i32
    %sign3A_31 = arith.extui %sign3A_30 : i1 to i32
    %sign3A_32 = arith.constant 0 : i32
    %sign3A_33 = arith.cmpi slt, %jit3A, %sign3A_32 : i32
    %sign3A_34 = arith.extui %sign3A_33 : i1 to i32
    %sign3A_35 = arith.subi %sign3A_31, %sign3A_34 : i32
    %ne3A = vector.broadcast %sign3A_35 : i32 to vector<16x200xi32>
    %ne3A_36 = arith.cmpi ne, %sign3A_28, %ne3A : vector<16x200xi32>
    %rem3A = vector.broadcast %jit3A : i32 to vector<16x200xi32>
    %rem3A_37 = arith.remsi %get3A_19, %rem3A : vector<16x200xi32>
    %ne3A_38 = arith.constant 0 : i32
    %ne3A_39 = vector.broadcast %ne3A_38 : i32 to vector<16x200xi32>
    %ne3A_40 = arith.cmpi ne, %rem3A_37, %ne3A_39 : vector<16x200xi32>
    %and3A = arith.andi %ne3A_36, %ne3A_40 : vector<16x200xi1>
    %sub3A = arith.constant 1 : i32
    %sub3A_41 = vector.broadcast %sub3A : i32 to vector<16x200xi32>
    %sub3A_42 = arith.subi %div3A_20, %sub3A_41 : vector<16x200xi32>
    %select_n3A = arith.select %and3A, %sub3A_42, %div3A_20 : vector<16x200xi1>, vector<16x200xi32>
    %swap3A_43 = arith.constant 0 : index
    %swap3A_44 = arith.constant 0 : index
    %swap3A_45 = arith.constant 0 : index
    %swap3A_46 = vector.load %arg2[%swap3A_43, %swap3A_44, %swap3A_45] : memref<2x16x200xi32, #tpu.memory_space<vmem>>, vector<1x16x200xi32>
    %swap3A_47 = vector.shape_cast %swap3A_46 : vector<1x16x200xi32> to vector<16x200xi32>
    %swap3A_48 = vector.shape_cast %select_n3A : vector<16x200xi32> to vector<1x16x200xi32>
    tpu.vector_store %arg2[%swap3A_43, %swap3A_44, %swap3A_45], %swap3A_48 {strides = array<i32>} : memref<2x16x200xi32, #tpu.memory_space<vmem>>, vector<1x16x200xi32>,
    %jit3A_49 = arith.constant 512 : i32
    %eq3A = arith.constant 0 : i32
    %eq3A_50 = arith.cmpi eq, %jit3A_49, %eq3A : i32
    %jit3A_51 = arith.constant 1 : i32
    %select_n3A_52 = arith.select %eq3A_50, %jit3A_51, %jit3A_49 : i32
    %rem3A_53 = vector.broadcast %select_n3A_52 : i32 to vector<16x200xi32>
    %rem3A_54 = arith.remsi %get3A_19, %rem3A_53 : vector<16x200xi32>
    %ne3A_55 = arith.constant 0 : i32
    %ne3A_56 = vector.broadcast %ne3A_55 : i32 to vector<16x200xi32>
    %ne3A_57 = arith.cmpi ne, %rem3A_54, %ne3A_56 : vector<16x200xi32>
    %lt3A = arith.constant 0 : i32
    %lt3A_58 = vector.broadcast %lt3A : i32 to vector<16x200xi32>
    %lt3A_59 = arith.cmpi slt, %rem3A_54, %lt3A_58 : vector<16x200xi32>
    %lt3A_60 = arith.constant 0 : i32
    %lt3A_61 = arith.cmpi slt, %select_n3A_52, %lt3A_60 : i32
    %ne3A_62 = vector.broadcast %lt3A_61 : i1 to vector<16x200xi1>
    %ne3A_63 = vector.broadcast %ne3A_62 : vector<16x200xi1> to vector<16x200xi1>
    %ne3A_64 = arith.xori %lt3A_59, %ne3A_63 : vector<16x200xi1>
    %and3A_65 = arith.andi %ne3A_64, %ne3A_57 : vector<16x200xi1>
    %add3A = vector.broadcast %select_n3A_52 : i32 to vector<16x200xi32>
    %add3A_66 = arith.addi %rem3A_54, %add3A : vector<16x200xi32>
    %select_n3A_67 = arith.select %and3A_65, %add3A_66, %rem3A_54 : vector<16x200xi1>, vector<16x200xi32>
    %swap3A_68 = arith.constant 1 : index
    %swap3A_69 = arith.constant 0 : index
    %swap3A_70 = arith.constant 0 : index
    %swap3A_71 = vector.load %arg2[%swap3A_68, %swap3A_69, %swap3A_70] : memref<2x16x200xi32, #tpu.memory_space<vmem>>, vector<1x16x200xi32>
    %swap3A_72 = vector.shape_cast %swap3A_71 : vector<1x16x200xi32> to vector<16x200xi32>
    %swap3A_73 = vector.shape_cast %select_n3A_67 : vector<16x200xi32> to vector<1x16x200xi32>
    tpu.vector_store %arg2[%swap3A_68, %swap3A_69, %swap3A_70], %swap3A_73 {strides = array<i32>} : memref<2x16x200xi32, #tpu.memory_space<vmem>>, vector<1x16x200xi32>,
    return
  }
}

</mosaic_0001>

<sc_bundles>
// kernel: kernel.5.cloned.1.call-start
scs
__scs_entry_jumppad:
0x0: {  	(pc) =	sbr.rel $0x88, $3  }
0x1: {  	(tag) =	ssettag $0x0;
	lr =	simm.s32 $0x1  }
0x2: {  	[smem:$0x3FA0] =	sst lr;
	_ =	strace $0xD0000000  }
0x3: {  	_ = 	snop  }
0x4: {  	_ = 	snop  }
0x5: {  	_ = 	snop  }
0x6: {  	_ = 	snop  }
0x7: {  	_ = 	snop  }
__scs_overlays_trampoline_lowered:
0x8: {  	[smem:$0x3FAF] =	sst s0  }
0x9: {  	[smem:$0x3FB0] =	sst s1  }
0xa: {  	[smem:$0x3FB1] =	sst s2  }
0xb: {  	[smem:$0x3FB2] =	sst s3  }
0xc: {  	[smem:$0x3FB3] =	sst s4  }
0xd: {  	[smem:$0x3FB4] =	sst s5  }
0xe: {  	[smem:$0x3FB5] =	sst s6  }
0xf: {  	[smem:$0x3FB6] =	sst s7  }
0x10: {  	[smem:$0x3FB7] =	sst s8  }
0x11: {  	[smem:$0x3FB8] =	sst s9;
	s0 =	simm.s32 @!p0 $0x0  }
0x12: {  	s1 =	sld [smem:$0x3F9E];
	s0 =	simm.s32 @p0 $0x1  }
0x13: {  	[smem:$0x3FB9] =	sst s0;
	s0 =	simm.s32 @!p1 $0x0  }
0x14: {  	s2 =	sld [smem:$0x3F9D];
	s0 =	simm.s32 @p1 $0x1  }
0x15: {  	[smem:$0x3FBA] =	sst s0;
	s0 =	simm.s32 @!p2 $0x0  }
0x16: {  	s3 =	sld [smem:$0x3FDB];
	s0 =	simm.s32 @p2 $0x1  }
0x17: {  	s4 =	simm.s32 $0x1BF5;
	[smem:$0x3FBC] =	sst s0  }
0x18: {  	s0 =	sld [smem:$0x3F9F];
	_ =	swait.ge [sflag:s4], $0x0  }
0x19: {  	s7 =	sld [smem:$0x3FA0]  }
0x1a: {  	s8 =	sadd.s32 $0xFFFFE003, lr  }
0x1b: {  	s9 =	sadd.s32 $0xFFFFFEF7, lr;
	s5 =	simm.s32 $0xFFFFFFFF;
	p2 =	slt.u32 s8, $0xFFFFF086  }
0x1c: {  	p1 =	slt.u32 s9, $0xF7A;
	s5 =	simm.s32 @!p2 $0x0  }
0x1d: {  	s5 =	simm.s32 @p1 $0x1;
	p0 =	seq.s32 s7, s2  }
0x1e: {  	s7 =	smul.u32 @!p0 $0xF7A, s2;
	p2 =	seq.s32 @!p0 s5, $0x0  }
0x1f: {  	s9 =	smul.u32 $0xF7A, s1;
	s8 =	simm.s32 @!p0 $0x1BF5;
	p2 =	por !p2, p0  }
0x20: {  	[sflag:s8] =	ssyncset.s32 @!p0 $0xFFFFF086;
	s6 =	sadd.s32 @!p0 s3, s7;
	s7 =	simm.s32 @!p0 $0x108  }
0x21: {  	s3 =	sadd.s32 s3, s9;
	s6 =	sadd.s32 @!p0 $0x88, s6;
	s7 =	simm.s32 @p2 $0x1082  }
0x22: {  	[simem:s7], [sflag:s8] =	dma.local @!p0 [hbm:s6], $0xF7A  }
0x23: {  	s9 =	sor.u32 $0xD0000000, s2;
	s6 =	simm.s32 $0x108;
	_ =	swait.ge @!p0 [sflag:s8], $0x0  }
0x24: {  	s3 =	sadd.s32 $0x88, s3;
	s6 =	simm.s32 @!p1 $0x1082;
	[sflag:s4] =	ssyncset.s32 $0xFFFFF086  }
0x25: {  	[simem:s6], [sflag:s4] =	dma.local [hbm:s3], $0xF7A  }
0x26: {  	[smem:$0x3FA0] =	sst s1;
	(tag) =	ssettag s2;
	_ =	strace s9  }
0x27: {  	s1 =	sld [smem:$0x3FB0]  }
0x28: {  	s2 =	sld [smem:$0x3FB1]  }
0x29: {  	s4 =	sld [smem:$0x3FB3]  }
0x2a: {  	p0 =	seq.s32 s5, $0x0;
	s5 =	sld [smem:$0x3FB4]  }
0x2b: {  	s6 =	sld [smem:$0x3FB5]  }
0x2c: {  	s7 =	sld [smem:$0x3FB6]  }
0x2d: {  	s3 =	simm.s32 $0x108;
	s8 =	sld [smem:$0x3FB7]  }
0x2e: {  	s3 =	simm.s32 @!p0 $0x1082;
	s9 =	sld [smem:$0x3FB8]  }
0x2f: {  	lr =	sadd.s32 s0, s3;
	s0 =	sld [smem:$0x3FAF]  }
0x30: {  	s3 =	sld [smem:$0x3FB2]  }
0x31: {  	[smem:$0x3FBB] =	sst s10  }
0x32: {  	s10 =	sld [smem:$0x3FB9];
	_ =	sdelay $0x3  }
0x33: {  	p0 =	seq.s32 s10, $0x1;
	s10 =	sld [smem:$0x3FBB];
	_ =	sdelay $0x3  }
0x34: {  	[smem:$0x3FBB] =	sst s10  }
0x35: {  	s10 =	sld [smem:$0x3FBA];
	_ =	sdelay $0x3  }
0x36: {  	p1 =	seq.s32 s10, $0x1;
	s10 =	sld [smem:$0x3FBB];
	_ =	sdelay $0x3  }
0x37: {  	[smem:$0x3FBB] =	sst s10  }
0x38: {  	s10 =	sld [smem:$0x3FBC]  }
0x39: {  	_ = 	snop;
	(pc) =	sbr.ind lr, $3  }
0x3a: {  	_ = 	snop  }
0x3b: {  	_ = 	snop  }
0x3c: {  	p2 =	seq.s32 s10, $0x1;
	s10 =	sld [smem:$0x3FBB]  }
0x3d: {  	_ =	shalt  }
0x3e: {  	_ =	shalt  }
0x3f: {  	_ =	shalt  }
0x40: {  	_ =	shalt  }
0x41: {  	_ =	shalt  }
0x42: {  	_ =	shalt  }
0x43: {  	_ =	shalt  }
0x44: {  	_ =	shalt  }
0x45: {  	_ =	shalt  }
0x46: {  	_ =	shalt  }
0x47: {  	_ =	shalt  }
0x48: {  	_ =	shalt  }
0x49: {  	_ =	shalt  }
0x4a: {  	_ =	shalt  }
0x4b: {  	_ =	shalt  }
0x4c: {  	_ =	shalt  }
0x4d: {  	_ =	shalt  }
0x4e: {  	_ =	shalt  }
0x4f: {  	_ =	shalt  }
0x50: {  	_ =	shalt  }
0x51: {  	_ =	shalt  }
0x52: {  	_ =	shalt  }
0x53: {  	_ =	shalt  }
0x54: {  	_ =	shalt  }
0x55: {  	_ =	shalt  }
0x56: {  	_ =	shalt  }
0x57: {  	_ =	shalt  }
0x58: {  	_ =	shalt  }
0x59: {  	_ =	shalt  }
0x5a: {  	_ =	shalt  }
0x5b: {  	_ =	shalt  }
0x5c: {  	_ =	shalt  }
0x5d: {  	_ =	shalt  }
0x5e: {  	_ =	shalt  }
0x5f: {  	_ =	shalt  }
0x60: {  	_ =	shalt  }
0x61: {  	_ =	shalt  }
0x62: {  	_ =	shalt  }
0x63: {  	_ =	shalt  }
0x64: {  	_ =	shalt  }
0x65: {  	_ =	shalt  }
0x66: {  	_ =	shalt  }
0x67: {  	_ =	shalt  }
0x68: {  	_ =	shalt  }
0x69: {  	_ =	shalt  }
0x6a: {  	_ =	shalt  }
0x6b: {  	_ =	shalt  }
0x6c: {  	_ =	shalt  }
0x6d: {  	_ =	shalt  }
0x6e: {  	_ =	shalt  }
0x6f: {  	_ =	shalt  }
0x70: {  	_ =	shalt  }
0x71: {  	_ =	shalt  }
0x72: {  	_ =	shalt  }
0x73: {  	_ =	shalt  }
0x74: {  	_ =	shalt  }
0x75: {  	_ =	shalt  }
0x76: {  	_ =	shalt  }
0x77: {  	_ =	shalt  }
0x78: {  	_ =	shalt  }
0x79: {  	_ =	shalt  }
0x7a: {  	_ =	shalt  }
0x7b: {  	_ =	shalt  }
0x7c: {  	_ =	shalt  }
0x7d: {  	_ =	shalt  }
0x7e: {  	_ =	shalt  }
0x7f: {  	_ =	shalt  }
0x80: {  	_ =	shalt  }
0x81: {  	_ =	shalt  }
0x82: {  	_ =	shalt  }
0x83: {  	_ =	shalt  }
0x84: {  	_ =	shalt  }
0x85: {  	_ =	shalt  }
0x86: {  	_ =	shalt  }
0x87: {  	_ =	shalt  }
.Lfunc_end0:
.L_simem_size_0:
called_computation_lowered:
.L_overlay_start_0:
0x88: {  	s2 =	sld [smem:$0x3FD9]  }
0x89: {  	s3 =	sld [smem:$0x3FFE];
	_ =	sdelay $0x1  }
0x8a: {  	s1 =	srdreg.scid  }
0x8b: {  	s0 =	sand.u32 $0x1, s1  }
0x8c: {  	s16 =	sshll.u32 s0, $0xA;
	s2 =	sadd.s32 s3, s2  }
0x8d: {  	s2 =	sadd.s32 s2, s16  }
0x8e: {  	[smem:$0x3FC7] =	sst s2  }
0x8f: {  	_ = 	snop  }
0x90: {  	(tm) =	ssettm $0x1  }
0x91: {  	s17 =	sld [smem:$0x3FFB];
	_ =	sdelay $0x3  }
0x92: {  	_ =	strace s17  }
0x93: {  	s2 =	sld [smem:$0x3FFC];
	_ =	sdelay $0x3  }
0x94: {  	_ =	strace s2  }
0x95: {  	s2 =	sld [smem:$0x3FFD];
	_ =	sdelay $0x3  }
0x96: {  	_ =	strace s2  }
0x97: {  	_ =	strace $0x8FFFFFFF  }
0x98: {  	s18 =	sld [smem:$0x3FDB];
	_ =	sdelay $0x1  }
0x99: {  	s19 =	simm.s32 $_scs_section_size  }
0x9a: {  	s4 =	simm.s32 $_size__tile_overlayer_lowered;
	s5 =	simm.s32 $_tile_overlayer_lowered  }
0x9b: {  	s22 =	simm.s32 $0x1BFF;
	s21 =	sshll.u32 s5, $0x1;
	s2 =	sadd.s32 s19, s18  }
0x9c: {  	s6 =	simm.s32 $0x0;
	s20 =	sshll.u32 s4, $0x1;
	s4 =	sadd.s32 s21, s2  }
0x9d: {  	[timem:s6], [sflag:s22] =	dma.local [hbm:s4], s20  }
0x9e: {  	_ =	swait.ge [sflag:s22], s20  }
0x9f: {  	s3 =	ssub.s32 $0x0, s20;
	[sflag:s22] =	ssyncset.done $0x0  }
0xa0: {  	[sflag:s22] =	ssyncadd.s32 s3;
	_ =	sdelay $0x1  }
0xa1: {  	s23 =	simm.s32 $0x1B8B  }
0xa2: {  	_ =	swait.ge [sflag:s23], $0x1  }
0xa3: {  	[sflag:s23] =	ssyncset.done $0x0  }
0xa4: {  	s25 =	simm.s32 $0x1B8E;
	s24 =	sld [smem:$0x3FFE];
	[sflag:s23] =	ssyncadd.s32 $0xFFFFFFFF  }
0xa5: {  	s26 =	simm.s32 $execute0_lowered;
	[smem:$0x3FD2] =	sst s25  }
0xa6: {  	s4 =	sshll.u32 s26, $0x1;
	_ =	strace $0x80000046;
	[dreg:$0x1] =	wrdreg $0xFFFFFFFF  }
0xa7: {  	s28 =	simm.s32 $_size_execute0_lowered;
	s2 =	sadd.s32 s2, s4;
	[dreg:$0x0] =	wrdreg $0x0  }
0xa8: {  	s4 =	sshll.u32 s28, $0x1;
	[dreg:$0x2] =	wrdreg s2  }
0xa9: {  	[dreg:$0x3] =	wrdreg s4  }
0xaa: {  	[dreg:$0x4] =	wrdreg $0xC0  }
0xab: {  	_ =	task [dreg:s6], $0x5FFFF  }
0xac: {  	[dreg:$0x1] =	wrdreg $0xFFFFFFFF  }
0xad: {  	[dreg:$0x0] =	wrdreg $0x60  }
0xae: {  	[dreg:$0x2] =	wrdreg s24  }
0xaf: {  	[dreg:$0x3] =	wrdreg $0x9  }
0xb0: {  	_ =	task.clear_ibuf [dreg:s6], $0x4FFFF;
	_ =	strace $0x90000046  }
0xb1: {  	s29 =	simm.s32 $0x9;
	_ =	strace $0x80000048  }
0xb2: {  	_ =	swait.ge [sflag:s29], $0x1  }
0xb3: {  	[sflag:s29] =	ssyncadd.s32 $0xFFFFFFFF  }
0xb4: {  	_ =	strace $0x90000048  }
0xb5: {  	_ =	sfence  }
0xb6: {  	s30 =	sld [smem:$0x0];
	_ =	sdelay $0x2  }
0xb7: {  	s31 =	sshll.u32 s1, $0xD;
	s1 =	sshrl.u32 s1, $0x2  }
0xb8: {  	s3 =	sand.u32 $0x4000, s31;
	s1 =	sadd.s32 s1, s30  }
0xb9: {  	s0 =	sor.u32 s3, s0;
	s1 =	sshll.u32 s1, $0x11  }
0xba: {  	s0 =	sor.u32 s1, s0  }
0xbb: {  	s0 =	sadd.s32 $0x8F2B, s0  }
0xbc: {  	[sflag:s0] =	ssyncadd.remote.s32 $0x1  }
0xbd: {  	_ =	sfence.sel $0xFFFF  }
0xbe: {  	[dreg:$0x0] =	wrdreg $0xFFFFFFFF;
	(pc) =	sbr.abs _section_cstart, $3  }
0xbf: {  	[dreg:$0x1] =	wrdreg $0xFFFFFFFF  }
0xc0: {  	_ =	task.clear_ibuf [dreg:s6], $0x2FFFF;
	_ =	strace $0x9FFFFFFF  }
0xc1: {  	(tm) =	ssettm $0x7FFFFFFF  }
tec
execute0_lowered:
.L_overlay_start_1:
0x0: {  	(tag) =	ssettag $0x1  }
0x1: {  	s1 =	srdreg.scid  }
0x2: {  	s4 =	sand.u32 $0x1, s1  }
0x3: {  	s12 =	sshll.u32 s4, $0x11  }
0x4: {  	s6 =	rddreg [dreg:$0x0];
	s2 =	simm.s32 $0x0;
	v0 =	vlaneseq.u32;
	s26 =	sor.u32 $0x800, s12  }
0x5: {  	[smem:$0x7FF] =	sst s2;
	s28 =	sor.u32 $0x1000, s12;
	v1 =	vor.u32 s26, v0  }
0x6: {  	s1 =	rddreg [dreg:$0x1];
	_ =	strace $0x80000047;
	s9 =	sor.u32 $0x1800, s12;
	[tilespmem:$0x1FD40] =	vst v1;
	v1 =	vor.u32 s28, v0  }
0x7: {  	s10 =	sor.u32 $0x2000, s12;
	[tilespmem:$0x1FD50] =	vst v1;
	v1 =	vor.u32 s9, v0  }
0x8: {  	s15 =	sor.u32 $0x2800, s12;
	[tilespmem:$0x1FD60] =	vst v1;
	v1 =	vor.u32 s10, v0  }
0x9: {  	s16 =	sor.u32 $0x3000, s12;
	[tilespmem:$0x1FD70] =	vst v1;
	v1 =	vor.u32 s15, v0  }
0xa: {  	s17 =	sor.u32 $0x3800, s12;
	[tilespmem:$0x1FD80] =	vst v1;
	v1 =	vor.u32 s16, v0  }
0xb: {  	s18 =	sor.u32 $0x4000, s12;
	[tilespmem:$0x1FD90] =	vst v1;
	v1 =	vor.u32 s17, v0  }
0xc: {  	s19 =	sor.u32 $0x4800, s12;
	[tilespmem:$0x1FDA0] =	vst v1;
	v1 =	vor.u32 s18, v0  }
0xd: {  	s20 =	sor.u32 $0x5000, s12;
	[tilespmem:$0x1FDB0] =	vst v1;
	v1 =	vor.u32 s19, v0  }
0xe: {  	s0 =	stileid.u32;
	s21 =	sor.u32 $0x5800, s12;
	[tilespmem:$0x1FDC0] =	vst v1;
	v1 =	vor.u32 s20, v0  }
0xf: {  	s23 =	sshll.u32 s0, $0x1;
	s24 =	ssub.s32 $0x2, s4;
	s22 =	sor.u32 $0x6000, s12;
	[tilespmem:$0x1FDD0] =	vst v1;
	v1 =	vor.u32 s21, v0  }
0x10: {  	s3 =	sor.u32 s4, s23;
	s25 =	sshrl.u32 s24, $0x1;
	s23 =	sor.u32 $0x6800, s12;
	[tilespmem:$0x1FDE0] =	vst v1;
	v1 =	vor.u32 s22, v0  }
0x11: {  	s14 =	ssub.s32 s24, s25;
	s24 =	sor.u32 $0x7000, s12;
	[tilespmem:$0x1FDF0] =	vst v1;
	v1 =	vor.u32 s23, v0  }
0x12: {  	s29 =	sor.u32 $0x7800, s12;
	[tilespmem:$0x1FE00] =	vst v1;
	v1 =	vor.u32 s24, v0  }
0x13: {  	s25 =	sor.u32 $0x8000, s12;
	[tilespmem:$0x1FE10] =	vst v1;
	v1 =	vor.u32 s29, v0  }
0x14: {  	s30 =	sor.u32 $0x8800, s12;
	[tilespmem:$0x1FE20] =	vst v1;
	v1 =	vor.u32 s25, v0  }
0x15: {  	s31 =	sor.u32 $0x9000, s12;
	[tilespmem:$0x1FE30] =	vst v1;
	v1 =	vor.u32 s30, v0  }
0x16: {  	s16 =	sor.u32 $0x9800, s12;
	[tilespmem:$0x1FE40] =	vst v1;
	v1 =	vor.u32 s31, v0  }
0x17: {  	s5 =	simm.s32 $0x1;
	s17 =	sor.u32 $0xA000, s12;
	[tilespmem:$0x1FE50] =	vst v1;
	v1 =	vor.u32 s16, v0  }
0x18: {  	p1 =	seq.s32 s4, $0x1;
	s8 =	sshll.u32 s4, $0xC;
	s18 =	sor.u32 $0xA800, s12;
	[tilespmem:$0x1FE60] =	vst v1;
	v1 =	vor.u32 s17, v0  }
0x19: {  	p0 =	seq.s32 s3, $0x0;
	s3 =	sshll.u32 s3, $0xE;
	s19 =	sor.u32 $0xB000, s12;
	[tilespmem:$0x1FE70] =	vst v1;
	v1 =	vor.u32 s18, v0  }
0x1a: {  	p0 =	por !p0, !p1;
	s11 =	sadd.s32 s3, s6;
	s21 =	sor.u32 $0xB800, s12;
	[tilespmem:$0x1FE80] =	vst v1;
	v1 =	vor.u32 s19, v0  }
0x1b: {  	s3 =	simm.s32 $0x1;
	s26 =	sor.u32 $0xD000, s12;
	s22 =	sor.u32 $0xC000, s12;
	[tilespmem:$0x1FE90] =	vst v1;
	v1 =	vor.u32 s21, v0  }
0x1c: {  	p0 =	por !p0, !p0;
	s4 =	sadd.s32 $0x1000, s11;
	s24 =	sor.u32 $0xC800, s12;
	[tilespmem:$0x1FEA0] =	vst v1;
	v1 =	vor.u32 s22, v0  }
0x1d: {  	s28 =	sor.u32 $0xD800, s12;
	s14 =	smax.u32 s14, $0x1;
	s5 =	simm.s32 @!p0 $0x0;
	[tilespmem:$0x1FEB0] =	vst v1;
	v1 =	vor.u32 s24, v0  }
0x1e: {  	s9 =	sadd.s32 $0x3800, s11;
	s5 =	ssub.s32 s0, s5;
	s10 =	sadd.s32 $0x4000, s11;
	[tilespmem:$0x1FEC0] =	vst v1;
	v1 =	vor.u32 s26, v0  }
0x1f: {  	s7 =	sshll.u32 s5, $0xA;
	s5 =	sshll.u32 s5, $0x7;
	s29 =	sor.u32 $0xE000, s12;
	[tilespmem:$0x1FED0] =	vst v1;
	v1 =	vor.u32 s28, v0  }
0x20: {  	s15 =	simm.s32 $0x4000;
	s7 =	sand.u32 $0xFFFFE000, s7;
	s30 =	sor.u32 $0xE800, s12;
	[tilespmem:$0x1FEE0] =	vst v1;
	v1 =	vor.u32 s29, v0  }
0x21: {  	s5 =	sand.u32 $0x380, s5;
	s7 =	sor.u32 s8, s7;
	s31 =	sor.u32 $0xF000, s12;
	[tilespmem:$0x1FEF0] =	vst v1;
	v1 =	vor.u32 s30, v0  }
0x22: {  	s8 =	sadd.s32 $0x3000, s11;
	s5 =	sor.u32 s5, s7;
	s17 =	sor.u32 $0xF800, s12;
	[tilespmem:$0x1FF00] =	vst v1;
	v1 =	vor.u32 s31, v0  }
0x23: {  	s7 =	sadd.s32 $0x2800, s11;
	s5 =	sshrl.u32 s5, $0x3;
	s18 =	sor.u32 $0x10000, s12;
	[tilespmem:$0x1FF10] =	vst v1;
	v1 =	vor.u32 s17, v0  }
0x24: {  	s13 =	sadd.s32 s5, s6;
	s5 =	sadd.s32 $0x1800, s11;
	s19 =	sor.u32 $0x10800, s12;
	[tilespmem:$0x1FF20] =	vst v1;
	v1 =	vor.u32 s18, v0  }
0x25: {  	s6 =	sadd.s32 $0x2000, s11;
	s20 =	sor.u32 $0x11000, s12;
	s11 =	sadd.s32 $0x4800, s11;
	[tilespmem:$0x1FF30] =	vst v1;
	v1 =	vor.u32 s19, v0  }
0x26: {  	s23 =	sor.u32 $0x12800, s12;
	s25 =	sor.u32 $0x13800, s12;
	s21 =	sor.u32 $0x11800, s12;
	[tilespmem:$0x1FF40] =	vst v1;
	v1 =	vor.u32 s20, v0  }
0x27: {  	s16 =	simm.s32 $0x8000;
	s22 =	sor.u32 $0x12000, s12;
	s31 =	sor.u32 $0x16800, s12;
	[tilespmem:$0x1FF50] =	vst v1;
	v1 =	vor.u32 s21, v0  }
0x28: {  	s24 =	sor.u32 $0x13000, s12;
	s26 =	sor.u32 $0x14000, s12;
	v44 =	vor.u32 s31, v0;
	s31 =	sor.u32 $0x1A800, s12;
	[tilespmem:$0x1FF60] =	vst v1;
	v1 =	vor.u32 s22, v0  }
0x29: {  	s28 =	sor.u32 $0x14800, s12;
	s29 =	sor.u32 $0x15000, s12;
	v53 =	vor.u32 s31, v0;
	s31 =	sor.u32 $0x1F800, s12;
	[tilespmem:$0x1FF70] =	vst v1;
	v1 =	vor.u32 s23, v0  }
0x2a: {  	v51 =	vor.u32 s12, v0;
	s30 =	sor.u32 $0x16000, s12;
	v11 =	vor.u32 s31, v0;
	s20 =	sor.u32 $0x1B000, s12;
	s21 =	sor.u32 $0x17000, s12;
	[tilespmem:$0x1FF80] =	vst v1;
	v1 =	vor.u32 s24, v0  }
0x2b: {  	s17 =	simm.s32 $0x9000;
	v54 =	vor.u32 s20, v0;
	v45 =	vor.u32 s21, v0;
	s21 =	sor.u32 $0x1B800, s12;
	s22 =	sor.u32 $0x1C000, s12;
	[tilespmem:$0x1FF90] =	vst v1;
	v1 =	vor.u32 s25, v0  }
0x2c: {  	s18 =	sor.u32 $0x15800, s12;
	s23 =	sor.u32 $0x17800, s12;
	v55 =	vor.u32 s21, v0;
	v18 =	vor.u32 s22, v0;
	s24 =	sor.u32 $0x1C800, s12;
	[tilespmem:$0x1FFA0] =	vst v1;
	v1 =	vor.u32 s26, v0  }
0x2d: {  	s19 =	simm.s32 $0xA000;
	v46 =	vor.u32 s23, v0;
	s25 =	sor.u32 $0x18000, s12;
	v17 =	vor.u32 s24, v0;
	s26 =	sor.u32 $0x18800, s12;
	[tilespmem:$0x1FFB0] =	vst v1;
	v1 =	vor.u32 s28, v0  }
0x2e: {  	s20 =	simm.s32 $0xA200;
	v47 =	vor.u32 s25, v0;
	s25 =	sor.u32 $0x1D000, s12;
	s28 =	sor.u32 $0x19000, s12;
	v48 =	vor.u32 s26, v0;
	[tilespmem:$0x1FFC0] =	vst v1;
	v1 =	vor.u32 s29, v0  }
0x2f: {  	s21 =	simm.s32 $0x80;
	s26 =	sor.u32 $0x1D800, s12;
	v16 =	vor.u32 s25, v0;
	s29 =	sor.u32 $0x19800, s12;
	v49 =	vor.u32 s28, v0;
	[tilespmem:$0x1FFD0] =	vst v1;
	v1 =	vor.u32 s18, v0  }
0x30: {  	s28 =	sor.u32 $0x1E000, s12;
	v15 =	vor.u32 s26, v0;
	v50 =	vor.u32 s29, v0;
	s29 =	sor.u32 $0x1E800, s12;
	[tilespmem:$0x1FFE0] =	vst v1;
	v1 =	vor.u32 s30, v0;
	s30 =	sor.u32 $0x1A000, s12  }
0x31: {  	s22 =	simm.s32 $0x400;
	s23 =	simm.s32 $0x3;
	v14 =	vor.u32 s28, v0;
	v13 =	vor.u32 s29, v0;
	v52 =	vor.u32 s30, v0;
	s30 =	sor.u32 $0x1F000, s12  }
0x32: {  	s18 =	simm.s32 $0x2;
	[tilespmem:$0x1FFF0] =	vst v1;
	s12 =	sadd.s32 $0x81000, s13;
	s13 =	sadd.s32 $0x81800, s13;
	v1 =	vimm.s32 $0x0;
	v12 =	vor.u32 s30, v0;
	v0 =	vimm.f32 $0.0e+00  }
.LBB2_1:
0x33: {  	s24 =	simm.s32 $0x8020;
	s25 =	simm.s32 $0x0  }
0x34: {  	[tilespmem:s24+$0xFFFFFFE0] =	vst v0;
	s25 =	sand.u32 $0x1C0, s25  }
0x35: {  	s30 =	simm.s32 $0x10;
	[tilespmem:s25+$0xA000] =	vst v0  }
0x36: {  	s25 =	sand.u32 $0x1D0, s30;
	[tilespmem:s24+$0xFFFFFFF0] =	vst v0  }
0x37: {  	s31 =	simm.s32 $0x20;
	[tilespmem:s25+$0xA000] =	vst v0  }
0x38: {  	s25 =	sand.u32 $0x1E0, s31;
	[tilespmem:s24+$0x0] =	vst v0  }
0x39: {  	s26 =	simm.s32 $0x30;
	[tilespmem:s25+$0xA000] =	vst v0  }
0x3a: {  	s28 =	sand.u32 $0x1F0, s26;
	s26 =	simm.s32 $0x70;
	s25 =	simm.s32 $0x0;
	[tilespmem:s24+$0x10] =	vst v0  }
.LBB2_2:
0x3b: {  	s29 =	sadd.s32 $0xFFFFFFD0, s26;
	[tilespmem:s28+$0xA000] =	vst v0;
	s24 =	sadd.s32 $0x40, s24  }
0x3c: {  	s25 =	sadd.s32 $0x4, s25;
	[tilespmem:s24+$0xFFFFFFE0] =	vst v0;
	s28 =	sand.u32 $0x1C0, s29  }
0x3d: {  	p0 =	slt.u32 s25, $0xFC;
	[tilespmem:s28+$0xA000] =	vst v0;
	s28 =	sadd.s32 $0xFFFFFFE0, s26  }
.Ltmp0:
0x3e: {  	[tilespmem:s24+$0xFFFFFFF0] =	vst v0;
	s28 =	sand.u32 $0x1D0, s28;
	(pc) =	sbr.rel @p0 .LBB2_2-.Ltmp0, $4  }
0x3f: {  	[tilespmem:s28+$0xA000] =	vst v0;
	s28 =	sadd.s32 $0xFFFFFFF0, s26  }
0x40: {  	[tilespmem:s24+$0x0] =	vst v0;
	s28 =	sand.u32 $0x1E0, s28  }
0x41: {  	[tilespmem:s28+$0xA000] =	vst v0  }
0x42: {  	s28 =	sand.u32 $0x1F0, s26;
	s26 =	sadd.s32 $0x40, s26;
	[tilespmem:s24+$0x10] =	vst v0  }
0x43: {  	[tilespmem:s28+$0xA000] =	vst v0;
	s24 =	simm.s32 $0x0  }
0x44: {  	[tilespmem:s24], [sflag:$0x1] =	stream.linear.gather [hbm4b:s4+s24], $0x4000, $0x38;
	[tilespmem:$0xA400] =	vst v63  }
0x45: {  	_ = 	snop  }
0x46: {  	[tilespmem:s15], [sflag:$0x2] =	stream.linear.gather [hbm4b:s5+s24], $0x4000, $0x38;
	[tilespmem:$0xA400] =	vst v63  }
0x47: {  	_ =	swait.ge [sflag:s3], $0x4000  }
0x48: {  	v10 =	vld [tilespmem:$0x1FDA0]  }
0x49: {  	v62 =	vld [tilespmem:$0x1FD90]  }
0x4a: {  	v61 =	vld [tilespmem:$0x1FD80]  }
0x4b: {  	v60 =	vld [tilespmem:$0x1FD70]  }
0x4c: {  	v4 =	vimm.s32 $0xFFFFFFFF;
	v3 =	vimm.s32 $0x1FF;
	v59 =	vld [tilespmem:$0x1FD60]  }
0x4d: {  	v9 =	vimm.s32 $0x3FF;
	v8 =	vimm.s32 $0x5FF;
	v7 =	vimm.s32 $0x7FF;
	[sflag:s3] =	ssyncset.done $0x0;
	v58 =	vld [tilespmem:$0x1FD50]  }
0x4e: {  	v5 =	vimm.s32 $0x9FF;
	v6 =	vimm.s32 $0xBFF;
	v2 =	vimm.s32 $0xDFF;
	s25 =	simm.s32 $0xFFFFFFFE;
	s26 =	simm.s32 $0x0;
	v56 =	vmovc v51;
	v57 =	vld [tilespmem:$0x1FD40];
	[sflag:s3] =	ssyncadd.s32 $0xFFFFC000  }
.LBB2_4:
0x4f: {  	v19 =	vld [tilespmem:s24+$0x0];
	s28 =	sand.u32 $0x7E0, s26  }
0x50: {  	v20 =	vld [tilespmem:s28+$0x800]  }
0x51: {  	v21 =	vld [tilespmem:s28+$0x1000]  }
0x52: {  	v22 =	vld [tilespmem:s28+$0x1800]  }
0x53: {  	v63 =	vld [tilespmem:s28+$0x2000]  }
0x54: {  	v23 =	vld [tilespmem:s28+$0x2800];
	vm0 =	vgt.f32 v19, $0.0e+00  }
0x55: {  	v24 =	vld [tilespmem:s28+$0x3000];
	vm1 =	vgt.f32 v20, $0.0e+00;
	v25 =	vsel vm0, $0x1, v1  }
0x56: {  	v26 =	vld [tilespmem:s28+$0x3800];
	vm2 =	vgt.f32 v21, $0.0e+00;
	v27 =	vsel vm1, $0x1, v1;
	(xrf0) =	vadd.scan.msk.s32 $0xffff, v25  }
0x57: {  	vm3 =	vgt.f32 v22, $0.0e+00;
	v33 =	vsel vm2, $0x1, v1;
	(xrf0) =	vadd.scan.msk.s32 $0xffff, v27  }
0x58: {  	vm4 =	vgt.f32 v63, $0.0e+00;
	v34 =	vsel vm3, $0x1, v1;
	(xrf0) =	vadd.scan.msk.s32 $0xffff, v33  }
0x59: {  	vm5 =	vgt.f32 v23, $0.0e+00;
	v35 =	vsel vm4, $0x1, v1;
	(xrf0) =	vadd.scan.msk.s32 $0xffff, v34  }
0x5a: {  	vm6 =	vgt.f32 v24, $0.0e+00;
	v36 =	vsel vm5, $0x1, v1;
	(xrf0) =	vadd.scan.msk.s32 $0xffff, v35  }
0x5b: {  	vm7 =	vgt.f32 v26, $0.0e+00;
	v37 =	vsel vm6, $0x1, v1;
	(xrf0) =	vadd.scan.msk.s32 $0xffff, v36  }
0x5c: {  	v38 =	vsel vm7, $0x1, v1;
	v28, _, _ =	vpop (xrf0);
	(xrf0) =	vadd.scan.msk.s32 $0xffff, v37  }
0x5d: {  	v39, _, _ =	vpop (xrf0);
	(xrf0) =	vadd.scan.msk.s32 $0xffff, v38;
	v40 =	vadd.s32 v4, v28  }
0x5e: {  	v41, _, _ =	vpop (xrf0);
	v25 =	vadd.s32 v3, v39  }
0x5f: {  	v29, _, _ =	vpop (xrf0);
	v28 =	vadd.s32 v9, v41  }
0x60: {  	v30, _, _ =	vpop (xrf0);
	v29 =	vadd.s32 v8, v29  }
0x61: {  	v31, _, _ =	vpop (xrf0);
	v30 =	vadd.s32 v7, v30  }
0x62: {  	v32, _, _ =	vpop (xrf0);
	v31 =	vadd.s32 v5, v31;
	[tilespmem:v40+s16+$0x0] =	vst.idx.msk vm0, v19  }
0x63: {  	v19, _, _ =	vpop (xrf0);
	v32 =	vadd.s32 v6, v32;
	[tilespmem:v25+s16+$0x0] =	vst.idx.msk vm1, v20  }
0x64: {  	v19 =	vadd.s32 v2, v19;
	[tilespmem:v28+s16+$0x0] =	vst.idx.msk vm2, v21  }
0x65: {  	[tilespmem:v29+s16+$0x0] =	vst.idx.msk vm3, v22  }
0x66: {  	[tilespmem:v30+s16+$0x0] =	vst.idx.msk vm4, v63  }
0x67: {  	[tilespmem:v31+s16+$0x0] =	vst.idx.msk vm5, v23  }
0x68: {  	[tilespmem:v32+s16+$0x0] =	vst.idx.msk vm6, v24  }
0x69: {  	[tilespmem:v19+s16+$0x0] =	vst.idx.msk vm7, v26  }
0x6a: {  	[tilespmem:v40+s17+$0x0] =	vst.idx.msk vm0, v56  }
0x6b: {  	[tilespmem:v25+s17+$0x0] =	vst.idx.msk vm1, v57  }
0x6c: {  	[tilespmem:v28+s17+$0x0] =	vst.idx.msk vm2, v58  }
0x6d: {  	[tilespmem:v29+s17+$0x0] =	vst.idx.msk vm3, v59  }
0x6e: {  	[tilespmem:v30+s17+$0x0] =	vst.idx.msk vm4, v60  }
0x6f: {  	[tilespmem:v31+s17+$0x0] =	vst.idx.msk vm5, v61  }
0x70: {  	[tilespmem:v32+s17+$0x0] =	vst.idx.msk vm6, v62  }
0x71: {  	v42 =	vmpcnt.ones.xlane vm2;
	v43 =	vmpcnt.ones.xlane vm3;
	[tilespmem:v19+s17+$0x0] =	vst.idx.msk vm7, v10  }
0x72: {  	v36 =	vmpcnt.ones.xlane vm6;
	v19 =	vmpcnt.ones.xlane vm0;
	v22 =	vld [tilespmem:s24+$0x10]  }
0x73: {  	v37 =	vmpcnt.ones.xlane vm7;
	v20 =	vmpcnt.ones.xlane vm1;
	v25 =	vld [tilespmem:s24+$0x810]  }
0x74: {  	v9 =	vadd.s32 v9, v42;
	v8 =	vadd.s32 v8, v43;
	v4 =	vadd.s32 v4, v19;
	v19 =	vld [tilespmem:s24+$0x1010]  }
0x75: {  	vm10 =	vlt.s32 v9, $0x5EF;
	vm11 =	vlt.s32 v8, $0x7EF;
	v3 =	vadd.s32 v3, v20;
	v20 =	vld [tilespmem:s24+$0x1810]  }
0x76: {  	v9 =	vnsel vm10, $0x5EF, v9;
	v8 =	vnsel vm11, $0x7EF, v8;
	v21 =	vld [tilespmem:s24+$0x2010]  }
0x77: {  	v6 =	vadd.s32 v6, v36;
	v2 =	vadd.s32 v2, v37;
	v29 =	vld [tilespmem:s24+$0x2810];
	vm7 =	vgt.f32 v22, $0.0e+00  }
0x78: {  	vm13 =	vlt.s32 v2, $0xFEF;
	v30 =	vld [tilespmem:s24+$0x3010];
	vm2 =	vgt.f32 v25, $0.0e+00;
	v38 =	vsel vm7, $0x1, v1  }
0x79: {  	v63 =	vmpcnt.ones.xlane vm4;
	v23 =	vld [tilespmem:s24+$0x3810];
	vm3 =	vgt.f32 v19, $0.0e+00;
	v39 =	vsel vm2, $0x1, v1;
	(xrf0) =	vadd.scan.msk.s32 $0xffff, v38  }
0x7a: {  	vm9 =	vlt.s32 v3, $0x3EF;
	vm4 =	vgt.f32 v20, $0.0e+00;
	v40 =	vsel vm3, $0x1, v1;
	(xrf0) =	vadd.scan.msk.s32 $0xffff, v39  }
0x7b: {  	v26 =	vmpcnt.ones.xlane vm5;
	vm5 =	vgt.f32 v21, $0.0e+00;
	v41 =	vsel vm4, $0x1, v1;
	(xrf0) =	vadd.scan.msk.s32 $0xffff, v40  }
0x7c: {  	v2 =	vnsel vm13, $0xFEF, v2;
	vm6 =	vgt.f32 v29, $0.0e+00;
	v42 =	vsel vm5, $0x1, v1;
	(xrf0) =	vadd.scan.msk.s32 $0xffff, v41  }
0x7d: {  	v7 =	vadd.s32 v7, v63;
	vm1 =	vgt.f32 v30, $0.0e+00;
	v43 =	vsel vm6, $0x1, v1;
	(xrf0) =	vadd.scan.msk.s32 $0xffff, v42  }
0x7e: {  	vm8 =	vlt.s32 v4, $0x1EF;
	vm0 =	vgt.f32 v23, $0.0e+00;
	v63 =	vsel vm1, $0x1, v1;
	(xrf0) =	vadd.scan.msk.s32 $0xffff, v43  }
0x7f: {  	v3 =	vnsel vm9, $0x3EF, v3;
	v4 =	vnsel vm8, $0x1EF, v4;
	v32 =	vsel vm0, $0x1, v1;
	v33, _, _ =	vpop (xrf0);
	(xrf0) =	vadd.scan.msk.s32 $0xffff, v63  }
0x80: {  	vm9 =	vlt.s32 v6, $0xDEF;
	v5 =	vadd.s32 v5, v26;
	v34, _, _ =	vpop (xrf0);
	(xrf0) =	vadd.scan.msk.s32 $0xffff, v32;
	v26 =	vadd.s32 v4, v33  }
0x81: {  	v6 =	vnsel vm9, $0xDEF, v6;
	vm12 =	vlt.s32 v7, $0x9EF;
	v35, _, _ =	vpop (xrf0);
	v24 =	vadd.s32 v3, v34  }
0x82: {  	v7 =	vnsel vm12, $0x9EF, v7;
	vm8 =	vlt.s32 v5, $0xBEF;
	v36, _, _ =	vpop (xrf0);
	v27 =	vadd.s32 v9, v35  }
0x83: {  	v5 =	vnsel vm8, $0xBEF, v5;
	v37 =	vmpcnt.ones.xlane vm7;
	v38, _, _ =	vpop (xrf0);
	v31 =	vadd.s32 v8, v36  }
0x84: {  	v39 =	vmpcnt.ones.xlane vm2;
	v42 =	vmpcnt.ones.xlane vm6;
	v33, _, _ =	vpop (xrf0);
	v32 =	vadd.s32 v7, v38  }
0x85: {  	v43 =	vmpcnt.ones.xlane vm0;
	v63 =	vadd.s32 $0x10, v58;
	v40, _, _ =	vpop (xrf0);
	v33 =	vadd.s32 v5, v33;
	[tilespmem:v26+s16+$0x0] =	vst.idx.msk vm7, v22  }
0x86: {  	v58 =	vadd.s32 $0x20, v58;
	v4 =	vadd.s32 v4, v37;
	v41, _, _ =	vpop (xrf0);
	v28 =	vadd.s32 v6, v40;
	[tilespmem:v24+s16+$0x0] =	vst.idx.msk vm2, v25  }
0x87: {  	v37 =	vmpcnt.ones.xlane vm5;
	vm14 =	vlt.s32 v4, $0x1EF;
	v22 =	vadd.s32 v2, v41;
	[tilespmem:v27+s16+$0x0] =	vst.idx.msk vm3, v19  }
0x88: {  	v3 =	vadd.s32 v3, v39;
	v34 =	vadd.s32 $0x10, v59;
	v39 =	vmpcnt.ones.xlane vm1;
	[tilespmem:v31+s16+$0x0] =	vst.idx.msk vm4, v20  }
0x89: {  	v59 =	vadd.s32 $0x20, v59;
	v4 =	vnsel vm14, $0x1EF, v4;
	vm15 =	vlt.s32 v3, $0x3EF;
	[tilespmem:v32+s16+$0x0] =	vst.idx.msk vm5, v21  }
0x8a: {  	v35 =	vadd.s32 $0x10, v61;
	v61 =	vadd.s32 $0x20, v61;
	v3 =	vnsel vm15, $0x3EF, v3;
	[tilespmem:v33+s16+$0x0] =	vst.idx.msk vm6, v29  }
0x8b: {  	v36 =	vadd.s32 $0x10, v62;
	v62 =	vadd.s32 $0x20, v62;
	v38 =	vadd.s32 $0x10, v10;
	[tilespmem:v28+s16+$0x0] =	vst.idx.msk vm1, v30  }
0x8c: {  	v7 =	vadd.s32 v7, v37;
	v10 =	vadd.s32 $0x20, v10;
	v25 =	vadd.s32 $0x10, v56;
	[tilespmem:v22+s16+$0x0] =	vst.idx.msk vm0, v23  }
0x8d: {  	vm12 =	vlt.s32 v7, $0x9EF;
	v5 =	vadd.s32 v5, v42;
	v19 =	vadd.s32 $0x10, v57;
	[tilespmem:v26+s17+$0x0] =	vst.idx.msk vm7, v25  }
0x8e: {  	s25 =	sadd.s32 $0x2, s25;
	v56 =	vadd.s32 $0x20, v56;
	v7 =	vnsel vm12, $0x9EF, v7;
	vm13 =	vlt.s32 v5, $0xBEF;
	[tilespmem:v24+s17+$0x0] =	vst.idx.msk vm2, v19  }
0x8f: {  	p0 =	slt.u32 s25, $0x7E;
	v6 =	vadd.s32 v6, v39;
	v57 =	vadd.s32 $0x20, v57;
	v5 =	vnsel vm13, $0xBEF, v5;
	[tilespmem:v27+s17+$0x0] =	vst.idx.msk vm3, v63  }
.Ltmp1:
0x90: {  	v20 =	vadd.s32 $0x10, v60;
	v21 =	vmpcnt.ones.xlane vm3;
	v29 =	vmpcnt.ones.xlane vm4;
	[tilespmem:v31+s17+$0x0] =	vst.idx.msk vm4, v34;
	(pc) =	sbr.rel @p0 .LBB2_4-.Ltmp1, $4  }
0x91: {  	vm14 =	vlt.s32 v6, $0xDEF;
	v2 =	vadd.s32 v2, v43;
	v60 =	vadd.s32 $0x20, v60;
	[tilespmem:v32+s17+$0x0] =	vst.idx.msk vm5, v20  }
0x92: {  	v6 =	vnsel vm14, $0xDEF, v6;
	v9 =	vadd.s32 v9, v21;
	v8 =	vadd.s32 v8, v29;
	[tilespmem:v33+s17+$0x0] =	vst.idx.msk vm6, v35  }
0x93: {  	vm15 =	vlt.s32 v2, $0xFEF;
	vm10 =	vlt.s32 v9, $0x5EF;
	vm11 =	vlt.s32 v8, $0x7EF;
	[tilespmem:v28+s17+$0x0] =	vst.idx.msk vm1, v36  }
0x94: {  	s26 =	sadd.s32 $0x20, s26;
	s24 =	sadd.s32 $0x20, s24;
	v2 =	vnsel vm15, $0xFEF, v2;
	v9 =	vnsel vm10, $0x5EF, v9;
	v8 =	vnsel vm11, $0x7EF, v8;
	[tilespmem:v22+s17+$0x0] =	vst.idx.msk vm0, v38  }
0x95: {  	s24 =	simm.s32 $0x0  }
0x96: {  	[tilespmem:s24], [sflag:$0x1] =	stream.linear.gather [hbm4b:s6+s24], $0x4000, $0x38;
	[tilespmem:$0xA400] =	vst v63  }
0x97: {  	_ =	swait.ge [sflag:s18], $0x4000  }
0x98: {  	v10 =	vld [tilespmem:$0x1FE20]  }
0x99: {  	v62 =	vld [tilespmem:$0x1FE10]  }
0x9a: {  	v61 =	vld [tilespmem:$0x1FE00]  }
0x9b: {  	v60 =	vld [tilespmem:$0x1FDF0]  }
0x9c: {  	v59 =	vld [tilespmem:$0x1FDE0]  }
0x9d: {  	v58 =	vld [tilespmem:$0x1FDD0]  }
0x9e: {  	[sflag:s18] =	ssyncset.done $0x0;
	v57 =	vld [tilespmem:$0x1FDC0]  }
0x9f: {  	s25 =	simm.s32 $0xFFFFFFFE;
	s26 =	simm.s32 $0x4000;
	v56 =	vld [tilespmem:$0x1FDB0];
	[sflag:s18] =	ssyncadd.s32 $0xFFFFC000  }
.LBB2_6:
0xa0: {  	v19 =	vld [tilespmem:s26+$0x0];
	s28 =	sand.u32 $0x7E0, s24  }
0xa1: {  	v20 =	vld [tilespmem:s28+$0x4800]  }
0xa2: {  	v21 =	vld [tilespmem:s28+$0x5000]  }
0xa3: {  	v22 =	vld [tilespmem:s28+$0x5800]  }
0xa4: {  	v23 =	vld [tilespmem:s28+$0x6000]  }
0xa5: {  	v24 =	vld [tilespmem:s28+$0x6800];
	vm0 =	vgt.f32 v19, $0.0e+00  }
0xa6: {  	v25 =	vld [tilespmem:s28+$0x7000];
	vm1 =	vgt.f32 v20, $0.0e+00;
	v26 =	vsel vm0, $0x1, v1  }
0xa7: {  	v27 =	vld [tilespmem:s28+$0x7800];
	vm2 =	vgt.f32 v21, $0.0e+00;
	v28 =	vsel vm1, $0x1, v1;
	(xrf0) =	vadd.scan.msk.s32 $0xffff, v26  }
0xa8: {  	vm3 =	vgt.f32 v22, $0.0e+00;
	v33 =	vsel vm2, $0x1, v1;
	(xrf0) =	vadd.scan.msk.s32 $0xffff, v28  }
0xa9: {  	vm4 =	vgt.f32 v23, $0.0e+00;
	v34 =	vsel vm3, $0x1, v1;
	(xrf0) =	vadd.scan.msk.s32 $0xffff, v33  }
0xaa: {  	vm5 =	vgt.f32 v24, $0.0e+00;
	v35 =	vsel vm4, $0x1, v1;
	(xrf0) =	vadd.scan.msk.s32 $0xffff, v34  }
0xab: {  	vm6 =	vgt.f32 v25, $0.0e+00;
	v36 =	vsel vm5, $0x1, v1;
	(xrf0) =	vadd.scan.msk.s32 $0xffff, v35  }
0xac: {  	vm7 =	vgt.f32 v27, $0.0e+00;
	v37 =	vsel vm6, $0x1, v1;
	(xrf0) =	vadd.scan.msk.s32 $0xffff, v36  }
0xad: {  	v38 =	vsel vm7, $0x1, v1;
	v29, _, _ =	vpop (xrf0);
	(xrf0) =	vadd.scan.msk.s32 $0xffff, v37  }
0xae: {  	v39, _, _ =	vpop (xrf0);
	(xrf0) =	vadd.scan.msk.s32 $0xffff, v38;
	v40 =	vadd.s32 v4, v29  }
0xaf: {  	v41, _, _ =	vpop (xrf0);
	v26 =	vadd.s32 v3, v39  }
0xb0: {  	v30, _, _ =	vpop (xrf0);
	v29 =	vadd.s32 v9, v41  }
0xb1: {  	v31, _, _ =	vpop (xrf0);
	v30 =	vadd.s32 v8, v30  }
0xb2: {  	v32, _, _ =	vpop (xrf0);
	v31 =	vadd.s32 v7, v31  }
0xb3: {  	v33, _, _ =	vpop (xrf0);
	v32 =	vadd.s32 v5, v32;
	[tilespmem:v40+s16+$0x0] =	vst.idx.msk vm0, v19  }
0xb4: {  	v19, _, _ =	vpop (xrf0);
	v33 =	vadd.s32 v6, v33;
	[tilespmem:v26+s16+$0x0] =	vst.idx.msk vm1, v20  }
0xb5: {  	v19 =	vadd.s32 v2, v19;
	[tilespmem:v29+s16+$0x0] =	vst.idx.msk vm2, v21  }
0xb6: {  	[tilespmem:v30+s16+$0x0] =	vst.idx.msk vm3, v22  }
0xb7: {  	[tilespmem:v31+s16+$0x0] =	vst.idx.msk vm4, v23  }
0xb8: {  	[tilespmem:v32+s16+$0x0] =	vst.idx.msk vm5, v24  }
0xb9: {  	[tilespmem:v33+s16+$0x0] =	vst.idx.msk vm6, v25  }
0xba: {  	[tilespmem:v19+s16+$0x0] =	vst.idx.msk vm7, v27  }
0xbb: {  	[tilespmem:v40+s17+$0x0] =	vst.idx.msk vm0, v56  }
0xbc: {  	[tilespmem:v26+s17+$0x0] =	vst.idx.msk vm1, v57  }
0xbd: {  	[tilespmem:v29+s17+$0x0] =	vst.idx.msk vm2, v58  }
0xbe: {  	[tilespmem:v30+s17+$0x0] =	vst.idx.msk vm3, v59  }
0xbf: {  	[tilespmem:v31+s17+$0x0] =	vst.idx.msk vm4, v60  }
0xc0: {  	[tilespmem:v32+s17+$0x0] =	vst.idx.msk vm5, v61  }
0xc1: {  	[tilespmem:v33+s17+$0x0] =	vst.idx.msk vm6, v62  }
0xc2: {  	v42 =	vmpcnt.ones.xlane vm2;
	[tilespmem:v19+s17+$0x0] =	vst.idx.msk vm7, v10  }
0xc3: {  	v43 =	vmpcnt.ones.xlane vm3;
	v19 =	vmpcnt.ones.xlane vm0;
	v22 =	vld [tilespmem:s26+$0x10]  }
0xc4: {  	v63 =	vmpcnt.ones.xlane vm4;
	v20 =	vmpcnt.ones.xlane vm1;
	v25 =	vld [tilespmem:s26+$0x810]  }
0xc5: {  	v36 =	vmpcnt.ones.xlane vm6;
	v9 =	vadd.s32 v9, v42;
	v4 =	vadd.s32 v4, v19;
	v19 =	vld [tilespmem:s26+$0x1010]  }
0xc6: {  	vm10 =	vlt.s32 v9, $0x5EF;
	v8 =	vadd.s32 v8, v43;
	v3 =	vadd.s32 v3, v20;
	v20 =	vld [tilespmem:s26+$0x1810]  }
0xc7: {  	v37 =	vmpcnt.ones.xlane vm7;
	v9 =	vnsel vm10, $0x5EF, v9;
	vm11 =	vlt.s32 v8, $0x7EF;
	v21 =	vld [tilespmem:s26+$0x2010]  }
0xc8: {  	v7 =	vadd.s32 v7, v63;
	v8 =	vnsel vm11, $0x7EF, v8;
	v29 =	vld [tilespmem:s26+$0x2810];
	vm7 =	vgt.f32 v22, $0.0e+00  }
0xc9: {  	vm12 =	vlt.s32 v7, $0x9EF;
	v30 =	vld [tilespmem:s26+$0x3010];
	vm2 =	vgt.f32 v25, $0.0e+00;
	v38 =	vsel vm7, $0x1, v1  }
0xca: {  	v7 =	vnsel vm12, $0x9EF, v7;
	v23 =	vld [tilespmem:s26+$0x3810];
	vm3 =	vgt.f32 v19, $0.0e+00;
	v39 =	vsel vm2, $0x1, v1;
	(xrf0) =	vadd.scan.msk.s32 $0xffff, v38  }
0xcb: {  	v6 =	vadd.s32 v6, v36;
	vm4 =	vgt.f32 v20, $0.0e+00;
	v40 =	vsel vm3, $0x1, v1;
	(xrf0) =	vadd.scan.msk.s32 $0xffff, v39  }
0xcc: {  	v26 =	vmpcnt.ones.xlane vm5;
	vm5 =	vgt.f32 v21, $0.0e+00;
	v41 =	vsel vm4, $0x1, v1;
	(xrf0) =	vadd.scan.msk.s32 $0xffff, v40  }
0xcd: {  	v2 =	vadd.s32 v2, v37;
	vm6 =	vgt.f32 v29, $0.0e+00;
	v42 =	vsel vm5, $0x1, v1;
	(xrf0) =	vadd.scan.msk.s32 $0xffff, v41  }
0xce: {  	vm13 =	vlt.s32 v2, $0xFEF;
	vm1 =	vgt.f32 v30, $0.0e+00;
	v43 =	vsel vm6, $0x1, v1;
	(xrf0) =	vadd.scan.msk.s32 $0xffff, v42  }
0xcf: {  	vm8 =	vlt.s32 v4, $0x1EF;
	vm0 =	vgt.f32 v23, $0.0e+00;
	v63 =	vsel vm1, $0x1, v1;
	(xrf0) =	vadd.scan.msk.s32 $0xffff, v43  }
0xd0: {  	vm9 =	vlt.s32 v3, $0x3EF;
	v4 =	vnsel vm8, $0x1EF, v4;
	v32 =	vsel vm0, $0x1, v1;
	v33, _, _ =	vpop (xrf0);
	(xrf0) =	vadd.scan.msk.s32 $0xffff, v63  }
0xd1: {  	v3 =	vnsel vm9, $0x3EF, v3;
	v5 =	vadd.s32 v5, v26;
	v34, _, _ =	vpop (xrf0);
	(xrf0) =	vadd.scan.msk.s32 $0xffff, v32;
	v26 =	vadd.s32 v4, v33  }
0xd2: {  	v2 =	vnsel vm13, $0xFEF, v2;
	vm9 =	vlt.s32 v6, $0xDEF;
	v35, _, _ =	vpop (xrf0);
	v24 =	vadd.s32 v3, v34  }
0xd3: {  	v6 =	vnsel vm9, $0xDEF, v6;
	vm8 =	vlt.s32 v5, $0xBEF;
	v36, _, _ =	vpop (xrf0);
	v27 =	vadd.s32 v9, v35  }
0xd4: {  	v5 =	vnsel vm8, $0xBEF, v5;
	v37 =	vmpcnt.ones.xlane vm7;
	v38, _, _ =	vpop (xrf0);
	v31 =	vadd.s32 v8, v36  }
0xd5: {  	v39 =	vmpcnt.ones.xlane vm2;
	v42 =	vmpcnt.ones.xlane vm6;
	v34, _, _ =	vpop (xrf0);
	v32 =	vadd.s32 v7, v38  }
0xd6: {  	v43 =	vmpcnt.ones.xlane vm0;
	v63 =	vmpcnt.ones.xlane vm1;
	v40, _, _ =	vpop (xrf0);
	v34 =	vadd.s32 v5, v34;
	[tilespmem:v26+s16+$0x0] =	vst.idx.msk vm7, v22  }
0xd7: {  	v4 =	vadd.s32 v4, v37;
	v33 =	vadd.s32 $0x10, v58;
	v41, _, _ =	vpop (xrf0);
	v28 =	vadd.s32 v6, v40;
	[tilespmem:v24+s16+$0x0] =	vst.idx.msk vm2, v25  }
0xd8: {  	v37 =	vadd.s32 $0x10, v62;
	v58 =	vadd.s32 $0x20, v58;
	v22 =	vadd.s32 v2, v41;
	[tilespmem:v27+s16+$0x0] =	vst.idx.msk vm3, v19  }
0xd9: {  	v62 =	vadd.s32 $0x20, v62;
	vm14 =	vlt.s32 v4, $0x1EF;
	v3 =	vadd.s32 v3, v39;
	[tilespmem:v31+s16+$0x0] =	vst.idx.msk vm4, v20  }
0xda: {  	v39 =	vadd.s32 $0x10, v10;
	v10 =	vadd.s32 $0x20, v10;
	v4 =	vnsel vm14, $0x1EF, v4;
	[tilespmem:v32+s16+$0x0] =	vst.idx.msk vm5, v21  }
0xdb: {  	vm15 =	vlt.s32 v3, $0x3EF;
	v35 =	vadd.s32 $0x10, v59;
	v59 =	vadd.s32 $0x20, v59;
	[tilespmem:v34+s16+$0x0] =	vst.idx.msk vm6, v29  }
0xdc: {  	v3 =	vnsel vm15, $0x3EF, v3;
	v36 =	vadd.s32 $0x10, v61;
	v38 =	vmpcnt.ones.xlane vm5;
	[tilespmem:v28+s16+$0x0] =	vst.idx.msk vm1, v30  }
0xdd: {  	v61 =	vadd.s32 $0x20, v61;
	v5 =	vadd.s32 v5, v42;
	v25 =	vadd.s32 $0x10, v56;
	[tilespmem:v22+s16+$0x0] =	vst.idx.msk vm0, v23  }
0xde: {  	v56 =	vadd.s32 $0x20, v56;
	v7 =	vadd.s32 v7, v38;
	v19 =	vadd.s32 $0x10, v57;
	[tilespmem:v26+s17+$0x0] =	vst.idx.msk vm7, v25  }
0xdf: {  	s25 =	sadd.s32 $0x2, s25;
	vm13 =	vlt.s32 v5, $0xBEF;
	v6 =	vadd.s32 v6, v63;
	v57 =	vadd.s32 $0x20, v57;
	[tilespmem:v24+s17+$0x0] =	vst.idx.msk vm2, v19  }
0xe0: {  	p0 =	slt.u32 s25, $0x7E;
	vm12 =	vlt.s32 v7, $0x9EF;
	v5 =	vnsel vm13, $0xBEF, v5;
	vm14 =	vlt.s32 v6, $0xDEF;
	[tilespmem:v27+s17+$0x0] =	vst.idx.msk vm3, v33  }
.Ltmp2:
0xe1: {  	v20 =	vadd.s32 $0x10, v60;
	v21 =	vmpcnt.ones.xlane vm3;
	v29 =	vmpcnt.ones.xlane vm4;
	[tilespmem:v31+s17+$0x0] =	vst.idx.msk vm4, v35;
	(pc) =	sbr.rel @p0 .LBB2_6-.Ltmp2, $4  }
0xe2: {  	v2 =	vadd.s32 v2, v43;
	v7 =	vnsel vm12, $0x9EF, v7;
	v60 =	vadd.s32 $0x20, v60;
	[tilespmem:v32+s17+$0x0] =	vst.idx.msk vm5, v20  }
0xe3: {  	v6 =	vnsel vm14, $0xDEF, v6;
	v9 =	vadd.s32 v9, v21;
	v8 =	vadd.s32 v8, v29;
	[tilespmem:v34+s17+$0x0] =	vst.idx.msk vm6, v36  }
0xe4: {  	vm15 =	vlt.s32 v2, $0xFEF;
	vm10 =	vlt.s32 v9, $0x5EF;
	vm11 =	vlt.s32 v8, $0x7EF;
	[tilespmem:v28+s17+$0x0] =	vst.idx.msk vm1, v37  }
0xe5: {  	s24 =	sadd.s32 $0x20, s24;
	s26 =	sadd.s32 $0x20, s26;
	v2 =	vnsel vm15, $0xFEF, v2;
	v9 =	vnsel vm10, $0x5EF, v9;
	v8 =	vnsel vm11, $0x7EF, v8;
	[tilespmem:v22+s17+$0x0] =	vst.idx.msk vm0, v39  }
0xe6: {  	s24 =	simm.s32 $0x0  }
0xe7: {  	[tilespmem:s15], [sflag:$0x2] =	stream.linear.gather [hbm4b:s7+s24], $0x4000, $0x38;
	[tilespmem:$0xA400] =	vst v63  }
0xe8: {  	_ =	swait.ge [sflag:s3], $0x4000  }
0xe9: {  	v10 =	vld [tilespmem:$0x1FEA0]  }
0xea: {  	v62 =	vld [tilespmem:$0x1FE90]  }
0xeb: {  	v61 =	vld [tilespmem:$0x1FE80]  }
0xec: {  	v60 =	vld [tilespmem:$0x1FE70]  }
0xed: {  	v59 =	vld [tilespmem:$0x1FE60]  }
0xee: {  	v58 =	vld [tilespmem:$0x1FE50]  }
0xef: {  	[sflag:s3] =	ssyncset.done $0x0;
	v57 =	vld [tilespmem:$0x1FE40]  }
0xf0: {  	s25 =	simm.s32 $0xFFFFFFFE;
	s26 =	simm.s32 $0x0;
	v56 =	vld [tilespmem:$0x1FE30];
	[sflag:s3] =	ssyncadd.s32 $0xFFFFC000  }
.LBB2_8:
0xf1: {  	v19 =	vld [tilespmem:s24+$0x0];
	s28 =	sand.u32 $0x7E0, s26  }
0xf2: {  	v20 =	vld [tilespmem:s28+$0x800]  }
0xf3: {  	v21 =	vld [tilespmem:s28+$0x1000]  }
0xf4: {  	v22 =	vld [tilespmem:s28+$0x1800]  }
0xf5: {  	v23 =	vld [tilespmem:s28+$0x2000]  }
0xf6: {  	v24 =	vld [tilespmem:s28+$0x2800];
	vm0 =	vgt.f32 v19, $0.0e+00  }
0xf7: {  	v25 =	vld [tilespmem:s28+$0x3000];
	vm1 =	vgt.f32 v20, $0.0e+00;
	v26 =	vsel vm0, $0x1, v1  }
0xf8: {  	v27 =	vld [tilespmem:s28+$0x3800];
	vm2 =	vgt.f32 v21, $0.0e+00;
	v28 =	vsel vm1, $0x1, v1;
	(xrf0) =	vadd.scan.msk.s32 $0xffff, v26  }
0xf9: {  	vm3 =	vgt.f32 v22, $0.0e+00;
	v33 =	vsel vm2, $0x1, v1;
	(xrf0) =	vadd.scan.msk.s32 $0xffff, v28  }
0xfa: {  	vm4 =	vgt.f32 v23, $0.0e+00;
	v34 =	vsel vm3, $0x1, v1;
	(xrf0) =	vadd.scan.msk.s32 $0xffff, v33  }
0xfb: {  	vm5 =	vgt.f32 v24, $0.0e+00;
	v35 =	vsel vm4, $0x1, v1;
	(xrf0) =	vadd.scan.msk.s32 $0xffff, v34  }
0xfc: {  	vm6 =	vgt.f32 v25, $0.0e+00;
	v36 =	vsel vm5, $0x1, v1;
	(xrf0) =	vadd.scan.msk.s32 $0xffff, v35  }
0xfd: {  	vm7 =	vgt.f32 v27, $0.0e+00;
	v37 =	vsel vm6, $0x1, v1;
	(xrf0) =	vadd.scan.msk.s32 $0xffff, v36  }
0xfe: {  	v38 =	vsel vm7, $0x1, v1;
	v29, _, _ =	vpop (xrf0);
	(xrf0) =	vadd.scan.msk.s32 $0xffff, v37  }
0xff: {  	v39, _, _ =	vpop (xrf0);
	(xrf0) =	vadd.scan.msk.s32 $0xffff, v38;
	v40 =	vadd.s32 v4, v29  }
0x100: {  	v41, _, _ =	vpop (xrf0);
	v26 =	vadd.s32 v3, v39  }
0x101: {  	v30, _, _ =	vpop (xrf0);
	v29 =	vadd.s32 v9, v41  }
0x102: {  	v31, _, _ =	vpop (xrf0);
	v30 =	vadd.s32 v8, v30  }
0x103: {  	v32, _, _ =	vpop (xrf0);
	v31 =	vadd.s32 v7, v31  }
0x104: {  	v33, _, _ =	vpop (xrf0);
	v32 =	vadd.s32 v5, v32;
	[tilespmem:v40+s16+$0x0] =	vst.idx.msk vm0, v19  }
0x105: {  	v19, _, _ =	vpop (xrf0);
	v33 =	vadd.s32 v6, v33;
	[tilespmem:v26+s16+$0x0] =	vst.idx.msk vm1, v20  }
0x106: {  	v19 =	vadd.s32 v2, v19;
	[tilespmem:v29+s16+$0x0] =	vst.idx.msk vm2, v21  }
0x107: {  	[tilespmem:v30+s16+$0x0] =	vst.idx.msk vm3, v22  }
0x108: {  	[tilespmem:v31+s16+$0x0] =	vst.idx.msk vm4, v23  }
0x109: {  	[tilespmem:v32+s16+$0x0] =	vst.idx.msk vm5, v24  }
0x10a: {  	[tilespmem:v33+s16+$0x0] =	vst.idx.msk vm6, v25  }
0x10b: {  	[tilespmem:v19+s16+$0x0] =	vst.idx.msk vm7, v27  }
0x10c: {  	[tilespmem:v40+s17+$0x0] =	vst.idx.msk vm0, v56  }
0x10d: {  	[tilespmem:v26+s17+$0x0] =	vst.idx.msk vm1, v57  }
0x10e: {  	[tilespmem:v29+s17+$0x0] =	vst.idx.msk vm2, v58  }
0x10f: {  	[tilespmem:v30+s17+$0x0] =	vst.idx.msk vm3, v59  }
0x110: {  	[tilespmem:v31+s17+$0x0] =	vst.idx.msk vm4, v60  }
0x111: {  	[tilespmem:v32+s17+$0x0] =	vst.idx.msk vm5, v61  }
0x112: {  	[tilespmem:v33+s17+$0x0] =	vst.idx.msk vm6, v62  }
0x113: {  	v42 =	vmpcnt.ones.xlane vm2;
	[tilespmem:v19+s17+$0x0] =	vst.idx.msk vm7, v10  }
0x114: {  	v43 =	vmpcnt.ones.xlane vm3;
	v19 =	vmpcnt.ones.xlane vm0;
	v22 =	vld [tilespmem:s24+$0x10]  }
0x115: {  	v63 =	vmpcnt.ones.xlane vm4;
	v20 =	vmpcnt.ones.xlane vm1;
	v25 =	vld [tilespmem:s24+$0x810]  }
0x116: {  	v36 =	vmpcnt.ones.xlane vm6;
	v9 =	vadd.s32 v9, v42;
	v4 =	vadd.s32 v4, v19;
	v19 =	vld [tilespmem:s24+$0x1010]  }
0x117: {  	vm10 =	vlt.s32 v9, $0x5EF;
	v8 =	vadd.s32 v8, v43;
	v3 =	vadd.s32 v3, v20;
	v20 =	vld [tilespmem:s24+$0x1810]  }
0x118: {  	v37 =	vmpcnt.ones.xlane vm7;
	v9 =	vnsel vm10, $0x5EF, v9;
	vm11 =	vlt.s32 v8, $0x7EF;
	v21 =	vld [tilespmem:s24+$0x2010]  }
0x119: {  	v7 =	vadd.s32 v7, v63;
	v8 =	vnsel vm11, $0x7EF, v8;
	v29 =	vld [tilespmem:s24+$0x2810];
	vm7 =	vgt.f32 v22, $0.0e+00  }
0x11a: {  	vm12 =	vlt.s32 v7, $0x9EF;
	v30 =	vld [tilespmem:s24+$0x3010];
	vm2 =	vgt.f32 v25, $0.0e+00;
	v38 =	vsel vm7, $0x1, v1  }
0x11b: {  	v7 =	vnsel vm12, $0x9EF, v7;
	v23 =	vld [tilespmem:s24+$0x3810];
	vm3 =	vgt.f32 v19, $0.0e+00;
	v39 =	vsel vm2, $0x1, v1;
	(xrf0) =	vadd.scan.msk.s32 $0xffff, v38  }
0x11c: {  	v6 =	vadd.s32 v6, v36;
	vm4 =	vgt.f32 v20, $0.0e+00;
	v40 =	vsel vm3, $0x1, v1;
	(xrf0) =	vadd.scan.msk.s32 $0xffff, v39  }
0x11d: {  	v26 =	vmpcnt.ones.xlane vm5;
	vm5 =	vgt.f32 v21, $0.0e+00;
	v41 =	vsel vm4, $0x1, v1;
	(xrf0) =	vadd.scan.msk.s32 $0xffff, v40  }
0x11e: {  	v2 =	vadd.s32 v2, v37;
	vm6 =	vgt.f32 v29, $0.0e+00;
	v42 =	vsel vm5, $0x1, v1;
	(xrf0) =	vadd.scan.msk.s32 $0xffff, v41  }
0x11f: {  	vm13 =	vlt.s32 v2, $0xFEF;
	vm1 =	vgt.f32 v30, $0.0e+00;
	v43 =	vsel vm6, $0x1, v1;
	(xrf0) =	vadd.scan.msk.s32 $0xffff, v42  }
0x120: {  	vm8 =	vlt.s32 v4, $0x1EF;
	vm0 =	vgt.f32 v23, $0.0e+00;
	v63 =	vsel vm1, $0x1, v1;
	(xrf0) =	vadd.scan.msk.s32 $0xffff, v43  }
0x121: {  	vm9 =	vlt.s32 v3, $0x3EF;
	v4 =	vnsel vm8, $0x1EF, v4;
	v32 =	vsel vm0, $0x1, v1;
	v33, _, _ =	vpop (xrf0);
	(xrf0) =	vadd.scan.msk.s32 $0xffff, v63  }
0x122: {  	v3 =	vnsel vm9, $0x3EF, v3;
	v5 =	vadd.s32 v5, v26;
	v34, _, _ =	vpop (xrf0);
	(xrf0) =	vadd.scan.msk.s32 $0xffff, v32;
	v26 =	vadd.s32 v4, v33  }
0x123: {  	v2 =	vnsel vm13, $0xFEF, v2;
	vm9 =	vlt.s32 v6, $0xDEF;
	v35, _, _ =	vpop (xrf0);
	v24 =	vadd.s32 v3, v34  }
0x124: {  	v6 =	vnsel vm9, $0xDEF, v6;
	vm8 =	vlt.s32 v5, $0xBEF;
	v36, _, _ =	vpop (xrf0);
	v27 =	vadd.s32 v9, v35  }
0x125: {  	v5 =	vnsel vm8, $0xBEF, v5;
	v37 =	vmpcnt.ones.xlane vm7;
	v38, _, _ =	vpop (xrf0);
	v31 =	vadd.s32 v8, v36  }
0x126: {  	v39 =	vmpcnt.ones.xlane vm2;
	v42 =	vmpcnt.ones.xlane vm6;
	v34, _, _ =	vpop (xrf0);
	v32 =	vadd.s32 v7, v38  }
0x127: {  	v43 =	vmpcnt.ones.xlane vm0;
	v63 =	vmpcnt.ones.xlane vm1;
	v40, _, _ =	vpop (xrf0);
	v34 =	vadd.s32 v5, v34;
	[tilespmem:v26+s16+$0x0] =	vst.idx.msk vm7, v22  }
0x128: {  	v4 =	vadd.s32 v4, v37;
	v33 =	vadd.s32 $0x10, v58;
	v41, _, _ =	vpop (xrf0);
	v28 =	vadd.s32 v6, v40;
	[tilespmem:v24+s16+$0x0] =	vst.idx.msk vm2, v25  }
0x129: {  	v37 =	vadd.s32 $0x10, v62;
	v58 =	vadd.s32 $0x20, v58;
	v22 =	vadd.s32 v2, v41;
	[tilespmem:v27+s16+$0x0] =	vst.idx.msk vm3, v19  }
0x12a: {  	v62 =	vadd.s32 $0x20, v62;
	vm14 =	vlt.s32 v4, $0x1EF;
	v3 =	vadd.s32 v3, v39;
	[tilespmem:v31+s16+$0x0] =	vst.idx.msk vm4, v20  }
0x12b: {  	v39 =	vadd.s32 $0x10, v10;
	v10 =	vadd.s32 $0x20, v10;
	v4 =	vnsel vm14, $0x1EF, v4;
	[tilespmem:v32+s16+$0x0] =	vst.idx.msk vm5, v21  }
0x12c: {  	vm15 =	vlt.s32 v3, $0x3EF;
	v35 =	vadd.s32 $0x10, v59;
	v59 =	vadd.s32 $0x20, v59;
	[tilespmem:v34+s16+$0x0] =	vst.idx.msk vm6, v29  }
0x12d: {  	v3 =	vnsel vm15, $0x3EF, v3;
	v36 =	vadd.s32 $0x10, v61;
	v38 =	vmpcnt.ones.xlane vm5;
	[tilespmem:v28+s16+$0x0] =	vst.idx.msk vm1, v30  }
0x12e: {  	v61 =	vadd.s32 $0x20, v61;
	v5 =	vadd.s32 v5, v42;
	v25 =	vadd.s32 $0x10, v56;
	[tilespmem:v22+s16+$0x0] =	vst.idx.msk vm0, v23  }
0x12f: {  	v56 =	vadd.s32 $0x20, v56;
	v7 =	vadd.s32 v7, v38;
	v19 =	vadd.s32 $0x10, v57;
	[tilespmem:v26+s17+$0x0] =	vst.idx.msk vm7, v25  }
0x130: {  	s25 =	sadd.s32 $0x2, s25;
	vm13 =	vlt.s32 v5, $0xBEF;
	v6 =	vadd.s32 v6, v63;
	v57 =	vadd.s32 $0x20, v57;
	[tilespmem:v24+s17+$0x0] =	vst.idx.msk vm2, v19  }
0x131: {  	p0 =	slt.u32 s25, $0x7E;
	vm12 =	vlt.s32 v7, $0x9EF;
	v5 =	vnsel vm13, $0xBEF, v5;
	vm14 =	vlt.s32 v6, $0xDEF;
	[tilespmem:v27+s17+$0x0] =	vst.idx.msk vm3, v33  }
.Ltmp3:
0x132: {  	v20 =	vadd.s32 $0x10, v60;
	v21 =	vmpcnt.ones.xlane vm3;
	v29 =	vmpcnt.ones.xlane vm4;
	[tilespmem:v31+s17+$0x0] =	vst.idx.msk vm4, v35;
	(pc) =	sbr.rel @p0 .LBB2_8-.Ltmp3, $4  }
0x133: {  	v2 =	vadd.s32 v2, v43;
	v7 =	vnsel vm12, $0x9EF, v7;
	v60 =	vadd.s32 $0x20, v60;
	[tilespmem:v32+s17+$0x0] =	vst.idx.msk vm5, v20  }
0x134: {  	v6 =	vnsel vm14, $0xDEF, v6;
	v9 =	vadd.s32 v9, v21;
	v8 =	vadd.s32 v8, v29;
	[tilespmem:v34+s17+$0x0] =	vst.idx.msk vm6, v36  }
0x135: {  	vm15 =	vlt.s32 v2, $0xFEF;
	vm10 =	vlt.s32 v9, $0x5EF;
	vm11 =	vlt.s32 v8, $0x7EF;
	[tilespmem:v28+s17+$0x0] =	vst.idx.msk vm1, v37  }
0x136: {  	s26 =	sadd.s32 $0x20, s26;
	s24 =	sadd.s32 $0x20, s24;
	v2 =	vnsel vm15, $0xFEF, v2;
	v9 =	vnsel vm10, $0x5EF, v9;
	v8 =	vnsel vm11, $0x7EF, v8;
	[tilespmem:v22+s17+$0x0] =	vst.idx.msk vm0, v39  }
0x137: {  	s24 =	simm.s32 $0x0  }
0x138: {  	[tilespmem:s24], [sflag:$0x1] =	stream.linear.gather [hbm4b:s8+s24], $0x4000, $0x38;
	[tilespmem:$0xA400] =	vst v63  }
0x139: {  	_ =	swait.ge [sflag:s18], $0x4000  }
0x13a: {  	v10 =	vld [tilespmem:$0x1FF20]  }
0x13b: {  	v62 =	vld [tilespmem:$0x1FF10]  }
0x13c: {  	v61 =	vld [tilespmem:$0x1FF00]  }
0x13d: {  	v60 =	vld [tilespmem:$0x1FEF0]  }
0x13e: {  	v59 =	vld [tilespmem:$0x1FEE0]  }
0x13f: {  	v58 =	vld [tilespmem:$0x1FED0]  }
0x140: {  	[sflag:s18] =	ssyncset.done $0x0;
	v57 =	vld [tilespmem:$0x1FEC0]  }
0x141: {  	s25 =	simm.s32 $0xFFFFFFFE;
	s26 =	simm.s32 $0x4000;
	v56 =	vld [tilespmem:$0x1FEB0];
	[sflag:s18] =	ssyncadd.s32 $0xFFFFC000  }
.LBB2_10:
0x142: {  	v19 =	vld [tilespmem:s26+$0x0];
	s28 =	sand.u32 $0x7E0, s24  }
0x143: {  	v20 =	vld [tilespmem:s28+$0x4800]  }
0x144: {  	v21 =	vld [tilespmem:s28+$0x5000]  }
0x145: {  	v22 =	vld [tilespmem:s28+$0x5800]  }
0x146: {  	v23 =	vld [tilespmem:s28+$0x6000]  }
0x147: {  	v24 =	vld [tilespmem:s28+$0x6800];
	vm0 =	vgt.f32 v19, $0.0e+00  }
0x148: {  	v25 =	vld [tilespmem:s28+$0x7000];
	vm1 =	vgt.f32 v20, $0.0e+00;
	v26 =	vsel vm0, $0x1, v1  }
0x149: {  	v27 =	vld [tilespmem:s28+$0x7800];
	vm2 =	vgt.f32 v21, $0.0e+00;
	v28 =	vsel vm1, $0x1, v1;
	(xrf0) =	vadd.scan.msk.s32 $0xffff, v26  }
0x14a: {  	vm3 =	vgt.f32 v22, $0.0e+00;
	v33 =	vsel vm2, $0x1, v1;
	(xrf0) =	vadd.scan.msk.s32 $0xffff, v28  }
0x14b: {  	vm4 =	vgt.f32 v23, $0.0e+00;
	v34 =	vsel vm3, $0x1, v1;
	(xrf0) =	vadd.scan.msk.s32 $0xffff, v33  }
0x14c: {  	vm5 =	vgt.f32 v24, $0.0e+00;
	v35 =	vsel vm4, $0x1, v1;
	(xrf0) =	vadd.scan.msk.s32 $0xffff, v34  }
0x14d: {  	vm6 =	vgt.f32 v25, $0.0e+00;
	v36 =	vsel vm5, $0x1, v1;
	(xrf0) =	vadd.scan.msk.s32 $0xffff, v35  }
0x14e: {  	vm7 =	vgt.f32 v27, $0.0e+00;
	v37 =	vsel vm6, $0x1, v1;
	(xrf0) =	vadd.scan.msk.s32 $0xffff, v36  }
0x14f: {  	v38 =	vsel vm7, $0x1, v1;
	v29, _, _ =	vpop (xrf0);
	(xrf0) =	vadd.scan.msk.s32 $0xffff, v37  }
0x150: {  	v39, _, _ =	vpop (xrf0);
	(xrf0) =	vadd.scan.msk.s32 $0xffff, v38;
	v40 =	vadd.s32 v4, v29  }
0x151: {  	v41, _, _ =	vpop (xrf0);
	v26 =	vadd.s32 v3, v39  }
0x152: {  	v30, _, _ =	vpop (xrf0);
	v29 =	vadd.s32 v9, v41  }
0x153: {  	v31, _, _ =	vpop (xrf0);
	v30 =	vadd.s32 v8, v30  }
0x154: {  	v32, _, _ =	vpop (xrf0);
	v31 =	vadd.s32 v7, v31  }
0x155: {  	v33, _, _ =	vpop (xrf0);
	v32 =	vadd.s32 v5, v32;
	[tilespmem:v40+s16+$0x0] =	vst.idx.msk vm0, v19  }
0x156: {  	v19, _, _ =	vpop (xrf0);
	v33 =	vadd.s32 v6, v33;
	[tilespmem:v26+s16+$0x0] =	vst.idx.msk vm1, v20  }
0x157: {  	v19 =	vadd.s32 v2, v19;
	[tilespmem:v29+s16+$0x0] =	vst.idx.msk vm2, v21  }
0x158: {  	[tilespmem:v30+s16+$0x0] =	vst.idx.msk vm3, v22  }
0x159: {  	[tilespmem:v31+s16+$0x0] =	vst.idx.msk vm4, v23  }
0x15a: {  	[tilespmem:v32+s16+$0x0] =	vst.idx.msk vm5, v24  }
0x15b: {  	[tilespmem:v33+s16+$0x0] =	vst.idx.msk vm6, v25  }
0x15c: {  	[tilespmem:v19+s16+$0x0] =	vst.idx.msk vm7, v27  }
0x15d: {  	[tilespmem:v40+s17+$0x0] =	vst.idx.msk vm0, v56  }
0x15e: {  	[tilespmem:v26+s17+$0x0] =	vst.idx.msk vm1, v57  }
0x15f: {  	[tilespmem:v29+s17+$0x0] =	vst.idx.msk vm2, v58  }
0x160: {  	[tilespmem:v30+s17+$0x0] =	vst.idx.msk vm3, v59  }
0x161: {  	[tilespmem:v31+s17+$0x0] =	vst.idx.msk vm4, v60  }
0x162: {  	[tilespmem:v32+s17+$0x0] =	vst.idx.msk vm5, v61  }
0x163: {  	[tilespmem:v33+s17+$0x0] =	vst.idx.msk vm6, v62  }
0x164: {  	v42 =	vmpcnt.ones.xlane vm2;
	[tilespmem:v19+s17+$0x0] =	vst.idx.msk vm7, v10  }
0x165: {  	v43 =	vmpcnt.ones.xlane vm3;
	v19 =	vmpcnt.ones.xlane vm0;
	v22 =	vld [tilespmem:s26+$0x10]  }
0x166: {  	v63 =	vmpcnt.ones.xlane vm4;
	v20 =	vmpcnt.ones.xlane vm1;
	v25 =	vld [tilespmem:s26+$0x810]  }
0x167: {  	v36 =	vmpcnt.ones.xlane vm6;
	v9 =	vadd.s32 v9, v42;
	v4 =	vadd.s32 v4, v19;
	v19 =	vld [tilespmem:s26+$0x1010]  }
0x168: {  	vm10 =	vlt.s32 v9, $0x5EF;
	v8 =	vadd.s32 v8, v43;
	v3 =	vadd.s32 v3, v20;
	v20 =	vld [tilespmem:s26+$0x1810]  }
0x169: {  	v37 =	vmpcnt.ones.xlane vm7;
	v9 =	vnsel vm10, $0x5EF, v9;
	vm11 =	vlt.s32 v8, $0x7EF;
	v21 =	vld [tilespmem:s26+$0x2010]  }
0x16a: {  	v7 =	vadd.s32 v7, v63;
	v8 =	vnsel vm11, $0x7EF, v8;
	v29 =	vld [tilespmem:s26+$0x2810];
	vm7 =	vgt.f32 v22, $0.0e+00  }
0x16b: {  	vm12 =	vlt.s32 v7, $0x9EF;
	v30 =	vld [tilespmem:s26+$0x3010];
	vm2 =	vgt.f32 v25, $0.0e+00;
	v38 =	vsel vm7, $0x1, v1  }
0x16c: {  	v7 =	vnsel vm12, $0x9EF, v7;
	v23 =	vld [tilespmem:s26+$0x3810];
	vm3 =	vgt.f32 v19, $0.0e+00;
	v39 =	vsel vm2, $0x1, v1;
	(xrf0) =	vadd.scan.msk.s32 $0xffff, v38  }
0x16d: {  	v6 =	vadd.s32 v6, v36;
	vm4 =	vgt.f32 v20, $0.0e+00;
	v40 =	vsel vm3, $0x1, v1;
	(xrf0) =	vadd.scan.msk.s32 $0xffff, v39  }
0x16e: {  	v26 =	vmpcnt.ones.xlane vm5;
	vm5 =	vgt.f32 v21, $0.0e+00;
	v41 =	vsel vm4, $0x1, v1;
	(xrf0) =	vadd.scan.msk.s32 $0xffff, v40  }
0x16f: {  	v2 =	vadd.s32 v2, v37;
	vm6 =	vgt.f32 v29, $0.0e+00;
	v42 =	vsel vm5, $0x1, v1;
	(xrf0) =	vadd.scan.msk.s32 $0xffff, v41  }
0x170: {  	vm13 =	vlt.s32 v2, $0xFEF;
	vm1 =	vgt.f32 v30, $0.0e+00;
	v43 =	vsel vm6, $0x1, v1;
	(xrf0) =	vadd.scan.msk.s32 $0xffff, v42  }
0x171: {  	vm8 =	vlt.s32 v4, $0x1EF;
	vm0 =	vgt.f32 v23, $0.0e+00;
	v63 =	vsel vm1, $0x1, v1;
	(xrf0) =	vadd.scan.msk.s32 $0xffff, v43  }
0x172: {  	vm9 =	vlt.s32 v3, $0x3EF;
	v4 =	vnsel vm8, $0x1EF, v4;
	v32 =	vsel vm0, $0x1, v1;
	v33, _, _ =	vpop (xrf0);
	(xrf0) =	vadd.scan.msk.s32 $0xffff, v63  }
0x173: {  	v3 =	vnsel vm9, $0x3EF, v3;
	v5 =	vadd.s32 v5, v26;
	v34, _, _ =	vpop (xrf0);
	(xrf0) =	vadd.scan.msk.s32 $0xffff, v32;
	v26 =	vadd.s32 v4, v33  }
0x174: {  	v2 =	vnsel vm13, $0xFEF, v2;
	vm9 =	vlt.s32 v6, $0xDEF;
	v35, _, _ =	vpop (xrf0);
	v24 =	vadd.s32 v3, v34  }
0x175: {  	v6 =	vnsel vm9, $0xDEF, v6;
	vm8 =	vlt.s32 v5, $0xBEF;
	v36, _, _ =	vpop (xrf0);
	v27 =	vadd.s32 v9, v35  }
0x176: {  	v5 =	vnsel vm8, $0xBEF, v5;
	v37 =	vmpcnt.ones.xlane vm7;
	v38, _, _ =	vpop (xrf0);
	v31 =	vadd.s32 v8, v36  }
0x177: {  	v39 =	vmpcnt.ones.xlane vm2;
	v42 =	vmpcnt.ones.xlane vm6;
	v34, _, _ =	vpop (xrf0);
	v32 =	vadd.s32 v7, v38  }
0x178: {  	v43 =	vmpcnt.ones.xlane vm0;
	v63 =	vmpcnt.ones.xlane vm1;
	v40, _, _ =	vpop (xrf0);
	v34 =	vadd.s32 v5, v34;
	[tilespmem:v26+s16+$0x0] =	vst.idx.msk vm7, v22  }
0x179: {  	v4 =	vadd.s32 v4, v37;
	v33 =	vadd.s32 $0x10, v58;
	v41, _, _ =	vpop (xrf0);
	v28 =	vadd.s32 v6, v40;
	[tilespmem:v24+s16+$0x0] =	vst.idx.msk vm2, v25  }
0x17a: {  	v37 =	vadd.s32 $0x10, v62;
	v58 =	vadd.s32 $0x20, v58;
	v22 =	vadd.s32 v2, v41;
	[tilespmem:v27+s16+$0x0] =	vst.idx.msk vm3, v19  }
0x17b: {  	v62 =	vadd.s32 $0x20, v62;
	vm14 =	vlt.s32 v4, $0x1EF;
	v3 =	vadd.s32 v3, v39;
	[tilespmem:v31+s16+$0x0] =	vst.idx.msk vm4, v20  }
0x17c: {  	v39 =	vadd.s32 $0x10, v10;
	v10 =	vadd.s32 $0x20, v10;
	v4 =	vnsel vm14, $0x1EF, v4;
	[tilespmem:v32+s16+$0x0] =	vst.idx.msk vm5, v21  }
0x17d: {  	vm15 =	vlt.s32 v3, $0x3EF;
	v35 =	vadd.s32 $0x10, v59;
	v59 =	vadd.s32 $0x20, v59;
	[tilespmem:v34+s16+$0x0] =	vst.idx.msk vm6, v29  }
0x17e: {  	v3 =	vnsel vm15, $0x3EF, v3;
	v36 =	vadd.s32 $0x10, v61;
	v38 =	vmpcnt.ones.xlane vm5;
	[tilespmem:v28+s16+$0x0] =	vst.idx.msk vm1, v30  }
0x17f: {  	v61 =	vadd.s32 $0x20, v61;
	v5 =	vadd.s32 v5, v42;
	v25 =	vadd.s32 $0x10, v56;
	[tilespmem:v22+s16+$0x0] =	vst.idx.msk vm0, v23  }
0x180: {  	v56 =	vadd.s32 $0x20, v56;
	v7 =	vadd.s32 v7, v38;
	v19 =	vadd.s32 $0x10, v57;
	[tilespmem:v26+s17+$0x0] =	vst.idx.msk vm7, v25  }
0x181: {  	s25 =	sadd.s32 $0x2, s25;
	vm13 =	vlt.s32 v5, $0xBEF;
	v6 =	vadd.s32 v6, v63;
	v57 =	vadd.s32 $0x20, v57;
	[tilespmem:v24+s17+$0x0] =	vst.idx.msk vm2, v19  }
0x182: {  	p0 =	slt.u32 s25, $0x7E;
	vm12 =	vlt.s32 v7, $0x9EF;
	v5 =	vnsel vm13, $0xBEF, v5;
	vm14 =	vlt.s32 v6, $0xDEF;
	[tilespmem:v27+s17+$0x0] =	vst.idx.msk vm3, v33  }
.Ltmp4:
0x183: {  	v20 =	vadd.s32 $0x10, v60;
	v21 =	vmpcnt.ones.xlane vm3;
	v29 =	vmpcnt.ones.xlane vm4;
	[tilespmem:v31+s17+$0x0] =	vst.idx.msk vm4, v35;
	(pc) =	sbr.rel @p0 .LBB2_10-.Ltmp4, $4  }
0x184: {  	v2 =	vadd.s32 v2, v43;
	v7 =	vnsel vm12, $0x9EF, v7;
	v60 =	vadd.s32 $0x20, v60;
	[tilespmem:v32+s17+$0x0] =	vst.idx.msk vm5, v20  }
0x185: {  	v6 =	vnsel vm14, $0xDEF, v6;
	v9 =	vadd.s32 v9, v21;
	v8 =	vadd.s32 v8, v29;
	[tilespmem:v34+s17+$0x0] =	vst.idx.msk vm6, v36  }
0x186: {  	vm15 =	vlt.s32 v2, $0xFEF;
	vm10 =	vlt.s32 v9, $0x5EF;
	vm11 =	vlt.s32 v8, $0x7EF;
	[tilespmem:v28+s17+$0x0] =	vst.idx.msk vm1, v37  }
0x187: {  	s24 =	sadd.s32 $0x20, s24;
	s26 =	sadd.s32 $0x20, s26;
	v2 =	vnsel vm15, $0xFEF, v2;
	v9 =	vnsel vm10, $0x5EF, v9;
	v8 =	vnsel vm11, $0x7EF, v8;
	[tilespmem:v22+s17+$0x0] =	vst.idx.msk vm0, v39  }
0x188: {  	s24 =	simm.s32 $0x0  }
0x189: {  	[tilespmem:s15], [sflag:$0x2] =	stream.linear.gather [hbm4b:s9+s24], $0x4000, $0x38;
	[tilespmem:$0xA400] =	vst v63  }
0x18a: {  	_ =	swait.ge [sflag:s3], $0x4000  }
0x18b: {  	v10 =	vld [tilespmem:$0x1FFA0]  }
0x18c: {  	v62 =	vld [tilespmem:$0x1FF90]  }
0x18d: {  	v61 =	vld [tilespmem:$0x1FF80]  }
0x18e: {  	v60 =	vld [tilespmem:$0x1FF70]  }
0x18f: {  	v59 =	vld [tilespmem:$0x1FF60]  }
0x190: {  	v58 =	vld [tilespmem:$0x1FF50]  }
0x191: {  	[sflag:s3] =	ssyncset.done $0x0;
	v57 =	vld [tilespmem:$0x1FF40]  }
0x192: {  	s25 =	simm.s32 $0xFFFFFFFE;
	s26 =	simm.s32 $0x0;
	v56 =	vld [tilespmem:$0x1FF30];
	[sflag:s3] =	ssyncadd.s32 $0xFFFFC000  }
.LBB2_12:
0x193: {  	v19 =	vld [tilespmem:s24+$0x0];
	s28 =	sand.u32 $0x7E0, s26  }
0x194: {  	v20 =	vld [tilespmem:s28+$0x800]  }
0x195: {  	v21 =	vld [tilespmem:s28+$0x1000]  }
0x196: {  	v22 =	vld [tilespmem:s28+$0x1800]  }
0x197: {  	v23 =	vld [tilespmem:s28+$0x2000]  }
0x198: {  	v24 =	vld [tilespmem:s28+$0x2800];
	vm0 =	vgt.f32 v19, $0.0e+00  }
0x199: {  	v25 =	vld [tilespmem:s28+$0x3000];
	vm1 =	vgt.f32 v20, $0.0e+00;
	v26 =	vsel vm0, $0x1, v1  }
0x19a: {  	v27 =	vld [tilespmem:s28+$0x3800];
	vm2 =	vgt.f32 v21, $0.0e+00;
	v28 =	vsel vm1, $0x1, v1;
	(xrf0) =	vadd.scan.msk.s32 $0xffff, v26  }
0x19b: {  	vm3 =	vgt.f32 v22, $0.0e+00;
	v33 =	vsel vm2, $0x1, v1;
	(xrf0) =	vadd.scan.msk.s32 $0xffff, v28  }
0x19c: {  	vm4 =	vgt.f32 v23, $0.0e+00;
	v34 =	vsel vm3, $0x1, v1;
	(xrf0) =	vadd.scan.msk.s32 $0xffff, v33  }
0x19d: {  	vm5 =	vgt.f32 v24, $0.0e+00;
	v35 =	vsel vm4, $0x1, v1;
	(xrf0) =	vadd.scan.msk.s32 $0xffff, v34  }
0x19e: {  	vm6 =	vgt.f32 v25, $0.0e+00;
	v36 =	vsel vm5, $0x1, v1;
	(xrf0) =	vadd.scan.msk.s32 $0xffff, v35  }
0x19f: {  	vm7 =	vgt.f32 v27, $0.0e+00;
	v37 =	vsel vm6, $0x1, v1;
	(xrf0) =	vadd.scan.msk.s32 $0xffff, v36  }
0x1a0: {  	v38 =	vsel vm7, $0x1, v1;
	v29, _, _ =	vpop (xrf0);
	(xrf0) =	vadd.scan.msk.s32 $0xffff, v37  }
0x1a1: {  	v39, _, _ =	vpop (xrf0);
	(xrf0) =	vadd.scan.msk.s32 $0xffff, v38;
	v40 =	vadd.s32 v4, v29  }
0x1a2: {  	v41, _, _ =	vpop (xrf0);
	v26 =	vadd.s32 v3, v39  }
0x1a3: {  	v30, _, _ =	vpop (xrf0);
	v29 =	vadd.s32 v9, v41  }
0x1a4: {  	v31, _, _ =	vpop (xrf0);
	v30 =	vadd.s32 v8, v30  }
0x1a5: {  	v32, _, _ =	vpop (xrf0);
	v31 =	vadd.s32 v7, v31  }
0x1a6: {  	v33, _, _ =	vpop (xrf0);
	v32 =	vadd.s32 v5, v32;
	[tilespmem:v40+s16+$0x0] =	vst.idx.msk vm0, v19  }
0x1a7: {  	v19, _, _ =	vpop (xrf0);
	v33 =	vadd.s32 v6, v33;
	[tilespmem:v26+s16+$0x0] =	vst.idx.msk vm1, v20  }
0x1a8: {  	v19 =	vadd.s32 v2, v19;
	[tilespmem:v29+s16+$0x0] =	vst.idx.msk vm2, v21  }
0x1a9: {  	[tilespmem:v30+s16+$0x0] =	vst.idx.msk vm3, v22  }
0x1aa: {  	[tilespmem:v31+s16+$0x0] =	vst.idx.msk vm4, v23  }
0x1ab: {  	[tilespmem:v32+s16+$0x0] =	vst.idx.msk vm5, v24  }
0x1ac: {  	[tilespmem:v33+s16+$0x0] =	vst.idx.msk vm6, v25  }
0x1ad: {  	[tilespmem:v19+s16+$0x0] =	vst.idx.msk vm7, v27  }
0x1ae: {  	[tilespmem:v40+s17+$0x0] =	vst.idx.msk vm0, v56  }
0x1af: {  	[tilespmem:v26+s17+$0x0] =	vst.idx.msk vm1, v57  }
0x1b0: {  	[tilespmem:v29+s17+$0x0] =	vst.idx.msk vm2, v58  }
0x1b1: {  	[tilespmem:v30+s17+$0x0] =	vst.idx.msk vm3, v59  }
0x1b2: {  	[tilespmem:v31+s17+$0x0] =	vst.idx.msk vm4, v60  }
0x1b3: {  	[tilespmem:v32+s17+$0x0] =	vst.idx.msk vm5, v61  }
0x1b4: {  	[tilespmem:v33+s17+$0x0] =	vst.idx.msk vm6, v62  }
0x1b5: {  	v42 =	vmpcnt.ones.xlane vm2;
	[tilespmem:v19+s17+$0x0] =	vst.idx.msk vm7, v10  }
0x1b6: {  	v43 =	vmpcnt.ones.xlane vm3;
	v19 =	vmpcnt.ones.xlane vm0;
	v22 =	vld [tilespmem:s24+$0x10]  }
0x1b7: {  	v63 =	vmpcnt.ones.xlane vm4;
	v20 =	vmpcnt.ones.xlane vm1;
	v25 =	vld [tilespmem:s24+$0x810]  }
0x1b8: {  	v36 =	vmpcnt.ones.xlane vm6;
	v9 =	vadd.s32 v9, v42;
	v4 =	vadd.s32 v4, v19;
	v19 =	vld [tilespmem:s24+$0x1010]  }
0x1b9: {  	vm10 =	vlt.s32 v9, $0x5EF;
	v8 =	vadd.s32 v8, v43;
	v3 =	vadd.s32 v3, v20;
	v20 =	vld [tilespmem:s24+$0x1810]  }
0x1ba: {  	v37 =	vmpcnt.ones.xlane vm7;
	v9 =	vnsel vm10, $0x5EF, v9;
	vm11 =	vlt.s32 v8, $0x7EF;
	v21 =	vld [tilespmem:s24+$0x2010]  }
0x1bb: {  	v7 =	vadd.s32 v7, v63;
	v8 =	vnsel vm11, $0x7EF, v8;
	v29 =	vld [tilespmem:s24+$0x2810];
	vm7 =	vgt.f32 v22, $0.0e+00  }
0x1bc: {  	vm12 =	vlt.s32 v7, $0x9EF;
	v30 =	vld [tilespmem:s24+$0x3010];
	vm2 =	vgt.f32 v25, $0.0e+00;
	v38 =	vsel vm7, $0x1, v1  }
0x1bd: {  	v7 =	vnsel vm12, $0x9EF, v7;
	v23 =	vld [tilespmem:s24+$0x3810];
	vm3 =	vgt.f32 v19, $0.0e+00;
	v39 =	vsel vm2, $0x1, v1;
	(xrf0) =	vadd.scan.msk.s32 $0xffff, v38  }
0x1be: {  	v6 =	vadd.s32 v6, v36;
	vm4 =	vgt.f32 v20, $0.0e+00;
	v40 =	vsel vm3, $0x1, v1;
	(xrf0) =	vadd.scan.msk.s32 $0xffff, v39  }
0x1bf: {  	v26 =	vmpcnt.ones.xlane vm5;
	vm5 =	vgt.f32 v21, $0.0e+00;
	v41 =	vsel vm4, $0x1, v1;
	(xrf0) =	vadd.scan.msk.s32 $0xffff, v40  }
0x1c0: {  	v2 =	vadd.s32 v2, v37;
	vm6 =	vgt.f32 v29, $0.0e+00;
	v42 =	vsel vm5, $0x1, v1;
	(xrf0) =	vadd.scan.msk.s32 $0xffff, v41  }
0x1c1: {  	vm13 =	vlt.s32 v2, $0xFEF;
	vm1 =	vgt.f32 v30, $0.0e+00;
	v43 =	vsel vm6, $0x1, v1;
	(xrf0) =	vadd.scan.msk.s32 $0xffff, v42  }
0x1c2: {  	vm8 =	vlt.s32 v4, $0x1EF;
	vm0 =	vgt.f32 v23, $0.0e+00;
	v63 =	vsel vm1, $0x1, v1;
	(xrf0) =	vadd.scan.msk.s32 $0xffff, v43  }
0x1c3: {  	vm9 =	vlt.s32 v3, $0x3EF;
	v4 =	vnsel vm8, $0x1EF, v4;
	v32 =	vsel vm0, $0x1, v1;
	v33, _, _ =	vpop (xrf0);
	(xrf0) =	vadd.scan.msk.s32 $0xffff, v63  }
0x1c4: {  	v3 =	vnsel vm9, $0x3EF, v3;
	v5 =	vadd.s32 v5, v26;
	v34, _, _ =	vpop (xrf0);
	(xrf0) =	vadd.scan.msk.s32 $0xffff, v32;
	v26 =	vadd.s32 v4, v33  }
0x1c5: {  	v2 =	vnsel vm13, $0xFEF, v2;
	vm9 =	vlt.s32 v6, $0xDEF;
	v35, _, _ =	vpop (xrf0);
	v24 =	vadd.s32 v3, v34  }
0x1c6: {  	v6 =	vnsel vm9, $0xDEF, v6;
	vm8 =	vlt.s32 v5, $0xBEF;
	v36, _, _ =	vpop (xrf0);
	v27 =	vadd.s32 v9, v35  }
0x1c7: {  	v5 =	vnsel vm8, $0xBEF, v5;
	v37 =	vmpcnt.ones.xlane vm7;
	v38, _, _ =	vpop (xrf0);
	v31 =	vadd.s32 v8, v36  }
0x1c8: {  	v39 =	vmpcnt.ones.xlane vm2;
	v42 =	vmpcnt.ones.xlane vm6;
	v34, _, _ =	vpop (xrf0);
	v32 =	vadd.s32 v7, v38  }
0x1c9: {  	v43 =	vmpcnt.ones.xlane vm0;
	v63 =	vmpcnt.ones.xlane vm1;
	v40, _, _ =	vpop (xrf0);
	v34 =	vadd.s32 v5, v34;
	[tilespmem:v26+s16+$0x0] =	vst.idx.msk vm7, v22  }
0x1ca: {  	v4 =	vadd.s32 v4, v37;
	v33 =	vadd.s32 $0x10, v58;
	v41, _, _ =	vpop (xrf0);
	v28 =	vadd.s32 v6, v40;
	[tilespmem:v24+s16+$0x0] =	vst.idx.msk vm2, v25  }
0x1cb: {  	v37 =	vadd.s32 $0x10, v62;
	v58 =	vadd.s32 $0x20, v58;
	v22 =	vadd.s32 v2, v41;
	[tilespmem:v27+s16+$0x0] =	vst.idx.msk vm3, v19  }
0x1cc: {  	v62 =	vadd.s32 $0x20, v62;
	vm14 =	vlt.s32 v4, $0x1EF;
	v3 =	vadd.s32 v3, v39;
	[tilespmem:v31+s16+$0x0] =	vst.idx.msk vm4, v20  }
0x1cd: {  	v39 =	vadd.s32 $0x10, v10;
	v10 =	vadd.s32 $0x20, v10;
	v4 =	vnsel vm14, $0x1EF, v4;
	[tilespmem:v32+s16+$0x0] =	vst.idx.msk vm5, v21  }
0x1ce: {  	vm15 =	vlt.s32 v3, $0x3EF;
	v35 =	vadd.s32 $0x10, v59;
	v59 =	vadd.s32 $0x20, v59;
	[tilespmem:v34+s16+$0x0] =	vst.idx.msk vm6, v29  }
0x1cf: {  	v3 =	vnsel vm15, $0x3EF, v3;
	v36 =	vadd.s32 $0x10, v61;
	v38 =	vmpcnt.ones.xlane vm5;
	[tilespmem:v28+s16+$0x0] =	vst.idx.msk vm1, v30  }
0x1d0: {  	v61 =	vadd.s32 $0x20, v61;
	v5 =	vadd.s32 v5, v42;
	v25 =	vadd.s32 $0x10, v56;
	[tilespmem:v22+s16+$0x0] =	vst.idx.msk vm0, v23  }
0x1d1: {  	v56 =	vadd.s32 $0x20, v56;
	v7 =	vadd.s32 v7, v38;
	v19 =	vadd.s32 $0x10, v57;
	[tilespmem:v26+s17+$0x0] =	vst.idx.msk vm7, v25  }
0x1d2: {  	s25 =	sadd.s32 $0x2, s25;
	vm13 =	vlt.s32 v5, $0xBEF;
	v6 =	vadd.s32 v6, v63;
	v57 =	vadd.s32 $0x20, v57;
	[tilespmem:v24+s17+$0x0] =	vst.idx.msk vm2, v19  }
0x1d3: {  	p0 =	slt.u32 s25, $0x7E;
	vm12 =	vlt.s32 v7, $0x9EF;
	v5 =	vnsel vm13, $0xBEF, v5;
	vm14 =	vlt.s32 v6, $0xDEF;
	[tilespmem:v27+s17+$0x0] =	vst.idx.msk vm3, v33  }
.Ltmp5:
0x1d4: {  	v20 =	vadd.s32 $0x10, v60;
	v21 =	vmpcnt.ones.xlane vm3;
	v29 =	vmpcnt.ones.xlane vm4;
	[tilespmem:v31+s17+$0x0] =	vst.idx.msk vm4, v35;
	(pc) =	sbr.rel @p0 .LBB2_12-.Ltmp5, $4  }
0x1d5: {  	v2 =	vadd.s32 v2, v43;
	v7 =	vnsel vm12, $0x9EF, v7;
	v60 =	vadd.s32 $0x20, v60;
	[tilespmem:v32+s17+$0x0] =	vst.idx.msk vm5, v20  }
0x1d6: {  	v6 =	vnsel vm14, $0xDEF, v6;
	v9 =	vadd.s32 v9, v21;
	v8 =	vadd.s32 v8, v29;
	[tilespmem:v34+s17+$0x0] =	vst.idx.msk vm6, v36  }
0x1d7: {  	vm15 =	vlt.s32 v2, $0xFEF;
	vm10 =	vlt.s32 v9, $0x5EF;
	vm11 =	vlt.s32 v8, $0x7EF;
	[tilespmem:v28+s17+$0x0] =	vst.idx.msk vm1, v37  }
0x1d8: {  	s26 =	sadd.s32 $0x20, s26;
	s24 =	sadd.s32 $0x20, s24;
	v2 =	vnsel vm15, $0xFEF, v2;
	v9 =	vnsel vm10, $0x5EF, v9;
	v8 =	vnsel vm11, $0x7EF, v8;
	[tilespmem:v22+s17+$0x0] =	vst.idx.msk vm0, v39  }
0x1d9: {  	s24 =	simm.s32 $0x0  }
0x1da: {  	[tilespmem:s24], [sflag:$0x1] =	stream.linear.gather [hbm4b:s10+s24], $0x4000, $0x38;
	[tilespmem:$0xA400] =	vst v63  }
0x1db: {  	_ =	swait.ge [sflag:s18], $0x4000  }
0x1dc: {  	v60 =	vld [tilespmem:$0x1FFF0]  }
0x1dd: {  	v59 =	vld [tilespmem:$0x1FFE0]  }
0x1de: {  	v58 =	vld [tilespmem:$0x1FFD0]  }
0x1df: {  	[sflag:s18] =	ssyncset.done $0x0;
	v57 =	vld [tilespmem:$0x1FFC0]  }
0x1e0: {  	s25 =	simm.s32 $0xFFFFFFFE;
	s26 =	simm.s32 $0x4000;
	v10 =	vmov v46;
	v62 =	vmov v45;
	v61 =	vmov v44;
	v56 =	vld [tilespmem:$0x1FFB0];
	[sflag:s18] =	ssyncadd.s32 $0xFFFFC000  }
.LBB2_14:
0x1e1: {  	v19 =	vld [tilespmem:s26+$0x0];
	s28 =	sand.u32 $0x7E0, s24  }
0x1e2: {  	v20 =	vld [tilespmem:s28+$0x4800]  }
0x1e3: {  	v21 =	vld [tilespmem:s28+$0x5000]  }
0x1e4: {  	v22 =	vld [tilespmem:s28+$0x5800]  }
0x1e5: {  	v23 =	vld [tilespmem:s28+$0x6000]  }
0x1e6: {  	v24 =	vld [tilespmem:s28+$0x6800];
	vm0 =	vgt.f32 v19, $0.0e+00  }
0x1e7: {  	v25 =	vld [tilespmem:s28+$0x7000];
	vm1 =	vgt.f32 v20, $0.0e+00;
	v26 =	vsel vm0, $0x1, v1  }
0x1e8: {  	v27 =	vld [tilespmem:s28+$0x7800];
	vm2 =	vgt.f32 v21, $0.0e+00;
	v28 =	vsel vm1, $0x1, v1;
	(xrf0) =	vadd.scan.msk.s32 $0xffff, v26  }
0x1e9: {  	vm3 =	vgt.f32 v22, $0.0e+00;
	v33 =	vsel vm2, $0x1, v1;
	(xrf0) =	vadd.scan.msk.s32 $0xffff, v28  }
0x1ea: {  	vm4 =	vgt.f32 v23, $0.0e+00;
	v34 =	vsel vm3, $0x1, v1;
	(xrf0) =	vadd.scan.msk.s32 $0xffff, v33  }
0x1eb: {  	vm5 =	vgt.f32 v24, $0.0e+00;
	v35 =	vsel vm4, $0x1, v1;
	(xrf0) =	vadd.scan.msk.s32 $0xffff, v34  }
0x1ec: {  	vm6 =	vgt.f32 v25, $0.0e+00;
	v36 =	vsel vm5, $0x1, v1;
	(xrf0) =	vadd.scan.msk.s32 $0xffff, v35  }
0x1ed: {  	vm7 =	vgt.f32 v27, $0.0e+00;
	v37 =	vsel vm6, $0x1, v1;
	(xrf0) =	vadd.scan.msk.s32 $0xffff, v36  }
0x1ee: {  	v38 =	vsel vm7, $0x1, v1;
	v29, _, _ =	vpop (xrf0);
	(xrf0) =	vadd.scan.msk.s32 $0xffff, v37  }
0x1ef: {  	v39, _, _ =	vpop (xrf0);
	(xrf0) =	vadd.scan.msk.s32 $0xffff, v38;
	v40 =	vadd.s32 v4, v29  }
0x1f0: {  	v41, _, _ =	vpop (xrf0);
	v26 =	vadd.s32 v3, v39  }
0x1f1: {  	v30, _, _ =	vpop (xrf0);
	v29 =	vadd.s32 v9, v41  }
0x1f2: {  	v31, _, _ =	vpop (xrf0);
	v30 =	vadd.s32 v8, v30  }
0x1f3: {  	v32, _, _ =	vpop (xrf0);
	v31 =	vadd.s32 v7, v31  }
0x1f4: {  	v33, _, _ =	vpop (xrf0);
	v32 =	vadd.s32 v5, v32;
	[tilespmem:v40+s16+$0x0] =	vst.idx.msk vm0, v19  }
0x1f5: {  	v19, _, _ =	vpop (xrf0);
	v33 =	vadd.s32 v6, v33;
	[tilespmem:v26+s16+$0x0] =	vst.idx.msk vm1, v20  }
0x1f6: {  	v19 =	vadd.s32 v2, v19;
	[tilespmem:v29+s16+$0x0] =	vst.idx.msk vm2, v21  }
0x1f7: {  	[tilespmem:v30+s16+$0x0] =	vst.idx.msk vm3, v22  }
0x1f8: {  	[tilespmem:v31+s16+$0x0] =	vst.idx.msk vm4, v23  }
0x1f9: {  	[tilespmem:v32+s16+$0x0] =	vst.idx.msk vm5, v24  }
0x1fa: {  	[tilespmem:v33+s16+$0x0] =	vst.idx.msk vm6, v25  }
0x1fb: {  	[tilespmem:v19+s16+$0x0] =	vst.idx.msk vm7, v27  }
0x1fc: {  	[tilespmem:v40+s17+$0x0] =	vst.idx.msk vm0, v56  }
0x1fd: {  	[tilespmem:v26+s17+$0x0] =	vst.idx.msk vm1, v57  }
0x1fe: {  	[tilespmem:v29+s17+$0x0] =	vst.idx.msk vm2, v58  }
0x1ff: {  	[tilespmem:v30+s17+$0x0] =	vst.idx.msk vm3, v59  }
0x200: {  	[tilespmem:v31+s17+$0x0] =	vst.idx.msk vm4, v60  }
0x201: {  	[tilespmem:v32+s17+$0x0] =	vst.idx.msk vm5, v61  }
0x202: {  	[tilespmem:v33+s17+$0x0] =	vst.idx.msk vm6, v62  }
0x203: {  	v42 =	vmpcnt.ones.xlane vm2;
	[tilespmem:v19+s17+$0x0] =	vst.idx.msk vm7, v10  }
0x204: {  	v43 =	vmpcnt.ones.xlane vm3;
	v19 =	vmpcnt.ones.xlane vm0;
	v22 =	vld [tilespmem:s26+$0x10]  }
0x205: {  	v63 =	vmpcnt.ones.xlane vm4;
	v20 =	vmpcnt.ones.xlane vm1;
	v25 =	vld [tilespmem:s26+$0x810]  }
0x206: {  	v36 =	vmpcnt.ones.xlane vm6;
	v9 =	vadd.s32 v9, v42;
	v4 =	vadd.s32 v4, v19;
	v19 =	vld [tilespmem:s26+$0x1010]  }
0x207: {  	vm10 =	vlt.s32 v9, $0x5EF;
	v8 =	vadd.s32 v8, v43;
	v3 =	vadd.s32 v3, v20;
	v20 =	vld [tilespmem:s26+$0x1810]  }
0x208: {  	v37 =	vmpcnt.ones.xlane vm7;
	v9 =	vnsel vm10, $0x5EF, v9;
	vm11 =	vlt.s32 v8, $0x7EF;
	v21 =	vld [tilespmem:s26+$0x2010]  }
0x209: {  	v7 =	vadd.s32 v7, v63;
	v8 =	vnsel vm11, $0x7EF, v8;
	v29 =	vld [tilespmem:s26+$0x2810];
	vm7 =	vgt.f32 v22, $0.0e+00  }
0x20a: {  	vm12 =	vlt.s32 v7, $0x9EF;
	v30 =	vld [tilespmem:s26+$0x3010];
	vm2 =	vgt.f32 v25, $0.0e+00;
	v38 =	vsel vm7, $0x1, v1  }
0x20b: {  	v7 =	vnsel vm12, $0x9EF, v7;
	v23 =	vld [tilespmem:s26+$0x3810];
	vm3 =	vgt.f32 v19, $0.0e+00;
	v39 =	vsel vm2, $0x1, v1;
	(xrf0) =	vadd.scan.msk.s32 $0xffff, v38  }
0x20c: {  	v6 =	vadd.s32 v6, v36;
	vm4 =	vgt.f32 v20, $0.0e+00;
	v40 =	vsel vm3, $0x1, v1;
	(xrf0) =	vadd.scan.msk.s32 $0xffff, v39  }
0x20d: {  	v26 =	vmpcnt.ones.xlane vm5;
	vm5 =	vgt.f32 v21, $0.0e+00;
	v41 =	vsel vm4, $0x1, v1;
	(xrf0) =	vadd.scan.msk.s32 $0xffff, v40  }
0x20e: {  	v2 =	vadd.s32 v2, v37;
	vm6 =	vgt.f32 v29, $0.0e+00;
	v42 =	vsel vm5, $0x1, v1;
	(xrf0) =	vadd.scan.msk.s32 $0xffff, v41  }
0x20f: {  	vm13 =	vlt.s32 v2, $0xFEF;
	vm1 =	vgt.f32 v30, $0.0e+00;
	v43 =	vsel vm6, $0x1, v1;
	(xrf0) =	vadd.scan.msk.s32 $0xffff, v42  }
0x210: {  	vm8 =	vlt.s32 v4, $0x1EF;
	vm0 =	vgt.f32 v23, $0.0e+00;
	v63 =	vsel vm1, $0x1, v1;
	(xrf0) =	vadd.scan.msk.s32 $0xffff, v43  }
0x211: {  	vm9 =	vlt.s32 v3, $0x3EF;
	v4 =	vnsel vm8, $0x1EF, v4;
	v32 =	vsel vm0, $0x1, v1;
	v33, _, _ =	vpop (xrf0);
	(xrf0) =	vadd.scan.msk.s32 $0xffff, v63  }
0x212: {  	v3 =	vnsel vm9, $0x3EF, v3;
	v5 =	vadd.s32 v5, v26;
	v34, _, _ =	vpop (xrf0);
	(xrf0) =	vadd.scan.msk.s32 $0xffff, v32;
	v26 =	vadd.s32 v4, v33  }
0x213: {  	v2 =	vnsel vm13, $0xFEF, v2;
	vm9 =	vlt.s32 v6, $0xDEF;
	v35, _, _ =	vpop (xrf0);
	v24 =	vadd.s32 v3, v34  }
0x214: {  	v6 =	vnsel vm9, $0xDEF, v6;
	vm8 =	vlt.s32 v5, $0xBEF;
	v36, _, _ =	vpop (xrf0);
	v27 =	vadd.s32 v9, v35  }
0x215: {  	v5 =	vnsel vm8, $0xBEF, v5;
	v37 =	vmpcnt.ones.xlane vm7;
	v38, _, _ =	vpop (xrf0);
	v31 =	vadd.s32 v8, v36  }
0x216: {  	v39 =	vmpcnt.ones.xlane vm2;
	v42 =	vmpcnt.ones.xlane vm6;
	v34, _, _ =	vpop (xrf0);
	v32 =	vadd.s32 v7, v38  }
0x217: {  	v43 =	vmpcnt.ones.xlane vm0;
	v63 =	vmpcnt.ones.xlane vm1;
	v40, _, _ =	vpop (xrf0);
	v34 =	vadd.s32 v5, v34;
	[tilespmem:v26+s16+$0x0] =	vst.idx.msk vm7, v22  }
0x218: {  	v4 =	vadd.s32 v4, v37;
	v33 =	vadd.s32 $0x10, v58;
	v41, _, _ =	vpop (xrf0);
	v28 =	vadd.s32 v6, v40;
	[tilespmem:v24+s16+$0x0] =	vst.idx.msk vm2, v25  }
0x219: {  	v37 =	vadd.s32 $0x10, v62;
	v58 =	vadd.s32 $0x20, v58;
	v22 =	vadd.s32 v2, v41;
	[tilespmem:v27+s16+$0x0] =	vst.idx.msk vm3, v19  }
0x21a: {  	v62 =	vadd.s32 $0x20, v62;
	vm14 =	vlt.s32 v4, $0x1EF;
	v3 =	vadd.s32 v3, v39;
	[tilespmem:v31+s16+$0x0] =	vst.idx.msk vm4, v20  }
0x21b: {  	v39 =	vadd.s32 $0x10, v10;
	v10 =	vadd.s32 $0x20, v10;
	v4 =	vnsel vm14, $0x1EF, v4;
	[tilespmem:v32+s16+$0x0] =	vst.idx.msk vm5, v21  }
0x21c: {  	vm15 =	vlt.s32 v3, $0x3EF;
	v35 =	vadd.s32 $0x10, v59;
	v59 =	vadd.s32 $0x20, v59;
	[tilespmem:v34+s16+$0x0] =	vst.idx.msk vm6, v29  }
0x21d: {  	v3 =	vnsel vm15, $0x3EF, v3;
	v36 =	vadd.s32 $0x10, v61;
	v38 =	vmpcnt.ones.xlane vm5;
	[tilespmem:v28+s16+$0x0] =	vst.idx.msk vm1, v30  }
0x21e: {  	v61 =	vadd.s32 $0x20, v61;
	v5 =	vadd.s32 v5, v42;
	v25 =	vadd.s32 $0x10, v56;
	[tilespmem:v22+s16+$0x0] =	vst.idx.msk vm0, v23  }
0x21f: {  	v56 =	vadd.s32 $0x20, v56;
	v7 =	vadd.s32 v7, v38;
	v19 =	vadd.s32 $0x10, v57;
	[tilespmem:v26+s17+$0x0] =	vst.idx.msk vm7, v25  }
0x220: {  	s25 =	sadd.s32 $0x2, s25;
	vm13 =	vlt.s32 v5, $0xBEF;
	v6 =	vadd.s32 v6, v63;
	v57 =	vadd.s32 $0x20, v57;
	[tilespmem:v24+s17+$0x0] =	vst.idx.msk vm2, v19  }
0x221: {  	p0 =	slt.u32 s25, $0x7E;
	vm12 =	vlt.s32 v7, $0x9EF;
	v5 =	vnsel vm13, $0xBEF, v5;
	vm14 =	vlt.s32 v6, $0xDEF;
	[tilespmem:v27+s17+$0x0] =	vst.idx.msk vm3, v33  }
.Ltmp6:
0x222: {  	v20 =	vadd.s32 $0x10, v60;
	v21 =	vmpcnt.ones.xlane vm3;
	v29 =	vmpcnt.ones.xlane vm4;
	[tilespmem:v31+s17+$0x0] =	vst.idx.msk vm4, v35;
	(pc) =	sbr.rel @p0 .LBB2_14-.Ltmp6, $4  }
0x223: {  	v2 =	vadd.s32 v2, v43;
	v7 =	vnsel vm12, $0x9EF, v7;
	v60 =	vadd.s32 $0x20, v60;
	[tilespmem:v32+s17+$0x0] =	vst.idx.msk vm5, v20  }
0x224: {  	v6 =	vnsel vm14, $0xDEF, v6;
	v9 =	vadd.s32 v9, v21;
	v8 =	vadd.s32 v8, v29;
	[tilespmem:v34+s17+$0x0] =	vst.idx.msk vm6, v36  }
0x225: {  	vm15 =	vlt.s32 v2, $0xFEF;
	vm10 =	vlt.s32 v9, $0x5EF;
	vm11 =	vlt.s32 v8, $0x7EF;
	[tilespmem:v28+s17+$0x0] =	vst.idx.msk vm1, v37  }
0x226: {  	s24 =	sadd.s32 $0x20, s24;
	s26 =	sadd.s32 $0x20, s26;
	v2 =	vnsel vm15, $0xFEF, v2;
	v9 =	vnsel vm10, $0x5EF, v9;
	v8 =	vnsel vm11, $0x7EF, v8;
	[tilespmem:v22+s17+$0x0] =	vst.idx.msk vm0, v39  }
0x227: {  	s24 =	simm.s32 $0x0  }
0x228: {  	[tilespmem:s15], [sflag:$0x2] =	stream.linear.gather [hbm4b:s11+s24], $0x4000, $0x38;
	[tilespmem:$0xA400] =	vst v63  }
0x229: {  	_ =	swait.ge [sflag:s3], $0x4000  }
0x22a: {  	v10 =	vmov v55;
	v62 =	vmov v54;
	v61 =	vmov v53;
	[sflag:s3] =	ssyncset.done $0x0  }
0x22b: {  	s25 =	simm.s32 $0xFFFFFFFE;
	s26 =	simm.s32 $0x0;
	v60 =	vmovc v52;
	v59 =	vmovc v50;
	v58 =	vmov v49;
	v57 =	vmov v48;
	v56 =	vmov v47;
	[sflag:s3] =	ssyncadd.s32 $0xFFFFC000  }
.LBB2_16:
0x22c: {  	v19 =	vld [tilespmem:s24+$0x0];
	s28 =	sand.u32 $0x7E0, s26  }
0x22d: {  	v20 =	vld [tilespmem:s28+$0x800]  }
0x22e: {  	v21 =	vld [tilespmem:s28+$0x1000]  }
0x22f: {  	v22 =	vld [tilespmem:s28+$0x1800]  }
0x230: {  	v23 =	vld [tilespmem:s28+$0x2000]  }
0x231: {  	v24 =	vld [tilespmem:s28+$0x2800];
	vm0 =	vgt.f32 v19, $0.0e+00  }
0x232: {  	v25 =	vld [tilespmem:s28+$0x3000];
	vm1 =	vgt.f32 v20, $0.0e+00;
	v26 =	vsel vm0, $0x1, v1  }
0x233: {  	v27 =	vld [tilespmem:s28+$0x3800];
	vm2 =	vgt.f32 v21, $0.0e+00;
	v28 =	vsel vm1, $0x1, v1;
	(xrf0) =	vadd.scan.msk.s32 $0xffff, v26  }
0x234: {  	vm3 =	vgt.f32 v22, $0.0e+00;
	v33 =	vsel vm2, $0x1, v1;
	(xrf0) =	vadd.scan.msk.s32 $0xffff, v28  }
0x235: {  	vm4 =	vgt.f32 v23, $0.0e+00;
	v34 =	vsel vm3, $0x1, v1;
	(xrf0) =	vadd.scan.msk.s32 $0xffff, v33  }
0x236: {  	vm5 =	vgt.f32 v24, $0.0e+00;
	v35 =	vsel vm4, $0x1, v1;
	(xrf0) =	vadd.scan.msk.s32 $0xffff, v34  }
0x237: {  	vm6 =	vgt.f32 v25, $0.0e+00;
	v36 =	vsel vm5, $0x1, v1;
	(xrf0) =	vadd.scan.msk.s32 $0xffff, v35  }
0x238: {  	vm7 =	vgt.f32 v27, $0.0e+00;
	v37 =	vsel vm6, $0x1, v1;
	(xrf0) =	vadd.scan.msk.s32 $0xffff, v36  }
0x239: {  	v38 =	vsel vm7, $0x1, v1;
	v29, _, _ =	vpop (xrf0);
	(xrf0) =	vadd.scan.msk.s32 $0xffff, v37  }
0x23a: {  	v39, _, _ =	vpop (xrf0);
	(xrf0) =	vadd.scan.msk.s32 $0xffff, v38;
	v40 =	vadd.s32 v4, v29  }
0x23b: {  	v41, _, _ =	vpop (xrf0);
	v26 =	vadd.s32 v3, v39  }
0x23c: {  	v30, _, _ =	vpop (xrf0);
	v29 =	vadd.s32 v9, v41  }
0x23d: {  	v31, _, _ =	vpop (xrf0);
	v30 =	vadd.s32 v8, v30  }
0x23e: {  	v32, _, _ =	vpop (xrf0);
	v31 =	vadd.s32 v7, v31  }
0x23f: {  	v33, _, _ =	vpop (xrf0);
	v32 =	vadd.s32 v5, v32;
	[tilespmem:v40+s16+$0x0] =	vst.idx.msk vm0, v19  }
0x240: {  	v19, _, _ =	vpop (xrf0);
	v33 =	vadd.s32 v6, v33;
	[tilespmem:v26+s16+$0x0] =	vst.idx.msk vm1, v20  }
0x241: {  	v19 =	vadd.s32 v2, v19;
	[tilespmem:v29+s16+$0x0] =	vst.idx.msk vm2, v21  }
0x242: {  	[tilespmem:v30+s16+$0x0] =	vst.idx.msk vm3, v22  }
0x243: {  	[tilespmem:v31+s16+$0x0] =	vst.idx.msk vm4, v23  }
0x244: {  	[tilespmem:v32+s16+$0x0] =	vst.idx.msk vm5, v24  }
0x245: {  	[tilespmem:v33+s16+$0x0] =	vst.idx.msk vm6, v25  }
0x246: {  	[tilespmem:v19+s16+$0x0] =	vst.idx.msk vm7, v27  }
0x247: {  	[tilespmem:v40+s17+$0x0] =	vst.idx.msk vm0, v56  }
0x248: {  	[tilespmem:v26+s17+$0x0] =	vst.idx.msk vm1, v57  }
0x249: {  	[tilespmem:v29+s17+$0x0] =	vst.idx.msk vm2, v58  }
0x24a: {  	[tilespmem:v30+s17+$0x0] =	vst.idx.msk vm3, v59  }
0x24b: {  	[tilespmem:v31+s17+$0x0] =	vst.idx.msk vm4, v60  }
0x24c: {  	[tilespmem:v32+s17+$0x0] =	vst.idx.msk vm5, v61  }
0x24d: {  	[tilespmem:v33+s17+$0x0] =	vst.idx.msk vm6, v62  }
0x24e: {  	v42 =	vmpcnt.ones.xlane vm2;
	[tilespmem:v19+s17+$0x0] =	vst.idx.msk vm7, v10  }
0x24f: {  	v43 =	vmpcnt.ones.xlane vm3;
	v19 =	vmpcnt.ones.xlane vm0;
	v22 =	vld [tilespmem:s24+$0x10]  }
0x250: {  	v63 =	vmpcnt.ones.xlane vm4;
	v20 =	vmpcnt.ones.xlane vm1;
	v25 =	vld [tilespmem:s24+$0x810]  }
0x251: {  	v36 =	vmpcnt.ones.xlane vm6;
	v9 =	vadd.s32 v9, v42;
	v4 =	vadd.s32 v4, v19;
	v19 =	vld [tilespmem:s24+$0x1010]  }
0x252: {  	vm10 =	vlt.s32 v9, $0x5EF;
	v8 =	vadd.s32 v8, v43;
	v3 =	vadd.s32 v3, v20;
	v20 =	vld [tilespmem:s24+$0x1810]  }
0x253: {  	v37 =	vmpcnt.ones.xlane vm7;
	v9 =	vnsel vm10, $0x5EF, v9;
	vm11 =	vlt.s32 v8, $0x7EF;
	v21 =	vld [tilespmem:s24+$0x2010]  }
0x254: {  	v7 =	vadd.s32 v7, v63;
	v8 =	vnsel vm11, $0x7EF, v8;
	v29 =	vld [tilespmem:s24+$0x2810];
	vm7 =	vgt.f32 v22, $0.0e+00  }
0x255: {  	vm12 =	vlt.s32 v7, $0x9EF;
	v30 =	vld [tilespmem:s24+$0x3010];
	vm2 =	vgt.f32 v25, $0.0e+00;
	v38 =	vsel vm7, $0x1, v1  }
0x256: {  	v7 =	vnsel vm12, $0x9EF, v7;
	v23 =	vld [tilespmem:s24+$0x3810];
	vm3 =	vgt.f32 v19, $0.0e+00;
	v39 =	vsel vm2, $0x1, v1;
	(xrf0) =	vadd.scan.msk.s32 $0xffff, v38  }
0x257: {  	v6 =	vadd.s32 v6, v36;
	vm4 =	vgt.f32 v20, $0.0e+00;
	v40 =	vsel vm3, $0x1, v1;
	(xrf0) =	vadd.scan.msk.s32 $0xffff, v39  }
0x258: {  	v26 =	vmpcnt.ones.xlane vm5;
	vm5 =	vgt.f32 v21, $0.0e+00;
	v41 =	vsel vm4, $0x1, v1;
	(xrf0) =	vadd.scan.msk.s32 $0xffff, v40  }
0x259: {  	v2 =	vadd.s32 v2, v37;
	vm6 =	vgt.f32 v29, $0.0e+00;
	v42 =	vsel vm5, $0x1, v1;
	(xrf0) =	vadd.scan.msk.s32 $0xffff, v41  }
0x25a: {  	vm13 =	vlt.s32 v2, $0xFEF;
	vm1 =	vgt.f32 v30, $0.0e+00;
	v43 =	vsel vm6, $0x1, v1;
	(xrf0) =	vadd.scan.msk.s32 $0xffff, v42  }
0x25b: {  	vm8 =	vlt.s32 v4, $0x1EF;
	vm0 =	vgt.f32 v23, $0.0e+00;
	v63 =	vsel vm1, $0x1, v1;
	(xrf0) =	vadd.scan.msk.s32 $0xffff, v43  }
0x25c: {  	vm9 =	vlt.s32 v3, $0x3EF;
	v4 =	vnsel vm8, $0x1EF, v4;
	v32 =	vsel vm0, $0x1, v1;
	v33, _, _ =	vpop (xrf0);
	(xrf0) =	vadd.scan.msk.s32 $0xffff, v63  }
0x25d: {  	v3 =	vnsel vm9, $0x3EF, v3;
	v5 =	vadd.s32 v5, v26;
	v34, _, _ =	vpop (xrf0);
	(xrf0) =	vadd.scan.msk.s32 $0xffff, v32;
	v26 =	vadd.s32 v4, v33  }
0x25e: {  	v2 =	vnsel vm13, $0xFEF, v2;
	vm9 =	vlt.s32 v6, $0xDEF;
	v35, _, _ =	vpop (xrf0);
	v24 =	vadd.s32 v3, v34  }
0x25f: {  	v6 =	vnsel vm9, $0xDEF, v6;
	vm8 =	vlt.s32 v5, $0xBEF;
	v36, _, _ =	vpop (xrf0);
	v27 =	vadd.s32 v9, v35  }
0x260: {  	v5 =	vnsel vm8, $0xBEF, v5;
	v37 =	vmpcnt.ones.xlane vm7;
	v38, _, _ =	vpop (xrf0);
	v31 =	vadd.s32 v8, v36  }
0x261: {  	v39 =	vmpcnt.ones.xlane vm2;
	v42 =	vmpcnt.ones.xlane vm6;
	v34, _, _ =	vpop (xrf0);
	v32 =	vadd.s32 v7, v38  }
0x262: {  	v43 =	vmpcnt.ones.xlane vm0;
	v63 =	vmpcnt.ones.xlane vm1;
	v40, _, _ =	vpop (xrf0);
	v34 =	vadd.s32 v5, v34;
	[tilespmem:v26+s16+$0x0] =	vst.idx.msk vm7, v22  }
0x263: {  	v4 =	vadd.s32 v4, v37;
	v33 =	vadd.s32 $0x10, v58;
	v41, _, _ =	vpop (xrf0);
	v28 =	vadd.s32 v6, v40;
	[tilespmem:v24+s16+$0x0] =	vst.idx.msk vm2, v25  }
0x264: {  	v37 =	vadd.s32 $0x10, v62;
	v58 =	vadd.s32 $0x20, v58;
	v22 =	vadd.s32 v2, v41;
	[tilespmem:v27+s16+$0x0] =	vst.idx.msk vm3, v19  }
0x265: {  	v62 =	vadd.s32 $0x20, v62;
	vm14 =	vlt.s32 v4, $0x1EF;
	v3 =	vadd.s32 v3, v39;
	[tilespmem:v31+s16+$0x0] =	vst.idx.msk vm4, v20  }
0x266: {  	v39 =	vadd.s32 $0x10, v10;
	v10 =	vadd.s32 $0x20, v10;
	v4 =	vnsel vm14, $0x1EF, v4;
	[tilespmem:v32+s16+$0x0] =	vst.idx.msk vm5, v21  }
0x267: {  	vm15 =	vlt.s32 v3, $0x3EF;
	v35 =	vadd.s32 $0x10, v59;
	v59 =	vadd.s32 $0x20, v59;
	[tilespmem:v34+s16+$0x0] =	vst.idx.msk vm6, v29  }
0x268: {  	v3 =	vnsel vm15, $0x3EF, v3;
	v36 =	vadd.s32 $0x10, v61;
	v38 =	vmpcnt.ones.xlane vm5;
	[tilespmem:v28+s16+$0x0] =	vst.idx.msk vm1, v30  }
0x269: {  	v61 =	vadd.s32 $0x20, v61;
	v5 =	vadd.s32 v5, v42;
	v25 =	vadd.s32 $0x10, v56;
	[tilespmem:v22+s16+$0x0] =	vst.idx.msk vm0, v23  }
0x26a: {  	v56 =	vadd.s32 $0x20, v56;
	v7 =	vadd.s32 v7, v38;
	v19 =	vadd.s32 $0x10, v57;
	[tilespmem:v26+s17+$0x0] =	vst.idx.msk vm7, v25  }
0x26b: {  	s25 =	sadd.s32 $0x2, s25;
	vm13 =	vlt.s32 v5, $0xBEF;
	v6 =	vadd.s32 v6, v63;
	v57 =	vadd.s32 $0x20, v57;
	[tilespmem:v24+s17+$0x0] =	vst.idx.msk vm2, v19  }
0x26c: {  	p0 =	slt.u32 s25, $0x7E;
	vm12 =	vlt.s32 v7, $0x9EF;
	v5 =	vnsel vm13, $0xBEF, v5;
	vm14 =	vlt.s32 v6, $0xDEF;
	[tilespmem:v27+s17+$0x0] =	vst.idx.msk vm3, v33  }
.Ltmp7:
0x26d: {  	v20 =	vadd.s32 $0x10, v60;
	v21 =	vmpcnt.ones.xlane vm3;
	v29 =	vmpcnt.ones.xlane vm4;
	[tilespmem:v31+s17+$0x0] =	vst.idx.msk vm4, v35;
	(pc) =	sbr.rel @p0 .LBB2_16-.Ltmp7, $4  }
0x26e: {  	v2 =	vadd.s32 v2, v43;
	v7 =	vnsel vm12, $0x9EF, v7;
	v60 =	vadd.s32 $0x20, v60;
	[tilespmem:v32+s17+$0x0] =	vst.idx.msk vm5, v20  }
0x26f: {  	v6 =	vnsel vm14, $0xDEF, v6;
	v9 =	vadd.s32 v9, v21;
	v8 =	vadd.s32 v8, v29;
	[tilespmem:v34+s17+$0x0] =	vst.idx.msk vm6, v36  }
0x270: {  	vm15 =	vlt.s32 v2, $0xFEF;
	vm10 =	vlt.s32 v9, $0x5EF;
	vm11 =	vlt.s32 v8, $0x7EF;
	[tilespmem:v28+s17+$0x0] =	vst.idx.msk vm1, v37  }
0x271: {  	s26 =	sadd.s32 $0x20, s26;
	s24 =	sadd.s32 $0x20, s24;
	v2 =	vnsel vm15, $0xFEF, v2;
	v9 =	vnsel vm10, $0x5EF, v9;
	v8 =	vnsel vm11, $0x7EF, v8;
	[tilespmem:v22+s17+$0x0] =	vst.idx.msk vm0, v39  }
0x272: {  	_ =	swait.ge [sflag:s18], $0x4000  }
0x273: {  	s25 =	simm.s32 $0xFFFFFFFE;
	s24 =	simm.s32 $0x0;
	v63 =	vmov v11;
	v62 =	vmov v12;
	v61 =	vmov v13;
	[sflag:s18] =	ssyncset.done $0x0  }
0x274: {  	s26 =	simm.s32 $0x4000;
	s28 =	simm.s32 $0x0;
	v60 =	vmovc v14;
	v59 =	vmovc v15;
	v58 =	vmov v16;
	v57 =	vmov v17;
	v56 =	vmov v18;
	[sflag:s18] =	ssyncadd.s32 $0xFFFFC000  }
.LBB2_18:
0x275: {  	v10 =	vld [tilespmem:s26+$0x0];
	s29 =	sand.u32 $0x7E0, s28  }
0x276: {  	v19 =	vld [tilespmem:s29+$0x4800]  }
0x277: {  	v20 =	vld [tilespmem:s29+$0x5000]  }
0x278: {  	v21 =	vld [tilespmem:s29+$0x5800]  }
0x279: {  	v22 =	vld [tilespmem:s29+$0x6000]  }
0x27a: {  	v23 =	vld [tilespmem:s29+$0x6800];
	vm0 =	vgt.f32 v10, $0.0e+00  }
0x27b: {  	v24 =	vld [tilespmem:s29+$0x7000];
	vm1 =	vgt.f32 v19, $0.0e+00;
	v25 =	vsel vm0, $0x1, v1  }
0x27c: {  	v26 =	vld [tilespmem:s29+$0x7800];
	vm2 =	vgt.f32 v20, $0.0e+00;
	v27 =	vsel vm1, $0x1, v1;
	(xrf0) =	vadd.scan.msk.s32 $0xffff, v25  }
0x27d: {  	vm3 =	vgt.f32 v21, $0.0e+00;
	v32 =	vsel vm2, $0x1, v1;
	(xrf0) =	vadd.scan.msk.s32 $0xffff, v27  }
0x27e: {  	vm4 =	vgt.f32 v22, $0.0e+00;
	v33 =	vsel vm3, $0x1, v1;
	(xrf0) =	vadd.scan.msk.s32 $0xffff, v32  }
0x27f: {  	vm5 =	vgt.f32 v23, $0.0e+00;
	v34 =	vsel vm4, $0x1, v1;
	(xrf0) =	vadd.scan.msk.s32 $0xffff, v33  }
0x280: {  	vm7 =	vgt.f32 v24, $0.0e+00;
	v35 =	vsel vm5, $0x1, v1;
	(xrf0) =	vadd.scan.msk.s32 $0xffff, v34  }
0x281: {  	vm6 =	vgt.f32 v26, $0.0e+00;
	v36 =	vsel vm7, $0x1, v1;
	(xrf0) =	vadd.scan.msk.s32 $0xffff, v35  }
0x282: {  	v37 =	vsel vm6, $0x1, v1;
	v28, _, _ =	vpop (xrf0);
	(xrf0) =	vadd.scan.msk.s32 $0xffff, v36  }
0x283: {  	v38, _, _ =	vpop (xrf0);
	(xrf0) =	vadd.scan.msk.s32 $0xffff, v37;
	v39 =	vadd.s32 v4, v28  }
0x284: {  	v40, _, _ =	vpop (xrf0);
	v25 =	vadd.s32 v3, v38  }
0x285: {  	v29, _, _ =	vpop (xrf0);
	v28 =	vadd.s32 v9, v40  }
0x286: {  	v30, _, _ =	vpop (xrf0);
	v29 =	vadd.s32 v8, v29  }
0x287: {  	v31, _, _ =	vpop (xrf0);
	v30 =	vadd.s32 v7, v30  }
0x288: {  	v32, _, _ =	vpop (xrf0);
	v31 =	vadd.s32 v5, v31;
	[tilespmem:v39+s16+$0x0] =	vst.idx.msk vm0, v10  }
0x289: {  	v10, _, _ =	vpop (xrf0);
	v32 =	vadd.s32 v6, v32;
	[tilespmem:v25+s16+$0x0] =	vst.idx.msk vm1, v19  }
0x28a: {  	v10 =	vadd.s32 v2, v10;
	[tilespmem:v28+s16+$0x0] =	vst.idx.msk vm2, v20  }
0x28b: {  	[tilespmem:v29+s16+$0x0] =	vst.idx.msk vm3, v21  }
0x28c: {  	[tilespmem:v30+s16+$0x0] =	vst.idx.msk vm4, v22  }
0x28d: {  	[tilespmem:v31+s16+$0x0] =	vst.idx.msk vm5, v23  }
0x28e: {  	[tilespmem:v32+s16+$0x0] =	vst.idx.msk vm7, v24  }
0x28f: {  	[tilespmem:v10+s16+$0x0] =	vst.idx.msk vm6, v26  }
0x290: {  	[tilespmem:v39+s17+$0x0] =	vst.idx.msk vm0, v56  }
0x291: {  	[tilespmem:v25+s17+$0x0] =	vst.idx.msk vm1, v57  }
0x292: {  	[tilespmem:v28+s17+$0x0] =	vst.idx.msk vm2, v58  }
0x293: {  	[tilespmem:v29+s17+$0x0] =	vst.idx.msk vm3, v59  }
0x294: {  	[tilespmem:v30+s17+$0x0] =	vst.idx.msk vm4, v60  }
0x295: {  	[tilespmem:v31+s17+$0x0] =	vst.idx.msk vm5, v61  }
0x296: {  	v41 =	vmpcnt.ones.xlane vm2;
	[tilespmem:v32+s17+$0x0] =	vst.idx.msk vm7, v62  }
0x297: {  	v42 =	vmpcnt.ones.xlane vm3;
	[tilespmem:v10+s17+$0x0] =	vst.idx.msk vm6, v63  }
0x298: {  	v43 =	vmpcnt.ones.xlane vm4;
	v9 =	vadd.s32 v9, v41;
	v19 =	vmpcnt.ones.xlane vm0;
	v23 =	vld [tilespmem:s26+$0x10]  }
0x299: {  	v27 =	vmpcnt.ones.xlane vm7;
	vm12 =	vlt.s32 v9, $0x5EF;
	v26 =	vld [tilespmem:s26+$0x810]  }
0x29a: {  	v8 =	vadd.s32 v8, v42;
	v7 =	vadd.s32 v7, v43;
	v4 =	vadd.s32 v4, v19;
	v19 =	vld [tilespmem:s26+$0x1010]  }
0x29b: {  	v9 =	vnsel vm12, $0x5EF, v9;
	vm13 =	vlt.s32 v8, $0x7EF;
	vm8 =	vlt.s32 v7, $0x9EF;
	v28 =	vld [tilespmem:s26+$0x1810]  }
0x29c: {  	v8 =	vnsel vm13, $0x7EF, v8;
	v7 =	vnsel vm8, $0x9EF, v7;
	v6 =	vadd.s32 v6, v27;
	v30 =	vld [tilespmem:s26+$0x2010]  }
0x29d: {  	v20 =	vmpcnt.ones.xlane vm1;
	vm15 =	vlt.s32 v6, $0xDEF;
	v21 =	vld [tilespmem:s26+$0x2810];
	vm7 =	vgt.f32 v23, $0.0e+00  }
0x29e: {  	v6 =	vnsel vm15, $0xDEF, v6;
	v32 =	vld [tilespmem:s26+$0x3010];
	vm2 =	vgt.f32 v26, $0.0e+00;
	v33 =	vsel vm7, $0x1, v1  }
0x29f: {  	v3 =	vadd.s32 v3, v20;
	v34 =	vld [tilespmem:s26+$0x3810];
	vm3 =	vgt.f32 v19, $0.0e+00;
	v35 =	vsel vm2, $0x1, v1;
	(xrf0) =	vadd.scan.msk.s32 $0xffff, v33  }
0x2a0: {  	v20 =	vmpcnt.ones.xlane vm6;
	vm4 =	vgt.f32 v28, $0.0e+00;
	v36 =	vsel vm3, $0x1, v1;
	(xrf0) =	vadd.scan.msk.s32 $0xffff, v35  }
0x2a1: {  	v25 =	vmpcnt.ones.xlane vm5;
	vm5 =	vgt.f32 v30, $0.0e+00;
	v38 =	vsel vm4, $0x1, v1;
	(xrf0) =	vadd.scan.msk.s32 $0xffff, v36  }
0x2a2: {  	vm10 =	vlt.s32 v4, $0x1EF;
	vm6 =	vgt.f32 v21, $0.0e+00;
	v39 =	vsel vm5, $0x1, v1;
	(xrf0) =	vadd.scan.msk.s32 $0xffff, v38  }
0x2a3: {  	vm11 =	vlt.s32 v3, $0x3EF;
	vm1 =	vgt.f32 v32, $0.0e+00;
	v40 =	vsel vm6, $0x1, v1;
	(xrf0) =	vadd.scan.msk.s32 $0xffff, v39  }
0x2a4: {  	v4 =	vnsel vm10, $0x1EF, v4;
	vm0 =	vgt.f32 v34, $0.0e+00;
	v41 =	vsel vm1, $0x1, v1;
	(xrf0) =	vadd.scan.msk.s32 $0xffff, v40  }
0x2a5: {  	v3 =	vnsel vm11, $0x3EF, v3;
	v2 =	vadd.s32 v2, v20;
	v42 =	vsel vm0, $0x1, v1;
	v43, _, _ =	vpop (xrf0);
	(xrf0) =	vadd.scan.msk.s32 $0xffff, v41  }
0x2a6: {  	vm12 =	vlt.s32 v2, $0xFEF;
	v5 =	vadd.s32 v5, v25;
	v40, _, _ =	vpop (xrf0);
	(xrf0) =	vadd.scan.msk.s32 $0xffff, v42;
	v25 =	vadd.s32 v4, v43  }
0x2a7: {  	v22 =	vadd.s32 $0x10, v59;
	v2 =	vnsel vm12, $0xFEF, v2;
	v41, _, _ =	vpop (xrf0);
	v24 =	vadd.s32 v3, v40  }
0x2a8: {  	v29 =	vadd.s32 $0x10, v56;
	v56 =	vadd.s32 $0x20, v56;
	v37, _, _ =	vpop (xrf0);
	v27 =	vadd.s32 v9, v41  }
0x2a9: {  	v59 =	vadd.s32 $0x20, v59;
	vm14 =	vlt.s32 v5, $0xBEF;
	v42, _, _ =	vpop (xrf0);
	v37 =	vadd.s32 v8, v37  }
0x2aa: {  	v31 =	vadd.s32 $0x10, v57;
	v5 =	vnsel vm14, $0xBEF, v5;
	v39, _, _ =	vpop (xrf0);
	v20 =	vadd.s32 v7, v42  }
0x2ab: {  	v57 =	vadd.s32 $0x20, v57;
	v10 =	vimm.f32 $0.0e+00;
	v35, _, _ =	vpop (xrf0);
	v39 =	vadd.s32 v5, v39;
	[tilespmem:v25+s16+$0x0] =	vst.idx.msk vm7, v23  }
0x2ac: {  	v33 =	vadd.s32 $0x10, v58;
	v58 =	vadd.s32 $0x20, v58;
	v43, _, _ =	vpop (xrf0);
	v35 =	vadd.s32 v6, v35;
	[tilespmem:v24+s16+$0x0] =	vst.idx.msk vm2, v26  }
0x2ad: {  	v36 =	vadd.s32 $0x10, v60;
	v41 =	vmpcnt.ones.xlane vm3;
	v23 =	vadd.s32 v2, v43;
	[tilespmem:v27+s16+$0x0] =	vst.idx.msk vm3, v19  }
0x2ae: {  	v60 =	vadd.s32 $0x20, v60;
	v38 =	vadd.s32 $0x10, v61;
	v61 =	vadd.s32 $0x20, v61;
	[tilespmem:v37+s16+$0x0] =	vst.idx.msk vm4, v28  }
0x2af: {  	v40 =	vadd.s32 $0x10, v62;
	v62 =	vadd.s32 $0x20, v62;
	v9 =	vadd.s32 v9, v41;
	[tilespmem:v20+s16+$0x0] =	vst.idx.msk vm5, v30  }
0x2b0: {  	v42 =	vadd.s32 $0x10, v63;
	vm15 =	vlt.s32 v9, $0x5EF;
	v26 =	vmpcnt.ones.xlane vm7;
	[tilespmem:v39+s16+$0x0] =	vst.idx.msk vm6, v21  }
0x2b1: {  	v63 =	vadd.s32 $0x20, v63;
	v9 =	vnsel vm15, $0x5EF, v9;
	v19 =	vmpcnt.ones.xlane vm2;
	[tilespmem:v35+s16+$0x0] =	vst.idx.msk vm1, v32  }
0x2b2: {  	v43 =	vmpcnt.ones.xlane vm5;
	v28 =	vmpcnt.ones.xlane vm4;
	v4 =	vadd.s32 v4, v26;
	[tilespmem:v23+s16+$0x0] =	vst.idx.msk vm0, v34  }
0x2b3: {  	v26 =	vmpcnt.ones.xlane vm1;
	v30 =	vmpcnt.ones.xlane vm6;
	v3 =	vadd.s32 v3, v19;
	[tilespmem:v25+s17+$0x0] =	vst.idx.msk vm7, v29  }
0x2b4: {  	s25 =	sadd.s32 $0x2, s25;
	v19 =	vmpcnt.ones.xlane vm0;
	vm13 =	vlt.s32 v4, $0x1EF;
	v7 =	vadd.s32 v7, v43;
	[tilespmem:v24+s17+$0x0] =	vst.idx.msk vm2, v31  }
0x2b5: {  	p0 =	slt.u32 s25, $0x7E;
	v4 =	vnsel vm13, $0x1EF, v4;
	vm14 =	vlt.s32 v3, $0x3EF;
	v8 =	vadd.s32 v8, v28;
	[tilespmem:v27+s17+$0x0] =	vst.idx.msk vm3, v33  }
.Ltmp8:
0x2b6: {  	vm12 =	vlt.s32 v7, $0x9EF;
	v6 =	vadd.s32 v6, v26;
	v3 =	vnsel vm14, $0x3EF, v3;
	[tilespmem:v37+s17+$0x0] =	vst.idx.msk vm4, v22;
	(pc) =	sbr.rel @p0 .LBB2_18-.Ltmp8, $4  }
0x2b7: {  	vm11 =	vlt.s32 v8, $0x7EF;
	v5 =	vadd.s32 v5, v30;
	v7 =	vnsel vm12, $0x9EF, v7;
	[tilespmem:v20+s17+$0x0] =	vst.idx.msk vm5, v36  }
0x2b8: {  	vm14 =	vlt.s32 v6, $0xDEF;
	v2 =	vadd.s32 v2, v19;
	v19 =	vimm.f32 $1.000000000e+00;
	[tilespmem:v39+s17+$0x0] =	vst.idx.msk vm6, v38  }
0x2b9: {  	v8 =	vnsel vm11, $0x7EF, v8;
	vm13 =	vlt.s32 v5, $0xBEF;
	vm15 =	vlt.s32 v2, $0xFEF;
	[tilespmem:v35+s17+$0x0] =	vst.idx.msk vm1, v40  }
0x2ba: {  	s28 =	sadd.s32 $0x20, s28;
	s26 =	sadd.s32 $0x20, s26;
	v6 =	vnsel vm14, $0xDEF, v6;
	v5 =	vnsel vm13, $0xBEF, v5;
	v2 =	vnsel vm15, $0xFEF, v2;
	[tilespmem:v23+s17+$0x0] =	vst.idx.msk vm0, v42  }
.LBB2_19:
0x2bb: {  	s26 =	simm.s32 $0x8810  }
0x2bc: {  	v4 =	vld [tilespmem:s26+$0xFFFFFC00]  }
0x2bd: {  	v5 =	vld [tilespmem:s26+$0xFFFFF800]  }
0x2be: {  	v6 =	vld [tilespmem:s26+$0x600]  }
0x2bf: {  	v7 =	vld [tilespmem:s26+$0xFFFFF7F0]  }
0x2c0: {  	v2 =	vadd.f32 v19, v10;
	s25 =	simm.s32 $0x0;
	v8 =	vld [tilespmem:s26+$0x400]  }
0x2c1: {  	s25 =	sand.u32 $0x1E0, s25;
	v23 =	vld [tilespmem:s26+$0x0]  }
0x2c2: {  	v2 =	vmul.f32 $5.000000000e-01, v2;
	v9 =	vld [tilespmem:s25+$0x8C00]  }
0x2c3: {  	v3 =	vimm.s32 $0x0;
	v58 =	vimm.s32 $0x0;
	v20 =	vld [tilespmem:s25+$0x8E00]  }
0x2c4: {  	v57 =	vimm.s32 $0x0;
	v56 =	vimm.s32 $0x0;
	v21 =	vld [tilespmem:s25+$0x8A00];
	vm0 =	vge.f32 v4, v2  }
0x2c5: {  	v22 =	vld [tilespmem:s25+$0x8400];
	vm1 =	vge.f32 v5, v2;
	vm2 =	vge.f32 v8, v2;
	v4 =	vmpcnt.ones.xlane vm0  }
0x2c6: {  	v61 =	vld [tilespmem:s26+$0x200];
	vm0 =	vge.f32 v7, v2;
	v7 =	vmpcnt.ones.xlane vm2;
	vm2 =	vge.f32 v23, v2  }
0x2c7: {  	v8 =	vld [tilespmem:s25+$0x8200];
	v5 =	vmpcnt.ones.xlane vm0;
	vm0 =	vge.f32 v6, v2;
	v6 =	vmpcnt.ones.xlane vm1  }
0x2c8: {  	v63 =	vld [tilespmem:s26+$0xFFFFFA00];
	vm1 =	vge.f32 v9, v2;
	v59 =	vmpcnt.ones.xlane vm0;
	vm0 =	vge.f32 v20, v2  }
0x2c9: {  	v9 =	vmpcnt.ones.xlane vm1;
	vm1 =	vge.f32 v21, v2;
	v20 =	vld [tilespmem:s25+$0x8600];
	v5 =	vadd.s32 v3, v5  }
0x2ca: {  	v21 =	vld [tilespmem:s25+$0x8800];
	v62 =	vmpcnt.ones.xlane vm0;
	vm0 =	vge.f32 v22, v2;
	v5 =	vadd.s32 v6, v5  }
0x2cb: {  	s28 =	simm.s32 $0x8830;
	s25 =	simm.s32 $0x0;
	v22 =	vld [tilespmem:s26+$0xFFFFFE00];
	s26 =	simm.s32 $0x20;
	v60 =	vadd.s32 v3, v9;
	v6 =	vimm.s32 $0x0;
	v9 =	vimm.s32 $0x0  }
.LBB2_20:
0x2cc: {  	s29 =	sand.u32 $0x1E0, s26;
	v23 =	vld [tilespmem:s28+$0xFFFFFC00];
	s25 =	sadd.s32 $0x2, s25;
	vm3 =	vge.f32 v8, v2;
	v24 =	vmpcnt.ones.xlane vm1;
	v3 =	vadd.s32 v3, v62  }
0x2cd: {  	vm1 =	vge.f32 v61, v2;
	v25 =	vmpcnt.ones.xlane vm2;
	v8 =	vld [tilespmem:s29+$0x8200];
	p0 =	slt.u32 s25, $0x1E;
	v3 =	vadd.s32 v59, v3  }
0x2ce: {  	vm4 =	vge.f32 v63, v2;
	v26 =	vld [tilespmem:s28+$0xFFFFF800];
	vm2 =	vge.f32 v20, v2;
	v20 =	vmpcnt.ones.xlane vm1  }
0x2cf: {  	v6 =	vadd.s32 v6, v24;
	v27 =	vld [tilespmem:s28+$0x600];
	vm1 =	vge.f32 v21, v2;
	v21 =	vmpcnt.ones.xlane vm3  }
0x2d0: {  	v24 =	vld [tilespmem:s28+$0x400];
	v28 =	vmpcnt.ones.xlane vm1;
	vm1 =	vge.f32 v22, v2;
	v6 =	vadd.s32 v20, v6  }
0x2d1: {  	v22 =	vmpcnt.ones.xlane vm0;
	v20 =	vld [tilespmem:s28+$0xFFFFF7F0];
	v21 =	vadd.s32 v58, v21;
	v29 =	vmpcnt.ones.xlane vm1  }
0x2d2: {  	v31 =	vadd.s32 v7, v60;
	v30 =	vld [tilespmem:s29+$0x8E00];
	v9 =	vadd.s32 v9, v28;
	v28 =	vmpcnt.ones.xlane vm4  }
0x2d3: {  	vm0 =	vge.f32 v23, v2;
	v23 =	vmpcnt.ones.xlane vm2;
	v7 =	vld [tilespmem:s29+$0x8C00];
	v9 =	vadd.s32 v25, v9  }
0x2d4: {  	v22 =	vadd.s32 v57, v22;
	vm1 =	vge.f32 v26, v2;
	v25 =	vld [tilespmem:s29+$0x8A00];
	v58 =	vadd.s32 v28, v21  }
0x2d5: {  	v23 =	vadd.s32 v56, v23;
	v21 =	vmpcnt.ones.xlane vm0;
	v26 =	vld [tilespmem:s28+$0x0];
	vm2 =	vge.f32 v24, v2  }
0x2d6: {  	v57 =	vadd.s32 v4, v22;
	v56 =	vadd.s32 v29, v23;
	v24 =	vld [tilespmem:s29+$0x8400];
	vm0 =	vge.f32 v20, v2  }
.Ltmp9:
0x2d7: {  	v23 =	vmpcnt.ones.xlane vm1;
	v4 =	vmovc v21;
	v22 =	vmpcnt.ones.xlane vm0;
	v61 =	vld [tilespmem:s28+$0x200];
	vm0 =	vge.f32 v27, v2;
	(pc) =	sbr.rel @p0 .LBB2_20-.Ltmp9, $4  }
0x2d8: {  	vm1 =	vge.f32 v7, v2;
	v63 =	vld [tilespmem:s28+$0xFFFFFA00];
	v7 =	vmpcnt.ones.xlane vm2;
	v59 =	vmpcnt.ones.xlane vm0  }
0x2d9: {  	vm0 =	vge.f32 v30, v2;
	v20 =	vld [tilespmem:s29+$0x8600];
	v27 =	vmpcnt.ones.xlane vm1;
	v5 =	vadd.s32 v5, v22  }
0x2da: {  	vm1 =	vge.f32 v25, v2;
	v62 =	vmpcnt.ones.xlane vm0;
	v21 =	vld [tilespmem:s29+$0x8800];
	v5 =	vadd.s32 v23, v5  }
0x2db: {  	s26 =	sadd.s32 $0x20, s26;
	vm2 =	vge.f32 v26, v2;
	vm0 =	vge.f32 v24, v2;
	v60 =	vadd.s32 v31, v27;
	v22 =	vld [tilespmem:s28+$0xFFFFFE00];
	s28 =	sadd.s32 $0x20, s28  }
0x2dc: {  	vm3 =	vge.f32 v8, v2;
	v8 =	vmpcnt.ones.xlane vm1;
	vm11 =	vge.f32 v61, v2  }
0x2dd: {  	v23 =	vmpcnt.ones.xlane vm2;
	v42 =	vmpcnt.ones.xlane vm0;
	vm4 =	vge.f32 v63, v2  }
0x2de: {  	v24 =	vmpcnt.ones.xlane vm11;
	vm12 =	vge.f32 v20, v2;
	v20 =	vmpcnt.ones.xlane vm3  }
0x2df: {  	v43 =	vmpcnt.ones.xlane vm4;
	vm13 =	vge.f32 v21, v2;
	v25 =	vmpcnt.ones.xlane vm12  }
0x2e0: {  	v21 =	vadd.s32 v57, v42;
	vm14 =	vge.f32 v22, v2;
	v20 =	vadd.s32 v58, v20  }
0x2e1: {  	v26 =	vmpcnt.ones.xlane vm13;
	v20 =	vadd.s32 v43, v20;
	v57 =	vmpcnt.ones.xlane vm14  }
0x2e2: {  	v4 =	vadd.s32 v4, v21;
	v25 =	vadd.s32 v56, v25;
	v5 =	vadd.s32 v5, v20  }
0x2e3: {  	v9 =	vadd.s32 v9, v26;
	v20 =	vadd.s32 v57, v25;
	v4 =	vadd.s32 v4, v5  }
0x2e4: {  	s24 =	sadd.s32 $0x1, s24;
	v58 =	vadd.s32 v6, v8;
	v61 =	vadd.s32 v23, v9;
	v4 =	vadd.s32 v20, v4  }
0x2e5: {  	p0 =	sne.s32 s24, $0xE;
	v5 =	vadd.s32 v24, v58;
	v4 =	vadd.s32 v61, v4  }
.Ltmp10:
0x2e6: {  	v3 =	vadd.s32 v3, v62;
	v63 =	vadd.s32 v7, v60;
	v4 =	vadd.s32 v5, v4;
	(pc) =	sbr.rel @p0 .LBB2_19-.Ltmp10, $4  }
0x2e7: {  	v3 =	vadd.s32 v59, v3;
	v4 =	vadd.s32 v63, v4  }
0x2e8: {  	v3 =	vadd.s32 v3, v4  }
0x2e9: {  	vm15 =	vgt.s32 v3, $0xFF  }
0x2ea: {  	v10 =	vsel vm15, v2, v10;
	v19 =	vsel vm15, v19, v2  }
0x2eb: {  	v2 =	vimm.s32 $0xFFFFFFFF;
	s24 =	simm.s32 $0xFFFFFFF8;
	s25 =	simm.s32 $0x8040;
	s26 =	simm.s32 $0x9040  }
.LBB2_23:
0x2ec: {  	v3 =	vld [tilespmem:s25+$0xFFFFFFC0];
	_ =	sdelay $0x4  }
0x2ed: {  	vm0 =	vge.f32 v3, v10;
	vm1 =	vgt.f32 v3, $0.0e+00  }
0x2ee: {  	vm0 =	vmand vm0, vm1  }
0x2ef: {  	v4 =	vsel vm0, $0x1, v1  }
0x2f0: {  	(xrf0) =	vadd.scan.msk.s32 $0xffff, v4;
	_ =	sdelay $0x5  }
0x2f1: {  	v4, _, _ =	vpop (xrf0)  }
0x2f2: {  	v4 =	vadd.s32 v2, v4  }
0x2f3: {  	vm7 =	vlt.s32 v4, $0x1FF  }
0x2f4: {  	v4 =	vnsel vm7, $0x1FF, v4  }
0x2f5: {  	v5 =	vld [tilespmem:s26+$0xFFFFFFC0];
	_ =	sdelay $0x3  }
0x2f6: {  	[tilespmem:v4+s19+$0x0] =	vst.idx.msk vm0, v3  }
0x2f7: {  	[tilespmem:v4+s20+$0x0] =	vst.idx.msk vm0, v5  }
0x2f8: {  	v3 =	vld [tilespmem:s25+$0xFFFFFFD0];
	_ =	sdelay $0x4  }
0x2f9: {  	vm8 =	vge.f32 v3, v10;
	vm2 =	vgt.f32 v3, $0.0e+00  }
0x2fa: {  	vm1 =	vmand vm8, vm2  }
0x2fb: {  	v31 =	vsel vm1, $0x1, v1  }
0x2fc: {  	(xrf0) =	vadd.scan.msk.s32 $0xffff, v31;
	_ =	sdelay $0x3  }
0x2fd: {  	v32 =	vmpcnt.ones.xlane vm0;
	_ =	sdelay $0x1  }
0x2fe: {  	v2 =	vadd.s32 v2, v32;
	v33, _, _ =	vpop (xrf0)  }
0x2ff: {  	v4 =	vadd.s32 v2, v33  }
0x300: {  	vm9 =	vlt.s32 v4, $0x1FF  }
0x301: {  	v4 =	vnsel vm9, $0x1FF, v4  }
0x302: {  	v5 =	vld [tilespmem:s26+$0xFFFFFFD0];
	_ =	sdelay $0x3  }
0x303: {  	[tilespmem:v4+s19+$0x0] =	vst.idx.msk vm1, v3  }
0x304: {  	[tilespmem:v4+s20+$0x0] =	vst.idx.msk vm1, v5  }
0x305: {  	v3 =	vld [tilespmem:s25+$0xFFFFFFE0];
	_ =	sdelay $0x4  }
0x306: {  	vm10 =	vge.f32 v3, v10;
	vm11 =	vgt.f32 v3, $0.0e+00  }
0x307: {  	vm0 =	vmand vm10, vm11  }
0x308: {  	v34 =	vsel vm0, $0x1, v1  }
0x309: {  	(xrf0) =	vadd.scan.msk.s32 $0xffff, v34;
	_ =	sdelay $0x3  }
0x30a: {  	v35 =	vmpcnt.ones.xlane vm1;
	_ =	sdelay $0x1  }
0x30b: {  	v2 =	vadd.s32 v2, v35;
	v36, _, _ =	vpop (xrf0)  }
0x30c: {  	v4 =	vadd.s32 v2, v36  }
0x30d: {  	vm12 =	vlt.s32 v4, $0x1FF  }
0x30e: {  	v4 =	vnsel vm12, $0x1FF, v4  }
0x30f: {  	v5 =	vld [tilespmem:s26+$0xFFFFFFE0];
	_ =	sdelay $0x3  }
0x310: {  	[tilespmem:v4+s19+$0x0] =	vst.idx.msk vm0, v3  }
0x311: {  	[tilespmem:v4+s20+$0x0] =	vst.idx.msk vm0, v5  }
0x312: {  	v3 =	vld [tilespmem:s25+$0xFFFFFFF0];
	_ =	sdelay $0x4  }
0x313: {  	vm13 =	vge.f32 v3, v10;
	vm14 =	vgt.f32 v3, $0.0e+00  }
0x314: {  	vm1 =	vmand vm13, vm14  }
0x315: {  	v37 =	vsel vm1, $0x1, v1  }
0x316: {  	(xrf0) =	vadd.scan.msk.s32 $0xffff, v37;
	_ =	sdelay $0x3  }
0x317: {  	v38 =	vmpcnt.ones.xlane vm0;
	_ =	sdelay $0x1  }
0x318: {  	v2 =	vadd.s32 v2, v38;
	v39, _, _ =	vpop (xrf0)  }
0x319: {  	v4 =	vadd.s32 v2, v39  }
0x31a: {  	vm15 =	vlt.s32 v4, $0x1FF  }
0x31b: {  	v4 =	vnsel vm15, $0x1FF, v4  }
0x31c: {  	v5 =	vld [tilespmem:s26+$0xFFFFFFF0];
	_ =	sdelay $0x3  }
0x31d: {  	[tilespmem:v4+s19+$0x0] =	vst.idx.msk vm1, v3  }
0x31e: {  	[tilespmem:v4+s20+$0x0] =	vst.idx.msk vm1, v5  }
0x31f: {  	v3 =	vld [tilespmem:s25+$0x0];
	_ =	sdelay $0x4  }
0x320: {  	vm4 =	vge.f32 v3, v10;
	vm5 =	vgt.f32 v3, $0.0e+00  }
0x321: {  	vm0 =	vmand vm4, vm5  }
0x322: {  	v40 =	vsel vm0, $0x1, v1  }
0x323: {  	(xrf0) =	vadd.scan.msk.s32 $0xffff, v40;
	_ =	sdelay $0x3  }
0x324: {  	v41 =	vmpcnt.ones.xlane vm1;
	_ =	sdelay $0x1  }
0x325: {  	v2 =	vadd.s32 v2, v41;
	v42, _, _ =	vpop (xrf0)  }
0x326: {  	v4 =	vadd.s32 v2, v42  }
0x327: {  	vm6 =	vlt.s32 v4, $0x1FF  }
0x328: {  	v4 =	vnsel vm6, $0x1FF, v4  }
0x329: {  	v5 =	vld [tilespmem:s26+$0x0];
	_ =	sdelay $0x3  }
0x32a: {  	[tilespmem:v4+s19+$0x0] =	vst.idx.msk vm0, v3  }
0x32b: {  	[tilespmem:v4+s20+$0x0] =	vst.idx.msk vm0, v5  }
0x32c: {  	v3 =	vld [tilespmem:s25+$0x10];
	_ =	sdelay $0x4  }
0x32d: {  	vm7 =	vge.f32 v3, v10;
	vm8 =	vgt.f32 v3, $0.0e+00  }
0x32e: {  	vm1 =	vmand vm7, vm8  }
0x32f: {  	v43 =	vsel vm1, $0x1, v1  }
0x330: {  	(xrf0) =	vadd.scan.msk.s32 $0xffff, v43;
	_ =	sdelay $0x3  }
0x331: {  	v56 =	vmpcnt.ones.xlane vm0;
	_ =	sdelay $0x1  }
0x332: {  	v2 =	vadd.s32 v2, v56;
	v57, _, _ =	vpop (xrf0)  }
0x333: {  	v4 =	vadd.s32 v2, v57  }
0x334: {  	vm9 =	vlt.s32 v4, $0x1FF  }
0x335: {  	v4 =	vnsel vm9, $0x1FF, v4  }
0x336: {  	v5 =	vld [tilespmem:s26+$0x10];
	_ =	sdelay $0x3  }
0x337: {  	[tilespmem:v4+s19+$0x0] =	vst.idx.msk vm1, v3  }
0x338: {  	[tilespmem:v4+s20+$0x0] =	vst.idx.msk vm1, v5  }
0x339: {  	v3 =	vld [tilespmem:s25+$0x20];
	_ =	sdelay $0x4  }
0x33a: {  	vm10 =	vge.f32 v3, v10;
	vm11 =	vgt.f32 v3, $0.0e+00  }
0x33b: {  	vm0 =	vmand vm10, vm11  }
0x33c: {  	v58 =	vsel vm0, $0x1, v1  }
0x33d: {  	(xrf0) =	vadd.scan.msk.s32 $0xffff, v58;
	_ =	sdelay $0x3  }
0x33e: {  	v59 =	vmpcnt.ones.xlane vm1;
	_ =	sdelay $0x1  }
0x33f: {  	v2 =	vadd.s32 v2, v59;
	v60, _, _ =	vpop (xrf0)  }
0x340: {  	v4 =	vadd.s32 v2, v60  }
0x341: {  	vm12 =	vlt.s32 v4, $0x1FF  }
0x342: {  	v4 =	vnsel vm12, $0x1FF, v4  }
0x343: {  	v5 =	vld [tilespmem:s26+$0x20];
	_ =	sdelay $0x3  }
0x344: {  	[tilespmem:v4+s19+$0x0] =	vst.idx.msk vm0, v3  }
0x345: {  	[tilespmem:v4+s20+$0x0] =	vst.idx.msk vm0, v5  }
0x346: {  	v3 =	vld [tilespmem:s25+$0x30];
	_ =	sdelay $0x4  }
0x347: {  	vm13 =	vge.f32 v3, v10;
	vm14 =	vgt.f32 v3, $0.0e+00  }
0x348: {  	vm1 =	vmand vm13, vm14  }
0x349: {  	v61 =	vsel vm1, $0x1, v1  }
0x34a: {  	(xrf0) =	vadd.scan.msk.s32 $0xffff, v61;
	_ =	sdelay $0x3  }
0x34b: {  	v62 =	vmpcnt.ones.xlane vm0;
	_ =	sdelay $0x1  }
0x34c: {  	v2 =	vadd.s32 v2, v62;
	v63, _, _ =	vpop (xrf0)  }
0x34d: {  	v4 =	vadd.s32 v2, v63  }
0x34e: {  	vm15 =	vlt.s32 v4, $0x1FF  }
0x34f: {  	s24 =	sadd.s32 $0x8, s24;
	v4 =	vnsel vm15, $0x1FF, v4  }
0x350: {  	p0 =	slt.u32 s24, $0xF8;
	v5 =	vld [tilespmem:s26+$0x30]  }
.Ltmp11:
0x351: {  	_ = 	snop;
	(pc) =	sbr.rel @p0 .LBB2_23-.Ltmp11, $4  }
0x352: {  	_ = 	snop  }
0x353: {  	v6 =	vmpcnt.ones.xlane vm1  }
0x354: {  	[tilespmem:v4+s19+$0x0] =	vst.idx.msk vm1, v3  }
0x355: {  	s25 =	sadd.s32 $0x80, s25;
	s26 =	sadd.s32 $0x80, s26;
	v2 =	vadd.s32 v2, v6;
	[tilespmem:v4+s20+$0x0] =	vst.idx.msk vm1, v5  }
0x356: {  	[hbm4b:s12+s21] =	stream.strided.scatter [tilespmem:s19], [sflag:$0x3], $0x200, s22, s21, $0x38;
	[tilespmem:$0xA400] =	vst v63  }
0x357: {  	s2 =	sadd.s32 $0x1, s2;
	_ =	swait.ge [sflag:s23], $0x200  }
0x358: {  	p0 =	sne.s32 s2, s14;
	[sflag:s23] =	ssyncset.done $0x0  }
.Ltmp12:
0x359: {  	[sflag:s23] =	ssyncadd.s32 $0xFFFFFE00;
	(pc) =	sbr.rel @p0 .LBB2_1-.Ltmp12, $4  }
0x35a: {  	[hbm4b:s13+s21] =	stream.strided.scatter [tilespmem:s20], [sflag:$0x3], $0x200, s22, s21, $0x38;
	[tilespmem:$0xA400] =	vst v63  }
0x35b: {  	_ =	swait.ge [sflag:s23], $0x200  }
0x35c: {  	[sflag:s23] =	ssyncset.done $0x0  }
0x35d: {  	[sflag:s23] =	ssyncadd.s32 $0xFFFFFE00  }
0x35e: {  	_ =	sfence.sel $0x180000  }
0x35f: {  	[bflag:$0x0] =	sbarrier.arrive $0xFFFF  }
0x360: {  	p0 =	sne.s32 s0, $0x0;
	_ =	strace $0x90000047  }
0x361: {  	s0 =	sadd.s32 @!p0 $0x100000, s1;
	[bflag:$0x2] =	sbarrier.arrive $0xFFFF  }
0x362: {  	[sflag:s0] =	ssyncadd.tile.s32 @!p0 $0x1;
	_ =	shalt  }
.Lfunc_end2:
_tile_overlayer_lowered:
.L_overlay_start_2:
0x363: {  	(tag) =	ssettag $0x2  }
0x364: {  	s0 =	rddreg [dreg:$0x0];
	s2 =	stileid.u32  }
0x365: {  	s1 =	rddreg [dreg:$0x1];
	p0 =	sne.s32 s2, $0x0  }
0x366: {  	s3 =	rddreg [dreg:$0x2];
	[bflag:$0x3] =	sbarrier.arrive $0xFFFF;
	s2 =	simm.s32 @!p0 $0x1C03  }
0x367: {  	[timem:s3], [sflag:s2] =	dma.local @!p0 [hbm:s0], s1  }
0x368: {  	s0 =	simm.s32 @!p0 $0x3  }
0x369: {  	_ =	swait.ge @!p0 [sflag:s0], s1  }
0x36a: {  	s1 =	ssub.s32 @!p0 $0x0, s1;
	[sflag:s0] =	ssyncset.done @!p0 $0x0  }
0x36b: {  	[sflag:s0] =	ssyncadd.s32 @!p0 s1  }
0x36c: {  	[bflag:$0x3] =	sbarrier.arrive $0xFFFF  }
0x36d: {  	_ =	shalt  }

</sc_bundles>
